<compile_context>
chip_gen: v7x
topology: tpu7x:2x2x1
jax: 0.10.2.dev20260603
libtpu: 0.0.44.dev20260713+nightly
codegen_flags: <defaults>
</compile_context>

<pallas_src>
import functools

import jax
import jax.numpy as jnp
from jax import lax
from jax.experimental import pallas as pl
from jax.experimental.pallas import tpu as pltpu
from jax.experimental.pallas import tpu_sc as plsc

NUM_ENTITIES = 1000000
NUM_RELATIONS = 1000
D = 128
HALF = 64
BATCH = 16384

NC = 2
NS = 16
NW = NC * NS
B_PER_W = BATCH // NW
CHUNK = 64
SIZES = (CHUNK,) * (B_PER_W // CHUNK)
OFFS = tuple(sum(SIZES[:k]) for k in range(len(SIZES)))
N_CHUNKS = len(SIZES)
NBUF = 3


def _lane_perm(x, idx):
    dn = lax.GatherDimensionNumbers(
        offset_dims=(), collapsed_slice_dims=(0,), start_index_map=(0,))
    return lax.gather(x, idx[:, None], dn, (1,),
                      mode=lax.GatherScatterMode.PROMISE_IN_BOUNDS)


def _score_body(ent_hbm, rel_hbm, head_hbm, ridx_hbm, tail_hbm, out_hbm,
                idx_h, idx_r, idx_t, rh0, rr0, rt0, rh1, rr1, rt1,
                rh2, rr2, rt2, out_v, sem0, sem1, sem2):
    wid = lax.axis_index("s") * NC + lax.axis_index("c")
    base = wid * B_PER_W
    lane = jax.lax.iota(jnp.int32, 16)

    bufs = ((rh0, rr0, rt0, sem0), (rh1, rr1, rt1, sem1),
            (rh2, rr2, rt2, sem2))

    def start(c):
        rh, rr, rt, sem = bufs[c % NBUF]
        s = pl.ds(OFFS[c], SIZES[c])
        d = pl.ds(0, SIZES[c])
        return (pltpu.async_copy(ent_hbm.at[idx_h.at[s]], rh.at[d], sem),
                pltpu.async_copy(rel_hbm.at[idx_r.at[s]], rr.at[d], sem),
                pltpu.async_copy(ent_hbm.at[idx_t.at[s]], rt.at[d], sem))

    def compute(c):
        rows_h, rows_r, rows_t, _ = bufs[c % NBUF]

        @plsc.parallel_loop(0, SIZES[c], 1, unroll=2)
        def elem(i):
            ms = []
            for g in range(HALF // 16):
                lo = g * 16
                hr = rows_h[i, pl.ds(lo, 16)]
                hi = rows_h[i, pl.ds(HALF + lo, 16)]
                rr = rows_r[i, pl.ds(lo, 16)]
                ri = rows_r[i, pl.ds(HALF + lo, 16)]
                tr = rows_t[i, pl.ds(lo, 16)]
                ti = rows_t[i, pl.ds(HALF + lo, 16)]
                ms.append(hr * (rr * tr + ri * ti) + hi * (rr * ti - ri * tr))
            acc = (ms[0] + ms[1]) + (ms[2] + ms[3])
            for sh in (8, 4, 2, 1):
                acc = acc + _lane_perm(acc, jnp.bitwise_xor(lane, sh))
            onehot = jnp.where(lane == jnp.bitwise_and(i, 15), acc, 0.0)
            slot = pl.multiple_of(OFFS[c] + jnp.bitwise_and(i, -16), 16)
            plsc.addupdate(out_v.at[pl.ds(slot, 16)], onehot)

    cpi = (pltpu.async_copy(head_hbm.at[pl.ds(base, B_PER_W)], idx_h, sem0),
           pltpu.async_copy(ridx_hbm.at[pl.ds(base, B_PER_W)], idx_r, sem0),
           pltpu.async_copy(tail_hbm.at[pl.ds(base, B_PER_W)], idx_t, sem0))
    zeros16 = jnp.zeros((16,), jnp.float32)
    for z in range(B_PER_W // 16):
        out_v[pl.ds(z * 16, 16)] = zeros16
    for cp in cpi:
        cp.wait()
    pending = [start(c) for c in range(NBUF - 1)]
    for c in range(N_CHUNKS):
        if c + NBUF - 1 < N_CHUNKS:
            pending.append(start(c + NBUF - 1))
        for cp in pending.pop(0):
            cp.wait()
        compute(c)
    pltpu.sync_copy(out_v, out_hbm.at[pl.ds(base, B_PER_W)])


@jax.jit
def _complex_score(entity_weight, relation_weight, head, relation, tail):
    mesh = plsc.VectorSubcoreMesh(core_axis_name="c", subcore_axis_name="s")
    k = functools.partial(
        pl.kernel,
        out_type=jax.ShapeDtypeStruct((BATCH,), jnp.float32),
        mesh=mesh,
        scratch_types=[
            pltpu.VMEM((B_PER_W,), jnp.int32),
            pltpu.VMEM((B_PER_W,), jnp.int32),
            pltpu.VMEM((B_PER_W,), jnp.int32),
            pltpu.VMEM((CHUNK, D), jnp.float32),
            pltpu.VMEM((CHUNK, D), jnp.float32),
            pltpu.VMEM((CHUNK, D), jnp.float32),
            pltpu.VMEM((CHUNK, D), jnp.float32),
            pltpu.VMEM((CHUNK, D), jnp.float32),
            pltpu.VMEM((CHUNK, D), jnp.float32),
            pltpu.VMEM((CHUNK, D), jnp.float32),
            pltpu.VMEM((CHUNK, D), jnp.float32),
            pltpu.VMEM((CHUNK, D), jnp.float32),
            pltpu.VMEM((B_PER_W,), jnp.float32),
            pltpu.SemaphoreType.DMA,
            pltpu.SemaphoreType.DMA,
            pltpu.SemaphoreType.DMA,
        ],
    )(_score_body)
    return k(entity_weight, relation_weight, head, relation, tail)


def kernel(entity_weight, relation_weight, head, relation, tail):
    return _complex_score(
        entity_weight,
        relation_weight,
        head.astype(jnp.int32),
        relation.astype(jnp.int32),
        tail.astype(jnp.int32),
    )

# --- scband reference (transcript-rebuilt; emitter-appended) ---
"""Pipeline reference for scband-compl-ex-30485677867429 (READ-ONLY COPY).

The authoritative reference and input builder live on the scoring server;
editing this copy changes nothing except your own understanding.
"""

import jax, jax.numpy as jnp
import numpy as np

NUM_ENTITIES = 1000000
NUM_RELATIONS = 1000
EMBEDDING_DIM = 64
BATCH = 16384

def _xavier_uniform(key, shape):
    fan_in, fan_out = shape[0], shape[1]
    limit = float(np.sqrt(6.0 / (fan_in + fan_out)))
    return jax.random.uniform(key, shape, dtype=jnp.float32, minval=-limit, maxval=limit)

def setup_inputs(seed: int = 0) -> dict:
    key = jax.random.key(seed)
    k1, k2, k3, k4, k5 = jax.random.split(key, 5)
    entity_weight = _xavier_uniform(k1, (NUM_ENTITIES, EMBEDDING_DIM * 2))
    relation_weight = _xavier_uniform(k2, (NUM_RELATIONS, EMBEDDING_DIM * 2))
    head = jax.random.randint(k3, (BATCH,), 0, NUM_ENTITIES, dtype=jnp.int64 if jax.config.jax_enable_x64 else jnp.int32)
    relation = jax.random.randint(k4, (BATCH,), 0, NUM_RELATIONS, dtype=jnp.int64 if jax.config.jax_enable_x64 else jnp.int32)
    tail = jax.random.randint(k5, (BATCH,), 0, NUM_ENTITIES, dtype=jnp.int64 if jax.config.jax_enable_x64 else jnp.int32)
    return {"entity_weight": entity_weight, "relation_weight": relation_weight, "head": head, "relation": relation, "tail": tail}

def reference(entity_weight, relation_weight, head, relation, tail):
    head_emb = jnp.take(entity_weight, head, axis=0)
    relation_emb = jnp.take(relation_weight, relation, axis=0)
    tail_emb = jnp.take(entity_weight, tail, axis=0)
    head_real, head_imag = jnp.split(head_emb, 2, axis=1)
    relation_real, relation_imag = jnp.split(relation_emb, 2, axis=1)
    tail_real, tail_imag = jnp.split(tail_emb, 2, axis=1)
    score = jnp.sum(
        head_real * relation_real * tail_real
        + head_real * relation_imag * tail_imag
        + head_imag * relation_real * tail_imag
        - head_imag * relation_imag * tail_real,
        axis=1,
    )
    return score

if __name__ == "__main__":
    import jax
    _d = setup_inputs()
    print(jax.jit(kernel)(*tuple(_d.values())))

</pallas_src>

<mosaic_0001>
#map = affine_map<(d0, d1) -> (0, 0)>
#map1 = affine_map<(d0, d1) -> (0)>
module attributes {stable_mosaic.version = 14 : i64} {
  func.func @_score_body(%arg0: i32, %arg1: i32, %arg2: memref<1000000x128xf32, #tpu.memory_space<hbm>>, %arg3: memref<1000x128xf32, #tpu.memory_space<hbm>>, %arg4: memref<16384xi32, #tpu.memory_space<hbm>>, %arg5: memref<16384xi32, #tpu.memory_space<hbm>>, %arg6: memref<16384xi32, #tpu.memory_space<hbm>>, %arg7: memref<16384xf32, #tpu.memory_space<hbm>>, %arg8: memref<512xi32, #tpu.memory_space<vmem>>, %arg9: memref<512xi32, #tpu.memory_space<vmem>>, %arg10: memref<512xi32, #tpu.memory_space<vmem>>, %arg11: memref<64x128xf32, #tpu.memory_space<vmem>>, %arg12: memref<64x128xf32, #tpu.memory_space<vmem>>, %arg13: memref<64x128xf32, #tpu.memory_space<vmem>>, %arg14: memref<64x128xf32, #tpu.memory_space<vmem>>, %arg15: memref<64x128xf32, #tpu.memory_space<vmem>>, %arg16: memref<64x128xf32, #tpu.memory_space<vmem>>, %arg17: memref<64x128xf32, #tpu.memory_space<vmem>>, %arg18: memref<64x128xf32, #tpu.memory_space<vmem>>, %arg19: memref<64x128xf32, #tpu.memory_space<vmem>>, %arg20: memref<512xf32, #tpu.memory_space<vmem>>, %arg21: memref<!tpu.dma_semaphore, #tpu.memory_space<semaphore_mem>>, %arg22: memref<!tpu.dma_semaphore, #tpu.memory_space<semaphore_mem>>, %arg23: memref<!tpu.dma_semaphore, #tpu.memory_space<semaphore_mem>>) attributes {dimension_semantics = [#tpu.dimension_semantics<core_parallel>, #tpu.dimension_semantics<subcore_parallel>], iteration_bounds = array<i64: 2, 16>, scalar_prefetch = 0 : i64, scratch_operands = 16 : i64, tpu.core_type = #tpu.core_type<sc_vector_subcore>, window_params = [{transform_indices = #map}, {transform_indices = #map}, {transform_indices = #map1}, {transform_indices = #map1}, {transform_indices = #map1}, {transform_indices = #map1}]} {
    %mul3A = arith.constant 2 : i32
    %mul3A_0 = arith.muli %arg1, %mul3A : i32
    %add3A = arith.addi %mul3A_0, %arg0 : i32
    %mul3A_1 = arith.constant 512 : i32
    %mul3A_2 = arith.muli %add3A, %mul3A_1 : i32
    %iota3A = tpu.iota {dimensions = array<i32: 0>} : vector<16xi32>
    %dma_start3A = tpu.memref_slice %arg4[%mul3A_2] : memref<16384xi32, #tpu.memory_space<hbm>> -> memref<512xi32, #tpu.memory_space<hbm>>
    %dma_start3A_3 = tpu.memref_slice %arg4[%mul3A_2] : memref<16384xi32, #tpu.memory_space<hbm>> -> memref<512xi32, #tpu.memory_space<hbm>>
    tpu.enqueue_dma source(%dma_start3A_3 : memref<512xi32, #tpu.memory_space<hbm>>) target(%arg8 : memref<512xi32, #tpu.memory_space<vmem>>) target_semaphore(%arg21 : memref<!tpu.dma_semaphore, #tpu.memory_space<semaphore_mem>>)
    %dma_start3A_4 = tpu.memref_slice %arg5[%mul3A_2] : memref<16384xi32, #tpu.memory_space<hbm>> -> memref<512xi32, #tpu.memory_space<hbm>>
    %dma_start3A_5 = tpu.memref_slice %arg5[%mul3A_2] : memref<16384xi32, #tpu.memory_space<hbm>> -> memref<512xi32, #tpu.memory_space<hbm>>
    tpu.enqueue_dma source(%dma_start3A_5 : memref<512xi32, #tpu.memory_space<hbm>>) target(%arg9 : memref<512xi32, #tpu.memory_space<vmem>>) target_semaphore(%arg21 : memref<!tpu.dma_semaphore, #tpu.memory_space<semaphore_mem>>)
    %dma_start3A_6 = tpu.memref_slice %arg6[%mul3A_2] : memref<16384xi32, #tpu.memory_space<hbm>> -> memref<512xi32, #tpu.memory_space<hbm>>
    %dma_start3A_7 = tpu.memref_slice %arg6[%mul3A_2] : memref<16384xi32, #tpu.memory_space<hbm>> -> memref<512xi32, #tpu.memory_space<hbm>>
    tpu.enqueue_dma source(%dma_start3A_7 : memref<512xi32, #tpu.memory_space<hbm>>) target(%arg10 : memref<512xi32, #tpu.memory_space<vmem>>) target_semaphore(%arg21 : memref<!tpu.dma_semaphore, #tpu.memory_space<semaphore_mem>>)
    %broadcast_in_dim3A = arith.constant 0.000000e+00 : f32
    %broadcast_in_dim3A_8 = vector.broadcast %broadcast_in_dim3A : f32 to vector<16xf32>
    %swap3A = arith.constant 0 : index
    %swap3A_9 = tpu.vector_load %arg20[%swap3A] {strides = array<i32>} : memref<512xf32, #tpu.memory_space<vmem>>, vector<16xf32>,
    %swap3A_10 = vector.shape_cast %swap3A_9 : vector<16xf32> to vector<16xf32>
    %swap3A_11 = vector.shape_cast %broadcast_in_dim3A_8 : vector<16xf32> to vector<16xf32>
    tpu.vector_store %arg20[%swap3A], %swap3A_11 {strides = array<i32>} : memref<512xf32, #tpu.memory_space<vmem>>, vector<16xf32>,
    %swap3A_12 = arith.constant 16 : index
    %swap3A_13 = tpu.vector_load %arg20[%swap3A_12] {strides = array<i32>} : memref<512xf32, #tpu.memory_space<vmem>>, vector<16xf32>,
    %swap3A_14 = vector.shape_cast %swap3A_13 : vector<16xf32> to vector<16xf32>
    %swap3A_15 = vector.shape_cast %broadcast_in_dim3A_8 : vector<16xf32> to vector<16xf32>
    tpu.vector_store %arg20[%swap3A_12], %swap3A_15 {strides = array<i32>} : memref<512xf32, #tpu.memory_space<vmem>>, vector<16xf32>,
    %swap3A_16 = arith.constant 32 : index
    %swap3A_17 = tpu.vector_load %arg20[%swap3A_16] {strides = array<i32>} : memref<512xf32, #tpu.memory_space<vmem>>, vector<16xf32>,
    %swap3A_18 = vector.shape_cast %swap3A_17 : vector<16xf32> to vector<16xf32>
    %swap3A_19 = vector.shape_cast %broadcast_in_dim3A_8 : vector<16xf32> to vector<16xf32>
    tpu.vector_store %arg20[%swap3A_16], %swap3A_19 {strides = array<i32>} : memref<512xf32, #tpu.memory_space<vmem>>, vector<16xf32>,
    %swap3A_20 = arith.constant 48 : index
    %swap3A_21 = tpu.vector_load %arg20[%swap3A_20] {strides = array<i32>} : memref<512xf32, #tpu.memory_space<vmem>>, vector<16xf32>,
    %swap3A_22 = vector.shape_cast %swap3A_21 : vector<16xf32> to vector<16xf32>
    %swap3A_23 = vector.shape_cast %broadcast_in_dim3A_8 : vector<16xf32> to vector<16xf32>
    tpu.vector_store %arg20[%swap3A_20], %swap3A_23 {strides = array<i32>} : memref<512xf32, #tpu.memory_space<vmem>>, vector<16xf32>,
    %swap3A_24 = arith.constant 64 : index
    %swap3A_25 = tpu.vector_load %arg20[%swap3A_24] {strides = array<i32>} : memref<512xf32, #tpu.memory_space<vmem>>, vector<16xf32>,
    %swap3A_26 = vector.shape_cast %swap3A_25 : vector<16xf32> to vector<16xf32>
    %swap3A_27 = vector.shape_cast %broadcast_in_dim3A_8 : vector<16xf32> to vector<16xf32>
    tpu.vector_store %arg20[%swap3A_24], %swap3A_27 {strides = array<i32>} : memref<512xf32, #tpu.memory_space<vmem>>, vector<16xf32>,
    %swap3A_28 = arith.constant 80 : index
    %swap3A_29 = tpu.vector_load %arg20[%swap3A_28] {strides = array<i32>} : memref<512xf32, #tpu.memory_space<vmem>>, vector<16xf32>,
    %swap3A_30 = vector.shape_cast %swap3A_29 : vector<16xf32> to vector<16xf32>
    %swap3A_31 = vector.shape_cast %broadcast_in_dim3A_8 : vector<16xf32> to vector<16xf32>
    tpu.vector_store %arg20[%swap3A_28], %swap3A_31 {strides = array<i32>} : memref<512xf32, #tpu.memory_space<vmem>>, vector<16xf32>,
    %swap3A_32 = arith.constant 96 : index
    %swap3A_33 = tpu.vector_load %arg20[%swap3A_32] {strides = array<i32>} : memref<512xf32, #tpu.memory_space<vmem>>, vector<16xf32>,
    %swap3A_34 = vector.shape_cast %swap3A_33 : vector<16xf32> to vector<16xf32>
    %swap3A_35 = vector.shape_cast %broadcast_in_dim3A_8 : vector<16xf32> to vector<16xf32>
    tpu.vector_store %arg20[%swap3A_32], %swap3A_35 {strides = array<i32>} : memref<512xf32, #tpu.memory_space<vmem>>, vector<16xf32>,
    %swap3A_36 = arith.constant 112 : index
    %swap3A_37 = tpu.vector_load %arg20[%swap3A_36] {strides = array<i32>} : memref<512xf32, #tpu.memory_space<vmem>>, vector<16xf32>,
    %swap3A_38 = vector.shape_cast %swap3A_37 : vector<16xf32> to vector<16xf32>
    %swap3A_39 = vector.shape_cast %broadcast_in_dim3A_8 : vector<16xf32> to vector<16xf32>
    tpu.vector_store %arg20[%swap3A_36], %swap3A_39 {strides = array<i32>} : memref<512xf32, #tpu.memory_space<vmem>>, vector<16xf32>,
    %swap3A_40 = arith.constant 128 : index
    %swap3A_41 = tpu.vector_load %arg20[%swap3A_40] {strides = array<i32>} : memref<512xf32, #tpu.memory_space<vmem>>, vector<16xf32>,
    %swap3A_42 = vector.shape_cast %swap3A_41 : vector<16xf32> to vector<16xf32>
    %swap3A_43 = vector.shape_cast %broadcast_in_dim3A_8 : vector<16xf32> to vector<16xf32>
    tpu.vector_store %arg20[%swap3A_40], %swap3A_43 {strides = array<i32>} : memref<512xf32, #tpu.memory_space<vmem>>, vector<16xf32>,
    %swap3A_44 = arith.constant 144 : index
    %swap3A_45 = tpu.vector_load %arg20[%swap3A_44] {strides = array<i32>} : memref<512xf32, #tpu.memory_space<vmem>>, vector<16xf32>,
    %swap3A_46 = vector.shape_cast %swap3A_45 : vector<16xf32> to vector<16xf32>
    %swap3A_47 = vector.shape_cast %broadcast_in_dim3A_8 : vector<16xf32> to vector<16xf32>
    tpu.vector_store %arg20[%swap3A_44], %swap3A_47 {strides = array<i32>} : memref<512xf32, #tpu.memory_space<vmem>>, vector<16xf32>,
    %swap3A_48 = arith.constant 160 : index
    %swap3A_49 = tpu.vector_load %arg20[%swap3A_48] {strides = array<i32>} : memref<512xf32, #tpu.memory_space<vmem>>, vector<16xf32>,
    %swap3A_50 = vector.shape_cast %swap3A_49 : vector<16xf32> to vector<16xf32>
    %swap3A_51 = vector.shape_cast %broadcast_in_dim3A_8 : vector<16xf32> to vector<16xf32>
    tpu.vector_store %arg20[%swap3A_48], %swap3A_51 {strides = array<i32>} : memref<512xf32, #tpu.memory_space<vmem>>, vector<16xf32>,
    %swap3A_52 = arith.constant 176 : index
    %swap3A_53 = tpu.vector_load %arg20[%swap3A_52] {strides = array<i32>} : memref<512xf32, #tpu.memory_space<vmem>>, vector<16xf32>,
    %swap3A_54 = vector.shape_cast %swap3A_53 : vector<16xf32> to vector<16xf32>
    %swap3A_55 = vector.shape_cast %broadcast_in_dim3A_8 : vector<16xf32> to vector<16xf32>
    tpu.vector_store %arg20[%swap3A_52], %swap3A_55 {strides = array<i32>} : memref<512xf32, #tpu.memory_space<vmem>>, vector<16xf32>,
    %swap3A_56 = arith.constant 192 : index
    %swap3A_57 = tpu.vector_load %arg20[%swap3A_56] {strides = array<i32>} : memref<512xf32, #tpu.memory_space<vmem>>, vector<16xf32>,
    %swap3A_58 = vector.shape_cast %swap3A_57 : vector<16xf32> to vector<16xf32>
    %swap3A_59 = vector.shape_cast %broadcast_in_dim3A_8 : vector<16xf32> to vector<16xf32>
    tpu.vector_store %arg20[%swap3A_56], %swap3A_59 {strides = array<i32>} : memref<512xf32, #tpu.memory_space<vmem>>, vector<16xf32>,
    %swap3A_60 = arith.constant 208 : index
    %swap3A_61 = tpu.vector_load %arg20[%swap3A_60] {strides = array<i32>} : memref<512xf32, #tpu.memory_space<vmem>>, vector<16xf32>,
    %swap3A_62 = vector.shape_cast %swap3A_61 : vector<16xf32> to vector<16xf32>
    %swap3A_63 = vector.shape_cast %broadcast_in_dim3A_8 : vector<16xf32> to vector<16xf32>
    tpu.vector_store %arg20[%swap3A_60], %swap3A_63 {strides = array<i32>} : memref<512xf32, #tpu.memory_space<vmem>>, vector<16xf32>,
    %swap3A_64 = arith.constant 224 : index
    %swap3A_65 = tpu.vector_load %arg20[%swap3A_64] {strides = array<i32>} : memref<512xf32, #tpu.memory_space<vmem>>, vector<16xf32>,
    %swap3A_66 = vector.shape_cast %swap3A_65 : vector<16xf32> to vector<16xf32>
    %swap3A_67 = vector.shape_cast %broadcast_in_dim3A_8 : vector<16xf32> to vector<16xf32>
    tpu.vector_store %arg20[%swap3A_64], %swap3A_67 {strides = array<i32>} : memref<512xf32, #tpu.memory_space<vmem>>, vector<16xf32>,
    %swap3A_68 = arith.constant 240 : index
    %swap3A_69 = tpu.vector_load %arg20[%swap3A_68] {strides = array<i32>} : memref<512xf32, #tpu.memory_space<vmem>>, vector<16xf32>,
    %swap3A_70 = vector.shape_cast %swap3A_69 : vector<16xf32> to vector<16xf32>
    %swap3A_71 = vector.shape_cast %broadcast_in_dim3A_8 : vector<16xf32> to vector<16xf32>
    tpu.vector_store %arg20[%swap3A_68], %swap3A_71 {strides = array<i32>} : memref<512xf32, #tpu.memory_space<vmem>>, vector<16xf32>,
    %swap3A_72 = arith.constant 256 : index
    %swap3A_73 = tpu.vector_load %arg20[%swap3A_72] {strides = array<i32>} : memref<512xf32, #tpu.memory_space<vmem>>, vector<16xf32>,
    %swap3A_74 = vector.shape_cast %swap3A_73 : vector<16xf32> to vector<16xf32>
    %swap3A_75 = vector.shape_cast %broadcast_in_dim3A_8 : vector<16xf32> to vector<16xf32>
    tpu.vector_store %arg20[%swap3A_72], %swap3A_75 {strides = array<i32>} : memref<512xf32, #tpu.memory_space<vmem>>, vector<16xf32>,
    %swap3A_76 = arith.constant 272 : index
    %swap3A_77 = tpu.vector_load %arg20[%swap3A_76] {strides = array<i32>} : memref<512xf32, #tpu.memory_space<vmem>>, vector<16xf32>,
    %swap3A_78 = vector.shape_cast %swap3A_77 : vector<16xf32> to vector<16xf32>
    %swap3A_79 = vector.shape_cast %broadcast_in_dim3A_8 : vector<16xf32> to vector<16xf32>
    tpu.vector_store %arg20[%swap3A_76], %swap3A_79 {strides = array<i32>} : memref<512xf32, #tpu.memory_space<vmem>>, vector<16xf32>,
    %swap3A_80 = arith.constant 288 : index
    %swap3A_81 = tpu.vector_load %arg20[%swap3A_80] {strides = array<i32>} : memref<512xf32, #tpu.memory_space<vmem>>, vector<16xf32>,
    %swap3A_82 = vector.shape_cast %swap3A_81 : vector<16xf32> to vector<16xf32>
    %swap3A_83 = vector.shape_cast %broadcast_in_dim3A_8 : vector<16xf32> to vector<16xf32>
    tpu.vector_store %arg20[%swap3A_80], %swap3A_83 {strides = array<i32>} : memref<512xf32, #tpu.memory_space<vmem>>, vector<16xf32>,
    %swap3A_84 = arith.constant 304 : index
    %swap3A_85 = tpu.vector_load %arg20[%swap3A_84] {strides = array<i32>} : memref<512xf32, #tpu.memory_space<vmem>>, vector<16xf32>,
    %swap3A_86 = vector.shape_cast %swap3A_85 : vector<16xf32> to vector<16xf32>
    %swap3A_87 = vector.shape_cast %broadcast_in_dim3A_8 : vector<16xf32> to vector<16xf32>
    tpu.vector_store %arg20[%swap3A_84], %swap3A_87 {strides = array<i32>} : memref<512xf32, #tpu.memory_space<vmem>>, vector<16xf32>,
    %swap3A_88 = arith.constant 320 : index
    %swap3A_89 = tpu.vector_load %arg20[%swap3A_88] {strides = array<i32>} : memref<512xf32, #tpu.memory_space<vmem>>, vector<16xf32>,
    %swap3A_90 = vector.shape_cast %swap3A_89 : vector<16xf32> to vector<16xf32>
    %swap3A_91 = vector.shape_cast %broadcast_in_dim3A_8 : vector<16xf32> to vector<16xf32>
    tpu.vector_store %arg20[%swap3A_88], %swap3A_91 {strides = array<i32>} : memref<512xf32, #tpu.memory_space<vmem>>, vector<16xf32>,
    %swap3A_92 = arith.constant 336 : index
    %swap3A_93 = tpu.vector_load %arg20[%swap3A_92] {strides = array<i32>} : memref<512xf32, #tpu.memory_space<vmem>>, vector<16xf32>,
    %swap3A_94 = vector.shape_cast %swap3A_93 : vector<16xf32> to vector<16xf32>
    %swap3A_95 = vector.shape_cast %broadcast_in_dim3A_8 : vector<16xf32> to vector<16xf32>
    tpu.vector_store %arg20[%swap3A_92], %swap3A_95 {strides = array<i32>} : memref<512xf32, #tpu.memory_space<vmem>>, vector<16xf32>,
    %swap3A_96 = arith.constant 352 : index
    %swap3A_97 = tpu.vector_load %arg20[%swap3A_96] {strides = array<i32>} : memref<512xf32, #tpu.memory_space<vmem>>, vector<16xf32>,
    %swap3A_98 = vector.shape_cast %swap3A_97 : vector<16xf32> to vector<16xf32>
    %swap3A_99 = vector.shape_cast %broadcast_in_dim3A_8 : vector<16xf32> to vector<16xf32>
    tpu.vector_store %arg20[%swap3A_96], %swap3A_99 {strides = array<i32>} : memref<512xf32, #tpu.memory_space<vmem>>, vector<16xf32>,
    %swap3A_100 = arith.constant 368 : index
    %swap3A_101 = tpu.vector_load %arg20[%swap3A_100] {strides = array<i32>} : memref<512xf32, #tpu.memory_space<vmem>>, vector<16xf32>,
    %swap3A_102 = vector.shape_cast %swap3A_101 : vector<16xf32> to vector<16xf32>
    %swap3A_103 = vector.shape_cast %broadcast_in_dim3A_8 : vector<16xf32> to vector<16xf32>
    tpu.vector_store %arg20[%swap3A_100], %swap3A_103 {strides = array<i32>} : memref<512xf32, #tpu.memory_space<vmem>>, vector<16xf32>,
    %swap3A_104 = arith.constant 384 : index
    %swap3A_105 = tpu.vector_load %arg20[%swap3A_104] {strides = array<i32>} : memref<512xf32, #tpu.memory_space<vmem>>, vector<16xf32>,
    %swap3A_106 = vector.shape_cast %swap3A_105 : vector<16xf32> to vector<16xf32>
    %swap3A_107 = vector.shape_cast %broadcast_in_dim3A_8 : vector<16xf32> to vector<16xf32>
    tpu.vector_store %arg20[%swap3A_104], %swap3A_107 {strides = array<i32>} : memref<512xf32, #tpu.memory_space<vmem>>, vector<16xf32>,
    %swap3A_108 = arith.constant 400 : index
    %swap3A_109 = tpu.vector_load %arg20[%swap3A_108] {strides = array<i32>} : memref<512xf32, #tpu.memory_space<vmem>>, vector<16xf32>,
    %swap3A_110 = vector.shape_cast %swap3A_109 : vector<16xf32> to vector<16xf32>
    %swap3A_111 = vector.shape_cast %broadcast_in_dim3A_8 : vector<16xf32> to vector<16xf32>
    tpu.vector_store %arg20[%swap3A_108], %swap3A_111 {strides = array<i32>} : memref<512xf32, #tpu.memory_space<vmem>>, vector<16xf32>,
    %swap3A_112 = arith.constant 416 : index
    %swap3A_113 = tpu.vector_load %arg20[%swap3A_112] {strides = array<i32>} : memref<512xf32, #tpu.memory_space<vmem>>, vector<16xf32>,
    %swap3A_114 = vector.shape_cast %swap3A_113 : vector<16xf32> to vector<16xf32>
    %swap3A_115 = vector.shape_cast %broadcast_in_dim3A_8 : vector<16xf32> to vector<16xf32>
    tpu.vector_store %arg20[%swap3A_112], %swap3A_115 {strides = array<i32>} : memref<512xf32, #tpu.memory_space<vmem>>, vector<16xf32>,
    %swap3A_116 = arith.constant 432 : index
    %swap3A_117 = tpu.vector_load %arg20[%swap3A_116] {strides = array<i32>} : memref<512xf32, #tpu.memory_space<vmem>>, vector<16xf32>,
    %swap3A_118 = vector.shape_cast %swap3A_117 : vector<16xf32> to vector<16xf32>
    %swap3A_119 = vector.shape_cast %broadcast_in_dim3A_8 : vector<16xf32> to vector<16xf32>
    tpu.vector_store %arg20[%swap3A_116], %swap3A_119 {strides = array<i32>} : memref<512xf32, #tpu.memory_space<vmem>>, vector<16xf32>,
    %swap3A_120 = arith.constant 448 : index
    %swap3A_121 = tpu.vector_load %arg20[%swap3A_120] {strides = array<i32>} : memref<512xf32, #tpu.memory_space<vmem>>, vector<16xf32>,
    %swap3A_122 = vector.shape_cast %swap3A_121 : vector<16xf32> to vector<16xf32>
    %swap3A_123 = vector.shape_cast %broadcast_in_dim3A_8 : vector<16xf32> to vector<16xf32>
    tpu.vector_store %arg20[%swap3A_120], %swap3A_123 {strides = array<i32>} : memref<512xf32, #tpu.memory_space<vmem>>, vector<16xf32>,
    %swap3A_124 = arith.constant 464 : index
    %swap3A_125 = tpu.vector_load %arg20[%swap3A_124] {strides = array<i32>} : memref<512xf32, #tpu.memory_space<vmem>>, vector<16xf32>,
    %swap3A_126 = vector.shape_cast %swap3A_125 : vector<16xf32> to vector<16xf32>
    %swap3A_127 = vector.shape_cast %broadcast_in_dim3A_8 : vector<16xf32> to vector<16xf32>
    tpu.vector_store %arg20[%swap3A_124], %swap3A_127 {strides = array<i32>} : memref<512xf32, #tpu.memory_space<vmem>>, vector<16xf32>,
    %swap3A_128 = arith.constant 480 : index
    %swap3A_129 = tpu.vector_load %arg20[%swap3A_128] {strides = array<i32>} : memref<512xf32, #tpu.memory_space<vmem>>, vector<16xf32>,
    %swap3A_130 = vector.shape_cast %swap3A_129 : vector<16xf32> to vector<16xf32>
    %swap3A_131 = vector.shape_cast %broadcast_in_dim3A_8 : vector<16xf32> to vector<16xf32>
    tpu.vector_store %arg20[%swap3A_128], %swap3A_131 {strides = array<i32>} : memref<512xf32, #tpu.memory_space<vmem>>, vector<16xf32>,
    %swap3A_132 = arith.constant 496 : index
    %swap3A_133 = tpu.vector_load %arg20[%swap3A_132] {strides = array<i32>} : memref<512xf32, #tpu.memory_space<vmem>>, vector<16xf32>,
    %swap3A_134 = vector.shape_cast %swap3A_133 : vector<16xf32> to vector<16xf32>
    %swap3A_135 = vector.shape_cast %broadcast_in_dim3A_8 : vector<16xf32> to vector<16xf32>
    tpu.vector_store %arg20[%swap3A_132], %swap3A_135 {strides = array<i32>} : memref<512xf32, #tpu.memory_space<vmem>>, vector<16xf32>,
    %dma_wait3A = tpu.memref_slice %arg4[%mul3A_2] : memref<16384xi32, #tpu.memory_space<hbm>> -> memref<512xi32, #tpu.memory_space<hbm>>
    %dma_wait3A_136 = tpu.memref_slice %arg4[%mul3A_2] : memref<16384xi32, #tpu.memory_space<hbm>> -> memref<512xi32, #tpu.memory_space<hbm>>
    tpu.wait_dma2 semaphore(%arg21 : memref<!tpu.dma_semaphore, #tpu.memory_space<semaphore_mem>>) src(%dma_wait3A_136 : memref<512xi32, #tpu.memory_space<hbm>>) dst(%arg8 : memref<512xi32, #tpu.memory_space<vmem>>)
    %dma_wait3A_137 = tpu.memref_slice %arg5[%mul3A_2] : memref<16384xi32, #tpu.memory_space<hbm>> -> memref<512xi32, #tpu.memory_space<hbm>>
    %dma_wait3A_138 = tpu.memref_slice %arg5[%mul3A_2] : memref<16384xi32, #tpu.memory_space<hbm>> -> memref<512xi32, #tpu.memory_space<hbm>>
    tpu.wait_dma2 semaphore(%arg21 : memref<!tpu.dma_semaphore, #tpu.memory_space<semaphore_mem>>) src(%dma_wait3A_138 : memref<512xi32, #tpu.memory_space<hbm>>) dst(%arg9 : memref<512xi32, #tpu.memory_space<vmem>>)
    %dma_wait3A_139 = tpu.memref_slice %arg6[%mul3A_2] : memref<16384xi32, #tpu.memory_space<hbm>> -> memref<512xi32, #tpu.memory_space<hbm>>
    %dma_wait3A_140 = tpu.memref_slice %arg6[%mul3A_2] : memref<16384xi32, #tpu.memory_space<hbm>> -> memref<512xi32, #tpu.memory_space<hbm>>
    tpu.wait_dma2 semaphore(%arg21 : memref<!tpu.dma_semaphore, #tpu.memory_space<semaphore_mem>>) src(%dma_wait3A_140 : memref<512xi32, #tpu.memory_space<hbm>>) dst(%arg10 : memref<512xi32, #tpu.memory_space<vmem>>)
    %dma_start3A_141 = arith.constant 0 : i32
    %dma_start3A_142 = arith.constant 0 : i32
    %dma_start3A_143 = tpu.memref_slice %arg11[%dma_start3A_141, %dma_start3A_142] : memref<64x128xf32, #tpu.memory_space<vmem>> -> memref<64x128xf32, #tpu.memory_space<vmem>>
    %dma_start3A_144 = arith.constant 0 : i32
    %dma_start3A_145 = tpu.memref_slice %arg8[%dma_start3A_144] : memref<512xi32, #tpu.memory_space<vmem>> -> memref<64xi32, #tpu.memory_space<vmem>>
    %dma_start3A_146 = arith.constant 0 : i32
    %dma_start3A_147 = arith.constant 0 : i32
    %dma_start3A_148 = tpu.memref_slice %arg2[%dma_start3A_146, %dma_start3A_147] : memref<1000000x128xf32, #tpu.memory_space<hbm>> -> memref<1000000x128xf32, #tpu.memory_space<hbm>>
    tpu.enqueue_indirect_dma source(%dma_start3A_148 : memref<1000000x128xf32, #tpu.memory_space<hbm>>) target(%dma_start3A_143 : memref<64x128xf32, #tpu.memory_space<vmem>>) offsets(%dma_start3A_145 : memref<64xi32, #tpu.memory_space<vmem>>) semaphore(%arg21 : memref<!tpu.dma_semaphore, #tpu.memory_space<semaphore_mem>>)
    %dma_start3A_149 = arith.constant 0 : i32
    %dma_start3A_150 = arith.constant 0 : i32
    %dma_start3A_151 = tpu.memref_slice %arg12[%dma_start3A_149, %dma_start3A_150] : memref<64x128xf32, #tpu.memory_space<vmem>> -> memref<64x128xf32, #tpu.memory_space<vmem>>
    %dma_start3A_152 = arith.constant 0 : i32
    %dma_start3A_153 = tpu.memref_slice %arg9[%dma_start3A_152] : memref<512xi32, #tpu.memory_space<vmem>> -> memref<64xi32, #tpu.memory_space<vmem>>
    %dma_start3A_154 = arith.constant 0 : i32
    %dma_start3A_155 = arith.constant 0 : i32
    %dma_start3A_156 = tpu.memref_slice %arg3[%dma_start3A_154, %dma_start3A_155] : memref<1000x128xf32, #tpu.memory_space<hbm>> -> memref<1000x128xf32, #tpu.memory_space<hbm>>
    tpu.enqueue_indirect_dma source(%dma_start3A_156 : memref<1000x128xf32, #tpu.memory_space<hbm>>) target(%dma_start3A_151 : memref<64x128xf32, #tpu.memory_space<vmem>>) offsets(%dma_start3A_153 : memref<64xi32, #tpu.memory_space<vmem>>) semaphore(%arg21 : memref<!tpu.dma_semaphore, #tpu.memory_space<semaphore_mem>>)
    %dma_start3A_157 = arith.constant 0 : i32
    %dma_start3A_158 = arith.constant 0 : i32
    %dma_start3A_159 = tpu.memref_slice %arg13[%dma_start3A_157, %dma_start3A_158] : memref<64x128xf32, #tpu.memory_space<vmem>> -> memref<64x128xf32, #tpu.memory_space<vmem>>
    %dma_start3A_160 = arith.constant 0 : i32
    %dma_start3A_161 = tpu.memref_slice %arg10[%dma_start3A_160] : memref<512xi32, #tpu.memory_space<vmem>> -> memref<64xi32, #tpu.memory_space<vmem>>
    %dma_start3A_162 = arith.constant 0 : i32
    %dma_start3A_163 = arith.constant 0 : i32
    %dma_start3A_164 = tpu.memref_slice %arg2[%dma_start3A_162, %dma_start3A_163] : memref<1000000x128xf32, #tpu.memory_space<hbm>> -> memref<1000000x128xf32, #tpu.memory_space<hbm>>
    tpu.enqueue_indirect_dma source(%dma_start3A_164 : memref<1000000x128xf32, #tpu.memory_space<hbm>>) target(%dma_start3A_159 : memref<64x128xf32, #tpu.memory_space<vmem>>) offsets(%dma_start3A_161 : memref<64xi32, #tpu.memory_space<vmem>>) semaphore(%arg21 : memref<!tpu.dma_semaphore, #tpu.memory_space<semaphore_mem>>)
    %dma_start3A_165 = arith.constant 0 : i32
    %dma_start3A_166 = arith.constant 0 : i32
    %dma_start3A_167 = tpu.memref_slice %arg14[%dma_start3A_165, %dma_start3A_166] : memref<64x128xf32, #tpu.memory_space<vmem>> -> memref<64x128xf32, #tpu.memory_space<vmem>>
    %dma_start3A_168 = arith.constant 64 : i32
    %dma_start3A_169 = tpu.memref_slice %arg8[%dma_start3A_168] : memref<512xi32, #tpu.memory_space<vmem>> -> memref<64xi32, #tpu.memory_space<vmem>>
    %dma_start3A_170 = arith.constant 0 : i32
    %dma_start3A_171 = arith.constant 0 : i32
    %dma_start3A_172 = tpu.memref_slice %arg2[%dma_start3A_170, %dma_start3A_171] : memref<1000000x128xf32, #tpu.memory_space<hbm>> -> memref<1000000x128xf32, #tpu.memory_space<hbm>>
    tpu.enqueue_indirect_dma source(%dma_start3A_172 : memref<1000000x128xf32, #tpu.memory_space<hbm>>) target(%dma_start3A_167 : memref<64x128xf32, #tpu.memory_space<vmem>>) offsets(%dma_start3A_169 : memref<64xi32, #tpu.memory_space<vmem>>) semaphore(%arg22 : memref<!tpu.dma_semaphore, #tpu.memory_space<semaphore_mem>>)
    %dma_start3A_173 = arith.constant 0 : i32
    %dma_start3A_174 = arith.constant 0 : i32
    %dma_start3A_175 = tpu.memref_slice %arg15[%dma_start3A_173, %dma_start3A_174] : memref<64x128xf32, #tpu.memory_space<vmem>> -> memref<64x128xf32, #tpu.memory_space<vmem>>
    %dma_start3A_176 = arith.constant 64 : i32
    %dma_start3A_177 = tpu.memref_slice %arg9[%dma_start3A_176] : memref<512xi32, #tpu.memory_space<vmem>> -> memref<64xi32, #tpu.memory_space<vmem>>
    %dma_start3A_178 = arith.constant 0 : i32
    %dma_start3A_179 = arith.constant 0 : i32
    %dma_start3A_180 = tpu.memref_slice %arg3[%dma_start3A_178, %dma_start3A_179] : memref<1000x128xf32, #tpu.memory_space<hbm>> -> memref<1000x128xf32, #tpu.memory_space<hbm>>
    tpu.enqueue_indirect_dma source(%dma_start3A_180 : memref<1000x128xf32, #tpu.memory_space<hbm>>) target(%dma_start3A_175 : memref<64x128xf32, #tpu.memory_space<vmem>>) offsets(%dma_start3A_177 : memref<64xi32, #tpu.memory_space<vmem>>) semaphore(%arg22 : memref<!tpu.dma_semaphore, #tpu.memory_space<semaphore_mem>>)
    %dma_start3A_181 = arith.constant 0 : i32
    %dma_start3A_182 = arith.constant 0 : i32
    %dma_start3A_183 = tpu.memref_slice %arg16[%dma_start3A_181, %dma_start3A_182] : memref<64x128xf32, #tpu.memory_space<vmem>> -> memref<64x128xf32, #tpu.memory_space<vmem>>
    %dma_start3A_184 = arith.constant 64 : i32
    %dma_start3A_185 = tpu.memref_slice %arg10[%dma_start3A_184] : memref<512xi32, #tpu.memory_space<vmem>> -> memref<64xi32, #tpu.memory_space<vmem>>
    %dma_start3A_186 = arith.constant 0 : i32
    %dma_start3A_187 = arith.constant 0 : i32
    %dma_start3A_188 = tpu.memref_slice %arg2[%dma_start3A_186, %dma_start3A_187] : memref<1000000x128xf32, #tpu.memory_space<hbm>> -> memref<1000000x128xf32, #tpu.memory_space<hbm>>
    tpu.enqueue_indirect_dma source(%dma_start3A_188 : memref<1000000x128xf32, #tpu.memory_space<hbm>>) target(%dma_start3A_183 : memref<64x128xf32, #tpu.memory_space<vmem>>) offsets(%dma_start3A_185 : memref<64xi32, #tpu.memory_space<vmem>>) semaphore(%arg22 : memref<!tpu.dma_semaphore, #tpu.memory_space<semaphore_mem>>)
    %dma_start3A_189 = arith.constant 0 : i32
    %dma_start3A_190 = arith.constant 0 : i32
    %dma_start3A_191 = tpu.memref_slice %arg17[%dma_start3A_189, %dma_start3A_190] : memref<64x128xf32, #tpu.memory_space<vmem>> -> memref<64x128xf32, #tpu.memory_space<vmem>>
    %dma_start3A_192 = arith.constant 128 : i32
    %dma_start3A_193 = tpu.memref_slice %arg8[%dma_start3A_192] : memref<512xi32, #tpu.memory_space<vmem>> -> memref<64xi32, #tpu.memory_space<vmem>>
    %dma_start3A_194 = arith.constant 0 : i32
    %dma_start3A_195 = arith.constant 0 : i32
    %dma_start3A_196 = tpu.memref_slice %arg2[%dma_start3A_194, %dma_start3A_195] : memref<1000000x128xf32, #tpu.memory_space<hbm>> -> memref<1000000x128xf32, #tpu.memory_space<hbm>>
    tpu.enqueue_indirect_dma source(%dma_start3A_196 : memref<1000000x128xf32, #tpu.memory_space<hbm>>) target(%dma_start3A_191 : memref<64x128xf32, #tpu.memory_space<vmem>>) offsets(%dma_start3A_193 : memref<64xi32, #tpu.memory_space<vmem>>) semaphore(%arg23 : memref<!tpu.dma_semaphore, #tpu.memory_space<semaphore_mem>>)
    %dma_start3A_197 = arith.constant 0 : i32
    %dma_start3A_198 = arith.constant 0 : i32
    %dma_start3A_199 = tpu.memref_slice %arg18[%dma_start3A_197, %dma_start3A_198] : memref<64x128xf32, #tpu.memory_space<vmem>> -> memref<64x128xf32, #tpu.memory_space<vmem>>
    %dma_start3A_200 = arith.constant 128 : i32
    %dma_start3A_201 = tpu.memref_slice %arg9[%dma_start3A_200] : memref<512xi32, #tpu.memory_space<vmem>> -> memref<64xi32, #tpu.memory_space<vmem>>
    %dma_start3A_202 = arith.constant 0 : i32
    %dma_start3A_203 = arith.constant 0 : i32
    %dma_start3A_204 = tpu.memref_slice %arg3[%dma_start3A_202, %dma_start3A_203] : memref<1000x128xf32, #tpu.memory_space<hbm>> -> memref<1000x128xf32, #tpu.memory_space<hbm>>
    tpu.enqueue_indirect_dma source(%dma_start3A_204 : memref<1000x128xf32, #tpu.memory_space<hbm>>) target(%dma_start3A_199 : memref<64x128xf32, #tpu.memory_space<vmem>>) offsets(%dma_start3A_201 : memref<64xi32, #tpu.memory_space<vmem>>) semaphore(%arg23 : memref<!tpu.dma_semaphore, #tpu.memory_space<semaphore_mem>>)
    %dma_start3A_205 = arith.constant 0 : i32
    %dma_start3A_206 = arith.constant 0 : i32
    %dma_start3A_207 = tpu.memref_slice %arg19[%dma_start3A_205, %dma_start3A_206] : memref<64x128xf32, #tpu.memory_space<vmem>> -> memref<64x128xf32, #tpu.memory_space<vmem>>
    %dma_start3A_208 = arith.constant 128 : i32
    %dma_start3A_209 = tpu.memref_slice %arg10[%dma_start3A_208] : memref<512xi32, #tpu.memory_space<vmem>> -> memref<64xi32, #tpu.memory_space<vmem>>
    %dma_start3A_210 = arith.constant 0 : i32
    %dma_start3A_211 = arith.constant 0 : i32
    %dma_start3A_212 = tpu.memref_slice %arg2[%dma_start3A_210, %dma_start3A_211] : memref<1000000x128xf32, #tpu.memory_space<hbm>> -> memref<1000000x128xf32, #tpu.memory_space<hbm>>
    tpu.enqueue_indirect_dma source(%dma_start3A_212 : memref<1000000x128xf32, #tpu.memory_space<hbm>>) target(%dma_start3A_207 : memref<64x128xf32, #tpu.memory_space<vmem>>) offsets(%dma_start3A_209 : memref<64xi32, #tpu.memory_space<vmem>>) semaphore(%arg23 : memref<!tpu.dma_semaphore, #tpu.memory_space<semaphore_mem>>)
    %dma_wait3A_213 = arith.constant 0 : i32
    %dma_wait3A_214 = arith.constant 0 : i32
    %dma_wait3A_215 = tpu.memref_slice %arg11[%dma_wait3A_213, %dma_wait3A_214] : memref<64x128xf32, #tpu.memory_space<vmem>> -> memref<64x128xf32, #tpu.memory_space<vmem>>
    %dma_wait3A_216 = arith.constant 0 : i32
    %dma_wait3A_217 = tpu.memref_slice %arg8[%dma_wait3A_216] : memref<512xi32, #tpu.memory_space<vmem>> -> memref<64xi32, #tpu.memory_space<vmem>>
    %dma_wait3A_218 = arith.constant 0 : i32
    %dma_wait3A_219 = arith.constant 0 : i32
    %dma_wait3A_220 = tpu.memref_slice %arg2[%dma_wait3A_218, %dma_wait3A_219] : memref<1000000x128xf32, #tpu.memory_space<hbm>> -> memref<1000000x128xf32, #tpu.memory_space<hbm>>
    tpu.wait_indirect_dma semaphore(%arg21 : memref<!tpu.dma_semaphore, #tpu.memory_space<semaphore_mem>>) src(%dma_wait3A_220 : memref<1000000x128xf32, #tpu.memory_space<hbm>>) dst(%dma_wait3A_215 : memref<64x128xf32, #tpu.memory_space<vmem>>)
    %dma_wait3A_221 = arith.constant 0 : i32
    %dma_wait3A_222 = arith.constant 0 : i32
    %dma_wait3A_223 = tpu.memref_slice %arg12[%dma_wait3A_221, %dma_wait3A_222] : memref<64x128xf32, #tpu.memory_space<vmem>> -> memref<64x128xf32, #tpu.memory_space<vmem>>
    %dma_wait3A_224 = arith.constant 0 : i32
    %dma_wait3A_225 = tpu.memref_slice %arg9[%dma_wait3A_224] : memref<512xi32, #tpu.memory_space<vmem>> -> memref<64xi32, #tpu.memory_space<vmem>>
    %dma_wait3A_226 = arith.constant 0 : i32
    %dma_wait3A_227 = arith.constant 0 : i32
    %dma_wait3A_228 = tpu.memref_slice %arg3[%dma_wait3A_226, %dma_wait3A_227] : memref<1000x128xf32, #tpu.memory_space<hbm>> -> memref<1000x128xf32, #tpu.memory_space<hbm>>
    tpu.wait_indirect_dma semaphore(%arg21 : memref<!tpu.dma_semaphore, #tpu.memory_space<semaphore_mem>>) src(%dma_wait3A_228 : memref<1000x128xf32, #tpu.memory_space<hbm>>) dst(%dma_wait3A_223 : memref<64x128xf32, #tpu.memory_space<vmem>>)
    %dma_wait3A_229 = arith.constant 0 : i32
    %dma_wait3A_230 = arith.constant 0 : i32
    %dma_wait3A_231 = tpu.memref_slice %arg13[%dma_wait3A_229, %dma_wait3A_230] : memref<64x128xf32, #tpu.memory_space<vmem>> -> memref<64x128xf32, #tpu.memory_space<vmem>>
    %dma_wait3A_232 = arith.constant 0 : i32
    %dma_wait3A_233 = tpu.memref_slice %arg10[%dma_wait3A_232] : memref<512xi32, #tpu.memory_space<vmem>> -> memref<64xi32, #tpu.memory_space<vmem>>
    %dma_wait3A_234 = arith.constant 0 : i32
    %dma_wait3A_235 = arith.constant 0 : i32
    %dma_wait3A_236 = tpu.memref_slice %arg2[%dma_wait3A_234, %dma_wait3A_235] : memref<1000000x128xf32, #tpu.memory_space<hbm>> -> memref<1000000x128xf32, #tpu.memory_space<hbm>>
    tpu.wait_indirect_dma semaphore(%arg21 : memref<!tpu.dma_semaphore, #tpu.memory_space<semaphore_mem>>) src(%dma_wait3A_236 : memref<1000000x128xf32, #tpu.memory_space<hbm>>) dst(%dma_wait3A_231 : memref<64x128xf32, #tpu.memory_space<vmem>>)
    %parallel_loop3A = arith.constant 0 : i32
    %parallel_loop3A_237 = arith.constant 64 : i32
    %parallel_loop3A_238 = arith.constant 1 : i32
    scf.for %parallel_loop3A_548 = %parallel_loop3A to %parallel_loop3A_237 step %parallel_loop3A_238  : i32 {
      %parallel_loop3A_549 = arith.index_cast %parallel_loop3A_548 : i32 to index
      %parallel_loop3A_550 = arith.constant 0 : index
      %parallel_loop3A_551 = tpu.vector_load %arg11[%parallel_loop3A_549, %parallel_loop3A_550] {strides = array<i32>} : memref<64x128xf32, #tpu.memory_space<vmem>>, vector<1x16xf32>,
      %parallel_loop3A_552 = vector.shape_cast %parallel_loop3A_551 : vector<1x16xf32> to vector<16xf32>
      %parallel_loop3A_553 = arith.index_cast %parallel_loop3A_548 : i32 to index
      %parallel_loop3A_554 = arith.constant 64 : index
      %parallel_loop3A_555 = tpu.vector_load %arg11[%parallel_loop3A_553, %parallel_loop3A_554] {strides = array<i32>} : memref<64x128xf32, #tpu.memory_space<vmem>>, vector<1x16xf32>,
      %parallel_loop3A_556 = vector.shape_cast %parallel_loop3A_555 : vector<1x16xf32> to vector<16xf32>
      %parallel_loop3A_557 = arith.index_cast %parallel_loop3A_548 : i32 to index
      %parallel_loop3A_558 = arith.constant 0 : index
      %parallel_loop3A_559 = tpu.vector_load %arg12[%parallel_loop3A_557, %parallel_loop3A_558] {strides = array<i32>} : memref<64x128xf32, #tpu.memory_space<vmem>>, vector<1x16xf32>,
      %parallel_loop3A_560 = vector.shape_cast %parallel_loop3A_559 : vector<1x16xf32> to vector<16xf32>
      %parallel_loop3A_561 = arith.index_cast %parallel_loop3A_548 : i32 to index
      %parallel_loop3A_562 = arith.constant 64 : index
      %parallel_loop3A_563 = tpu.vector_load %arg12[%parallel_loop3A_561, %parallel_loop3A_562] {strides = array<i32>} : memref<64x128xf32, #tpu.memory_space<vmem>>, vector<1x16xf32>,
      %parallel_loop3A_564 = vector.shape_cast %parallel_loop3A_563 : vector<1x16xf32> to vector<16xf32>
      %parallel_loop3A_565 = arith.index_cast %parallel_loop3A_548 : i32 to index
      %parallel_loop3A_566 = arith.constant 0 : index
      %parallel_loop3A_567 = tpu.vector_load %arg13[%parallel_loop3A_565, %parallel_loop3A_566] {strides = array<i32>} : memref<64x128xf32, #tpu.memory_space<vmem>>, vector<1x16xf32>,
      %parallel_loop3A_568 = vector.shape_cast %parallel_loop3A_567 : vector<1x16xf32> to vector<16xf32>
      %parallel_loop3A_569 = arith.index_cast %parallel_loop3A_548 : i32 to index
      %parallel_loop3A_570 = arith.constant 64 : index
      %parallel_loop3A_571 = tpu.vector_load %arg13[%parallel_loop3A_569, %parallel_loop3A_570] {strides = array<i32>} : memref<64x128xf32, #tpu.memory_space<vmem>>, vector<1x16xf32>,
      %parallel_loop3A_572 = vector.shape_cast %parallel_loop3A_571 : vector<1x16xf32> to vector<16xf32>
      %parallel_loop3A_573 = arith.mulf %parallel_loop3A_560, %parallel_loop3A_568 : vector<16xf32>
      %parallel_loop3A_574 = arith.mulf %parallel_loop3A_564, %parallel_loop3A_572 : vector<16xf32>
      %parallel_loop3A_575 = arith.addf %parallel_loop3A_573, %parallel_loop3A_574 : vector<16xf32>
      %parallel_loop3A_576 = arith.mulf %parallel_loop3A_552, %parallel_loop3A_575 : vector<16xf32>
      %parallel_loop3A_577 = arith.mulf %parallel_loop3A_560, %parallel_loop3A_572 : vector<16xf32>
      %parallel_loop3A_578 = arith.mulf %parallel_loop3A_564, %parallel_loop3A_568 : vector<16xf32>
      %parallel_loop3A_579 = arith.subf %parallel_loop3A_577, %parallel_loop3A_578 : vector<16xf32>
      %parallel_loop3A_580 = arith.mulf %parallel_loop3A_556, %parallel_loop3A_579 : vector<16xf32>
      %parallel_loop3A_581 = arith.addf %parallel_loop3A_576, %parallel_loop3A_580 : vector<16xf32>
      %parallel_loop3A_582 = arith.index_cast %parallel_loop3A_548 : i32 to index
      %parallel_loop3A_583 = arith.constant 16 : index
      %parallel_loop3A_584 = tpu.vector_load %arg11[%parallel_loop3A_582, %parallel_loop3A_583] {strides = array<i32>} : memref<64x128xf32, #tpu.memory_space<vmem>>, vector<1x16xf32>,
      %parallel_loop3A_585 = vector.shape_cast %parallel_loop3A_584 : vector<1x16xf32> to vector<16xf32>
      %parallel_loop3A_586 = arith.index_cast %parallel_loop3A_548 : i32 to index
      %parallel_loop3A_587 = arith.constant 80 : index
      %parallel_loop3A_588 = tpu.vector_load %arg11[%parallel_loop3A_586, %parallel_loop3A_587] {strides = array<i32>} : memref<64x128xf32, #tpu.memory_space<vmem>>, vector<1x16xf32>,
      %parallel_loop3A_589 = vector.shape_cast %parallel_loop3A_588 : vector<1x16xf32> to vector<16xf32>
      %parallel_loop3A_590 = arith.index_cast %parallel_loop3A_548 : i32 to index
      %parallel_loop3A_591 = arith.constant 16 : index
      %parallel_loop3A_592 = tpu.vector_load %arg12[%parallel_loop3A_590, %parallel_loop3A_591] {strides = array<i32>} : memref<64x128xf32, #tpu.memory_space<vmem>>, vector<1x16xf32>,
      %parallel_loop3A_593 = vector.shape_cast %parallel_loop3A_592 : vector<1x16xf32> to vector<16xf32>
      %parallel_loop3A_594 = arith.index_cast %parallel_loop3A_548 : i32 to index
      %parallel_loop3A_595 = arith.constant 80 : index
      %parallel_loop3A_596 = tpu.vector_load %arg12[%parallel_loop3A_594, %parallel_loop3A_595] {strides = array<i32>} : memref<64x128xf32, #tpu.memory_space<vmem>>, vector<1x16xf32>,
      %parallel_loop3A_597 = vector.shape_cast %parallel_loop3A_596 : vector<1x16xf32> to vector<16xf32>
      %parallel_loop3A_598 = arith.index_cast %parallel_loop3A_548 : i32 to index
      %parallel_loop3A_599 = arith.constant 16 : index
      %parallel_loop3A_600 = tpu.vector_load %arg13[%parallel_loop3A_598, %parallel_loop3A_599] {strides = array<i32>} : memref<64x128xf32, #tpu.memory_space<vmem>>, vector<1x16xf32>,
      %parallel_loop3A_601 = vector.shape_cast %parallel_loop3A_600 : vector<1x16xf32> to vector<16xf32>
      %parallel_loop3A_602 = arith.index_cast %parallel_loop3A_548 : i32 to index
      %parallel_loop3A_603 = arith.constant 80 : index
      %parallel_loop3A_604 = tpu.vector_load %arg13[%parallel_loop3A_602, %parallel_loop3A_603] {strides = array<i32>} : memref<64x128xf32, #tpu.memory_space<vmem>>, vector<1x16xf32>,
      %parallel_loop3A_605 = vector.shape_cast %parallel_loop3A_604 : vector<1x16xf32> to vector<16xf32>
      %parallel_loop3A_606 = arith.mulf %parallel_loop3A_593, %parallel_loop3A_601 : vector<16xf32>
      %parallel_loop3A_607 = arith.mulf %parallel_loop3A_597, %parallel_loop3A_605 : vector<16xf32>
      %parallel_loop3A_608 = arith.addf %parallel_loop3A_606, %parallel_loop3A_607 : vector<16xf32>
      %parallel_loop3A_609 = arith.mulf %parallel_loop3A_585, %parallel_loop3A_608 : vector<16xf32>
      %parallel_loop3A_610 = arith.mulf %parallel_loop3A_593, %parallel_loop3A_605 : vector<16xf32>
      %parallel_loop3A_611 = arith.mulf %parallel_loop3A_597, %parallel_loop3A_601 : vector<16xf32>
      %parallel_loop3A_612 = arith.subf %parallel_loop3A_610, %parallel_loop3A_611 : vector<16xf32>
      %parallel_loop3A_613 = arith.mulf %parallel_loop3A_589, %parallel_loop3A_612 : vector<16xf32>
      %parallel_loop3A_614 = arith.addf %parallel_loop3A_609, %parallel_loop3A_613 : vector<16xf32>
      %parallel_loop3A_615 = arith.index_cast %parallel_loop3A_548 : i32 to index
      %parallel_loop3A_616 = arith.constant 32 : index
      %parallel_loop3A_617 = tpu.vector_load %arg11[%parallel_loop3A_615, %parallel_loop3A_616] {strides = array<i32>} : memref<64x128xf32, #tpu.memory_space<vmem>>, vector<1x16xf32>,
      %parallel_loop3A_618 = vector.shape_cast %parallel_loop3A_617 : vector<1x16xf32> to vector<16xf32>
      %parallel_loop3A_619 = arith.index_cast %parallel_loop3A_548 : i32 to index
      %parallel_loop3A_620 = arith.constant 96 : index
      %parallel_loop3A_621 = tpu.vector_load %arg11[%parallel_loop3A_619, %parallel_loop3A_620] {strides = array<i32>} : memref<64x128xf32, #tpu.memory_space<vmem>>, vector<1x16xf32>,
      %parallel_loop3A_622 = vector.shape_cast %parallel_loop3A_621 : vector<1x16xf32> to vector<16xf32>
      %parallel_loop3A_623 = arith.index_cast %parallel_loop3A_548 : i32 to index
      %parallel_loop3A_624 = arith.constant 32 : index
      %parallel_loop3A_625 = tpu.vector_load %arg12[%parallel_loop3A_623, %parallel_loop3A_624] {strides = array<i32>} : memref<64x128xf32, #tpu.memory_space<vmem>>, vector<1x16xf32>,
      %parallel_loop3A_626 = vector.shape_cast %parallel_loop3A_625 : vector<1x16xf32> to vector<16xf32>
      %parallel_loop3A_627 = arith.index_cast %parallel_loop3A_548 : i32 to index
      %parallel_loop3A_628 = arith.constant 96 : index
      %parallel_loop3A_629 = tpu.vector_load %arg12[%parallel_loop3A_627, %parallel_loop3A_628] {strides = array<i32>} : memref<64x128xf32, #tpu.memory_space<vmem>>, vector<1x16xf32>,
      %parallel_loop3A_630 = vector.shape_cast %parallel_loop3A_629 : vector<1x16xf32> to vector<16xf32>
      %parallel_loop3A_631 = arith.index_cast %parallel_loop3A_548 : i32 to index
      %parallel_loop3A_632 = arith.constant 32 : index
      %parallel_loop3A_633 = tpu.vector_load %arg13[%parallel_loop3A_631, %parallel_loop3A_632] {strides = array<i32>} : memref<64x128xf32, #tpu.memory_space<vmem>>, vector<1x16xf32>,
      %parallel_loop3A_634 = vector.shape_cast %parallel_loop3A_633 : vector<1x16xf32> to vector<16xf32>
      %parallel_loop3A_635 = arith.index_cast %parallel_loop3A_548 : i32 to index
      %parallel_loop3A_636 = arith.constant 96 : index
      %parallel_loop3A_637 = tpu.vector_load %arg13[%parallel_loop3A_635, %parallel_loop3A_636] {strides = array<i32>} : memref<64x128xf32, #tpu.memory_space<vmem>>, vector<1x16xf32>,
      %parallel_loop3A_638 = vector.shape_cast %parallel_loop3A_637 : vector<1x16xf32> to vector<16xf32>
      %parallel_loop3A_639 = arith.mulf %parallel_loop3A_626, %parallel_loop3A_634 : vector<16xf32>
      %parallel_loop3A_640 = arith.mulf %parallel_loop3A_630, %parallel_loop3A_638 : vector<16xf32>
      %parallel_loop3A_641 = arith.addf %parallel_loop3A_639, %parallel_loop3A_640 : vector<16xf32>
      %parallel_loop3A_642 = arith.mulf %parallel_loop3A_618, %parallel_loop3A_641 : vector<16xf32>
      %parallel_loop3A_643 = arith.mulf %parallel_loop3A_626, %parallel_loop3A_638 : vector<16xf32>
      %parallel_loop3A_644 = arith.mulf %parallel_loop3A_630, %parallel_loop3A_634 : vector<16xf32>
      %parallel_loop3A_645 = arith.subf %parallel_loop3A_643, %parallel_loop3A_644 : vector<16xf32>
      %parallel_loop3A_646 = arith.mulf %parallel_loop3A_622, %parallel_loop3A_645 : vector<16xf32>
      %parallel_loop3A_647 = arith.addf %parallel_loop3A_642, %parallel_loop3A_646 : vector<16xf32>
      %parallel_loop3A_648 = arith.index_cast %parallel_loop3A_548 : i32 to index
      %parallel_loop3A_649 = arith.constant 48 : index
      %parallel_loop3A_650 = tpu.vector_load %arg11[%parallel_loop3A_648, %parallel_loop3A_649] {strides = array<i32>} : memref<64x128xf32, #tpu.memory_space<vmem>>, vector<1x16xf32>,
      %parallel_loop3A_651 = vector.shape_cast %parallel_loop3A_650 : vector<1x16xf32> to vector<16xf32>
      %parallel_loop3A_652 = arith.index_cast %parallel_loop3A_548 : i32 to index
      %parallel_loop3A_653 = arith.constant 112 : index
      %parallel_loop3A_654 = tpu.vector_load %arg11[%parallel_loop3A_652, %parallel_loop3A_653] {strides = array<i32>} : memref<64x128xf32, #tpu.memory_space<vmem>>, vector<1x16xf32>,
      %parallel_loop3A_655 = vector.shape_cast %parallel_loop3A_654 : vector<1x16xf32> to vector<16xf32>
      %parallel_loop3A_656 = arith.index_cast %parallel_loop3A_548 : i32 to index
      %parallel_loop3A_657 = arith.constant 48 : index
      %parallel_loop3A_658 = tpu.vector_load %arg12[%parallel_loop3A_656, %parallel_loop3A_657] {strides = array<i32>} : memref<64x128xf32, #tpu.memory_space<vmem>>, vector<1x16xf32>,
      %parallel_loop3A_659 = vector.shape_cast %parallel_loop3A_658 : vector<1x16xf32> to vector<16xf32>
      %parallel_loop3A_660 = arith.index_cast %parallel_loop3A_548 : i32 to index
      %parallel_loop3A_661 = arith.constant 112 : index
      %parallel_loop3A_662 = tpu.vector_load %arg12[%parallel_loop3A_660, %parallel_loop3A_661] {strides = array<i32>} : memref<64x128xf32, #tpu.memory_space<vmem>>, vector<1x16xf32>,
      %parallel_loop3A_663 = vector.shape_cast %parallel_loop3A_662 : vector<1x16xf32> to vector<16xf32>
      %parallel_loop3A_664 = arith.index_cast %parallel_loop3A_548 : i32 to index
      %parallel_loop3A_665 = arith.constant 48 : index
      %parallel_loop3A_666 = tpu.vector_load %arg13[%parallel_loop3A_664, %parallel_loop3A_665] {strides = array<i32>} : memref<64x128xf32, #tpu.memory_space<vmem>>, vector<1x16xf32>,
      %parallel_loop3A_667 = vector.shape_cast %parallel_loop3A_666 : vector<1x16xf32> to vector<16xf32>
      %parallel_loop3A_668 = arith.index_cast %parallel_loop3A_548 : i32 to index
      %parallel_loop3A_669 = arith.constant 112 : index
      %parallel_loop3A_670 = tpu.vector_load %arg13[%parallel_loop3A_668, %parallel_loop3A_669] {strides = array<i32>} : memref<64x128xf32, #tpu.memory_space<vmem>>, vector<1x16xf32>,
      %parallel_loop3A_671 = vector.shape_cast %parallel_loop3A_670 : vector<1x16xf32> to vector<16xf32>
      %parallel_loop3A_672 = arith.mulf %parallel_loop3A_659, %parallel_loop3A_667 : vector<16xf32>
      %parallel_loop3A_673 = arith.mulf %parallel_loop3A_663, %parallel_loop3A_671 : vector<16xf32>
      %parallel_loop3A_674 = arith.addf %parallel_loop3A_672, %parallel_loop3A_673 : vector<16xf32>
      %parallel_loop3A_675 = arith.mulf %parallel_loop3A_651, %parallel_loop3A_674 : vector<16xf32>
      %parallel_loop3A_676 = arith.mulf %parallel_loop3A_659, %parallel_loop3A_671 : vector<16xf32>
      %parallel_loop3A_677 = arith.mulf %parallel_loop3A_663, %parallel_loop3A_667 : vector<16xf32>
      %parallel_loop3A_678 = arith.subf %parallel_loop3A_676, %parallel_loop3A_677 : vector<16xf32>
      %parallel_loop3A_679 = arith.mulf %parallel_loop3A_655, %parallel_loop3A_678 : vector<16xf32>
      %parallel_loop3A_680 = arith.addf %parallel_loop3A_675, %parallel_loop3A_679 : vector<16xf32>
      %parallel_loop3A_681 = arith.addf %parallel_loop3A_581, %parallel_loop3A_614 : vector<16xf32>
      %parallel_loop3A_682 = arith.addf %parallel_loop3A_647, %parallel_loop3A_680 : vector<16xf32>
      %parallel_loop3A_683 = arith.addf %parallel_loop3A_681, %parallel_loop3A_682 : vector<16xf32>
      %parallel_loop3A_684 = arith.constant 8 : i32
      %parallel_loop3A_685 = vector.broadcast %parallel_loop3A_684 : i32 to vector<16xi32>
      %parallel_loop3A_686 = arith.xori %iota3A, %parallel_loop3A_685 : vector<16xi32>
      %parallel_loop3A_687 = vector.shape_cast %parallel_loop3A_686 : vector<16xi32> to vector<16x1xi32>
      %parallel_loop3A_688 = vector.shape_cast %parallel_loop3A_687 : vector<16x1xi32> to vector<16xi32>
      %parallel_loop3A_689 = tpu.dynamic_gather %parallel_loop3A_683[%parallel_loop3A_688] in [0] : vector<16xf32>, vector<16xi32> -> vector<16xf32>
      %parallel_loop3A_690 = arith.addf %parallel_loop3A_683, %parallel_loop3A_689 : vector<16xf32>
      %parallel_loop3A_691 = arith.constant 4 : i32
      %parallel_loop3A_692 = vector.broadcast %parallel_loop3A_691 : i32 to vector<16xi32>
      %parallel_loop3A_693 = arith.xori %iota3A, %parallel_loop3A_692 : vector<16xi32>
      %parallel_loop3A_694 = vector.shape_cast %parallel_loop3A_693 : vector<16xi32> to vector<16x1xi32>
      %parallel_loop3A_695 = vector.shape_cast %parallel_loop3A_694 : vector<16x1xi32> to vector<16xi32>
      %parallel_loop3A_696 = tpu.dynamic_gather %parallel_loop3A_690[%parallel_loop3A_695] in [0] : vector<16xf32>, vector<16xi32> -> vector<16xf32>
      %parallel_loop3A_697 = arith.addf %parallel_loop3A_690, %parallel_loop3A_696 : vector<16xf32>
      %parallel_loop3A_698 = arith.constant 2 : i32
      %parallel_loop3A_699 = vector.broadcast %parallel_loop3A_698 : i32 to vector<16xi32>
      %parallel_loop3A_700 = arith.xori %iota3A, %parallel_loop3A_699 : vector<16xi32>
      %parallel_loop3A_701 = vector.shape_cast %parallel_loop3A_700 : vector<16xi32> to vector<16x1xi32>
      %parallel_loop3A_702 = vector.shape_cast %parallel_loop3A_701 : vector<16x1xi32> to vector<16xi32>
      %parallel_loop3A_703 = tpu.dynamic_gather %parallel_loop3A_697[%parallel_loop3A_702] in [0] : vector<16xf32>, vector<16xi32> -> vector<16xf32>
      %parallel_loop3A_704 = arith.addf %parallel_loop3A_697, %parallel_loop3A_703 : vector<16xf32>
      %parallel_loop3A_705 = arith.constant 1 : i32
      %parallel_loop3A_706 = vector.broadcast %parallel_loop3A_705 : i32 to vector<16xi32>
      %parallel_loop3A_707 = arith.xori %iota3A, %parallel_loop3A_706 : vector<16xi32>
      %parallel_loop3A_708 = vector.shape_cast %parallel_loop3A_707 : vector<16xi32> to vector<16x1xi32>
      %parallel_loop3A_709 = vector.shape_cast %parallel_loop3A_708 : vector<16x1xi32> to vector<16xi32>
      %parallel_loop3A_710 = tpu.dynamic_gather %parallel_loop3A_704[%parallel_loop3A_709] in [0] : vector<16xf32>, vector<16xi32> -> vector<16xf32>
      %parallel_loop3A_711 = arith.addf %parallel_loop3A_704, %parallel_loop3A_710 : vector<16xf32>
      %parallel_loop3A_712 = arith.constant 15 : i32
      %parallel_loop3A_713 = arith.andi %parallel_loop3A_548, %parallel_loop3A_712 : i32
      %parallel_loop3A_714 = vector.broadcast %parallel_loop3A_713 : i32 to vector<16xi32>
      %parallel_loop3A_715 = arith.cmpi eq, %iota3A, %parallel_loop3A_714 : vector<16xi32>
      %parallel_loop3A_716 = arith.constant 0.000000e+00 : f32
      %parallel_loop3A_717 = vector.broadcast %parallel_loop3A_716 : f32 to vector<16xf32>
      %parallel_loop3A_718 = arith.select %parallel_loop3A_715, %parallel_loop3A_711, %parallel_loop3A_717 : vector<16xi1>, vector<16xf32>
      %parallel_loop3A_719 = arith.constant -16 : i32
      %parallel_loop3A_720 = arith.andi %parallel_loop3A_548, %parallel_loop3A_719 : i32
      %parallel_loop3A_721 = arith.constant 0 : i32
      %parallel_loop3A_722 = arith.addi %parallel_loop3A_721, %parallel_loop3A_720 : i32
      %parallel_loop3A_723 = tpu.assume_multiple %parallel_loop3A_722, 16 : i32
      %parallel_loop3A_724 = arith.index_cast %parallel_loop3A_723 : i32 to index
      %parallel_loop3A_725 = tpu.vector_load %arg20[%parallel_loop3A_724] {strides = array<i32>} : memref<512xf32, #tpu.memory_space<vmem>>, vector<16xf32>,
      %parallel_loop3A_726 = vector.shape_cast %parallel_loop3A_725 : vector<16xf32> to vector<16xf32>
      %parallel_loop3A_727 = vector.shape_cast %parallel_loop3A_718 : vector<16xf32> to vector<16xf32>
      tpu.vector_store %arg20[%parallel_loop3A_724], %parallel_loop3A_727 {add = true, strides = array<i32>} : memref<512xf32, #tpu.memory_space<vmem>>, vector<16xf32>,
    } {sc.loop_unroll_factor = 2 : i64, sc.parallel_access}
    %dma_start3A_239 = arith.constant 0 : i32
    %dma_start3A_240 = arith.constant 0 : i32
    %dma_start3A_241 = tpu.memref_slice %arg11[%dma_start3A_239, %dma_start3A_240] : memref<64x128xf32, #tpu.memory_space<vmem>> -> memref<64x128xf32, #tpu.memory_space<vmem>>
    %dma_start3A_242 = arith.constant 192 : i32
    %dma_start3A_243 = tpu.memref_slice %arg8[%dma_start3A_242] : memref<512xi32, #tpu.memory_space<vmem>> -> memref<64xi32, #tpu.memory_space<vmem>>
    %dma_start3A_244 = arith.constant 0 : i32
    %dma_start3A_245 = arith.constant 0 : i32
    %dma_start3A_246 = tpu.memref_slice %arg2[%dma_start3A_244, %dma_start3A_245] : memref<1000000x128xf32, #tpu.memory_space<hbm>> -> memref<1000000x128xf32, #tpu.memory_space<hbm>>
    tpu.enqueue_indirect_dma source(%dma_start3A_246 : memref<1000000x128xf32, #tpu.memory_space<hbm>>) target(%dma_start3A_241 : memref<64x128xf32, #tpu.memory_space<vmem>>) offsets(%dma_start3A_243 : memref<64xi32, #tpu.memory_space<vmem>>) semaphore(%arg21 : memref<!tpu.dma_semaphore, #tpu.memory_space<semaphore_mem>>)
    %dma_start3A_247 = arith.constant 0 : i32
    %dma_start3A_248 = arith.constant 0 : i32
    %dma_start3A_249 = tpu.memref_slice %arg12[%dma_start3A_247, %dma_start3A_248] : memref<64x128xf32, #tpu.memory_space<vmem>> -> memref<64x128xf32, #tpu.memory_space<vmem>>
    %dma_start3A_250 = arith.constant 192 : i32
    %dma_start3A_251 = tpu.memref_slice %arg9[%dma_start3A_250] : memref<512xi32, #tpu.memory_space<vmem>> -> memref<64xi32, #tpu.memory_space<vmem>>
    %dma_start3A_252 = arith.constant 0 : i32
    %dma_start3A_253 = arith.constant 0 : i32
    %dma_start3A_254 = tpu.memref_slice %arg3[%dma_start3A_252, %dma_start3A_253] : memref<1000x128xf32, #tpu.memory_space<hbm>> -> memref<1000x128xf32, #tpu.memory_space<hbm>>
    tpu.enqueue_indirect_dma source(%dma_start3A_254 : memref<1000x128xf32, #tpu.memory_space<hbm>>) target(%dma_start3A_249 : memref<64x128xf32, #tpu.memory_space<vmem>>) offsets(%dma_start3A_251 : memref<64xi32, #tpu.memory_space<vmem>>) semaphore(%arg21 : memref<!tpu.dma_semaphore, #tpu.memory_space<semaphore_mem>>)
    %dma_start3A_255 = arith.constant 0 : i32
    %dma_start3A_256 = arith.constant 0 : i32
    %dma_start3A_257 = tpu.memref_slice %arg13[%dma_start3A_255, %dma_start3A_256] : memref<64x128xf32, #tpu.memory_space<vmem>> -> memref<64x128xf32, #tpu.memory_space<vmem>>
    %dma_start3A_258 = arith.constant 192 : i32
    %dma_start3A_259 = tpu.memref_slice %arg10[%dma_start3A_258] : memref<512xi32, #tpu.memory_space<vmem>> -> memref<64xi32, #tpu.memory_space<vmem>>
    %dma_start3A_260 = arith.constant 0 : i32
    %dma_start3A_261 = arith.constant 0 : i32
    %dma_start3A_262 = tpu.memref_slice %arg2[%dma_start3A_260, %dma_start3A_261] : memref<1000000x128xf32, #tpu.memory_space<hbm>> -> memref<1000000x128xf32, #tpu.memory_space<hbm>>
    tpu.enqueue_indirect_dma source(%dma_start3A_262 : memref<1000000x128xf32, #tpu.memory_space<hbm>>) target(%dma_start3A_257 : memref<64x128xf32, #tpu.memory_space<vmem>>) offsets(%dma_start3A_259 : memref<64xi32, #tpu.memory_space<vmem>>) semaphore(%arg21 : memref<!tpu.dma_semaphore, #tpu.memory_space<semaphore_mem>>)
    %dma_wait3A_263 = arith.constant 0 : i32
    %dma_wait3A_264 = arith.constant 0 : i32
    %dma_wait3A_265 = tpu.memref_slice %arg14[%dma_wait3A_263, %dma_wait3A_264] : memref<64x128xf32, #tpu.memory_space<vmem>> -> memref<64x128xf32, #tpu.memory_space<vmem>>
    %dma_wait3A_266 = arith.constant 64 : i32
    %dma_wait3A_267 = tpu.memref_slice %arg8[%dma_wait3A_266] : memref<512xi32, #tpu.memory_space<vmem>> -> memref<64xi32, #tpu.memory_space<vmem>>
    %dma_wait3A_268 = arith.constant 0 : i32
    %dma_wait3A_269 = arith.constant 0 : i32
    %dma_wait3A_270 = tpu.memref_slice %arg2[%dma_wait3A_268, %dma_wait3A_269] : memref<1000000x128xf32, #tpu.memory_space<hbm>> -> memref<1000000x128xf32, #tpu.memory_space<hbm>>
    tpu.wait_indirect_dma semaphore(%arg22 : memref<!tpu.dma_semaphore, #tpu.memory_space<semaphore_mem>>) src(%dma_wait3A_270 : memref<1000000x128xf32, #tpu.memory_space<hbm>>) dst(%dma_wait3A_265 : memref<64x128xf32, #tpu.memory_space<vmem>>)
    %dma_wait3A_271 = arith.constant 0 : i32
    %dma_wait3A_272 = arith.constant 0 : i32
    %dma_wait3A_273 = tpu.memref_slice %arg15[%dma_wait3A_271, %dma_wait3A_272] : memref<64x128xf32, #tpu.memory_space<vmem>> -> memref<64x128xf32, #tpu.memory_space<vmem>>
    %dma_wait3A_274 = arith.constant 64 : i32
    %dma_wait3A_275 = tpu.memref_slice %arg9[%dma_wait3A_274] : memref<512xi32, #tpu.memory_space<vmem>> -> memref<64xi32, #tpu.memory_space<vmem>>
    %dma_wait3A_276 = arith.constant 0 : i32
    %dma_wait3A_277 = arith.constant 0 : i32
    %dma_wait3A_278 = tpu.memref_slice %arg3[%dma_wait3A_276, %dma_wait3A_277] : memref<1000x128xf32, #tpu.memory_space<hbm>> -> memref<1000x128xf32, #tpu.memory_space<hbm>>
    tpu.wait_indirect_dma semaphore(%arg22 : memref<!tpu.dma_semaphore, #tpu.memory_space<semaphore_mem>>) src(%dma_wait3A_278 : memref<1000x128xf32, #tpu.memory_space<hbm>>) dst(%dma_wait3A_273 : memref<64x128xf32, #tpu.memory_space<vmem>>)
    %dma_wait3A_279 = arith.constant 0 : i32
    %dma_wait3A_280 = arith.constant 0 : i32
    %dma_wait3A_281 = tpu.memref_slice %arg16[%dma_wait3A_279, %dma_wait3A_280] : memref<64x128xf32, #tpu.memory_space<vmem>> -> memref<64x128xf32, #tpu.memory_space<vmem>>
    %dma_wait3A_282 = arith.constant 64 : i32
    %dma_wait3A_283 = tpu.memref_slice %arg10[%dma_wait3A_282] : memref<512xi32, #tpu.memory_space<vmem>> -> memref<64xi32, #tpu.memory_space<vmem>>
    %dma_wait3A_284 = arith.constant 0 : i32
    %dma_wait3A_285 = arith.constant 0 : i32
    %dma_wait3A_286 = tpu.memref_slice %arg2[%dma_wait3A_284, %dma_wait3A_285] : memref<1000000x128xf32, #tpu.memory_space<hbm>> -> memref<1000000x128xf32, #tpu.memory_space<hbm>>
    tpu.wait_indirect_dma semaphore(%arg22 : memref<!tpu.dma_semaphore, #tpu.memory_space<semaphore_mem>>) src(%dma_wait3A_286 : memref<1000000x128xf32, #tpu.memory_space<hbm>>) dst(%dma_wait3A_281 : memref<64x128xf32, #tpu.memory_space<vmem>>)
    %parallel_loop3A_287 = arith.constant 0 : i32
    %parallel_loop3A_288 = arith.constant 64 : i32
    %parallel_loop3A_289 = arith.constant 1 : i32
    scf.for %parallel_loop3A_548 = %parallel_loop3A_287 to %parallel_loop3A_288 step %parallel_loop3A_289  : i32 {
      %parallel_loop3A_549 = arith.index_cast %parallel_loop3A_548 : i32 to index
      %parallel_loop3A_550 = arith.constant 0 : index
      %parallel_loop3A_551 = tpu.vector_load %arg14[%parallel_loop3A_549, %parallel_loop3A_550] {strides = array<i32>} : memref<64x128xf32, #tpu.memory_space<vmem>>, vector<1x16xf32>,
      %parallel_loop3A_552 = vector.shape_cast %parallel_loop3A_551 : vector<1x16xf32> to vector<16xf32>
      %parallel_loop3A_553 = arith.index_cast %parallel_loop3A_548 : i32 to index
      %parallel_loop3A_554 = arith.constant 64 : index
      %parallel_loop3A_555 = tpu.vector_load %arg14[%parallel_loop3A_553, %parallel_loop3A_554] {strides = array<i32>} : memref<64x128xf32, #tpu.memory_space<vmem>>, vector<1x16xf32>,
      %parallel_loop3A_556 = vector.shape_cast %parallel_loop3A_555 : vector<1x16xf32> to vector<16xf32>
      %parallel_loop3A_557 = arith.index_cast %parallel_loop3A_548 : i32 to index
      %parallel_loop3A_558 = arith.constant 0 : index
      %parallel_loop3A_559 = tpu.vector_load %arg15[%parallel_loop3A_557, %parallel_loop3A_558] {strides = array<i32>} : memref<64x128xf32, #tpu.memory_space<vmem>>, vector<1x16xf32>,
      %parallel_loop3A_560 = vector.shape_cast %parallel_loop3A_559 : vector<1x16xf32> to vector<16xf32>
      %parallel_loop3A_561 = arith.index_cast %parallel_loop3A_548 : i32 to index
      %parallel_loop3A_562 = arith.constant 64 : index
      %parallel_loop3A_563 = tpu.vector_load %arg15[%parallel_loop3A_561, %parallel_loop3A_562] {strides = array<i32>} : memref<64x128xf32, #tpu.memory_space<vmem>>, vector<1x16xf32>,
      %parallel_loop3A_564 = vector.shape_cast %parallel_loop3A_563 : vector<1x16xf32> to vector<16xf32>
      %parallel_loop3A_565 = arith.index_cast %parallel_loop3A_548 : i32 to index
      %parallel_loop3A_566 = arith.constant 0 : index
      %parallel_loop3A_567 = tpu.vector_load %arg16[%parallel_loop3A_565, %parallel_loop3A_566] {strides = array<i32>} : memref<64x128xf32, #tpu.memory_space<vmem>>, vector<1x16xf32>,
      %parallel_loop3A_568 = vector.shape_cast %parallel_loop3A_567 : vector<1x16xf32> to vector<16xf32>
      %parallel_loop3A_569 = arith.index_cast %parallel_loop3A_548 : i32 to index
      %parallel_loop3A_570 = arith.constant 64 : index
      %parallel_loop3A_571 = tpu.vector_load %arg16[%parallel_loop3A_569, %parallel_loop3A_570] {strides = array<i32>} : memref<64x128xf32, #tpu.memory_space<vmem>>, vector<1x16xf32>,
      %parallel_loop3A_572 = vector.shape_cast %parallel_loop3A_571 : vector<1x16xf32> to vector<16xf32>
      %parallel_loop3A_573 = arith.mulf %parallel_loop3A_560, %parallel_loop3A_568 : vector<16xf32>
      %parallel_loop3A_574 = arith.mulf %parallel_loop3A_564, %parallel_loop3A_572 : vector<16xf32>
      %parallel_loop3A_575 = arith.addf %parallel_loop3A_573, %parallel_loop3A_574 : vector<16xf32>
      %parallel_loop3A_576 = arith.mulf %parallel_loop3A_552, %parallel_loop3A_575 : vector<16xf32>
      %parallel_loop3A_577 = arith.mulf %parallel_loop3A_560, %parallel_loop3A_572 : vector<16xf32>
      %parallel_loop3A_578 = arith.mulf %parallel_loop3A_564, %parallel_loop3A_568 : vector<16xf32>
      %parallel_loop3A_579 = arith.subf %parallel_loop3A_577, %parallel_loop3A_578 : vector<16xf32>
      %parallel_loop3A_580 = arith.mulf %parallel_loop3A_556, %parallel_loop3A_579 : vector<16xf32>
      %parallel_loop3A_581 = arith.addf %parallel_loop3A_576, %parallel_loop3A_580 : vector<16xf32>
      %parallel_loop3A_582 = arith.index_cast %parallel_loop3A_548 : i32 to index
      %parallel_loop3A_583 = arith.constant 16 : index
      %parallel_loop3A_584 = tpu.vector_load %arg14[%parallel_loop3A_582, %parallel_loop3A_583] {strides = array<i32>} : memref<64x128xf32, #tpu.memory_space<vmem>>, vector<1x16xf32>,
      %parallel_loop3A_585 = vector.shape_cast %parallel_loop3A_584 : vector<1x16xf32> to vector<16xf32>
      %parallel_loop3A_586 = arith.index_cast %parallel_loop3A_548 : i32 to index
      %parallel_loop3A_587 = arith.constant 80 : index
      %parallel_loop3A_588 = tpu.vector_load %arg14[%parallel_loop3A_586, %parallel_loop3A_587] {strides = array<i32>} : memref<64x128xf32, #tpu.memory_space<vmem>>, vector<1x16xf32>,
      %parallel_loop3A_589 = vector.shape_cast %parallel_loop3A_588 : vector<1x16xf32> to vector<16xf32>
      %parallel_loop3A_590 = arith.index_cast %parallel_loop3A_548 : i32 to index
      %parallel_loop3A_591 = arith.constant 16 : index
      %parallel_loop3A_592 = tpu.vector_load %arg15[%parallel_loop3A_590, %parallel_loop3A_591] {strides = array<i32>} : memref<64x128xf32, #tpu.memory_space<vmem>>, vector<1x16xf32>,
      %parallel_loop3A_593 = vector.shape_cast %parallel_loop3A_592 : vector<1x16xf32> to vector<16xf32>
      %parallel_loop3A_594 = arith.index_cast %parallel_loop3A_548 : i32 to index
      %parallel_loop3A_595 = arith.constant 80 : index
      %parallel_loop3A_596 = tpu.vector_load %arg15[%parallel_loop3A_594, %parallel_loop3A_595] {strides = array<i32>} : memref<64x128xf32, #tpu.memory_space<vmem>>, vector<1x16xf32>,
      %parallel_loop3A_597 = vector.shape_cast %parallel_loop3A_596 : vector<1x16xf32> to vector<16xf32>
      %parallel_loop3A_598 = arith.index_cast %parallel_loop3A_548 : i32 to index
      %parallel_loop3A_599 = arith.constant 16 : index
      %parallel_loop3A_600 = tpu.vector_load %arg16[%parallel_loop3A_598, %parallel_loop3A_599] {strides = array<i32>} : memref<64x128xf32, #tpu.memory_space<vmem>>, vector<1x16xf32>,
      %parallel_loop3A_601 = vector.shape_cast %parallel_loop3A_600 : vector<1x16xf32> to vector<16xf32>
      %parallel_loop3A_602 = arith.index_cast %parallel_loop3A_548 : i32 to index
      %parallel_loop3A_603 = arith.constant 80 : index
      %parallel_loop3A_604 = tpu.vector_load %arg16[%parallel_loop3A_602, %parallel_loop3A_603] {strides = array<i32>} : memref<64x128xf32, #tpu.memory_space<vmem>>, vector<1x16xf32>,
      %parallel_loop3A_605 = vector.shape_cast %parallel_loop3A_604 : vector<1x16xf32> to vector<16xf32>
      %parallel_loop3A_606 = arith.mulf %parallel_loop3A_593, %parallel_loop3A_601 : vector<16xf32>
      %parallel_loop3A_607 = arith.mulf %parallel_loop3A_597, %parallel_loop3A_605 : vector<16xf32>
      %parallel_loop3A_608 = arith.addf %parallel_loop3A_606, %parallel_loop3A_607 : vector<16xf32>
      %parallel_loop3A_609 = arith.mulf %parallel_loop3A_585, %parallel_loop3A_608 : vector<16xf32>
      %parallel_loop3A_610 = arith.mulf %parallel_loop3A_593, %parallel_loop3A_605 : vector<16xf32>
      %parallel_loop3A_611 = arith.mulf %parallel_loop3A_597, %parallel_loop3A_601 : vector<16xf32>
      %parallel_loop3A_612 = arith.subf %parallel_loop3A_610, %parallel_loop3A_611 : vector<16xf32>
      %parallel_loop3A_613 = arith.mulf %parallel_loop3A_589, %parallel_loop3A_612 : vector<16xf32>
      %parallel_loop3A_614 = arith.addf %parallel_loop3A_609, %parallel_loop3A_613 : vector<16xf32>
      %parallel_loop3A_615 = arith.index_cast %parallel_loop3A_548 : i32 to index
      %parallel_loop3A_616 = arith.constant 32 : index
      %parallel_loop3A_617 = tpu.vector_load %arg14[%parallel_loop3A_615, %parallel_loop3A_616] {strides = array<i32>} : memref<64x128xf32, #tpu.memory_space<vmem>>, vector<1x16xf32>,
      %parallel_loop3A_618 = vector.shape_cast %parallel_loop3A_617 : vector<1x16xf32> to vector<16xf32>
      %parallel_loop3A_619 = arith.index_cast %parallel_loop3A_548 : i32 to index
      %parallel_loop3A_620 = arith.constant 96 : index
      %parallel_loop3A_621 = tpu.vector_load %arg14[%parallel_loop3A_619, %parallel_loop3A_620] {strides = array<i32>} : memref<64x128xf32, #tpu.memory_space<vmem>>, vector<1x16xf32>,
      %parallel_loop3A_622 = vector.shape_cast %parallel_loop3A_621 : vector<1x16xf32> to vector<16xf32>
      %parallel_loop3A_623 = arith.index_cast %parallel_loop3A_548 : i32 to index
      %parallel_loop3A_624 = arith.constant 32 : index
      %parallel_loop3A_625 = tpu.vector_load %arg15[%parallel_loop3A_623, %parallel_loop3A_624] {strides = array<i32>} : memref<64x128xf32, #tpu.memory_space<vmem>>, vector<1x16xf32>,
      %parallel_loop3A_626 = vector.shape_cast %parallel_loop3A_625 : vector<1x16xf32> to vector<16xf32>
      %parallel_loop3A_627 = arith.index_cast %parallel_loop3A_548 : i32 to index
      %parallel_loop3A_628 = arith.constant 96 : index
      %parallel_loop3A_629 = tpu.vector_load %arg15[%parallel_loop3A_627, %parallel_loop3A_628] {strides = array<i32>} : memref<64x128xf32, #tpu.memory_space<vmem>>, vector<1x16xf32>,
      %parallel_loop3A_630 = vector.shape_cast %parallel_loop3A_629 : vector<1x16xf32> to vector<16xf32>
      %parallel_loop3A_631 = arith.index_cast %parallel_loop3A_548 : i32 to index
      %parallel_loop3A_632 = arith.constant 32 : index
      %parallel_loop3A_633 = tpu.vector_load %arg16[%parallel_loop3A_631, %parallel_loop3A_632] {strides = array<i32>} : memref<64x128xf32, #tpu.memory_space<vmem>>, vector<1x16xf32>,
      %parallel_loop3A_634 = vector.shape_cast %parallel_loop3A_633 : vector<1x16xf32> to vector<16xf32>
      %parallel_loop3A_635 = arith.index_cast %parallel_loop3A_548 : i32 to index
      %parallel_loop3A_636 = arith.constant 96 : index
      %parallel_loop3A_637 = tpu.vector_load %arg16[%parallel_loop3A_635, %parallel_loop3A_636] {strides = array<i32>} : memref<64x128xf32, #tpu.memory_space<vmem>>, vector<1x16xf32>,
      %parallel_loop3A_638 = vector.shape_cast %parallel_loop3A_637 : vector<1x16xf32> to vector<16xf32>
      %parallel_loop3A_639 = arith.mulf %parallel_loop3A_626, %parallel_loop3A_634 : vector<16xf32>
      %parallel_loop3A_640 = arith.mulf %parallel_loop3A_630, %parallel_loop3A_638 : vector<16xf32>
      %parallel_loop3A_641 = arith.addf %parallel_loop3A_639, %parallel_loop3A_640 : vector<16xf32>
      %parallel_loop3A_642 = arith.mulf %parallel_loop3A_618, %parallel_loop3A_641 : vector<16xf32>
      %parallel_loop3A_643 = arith.mulf %parallel_loop3A_626, %parallel_loop3A_638 : vector<16xf32>
      %parallel_loop3A_644 = arith.mulf %parallel_loop3A_630, %parallel_loop3A_634 : vector<16xf32>
      %parallel_loop3A_645 = arith.subf %parallel_loop3A_643, %parallel_loop3A_644 : vector<16xf32>
      %parallel_loop3A_646 = arith.mulf %parallel_loop3A_622, %parallel_loop3A_645 : vector<16xf32>
      %parallel_loop3A_647 = arith.addf %parallel_loop3A_642, %parallel_loop3A_646 : vector<16xf32>
      %parallel_loop3A_648 = arith.index_cast %parallel_loop3A_548 : i32 to index
      %parallel_loop3A_649 = arith.constant 48 : index
      %parallel_loop3A_650 = tpu.vector_load %arg14[%parallel_loop3A_648, %parallel_loop3A_649] {strides = array<i32>} : memref<64x128xf32, #tpu.memory_space<vmem>>, vector<1x16xf32>,
      %parallel_loop3A_651 = vector.shape_cast %parallel_loop3A_650 : vector<1x16xf32> to vector<16xf32>
      %parallel_loop3A_652 = arith.index_cast %parallel_loop3A_548 : i32 to index
      %parallel_loop3A_653 = arith.constant 112 : index
      %parallel_loop3A_654 = tpu.vector_load %arg14[%parallel_loop3A_652, %parallel_loop3A_653] {strides = array<i32>} : memref<64x128xf32, #tpu.memory_space<vmem>>, vector<1x16xf32>,
      %parallel_loop3A_655 = vector.shape_cast %parallel_loop3A_654 : vector<1x16xf32> to vector<16xf32>
      %parallel_loop3A_656 = arith.index_cast %parallel_loop3A_548 : i32 to index
      %parallel_loop3A_657 = arith.constant 48 : index
      %parallel_loop3A_658 = tpu.vector_load %arg15[%parallel_loop3A_656, %parallel_loop3A_657] {strides = array<i32>} : memref<64x128xf32, #tpu.memory_space<vmem>>, vector<1x16xf32>,
      %parallel_loop3A_659 = vector.shape_cast %parallel_loop3A_658 : vector<1x16xf32> to vector<16xf32>
      %parallel_loop3A_660 = arith.index_cast %parallel_loop3A_548 : i32 to index
      %parallel_loop3A_661 = arith.constant 112 : index
      %parallel_loop3A_662 = tpu.vector_load %arg15[%parallel_loop3A_660, %parallel_loop3A_661] {strides = array<i32>} : memref<64x128xf32, #tpu.memory_space<vmem>>, vector<1x16xf32>,
      %parallel_loop3A_663 = vector.shape_cast %parallel_loop3A_662 : vector<1x16xf32> to vector<16xf32>
      %parallel_loop3A_664 = arith.index_cast %parallel_loop3A_548 : i32 to index
      %parallel_loop3A_665 = arith.constant 48 : index
      %parallel_loop3A_666 = tpu.vector_load %arg16[%parallel_loop3A_664, %parallel_loop3A_665] {strides = array<i32>} : memref<64x128xf32, #tpu.memory_space<vmem>>, vector<1x16xf32>,
      %parallel_loop3A_667 = vector.shape_cast %parallel_loop3A_666 : vector<1x16xf32> to vector<16xf32>
      %parallel_loop3A_668 = arith.index_cast %parallel_loop3A_548 : i32 to index
      %parallel_loop3A_669 = arith.constant 112 : index
      %parallel_loop3A_670 = tpu.vector_load %arg16[%parallel_loop3A_668, %parallel_loop3A_669] {strides = array<i32>} : memref<64x128xf32, #tpu.memory_space<vmem>>, vector<1x16xf32>,
      %parallel_loop3A_671 = vector.shape_cast %parallel_loop3A_670 : vector<1x16xf32> to vector<16xf32>
      %parallel_loop3A_672 = arith.mulf %parallel_loop3A_659, %parallel_loop3A_667 : vector<16xf32>
      %parallel_loop3A_673 = arith.mulf %parallel_loop3A_663, %parallel_loop3A_671 : vector<16xf32>
      %parallel_loop3A_674 = arith.addf %parallel_loop3A_672, %parallel_loop3A_673 : vector<16xf32>
      %parallel_loop3A_675 = arith.mulf %parallel_loop3A_651, %parallel_loop3A_674 : vector<16xf32>
      %parallel_loop3A_676 = arith.mulf %parallel_loop3A_659, %parallel_loop3A_671 : vector<16xf32>
      %parallel_loop3A_677 = arith.mulf %parallel_loop3A_663, %parallel_loop3A_667 : vector<16xf32>
      %parallel_loop3A_678 = arith.subf %parallel_loop3A_676, %parallel_loop3A_677 : vector<16xf32>
      %parallel_loop3A_679 = arith.mulf %parallel_loop3A_655, %parallel_loop3A_678 : vector<16xf32>
      %parallel_loop3A_680 = arith.addf %parallel_loop3A_675, %parallel_loop3A_679 : vector<16xf32>
      %parallel_loop3A_681 = arith.addf %parallel_loop3A_581, %parallel_loop3A_614 : vector<16xf32>
      %parallel_loop3A_682 = arith.addf %parallel_loop3A_647, %parallel_loop3A_680 : vector<16xf32>
      %parallel_loop3A_683 = arith.addf %parallel_loop3A_681, %parallel_loop3A_682 : vector<16xf32>
      %parallel_loop3A_684 = arith.constant 8 : i32
      %parallel_loop3A_685 = vector.broadcast %parallel_loop3A_684 : i32 to vector<16xi32>
      %parallel_loop3A_686 = arith.xori %iota3A, %parallel_loop3A_685 : vector<16xi32>
      %parallel_loop3A_687 = vector.shape_cast %parallel_loop3A_686 : vector<16xi32> to vector<16x1xi32>
      %parallel_loop3A_688 = vector.shape_cast %parallel_loop3A_687 : vector<16x1xi32> to vector<16xi32>
      %parallel_loop3A_689 = tpu.dynamic_gather %parallel_loop3A_683[%parallel_loop3A_688] in [0] : vector<16xf32>, vector<16xi32> -> vector<16xf32>
      %parallel_loop3A_690 = arith.addf %parallel_loop3A_683, %parallel_loop3A_689 : vector<16xf32>
      %parallel_loop3A_691 = arith.constant 4 : i32
      %parallel_loop3A_692 = vector.broadcast %parallel_loop3A_691 : i32 to vector<16xi32>
      %parallel_loop3A_693 = arith.xori %iota3A, %parallel_loop3A_692 : vector<16xi32>
      %parallel_loop3A_694 = vector.shape_cast %parallel_loop3A_693 : vector<16xi32> to vector<16x1xi32>
      %parallel_loop3A_695 = vector.shape_cast %parallel_loop3A_694 : vector<16x1xi32> to vector<16xi32>
      %parallel_loop3A_696 = tpu.dynamic_gather %parallel_loop3A_690[%parallel_loop3A_695] in [0] : vector<16xf32>, vector<16xi32> -> vector<16xf32>
      %parallel_loop3A_697 = arith.addf %parallel_loop3A_690, %parallel_loop3A_696 : vector<16xf32>
      %parallel_loop3A_698 = arith.constant 2 : i32
      %parallel_loop3A_699 = vector.broadcast %parallel_loop3A_698 : i32 to vector<16xi32>
      %parallel_loop3A_700 = arith.xori %iota3A, %parallel_loop3A_699 : vector<16xi32>
      %parallel_loop3A_701 = vector.shape_cast %parallel_loop3A_700 : vector<16xi32> to vector<16x1xi32>
      %parallel_loop3A_702 = vector.shape_cast %parallel_loop3A_701 : vector<16x1xi32> to vector<16xi32>
      %parallel_loop3A_703 = tpu.dynamic_gather %parallel_loop3A_697[%parallel_loop3A_702] in [0] : vector<16xf32>, vector<16xi32> -> vector<16xf32>
      %parallel_loop3A_704 = arith.addf %parallel_loop3A_697, %parallel_loop3A_703 : vector<16xf32>
      %parallel_loop3A_705 = arith.constant 1 : i32
      %parallel_loop3A_706 = vector.broadcast %parallel_loop3A_705 : i32 to vector<16xi32>
      %parallel_loop3A_707 = arith.xori %iota3A, %parallel_loop3A_706 : vector<16xi32>
      %parallel_loop3A_708 = vector.shape_cast %parallel_loop3A_707 : vector<16xi32> to vector<16x1xi32>
      %parallel_loop3A_709 = vector.shape_cast %parallel_loop3A_708 : vector<16x1xi32> to vector<16xi32>
      %parallel_loop3A_710 = tpu.dynamic_gather %parallel_loop3A_704[%parallel_loop3A_709] in [0] : vector<16xf32>, vector<16xi32> -> vector<16xf32>
      %parallel_loop3A_711 = arith.addf %parallel_loop3A_704, %parallel_loop3A_710 : vector<16xf32>
      %parallel_loop3A_712 = arith.constant 15 : i32
      %parallel_loop3A_713 = arith.andi %parallel_loop3A_548, %parallel_loop3A_712 : i32
      %parallel_loop3A_714 = vector.broadcast %parallel_loop3A_713 : i32 to vector<16xi32>
      %parallel_loop3A_715 = arith.cmpi eq, %iota3A, %parallel_loop3A_714 : vector<16xi32>
      %parallel_loop3A_716 = arith.constant 0.000000e+00 : f32
      %parallel_loop3A_717 = vector.broadcast %parallel_loop3A_716 : f32 to vector<16xf32>
      %parallel_loop3A_718 = arith.select %parallel_loop3A_715, %parallel_loop3A_711, %parallel_loop3A_717 : vector<16xi1>, vector<16xf32>
      %parallel_loop3A_719 = arith.constant -16 : i32
      %parallel_loop3A_720 = arith.andi %parallel_loop3A_548, %parallel_loop3A_719 : i32
      %parallel_loop3A_721 = arith.constant 64 : i32
      %parallel_loop3A_722 = arith.addi %parallel_loop3A_721, %parallel_loop3A_720 : i32
      %parallel_loop3A_723 = tpu.assume_multiple %parallel_loop3A_722, 16 : i32
      %parallel_loop3A_724 = arith.index_cast %parallel_loop3A_723 : i32 to index
      %parallel_loop3A_725 = tpu.vector_load %arg20[%parallel_loop3A_724] {strides = array<i32>} : memref<512xf32, #tpu.memory_space<vmem>>, vector<16xf32>,
      %parallel_loop3A_726 = vector.shape_cast %parallel_loop3A_725 : vector<16xf32> to vector<16xf32>
      %parallel_loop3A_727 = vector.shape_cast %parallel_loop3A_718 : vector<16xf32> to vector<16xf32>
      tpu.vector_store %arg20[%parallel_loop3A_724], %parallel_loop3A_727 {add = true, strides = array<i32>} : memref<512xf32, #tpu.memory_space<vmem>>, vector<16xf32>,
    } {sc.loop_unroll_factor = 2 : i64, sc.parallel_access}
    %dma_start3A_290 = arith.constant 0 : i32
    %dma_start3A_291 = arith.constant 0 : i32
    %dma_start3A_292 = tpu.memref_slice %arg14[%dma_start3A_290, %dma_start3A_291] : memref<64x128xf32, #tpu.memory_space<vmem>> -> memref<64x128xf32, #tpu.memory_space<vmem>>
    %dma_start3A_293 = arith.constant 256 : i32
    %dma_start3A_294 = tpu.memref_slice %arg8[%dma_start3A_293] : memref<512xi32, #tpu.memory_space<vmem>> -> memref<64xi32, #tpu.memory_space<vmem>>
    %dma_start3A_295 = arith.constant 0 : i32
    %dma_start3A_296 = arith.constant 0 : i32
    %dma_start3A_297 = tpu.memref_slice %arg2[%dma_start3A_295, %dma_start3A_296] : memref<1000000x128xf32, #tpu.memory_space<hbm>> -> memref<1000000x128xf32, #tpu.memory_space<hbm>>
    tpu.enqueue_indirect_dma source(%dma_start3A_297 : memref<1000000x128xf32, #tpu.memory_space<hbm>>) target(%dma_start3A_292 : memref<64x128xf32, #tpu.memory_space<vmem>>) offsets(%dma_start3A_294 : memref<64xi32, #tpu.memory_space<vmem>>) semaphore(%arg22 : memref<!tpu.dma_semaphore, #tpu.memory_space<semaphore_mem>>)
    %dma_start3A_298 = arith.constant 0 : i32
    %dma_start3A_299 = arith.constant 0 : i32
    %dma_start3A_300 = tpu.memref_slice %arg15[%dma_start3A_298, %dma_start3A_299] : memref<64x128xf32, #tpu.memory_space<vmem>> -> memref<64x128xf32, #tpu.memory_space<vmem>>
    %dma_start3A_301 = arith.constant 256 : i32
    %dma_start3A_302 = tpu.memref_slice %arg9[%dma_start3A_301] : memref<512xi32, #tpu.memory_space<vmem>> -> memref<64xi32, #tpu.memory_space<vmem>>
    %dma_start3A_303 = arith.constant 0 : i32
    %dma_start3A_304 = arith.constant 0 : i32
    %dma_start3A_305 = tpu.memref_slice %arg3[%dma_start3A_303, %dma_start3A_304] : memref<1000x128xf32, #tpu.memory_space<hbm>> -> memref<1000x128xf32, #tpu.memory_space<hbm>>
    tpu.enqueue_indirect_dma source(%dma_start3A_305 : memref<1000x128xf32, #tpu.memory_space<hbm>>) target(%dma_start3A_300 : memref<64x128xf32, #tpu.memory_space<vmem>>) offsets(%dma_start3A_302 : memref<64xi32, #tpu.memory_space<vmem>>) semaphore(%arg22 : memref<!tpu.dma_semaphore, #tpu.memory_space<semaphore_mem>>)
    %dma_start3A_306 = arith.constant 0 : i32
    %dma_start3A_307 = arith.constant 0 : i32
    %dma_start3A_308 = tpu.memref_slice %arg16[%dma_start3A_306, %dma_start3A_307] : memref<64x128xf32, #tpu.memory_space<vmem>> -> memref<64x128xf32, #tpu.memory_space<vmem>>
    %dma_start3A_309 = arith.constant 256 : i32
    %dma_start3A_310 = tpu.memref_slice %arg10[%dma_start3A_309] : memref<512xi32, #tpu.memory_space<vmem>> -> memref<64xi32, #tpu.memory_space<vmem>>
    %dma_start3A_311 = arith.constant 0 : i32
    %dma_start3A_312 = arith.constant 0 : i32
    %dma_start3A_313 = tpu.memref_slice %arg2[%dma_start3A_311, %dma_start3A_312] : memref<1000000x128xf32, #tpu.memory_space<hbm>> -> memref<1000000x128xf32, #tpu.memory_space<hbm>>
    tpu.enqueue_indirect_dma source(%dma_start3A_313 : memref<1000000x128xf32, #tpu.memory_space<hbm>>) target(%dma_start3A_308 : memref<64x128xf32, #tpu.memory_space<vmem>>) offsets(%dma_start3A_310 : memref<64xi32, #tpu.memory_space<vmem>>) semaphore(%arg22 : memref<!tpu.dma_semaphore, #tpu.memory_space<semaphore_mem>>)
    %dma_wait3A_314 = arith.constant 0 : i32
    %dma_wait3A_315 = arith.constant 0 : i32
    %dma_wait3A_316 = tpu.memref_slice %arg17[%dma_wait3A_314, %dma_wait3A_315] : memref<64x128xf32, #tpu.memory_space<vmem>> -> memref<64x128xf32, #tpu.memory_space<vmem>>
    %dma_wait3A_317 = arith.constant 128 : i32
    %dma_wait3A_318 = tpu.memref_slice %arg8[%dma_wait3A_317] : memref<512xi32, #tpu.memory_space<vmem>> -> memref<64xi32, #tpu.memory_space<vmem>>
    %dma_wait3A_319 = arith.constant 0 : i32
    %dma_wait3A_320 = arith.constant 0 : i32
    %dma_wait3A_321 = tpu.memref_slice %arg2[%dma_wait3A_319, %dma_wait3A_320] : memref<1000000x128xf32, #tpu.memory_space<hbm>> -> memref<1000000x128xf32, #tpu.memory_space<hbm>>
    tpu.wait_indirect_dma semaphore(%arg23 : memref<!tpu.dma_semaphore, #tpu.memory_space<semaphore_mem>>) src(%dma_wait3A_321 : memref<1000000x128xf32, #tpu.memory_space<hbm>>) dst(%dma_wait3A_316 : memref<64x128xf32, #tpu.memory_space<vmem>>)
    %dma_wait3A_322 = arith.constant 0 : i32
    %dma_wait3A_323 = arith.constant 0 : i32
    %dma_wait3A_324 = tpu.memref_slice %arg18[%dma_wait3A_322, %dma_wait3A_323] : memref<64x128xf32, #tpu.memory_space<vmem>> -> memref<64x128xf32, #tpu.memory_space<vmem>>
    %dma_wait3A_325 = arith.constant 128 : i32
    %dma_wait3A_326 = tpu.memref_slice %arg9[%dma_wait3A_325] : memref<512xi32, #tpu.memory_space<vmem>> -> memref<64xi32, #tpu.memory_space<vmem>>
    %dma_wait3A_327 = arith.constant 0 : i32
    %dma_wait3A_328 = arith.constant 0 : i32
    %dma_wait3A_329 = tpu.memref_slice %arg3[%dma_wait3A_327, %dma_wait3A_328] : memref<1000x128xf32, #tpu.memory_space<hbm>> -> memref<1000x128xf32, #tpu.memory_space<hbm>>
    tpu.wait_indirect_dma semaphore(%arg23 : memref<!tpu.dma_semaphore, #tpu.memory_space<semaphore_mem>>) src(%dma_wait3A_329 : memref<1000x128xf32, #tpu.memory_space<hbm>>) dst(%dma_wait3A_324 : memref<64x128xf32, #tpu.memory_space<vmem>>)
    %dma_wait3A_330 = arith.constant 0 : i32
    %dma_wait3A_331 = arith.constant 0 : i32
    %dma_wait3A_332 = tpu.memref_slice %arg19[%dma_wait3A_330, %dma_wait3A_331] : memref<64x128xf32, #tpu.memory_space<vmem>> -> memref<64x128xf32, #tpu.memory_space<vmem>>
    %dma_wait3A_333 = arith.constant 128 : i32
    %dma_wait3A_334 = tpu.memref_slice %arg10[%dma_wait3A_333] : memref<512xi32, #tpu.memory_space<vmem>> -> memref<64xi32, #tpu.memory_space<vmem>>
    %dma_wait3A_335 = arith.constant 0 : i32
    %dma_wait3A_336 = arith.constant 0 : i32
    %dma_wait3A_337 = tpu.memref_slice %arg2[%dma_wait3A_335, %dma_wait3A_336] : memref<1000000x128xf32, #tpu.memory_space<hbm>> -> memref<1000000x128xf32, #tpu.memory_space<hbm>>
    tpu.wait_indirect_dma semaphore(%arg23 : memref<!tpu.dma_semaphore, #tpu.memory_space<semaphore_mem>>) src(%dma_wait3A_337 : memref<1000000x128xf32, #tpu.memory_space<hbm>>) dst(%dma_wait3A_332 : memref<64x128xf32, #tpu.memory_space<vmem>>)
    %parallel_loop3A_338 = arith.constant 0 : i32
    %parallel_loop3A_339 = arith.constant 64 : i32
    %parallel_loop3A_340 = arith.constant 1 : i32
    scf.for %parallel_loop3A_548 = %parallel_loop3A_338 to %parallel_loop3A_339 step %parallel_loop3A_340  : i32 {
      %parallel_loop3A_549 = arith.index_cast %parallel_loop3A_548 : i32 to index
      %parallel_loop3A_550 = arith.constant 0 : index
      %parallel_loop3A_551 = tpu.vector_load %arg17[%parallel_loop3A_549, %parallel_loop3A_550] {strides = array<i32>} : memref<64x128xf32, #tpu.memory_space<vmem>>, vector<1x16xf32>,
      %parallel_loop3A_552 = vector.shape_cast %parallel_loop3A_551 : vector<1x16xf32> to vector<16xf32>
      %parallel_loop3A_553 = arith.index_cast %parallel_loop3A_548 : i32 to index
      %parallel_loop3A_554 = arith.constant 64 : index
      %parallel_loop3A_555 = tpu.vector_load %arg17[%parallel_loop3A_553, %parallel_loop3A_554] {strides = array<i32>} : memref<64x128xf32, #tpu.memory_space<vmem>>, vector<1x16xf32>,
      %parallel_loop3A_556 = vector.shape_cast %parallel_loop3A_555 : vector<1x16xf32> to vector<16xf32>
      %parallel_loop3A_557 = arith.index_cast %parallel_loop3A_548 : i32 to index
      %parallel_loop3A_558 = arith.constant 0 : index
      %parallel_loop3A_559 = tpu.vector_load %arg18[%parallel_loop3A_557, %parallel_loop3A_558] {strides = array<i32>} : memref<64x128xf32, #tpu.memory_space<vmem>>, vector<1x16xf32>,
      %parallel_loop3A_560 = vector.shape_cast %parallel_loop3A_559 : vector<1x16xf32> to vector<16xf32>
      %parallel_loop3A_561 = arith.index_cast %parallel_loop3A_548 : i32 to index
      %parallel_loop3A_562 = arith.constant 64 : index
      %parallel_loop3A_563 = tpu.vector_load %arg18[%parallel_loop3A_561, %parallel_loop3A_562] {strides = array<i32>} : memref<64x128xf32, #tpu.memory_space<vmem>>, vector<1x16xf32>,
      %parallel_loop3A_564 = vector.shape_cast %parallel_loop3A_563 : vector<1x16xf32> to vector<16xf32>
      %parallel_loop3A_565 = arith.index_cast %parallel_loop3A_548 : i32 to index
      %parallel_loop3A_566 = arith.constant 0 : index
      %parallel_loop3A_567 = tpu.vector_load %arg19[%parallel_loop3A_565, %parallel_loop3A_566] {strides = array<i32>} : memref<64x128xf32, #tpu.memory_space<vmem>>, vector<1x16xf32>,
      %parallel_loop3A_568 = vector.shape_cast %parallel_loop3A_567 : vector<1x16xf32> to vector<16xf32>
      %parallel_loop3A_569 = arith.index_cast %parallel_loop3A_548 : i32 to index
      %parallel_loop3A_570 = arith.constant 64 : index
      %parallel_loop3A_571 = tpu.vector_load %arg19[%parallel_loop3A_569, %parallel_loop3A_570] {strides = array<i32>} : memref<64x128xf32, #tpu.memory_space<vmem>>, vector<1x16xf32>,
      %parallel_loop3A_572 = vector.shape_cast %parallel_loop3A_571 : vector<1x16xf32> to vector<16xf32>
      %parallel_loop3A_573 = arith.mulf %parallel_loop3A_560, %parallel_loop3A_568 : vector<16xf32>
      %parallel_loop3A_574 = arith.mulf %parallel_loop3A_564, %parallel_loop3A_572 : vector<16xf32>
      %parallel_loop3A_575 = arith.addf %parallel_loop3A_573, %parallel_loop3A_574 : vector<16xf32>
      %parallel_loop3A_576 = arith.mulf %parallel_loop3A_552, %parallel_loop3A_575 : vector<16xf32>
      %parallel_loop3A_577 = arith.mulf %parallel_loop3A_560, %parallel_loop3A_572 : vector<16xf32>
      %parallel_loop3A_578 = arith.mulf %parallel_loop3A_564, %parallel_loop3A_568 : vector<16xf32>
      %parallel_loop3A_579 = arith.subf %parallel_loop3A_577, %parallel_loop3A_578 : vector<16xf32>
      %parallel_loop3A_580 = arith.mulf %parallel_loop3A_556, %parallel_loop3A_579 : vector<16xf32>
      %parallel_loop3A_581 = arith.addf %parallel_loop3A_576, %parallel_loop3A_580 : vector<16xf32>
      %parallel_loop3A_582 = arith.index_cast %parallel_loop3A_548 : i32 to index
      %parallel_loop3A_583 = arith.constant 16 : index
      %parallel_loop3A_584 = tpu.vector_load %arg17[%parallel_loop3A_582, %parallel_loop3A_583] {strides = array<i32>} : memref<64x128xf32, #tpu.memory_space<vmem>>, vector<1x16xf32>,
      %parallel_loop3A_585 = vector.shape_cast %parallel_loop3A_584 : vector<1x16xf32> to vector<16xf32>
      %parallel_loop3A_586 = arith.index_cast %parallel_loop3A_548 : i32 to index
      %parallel_loop3A_587 = arith.constant 80 : index
      %parallel_loop3A_588 = tpu.vector_load %arg17[%parallel_loop3A_586, %parallel_loop3A_587] {strides = array<i32>} : memref<64x128xf32, #tpu.memory_space<vmem>>, vector<1x16xf32>,
      %parallel_loop3A_589 = vector.shape_cast %parallel_loop3A_588 : vector<1x16xf32> to vector<16xf32>
      %parallel_loop3A_590 = arith.index_cast %parallel_loop3A_548 : i32 to index
      %parallel_loop3A_591 = arith.constant 16 : index
      %parallel_loop3A_592 = tpu.vector_load %arg18[%parallel_loop3A_590, %parallel_loop3A_591] {strides = array<i32>} : memref<64x128xf32, #tpu.memory_space<vmem>>, vector<1x16xf32>,
      %parallel_loop3A_593 = vector.shape_cast %parallel_loop3A_592 : vector<1x16xf32> to vector<16xf32>
      %parallel_loop3A_594 = arith.index_cast %parallel_loop3A_548 : i32 to index
      %parallel_loop3A_595 = arith.constant 80 : index
      %parallel_loop3A_596 = tpu.vector_load %arg18[%parallel_loop3A_594, %parallel_loop3A_595] {strides = array<i32>} : memref<64x128xf32, #tpu.memory_space<vmem>>, vector<1x16xf32>,
      %parallel_loop3A_597 = vector.shape_cast %parallel_loop3A_596 : vector<1x16xf32> to vector<16xf32>
      %parallel_loop3A_598 = arith.index_cast %parallel_loop3A_548 : i32 to index
      %parallel_loop3A_599 = arith.constant 16 : index
      %parallel_loop3A_600 = tpu.vector_load %arg19[%parallel_loop3A_598, %parallel_loop3A_599] {strides = array<i32>} : memref<64x128xf32, #tpu.memory_space<vmem>>, vector<1x16xf32>,
      %parallel_loop3A_601 = vector.shape_cast %parallel_loop3A_600 : vector<1x16xf32> to vector<16xf32>
      %parallel_loop3A_602 = arith.index_cast %parallel_loop3A_548 : i32 to index
      %parallel_loop3A_603 = arith.constant 80 : index
      %parallel_loop3A_604 = tpu.vector_load %arg19[%parallel_loop3A_602, %parallel_loop3A_603] {strides = array<i32>} : memref<64x128xf32, #tpu.memory_space<vmem>>, vector<1x16xf32>,
      %parallel_loop3A_605 = vector.shape_cast %parallel_loop3A_604 : vector<1x16xf32> to vector<16xf32>
      %parallel_loop3A_606 = arith.mulf %parallel_loop3A_593, %parallel_loop3A_601 : vector<16xf32>
      %parallel_loop3A_607 = arith.mulf %parallel_loop3A_597, %parallel_loop3A_605 : vector<16xf32>
      %parallel_loop3A_608 = arith.addf %parallel_loop3A_606, %parallel_loop3A_607 : vector<16xf32>
      %parallel_loop3A_609 = arith.mulf %parallel_loop3A_585, %parallel_loop3A_608 : vector<16xf32>
      %parallel_loop3A_610 = arith.mulf %parallel_loop3A_593, %parallel_loop3A_605 : vector<16xf32>
      %parallel_loop3A_611 = arith.mulf %parallel_loop3A_597, %parallel_loop3A_601 : vector<16xf32>
      %parallel_loop3A_612 = arith.subf %parallel_loop3A_610, %parallel_loop3A_611 : vector<16xf32>
      %parallel_loop3A_613 = arith.mulf %parallel_loop3A_589, %parallel_loop3A_612 : vector<16xf32>
      %parallel_loop3A_614 = arith.addf %parallel_loop3A_609, %parallel_loop3A_613 : vector<16xf32>
      %parallel_loop3A_615 = arith.index_cast %parallel_loop3A_548 : i32 to index
      %parallel_loop3A_616 = arith.constant 32 : index
      %parallel_loop3A_617 = tpu.vector_load %arg17[%parallel_loop3A_615, %parallel_loop3A_616] {strides = array<i32>} : memref<64x128xf32, #tpu.memory_space<vmem>>, vector<1x16xf32>,
      %parallel_loop3A_618 = vector.shape_cast %parallel_loop3A_617 : vector<1x16xf32> to vector<16xf32>
      %parallel_loop3A_619 = arith.index_cast %parallel_loop3A_548 : i32 to index
      %parallel_loop3A_620 = arith.constant 96 : index
      %parallel_loop3A_621 = tpu.vector_load %arg17[%parallel_loop3A_619, %parallel_loop3A_620] {strides = array<i32>} : memref<64x128xf32, #tpu.memory_space<vmem>>, vector<1x16xf32>,
      %parallel_loop3A_622 = vector.shape_cast %parallel_loop3A_621 : vector<1x16xf32> to vector<16xf32>
      %parallel_loop3A_623 = arith.index_cast %parallel_loop3A_548 : i32 to index
      %parallel_loop3A_624 = arith.constant 32 : index
      %parallel_loop3A_625 = tpu.vector_load %arg18[%parallel_loop3A_623, %parallel_loop3A_624] {strides = array<i32>} : memref<64x128xf32, #tpu.memory_space<vmem>>, vector<1x16xf32>,
      %parallel_loop3A_626 = vector.shape_cast %parallel_loop3A_625 : vector<1x16xf32> to vector<16xf32>
      %parallel_loop3A_627 = arith.index_cast %parallel_loop3A_548 : i32 to index
      %parallel_loop3A_628 = arith.constant 96 : index
      %parallel_loop3A_629 = tpu.vector_load %arg18[%parallel_loop3A_627, %parallel_loop3A_628] {strides = array<i32>} : memref<64x128xf32, #tpu.memory_space<vmem>>, vector<1x16xf32>,
      %parallel_loop3A_630 = vector.shape_cast %parallel_loop3A_629 : vector<1x16xf32> to vector<16xf32>
      %parallel_loop3A_631 = arith.index_cast %parallel_loop3A_548 : i32 to index
      %parallel_loop3A_632 = arith.constant 32 : index
      %parallel_loop3A_633 = tpu.vector_load %arg19[%parallel_loop3A_631, %parallel_loop3A_632] {strides = array<i32>} : memref<64x128xf32, #tpu.memory_space<vmem>>, vector<1x16xf32>,
      %parallel_loop3A_634 = vector.shape_cast %parallel_loop3A_633 : vector<1x16xf32> to vector<16xf32>
      %parallel_loop3A_635 = arith.index_cast %parallel_loop3A_548 : i32 to index
      %parallel_loop3A_636 = arith.constant 96 : index
      %parallel_loop3A_637 = tpu.vector_load %arg19[%parallel_loop3A_635, %parallel_loop3A_636] {strides = array<i32>} : memref<64x128xf32, #tpu.memory_space<vmem>>, vector<1x16xf32>,
      %parallel_loop3A_638 = vector.shape_cast %parallel_loop3A_637 : vector<1x16xf32> to vector<16xf32>
      %parallel_loop3A_639 = arith.mulf %parallel_loop3A_626, %parallel_loop3A_634 : vector<16xf32>
      %parallel_loop3A_640 = arith.mulf %parallel_loop3A_630, %parallel_loop3A_638 : vector<16xf32>
      %parallel_loop3A_641 = arith.addf %parallel_loop3A_639, %parallel_loop3A_640 : vector<16xf32>
      %parallel_loop3A_642 = arith.mulf %parallel_loop3A_618, %parallel_loop3A_641 : vector<16xf32>
      %parallel_loop3A_643 = arith.mulf %parallel_loop3A_626, %parallel_loop3A_638 : vector<16xf32>
      %parallel_loop3A_644 = arith.mulf %parallel_loop3A_630, %parallel_loop3A_634 : vector<16xf32>
      %parallel_loop3A_645 = arith.subf %parallel_loop3A_643, %parallel_loop3A_644 : vector<16xf32>
      %parallel_loop3A_646 = arith.mulf %parallel_loop3A_622, %parallel_loop3A_645 : vector<16xf32>
      %parallel_loop3A_647 = arith.addf %parallel_loop3A_642, %parallel_loop3A_646 : vector<16xf32>
      %parallel_loop3A_648 = arith.index_cast %parallel_loop3A_548 : i32 to index
      %parallel_loop3A_649 = arith.constant 48 : index
      %parallel_loop3A_650 = tpu.vector_load %arg17[%parallel_loop3A_648, %parallel_loop3A_649] {strides = array<i32>} : memref<64x128xf32, #tpu.memory_space<vmem>>, vector<1x16xf32>,
      %parallel_loop3A_651 = vector.shape_cast %parallel_loop3A_650 : vector<1x16xf32> to vector<16xf32>
      %parallel_loop3A_652 = arith.index_cast %parallel_loop3A_548 : i32 to index
      %parallel_loop3A_653 = arith.constant 112 : index
      %parallel_loop3A_654 = tpu.vector_load %arg17[%parallel_loop3A_652, %parallel_loop3A_653] {strides = array<i32>} : memref<64x128xf32, #tpu.memory_space<vmem>>, vector<1x16xf32>,
      %parallel_loop3A_655 = vector.shape_cast %parallel_loop3A_654 : vector<1x16xf32> to vector<16xf32>
      %parallel_loop3A_656 = arith.index_cast %parallel_loop3A_548 : i32 to index
      %parallel_loop3A_657 = arith.constant 48 : index
      %parallel_loop3A_658 = tpu.vector_load %arg18[%parallel_loop3A_656, %parallel_loop3A_657] {strides = array<i32>} : memref<64x128xf32, #tpu.memory_space<vmem>>, vector<1x16xf32>,
      %parallel_loop3A_659 = vector.shape_cast %parallel_loop3A_658 : vector<1x16xf32> to vector<16xf32>
      %parallel_loop3A_660 = arith.index_cast %parallel_loop3A_548 : i32 to index
      %parallel_loop3A_661 = arith.constant 112 : index
      %parallel_loop3A_662 = tpu.vector_load %arg18[%parallel_loop3A_660, %parallel_loop3A_661] {strides = array<i32>} : memref<64x128xf32, #tpu.memory_space<vmem>>, vector<1x16xf32>,
      %parallel_loop3A_663 = vector.shape_cast %parallel_loop3A_662 : vector<1x16xf32> to vector<16xf32>
      %parallel_loop3A_664 = arith.index_cast %parallel_loop3A_548 : i32 to index
      %parallel_loop3A_665 = arith.constant 48 : index
      %parallel_loop3A_666 = tpu.vector_load %arg19[%parallel_loop3A_664, %parallel_loop3A_665] {strides = array<i32>} : memref<64x128xf32, #tpu.memory_space<vmem>>, vector<1x16xf32>,
      %parallel_loop3A_667 = vector.shape_cast %parallel_loop3A_666 : vector<1x16xf32> to vector<16xf32>
      %parallel_loop3A_668 = arith.index_cast %parallel_loop3A_548 : i32 to index
      %parallel_loop3A_669 = arith.constant 112 : index
      %parallel_loop3A_670 = tpu.vector_load %arg19[%parallel_loop3A_668, %parallel_loop3A_669] {strides = array<i32>} : memref<64x128xf32, #tpu.memory_space<vmem>>, vector<1x16xf32>,
      %parallel_loop3A_671 = vector.shape_cast %parallel_loop3A_670 : vector<1x16xf32> to vector<16xf32>
      %parallel_loop3A_672 = arith.mulf %parallel_loop3A_659, %parallel_loop3A_667 : vector<16xf32>
      %parallel_loop3A_673 = arith.mulf %parallel_loop3A_663, %parallel_loop3A_671 : vector<16xf32>
      %parallel_loop3A_674 = arith.addf %parallel_loop3A_672, %parallel_loop3A_673 : vector<16xf32>
      %parallel_loop3A_675 = arith.mulf %parallel_loop3A_651, %parallel_loop3A_674 : vector<16xf32>
      %parallel_loop3A_676 = arith.mulf %parallel_loop3A_659, %parallel_loop3A_671 : vector<16xf32>
      %parallel_loop3A_677 = arith.mulf %parallel_loop3A_663, %parallel_loop3A_667 : vector<16xf32>
      %parallel_loop3A_678 = arith.subf %parallel_loop3A_676, %parallel_loop3A_677 : vector<16xf32>
      %parallel_loop3A_679 = arith.mulf %parallel_loop3A_655, %parallel_loop3A_678 : vector<16xf32>
      %parallel_loop3A_680 = arith.addf %parallel_loop3A_675, %parallel_loop3A_679 : vector<16xf32>
      %parallel_loop3A_681 = arith.addf %parallel_loop3A_581, %parallel_loop3A_614 : vector<16xf32>
      %parallel_loop3A_682 = arith.addf %parallel_loop3A_647, %parallel_loop3A_680 : vector<16xf32>
      %parallel_loop3A_683 = arith.addf %parallel_loop3A_681, %parallel_loop3A_682 : vector<16xf32>
      %parallel_loop3A_684 = arith.constant 8 : i32
      %parallel_loop3A_685 = vector.broadcast %parallel_loop3A_684 : i32 to vector<16xi32>
      %parallel_loop3A_686 = arith.xori %iota3A, %parallel_loop3A_685 : vector<16xi32>
      %parallel_loop3A_687 = vector.shape_cast %parallel_loop3A_686 : vector<16xi32> to vector<16x1xi32>
      %parallel_loop3A_688 = vector.shape_cast %parallel_loop3A_687 : vector<16x1xi32> to vector<16xi32>
      %parallel_loop3A_689 = tpu.dynamic_gather %parallel_loop3A_683[%parallel_loop3A_688] in [0] : vector<16xf32>, vector<16xi32> -> vector<16xf32>
      %parallel_loop3A_690 = arith.addf %parallel_loop3A_683, %parallel_loop3A_689 : vector<16xf32>
      %parallel_loop3A_691 = arith.constant 4 : i32
      %parallel_loop3A_692 = vector.broadcast %parallel_loop3A_691 : i32 to vector<16xi32>
      %parallel_loop3A_693 = arith.xori %iota3A, %parallel_loop3A_692 : vector<16xi32>
      %parallel_loop3A_694 = vector.shape_cast %parallel_loop3A_693 : vector<16xi32> to vector<16x1xi32>
      %parallel_loop3A_695 = vector.shape_cast %parallel_loop3A_694 : vector<16x1xi32> to vector<16xi32>
      %parallel_loop3A_696 = tpu.dynamic_gather %parallel_loop3A_690[%parallel_loop3A_695] in [0] : vector<16xf32>, vector<16xi32> -> vector<16xf32>
      %parallel_loop3A_697 = arith.addf %parallel_loop3A_690, %parallel_loop3A_696 : vector<16xf32>
      %parallel_loop3A_698 = arith.constant 2 : i32
      %parallel_loop3A_699 = vector.broadcast %parallel_loop3A_698 : i32 to vector<16xi32>
      %parallel_loop3A_700 = arith.xori %iota3A, %parallel_loop3A_699 : vector<16xi32>
      %parallel_loop3A_701 = vector.shape_cast %parallel_loop3A_700 : vector<16xi32> to vector<16x1xi32>
      %parallel_loop3A_702 = vector.shape_cast %parallel_loop3A_701 : vector<16x1xi32> to vector<16xi32>
      %parallel_loop3A_703 = tpu.dynamic_gather %parallel_loop3A_697[%parallel_loop3A_702] in [0] : vector<16xf32>, vector<16xi32> -> vector<16xf32>
      %parallel_loop3A_704 = arith.addf %parallel_loop3A_697, %parallel_loop3A_703 : vector<16xf32>
      %parallel_loop3A_705 = arith.constant 1 : i32
      %parallel_loop3A_706 = vector.broadcast %parallel_loop3A_705 : i32 to vector<16xi32>
      %parallel_loop3A_707 = arith.xori %iota3A, %parallel_loop3A_706 : vector<16xi32>
      %parallel_loop3A_708 = vector.shape_cast %parallel_loop3A_707 : vector<16xi32> to vector<16x1xi32>
      %parallel_loop3A_709 = vector.shape_cast %parallel_loop3A_708 : vector<16x1xi32> to vector<16xi32>
      %parallel_loop3A_710 = tpu.dynamic_gather %parallel_loop3A_704[%parallel_loop3A_709] in [0] : vector<16xf32>, vector<16xi32> -> vector<16xf32>
      %parallel_loop3A_711 = arith.addf %parallel_loop3A_704, %parallel_loop3A_710 : vector<16xf32>
      %parallel_loop3A_712 = arith.constant 15 : i32
      %parallel_loop3A_713 = arith.andi %parallel_loop3A_548, %parallel_loop3A_712 : i32
      %parallel_loop3A_714 = vector.broadcast %parallel_loop3A_713 : i32 to vector<16xi32>
      %parallel_loop3A_715 = arith.cmpi eq, %iota3A, %parallel_loop3A_714 : vector<16xi32>
      %parallel_loop3A_716 = arith.constant 0.000000e+00 : f32
      %parallel_loop3A_717 = vector.broadcast %parallel_loop3A_716 : f32 to vector<16xf32>
      %parallel_loop3A_718 = arith.select %parallel_loop3A_715, %parallel_loop3A_711, %parallel_loop3A_717 : vector<16xi1>, vector<16xf32>
      %parallel_loop3A_719 = arith.constant -16 : i32
      %parallel_loop3A_720 = arith.andi %parallel_loop3A_548, %parallel_loop3A_719 : i32
      %parallel_loop3A_721 = arith.constant 128 : i32
      %parallel_loop3A_722 = arith.addi %parallel_loop3A_721, %parallel_loop3A_720 : i32
      %parallel_loop3A_723 = tpu.assume_multiple %parallel_loop3A_722, 16 : i32
      %parallel_loop3A_724 = arith.index_cast %parallel_loop3A_723 : i32 to index
      %parallel_loop3A_725 = tpu.vector_load %arg20[%parallel_loop3A_724] {strides = array<i32>} : memref<512xf32, #tpu.memory_space<vmem>>, vector<16xf32>,
      %parallel_loop3A_726 = vector.shape_cast %parallel_loop3A_725 : vector<16xf32> to vector<16xf32>
      %parallel_loop3A_727 = vector.shape_cast %parallel_loop3A_718 : vector<16xf32> to vector<16xf32>
      tpu.vector_store %arg20[%parallel_loop3A_724], %parallel_loop3A_727 {add = true, strides = array<i32>} : memref<512xf32, #tpu.memory_space<vmem>>, vector<16xf32>,
    } {sc.loop_unroll_factor = 2 : i64, sc.parallel_access}
    %dma_start3A_341 = arith.constant 0 : i32
    %dma_start3A_342 = arith.constant 0 : i32
    %dma_start3A_343 = tpu.memref_slice %arg17[%dma_start3A_341, %dma_start3A_342] : memref<64x128xf32, #tpu.memory_space<vmem>> -> memref<64x128xf32, #tpu.memory_space<vmem>>
    %dma_start3A_344 = arith.constant 320 : i32
    %dma_start3A_345 = tpu.memref_slice %arg8[%dma_start3A_344] : memref<512xi32, #tpu.memory_space<vmem>> -> memref<64xi32, #tpu.memory_space<vmem>>
    %dma_start3A_346 = arith.constant 0 : i32
    %dma_start3A_347 = arith.constant 0 : i32
    %dma_start3A_348 = tpu.memref_slice %arg2[%dma_start3A_346, %dma_start3A_347] : memref<1000000x128xf32, #tpu.memory_space<hbm>> -> memref<1000000x128xf32, #tpu.memory_space<hbm>>
    tpu.enqueue_indirect_dma source(%dma_start3A_348 : memref<1000000x128xf32, #tpu.memory_space<hbm>>) target(%dma_start3A_343 : memref<64x128xf32, #tpu.memory_space<vmem>>) offsets(%dma_start3A_345 : memref<64xi32, #tpu.memory_space<vmem>>) semaphore(%arg23 : memref<!tpu.dma_semaphore, #tpu.memory_space<semaphore_mem>>)
    %dma_start3A_349 = arith.constant 0 : i32
    %dma_start3A_350 = arith.constant 0 : i32
    %dma_start3A_351 = tpu.memref_slice %arg18[%dma_start3A_349, %dma_start3A_350] : memref<64x128xf32, #tpu.memory_space<vmem>> -> memref<64x128xf32, #tpu.memory_space<vmem>>
    %dma_start3A_352 = arith.constant 320 : i32
    %dma_start3A_353 = tpu.memref_slice %arg9[%dma_start3A_352] : memref<512xi32, #tpu.memory_space<vmem>> -> memref<64xi32, #tpu.memory_space<vmem>>
    %dma_start3A_354 = arith.constant 0 : i32
    %dma_start3A_355 = arith.constant 0 : i32
    %dma_start3A_356 = tpu.memref_slice %arg3[%dma_start3A_354, %dma_start3A_355] : memref<1000x128xf32, #tpu.memory_space<hbm>> -> memref<1000x128xf32, #tpu.memory_space<hbm>>
    tpu.enqueue_indirect_dma source(%dma_start3A_356 : memref<1000x128xf32, #tpu.memory_space<hbm>>) target(%dma_start3A_351 : memref<64x128xf32, #tpu.memory_space<vmem>>) offsets(%dma_start3A_353 : memref<64xi32, #tpu.memory_space<vmem>>) semaphore(%arg23 : memref<!tpu.dma_semaphore, #tpu.memory_space<semaphore_mem>>)
    %dma_start3A_357 = arith.constant 0 : i32
    %dma_start3A_358 = arith.constant 0 : i32
    %dma_start3A_359 = tpu.memref_slice %arg19[%dma_start3A_357, %dma_start3A_358] : memref<64x128xf32, #tpu.memory_space<vmem>> -> memref<64x128xf32, #tpu.memory_space<vmem>>
    %dma_start3A_360 = arith.constant 320 : i32
    %dma_start3A_361 = tpu.memref_slice %arg10[%dma_start3A_360] : memref<512xi32, #tpu.memory_space<vmem>> -> memref<64xi32, #tpu.memory_space<vmem>>
    %dma_start3A_362 = arith.constant 0 : i32
    %dma_start3A_363 = arith.constant 0 : i32
    %dma_start3A_364 = tpu.memref_slice %arg2[%dma_start3A_362, %dma_start3A_363] : memref<1000000x128xf32, #tpu.memory_space<hbm>> -> memref<1000000x128xf32, #tpu.memory_space<hbm>>
    tpu.enqueue_indirect_dma source(%dma_start3A_364 : memref<1000000x128xf32, #tpu.memory_space<hbm>>) target(%dma_start3A_359 : memref<64x128xf32, #tpu.memory_space<vmem>>) offsets(%dma_start3A_361 : memref<64xi32, #tpu.memory_space<vmem>>) semaphore(%arg23 : memref<!tpu.dma_semaphore, #tpu.memory_space<semaphore_mem>>)
    %dma_wait3A_365 = arith.constant 0 : i32
    %dma_wait3A_366 = arith.constant 0 : i32
    %dma_wait3A_367 = tpu.memref_slice %arg11[%dma_wait3A_365, %dma_wait3A_366] : memref<64x128xf32, #tpu.memory_space<vmem>> -> memref<64x128xf32, #tpu.memory_space<vmem>>
    %dma_wait3A_368 = arith.constant 192 : i32
    %dma_wait3A_369 = tpu.memref_slice %arg8[%dma_wait3A_368] : memref<512xi32, #tpu.memory_space<vmem>> -> memref<64xi32, #tpu.memory_space<vmem>>
    %dma_wait3A_370 = arith.constant 0 : i32
    %dma_wait3A_371 = arith.constant 0 : i32
    %dma_wait3A_372 = tpu.memref_slice %arg2[%dma_wait3A_370, %dma_wait3A_371] : memref<1000000x128xf32, #tpu.memory_space<hbm>> -> memref<1000000x128xf32, #tpu.memory_space<hbm>>
    tpu.wait_indirect_dma semaphore(%arg21 : memref<!tpu.dma_semaphore, #tpu.memory_space<semaphore_mem>>) src(%dma_wait3A_372 : memref<1000000x128xf32, #tpu.memory_space<hbm>>) dst(%dma_wait3A_367 : memref<64x128xf32, #tpu.memory_space<vmem>>)
    %dma_wait3A_373 = arith.constant 0 : i32
    %dma_wait3A_374 = arith.constant 0 : i32
    %dma_wait3A_375 = tpu.memref_slice %arg12[%dma_wait3A_373, %dma_wait3A_374] : memref<64x128xf32, #tpu.memory_space<vmem>> -> memref<64x128xf32, #tpu.memory_space<vmem>>
    %dma_wait3A_376 = arith.constant 192 : i32
    %dma_wait3A_377 = tpu.memref_slice %arg9[%dma_wait3A_376] : memref<512xi32, #tpu.memory_space<vmem>> -> memref<64xi32, #tpu.memory_space<vmem>>
    %dma_wait3A_378 = arith.constant 0 : i32
    %dma_wait3A_379 = arith.constant 0 : i32
    %dma_wait3A_380 = tpu.memref_slice %arg3[%dma_wait3A_378, %dma_wait3A_379] : memref<1000x128xf32, #tpu.memory_space<hbm>> -> memref<1000x128xf32, #tpu.memory_space<hbm>>
    tpu.wait_indirect_dma semaphore(%arg21 : memref<!tpu.dma_semaphore, #tpu.memory_space<semaphore_mem>>) src(%dma_wait3A_380 : memref<1000x128xf32, #tpu.memory_space<hbm>>) dst(%dma_wait3A_375 : memref<64x128xf32, #tpu.memory_space<vmem>>)
    %dma_wait3A_381 = arith.constant 0 : i32
    %dma_wait3A_382 = arith.constant 0 : i32
    %dma_wait3A_383 = tpu.memref_slice %arg13[%dma_wait3A_381, %dma_wait3A_382] : memref<64x128xf32, #tpu.memory_space<vmem>> -> memref<64x128xf32, #tpu.memory_space<vmem>>
    %dma_wait3A_384 = arith.constant 192 : i32
    %dma_wait3A_385 = tpu.memref_slice %arg10[%dma_wait3A_384] : memref<512xi32, #tpu.memory_space<vmem>> -> memref<64xi32, #tpu.memory_space<vmem>>
    %dma_wait3A_386 = arith.constant 0 : i32
    %dma_wait3A_387 = arith.constant 0 : i32
    %dma_wait3A_388 = tpu.memref_slice %arg2[%dma_wait3A_386, %dma_wait3A_387] : memref<1000000x128xf32, #tpu.memory_space<hbm>> -> memref<1000000x128xf32, #tpu.memory_space<hbm>>
    tpu.wait_indirect_dma semaphore(%arg21 : memref<!tpu.dma_semaphore, #tpu.memory_space<semaphore_mem>>) src(%dma_wait3A_388 : memref<1000000x128xf32, #tpu.memory_space<hbm>>) dst(%dma_wait3A_383 : memref<64x128xf32, #tpu.memory_space<vmem>>)
    %parallel_loop3A_389 = arith.constant 0 : i32
    %parallel_loop3A_390 = arith.constant 64 : i32
    %parallel_loop3A_391 = arith.constant 1 : i32
    scf.for %parallel_loop3A_548 = %parallel_loop3A_389 to %parallel_loop3A_390 step %parallel_loop3A_391  : i32 {
      %parallel_loop3A_549 = arith.index_cast %parallel_loop3A_548 : i32 to index
      %parallel_loop3A_550 = arith.constant 0 : index
      %parallel_loop3A_551 = tpu.vector_load %arg11[%parallel_loop3A_549, %parallel_loop3A_550] {strides = array<i32>} : memref<64x128xf32, #tpu.memory_space<vmem>>, vector<1x16xf32>,
      %parallel_loop3A_552 = vector.shape_cast %parallel_loop3A_551 : vector<1x16xf32> to vector<16xf32>
      %parallel_loop3A_553 = arith.index_cast %parallel_loop3A_548 : i32 to index
      %parallel_loop3A_554 = arith.constant 64 : index
      %parallel_loop3A_555 = tpu.vector_load %arg11[%parallel_loop3A_553, %parallel_loop3A_554] {strides = array<i32>} : memref<64x128xf32, #tpu.memory_space<vmem>>, vector<1x16xf32>,
      %parallel_loop3A_556 = vector.shape_cast %parallel_loop3A_555 : vector<1x16xf32> to vector<16xf32>
      %parallel_loop3A_557 = arith.index_cast %parallel_loop3A_548 : i32 to index
      %parallel_loop3A_558 = arith.constant 0 : index
      %parallel_loop3A_559 = tpu.vector_load %arg12[%parallel_loop3A_557, %parallel_loop3A_558] {strides = array<i32>} : memref<64x128xf32, #tpu.memory_space<vmem>>, vector<1x16xf32>,
      %parallel_loop3A_560 = vector.shape_cast %parallel_loop3A_559 : vector<1x16xf32> to vector<16xf32>
      %parallel_loop3A_561 = arith.index_cast %parallel_loop3A_548 : i32 to index
      %parallel_loop3A_562 = arith.constant 64 : index
      %parallel_loop3A_563 = tpu.vector_load %arg12[%parallel_loop3A_561, %parallel_loop3A_562] {strides = array<i32>} : memref<64x128xf32, #tpu.memory_space<vmem>>, vector<1x16xf32>,
      %parallel_loop3A_564 = vector.shape_cast %parallel_loop3A_563 : vector<1x16xf32> to vector<16xf32>
      %parallel_loop3A_565 = arith.index_cast %parallel_loop3A_548 : i32 to index
      %parallel_loop3A_566 = arith.constant 0 : index
      %parallel_loop3A_567 = tpu.vector_load %arg13[%parallel_loop3A_565, %parallel_loop3A_566] {strides = array<i32>} : memref<64x128xf32, #tpu.memory_space<vmem>>, vector<1x16xf32>,
      %parallel_loop3A_568 = vector.shape_cast %parallel_loop3A_567 : vector<1x16xf32> to vector<16xf32>
      %parallel_loop3A_569 = arith.index_cast %parallel_loop3A_548 : i32 to index
      %parallel_loop3A_570 = arith.constant 64 : index
      %parallel_loop3A_571 = tpu.vector_load %arg13[%parallel_loop3A_569, %parallel_loop3A_570] {strides = array<i32>} : memref<64x128xf32, #tpu.memory_space<vmem>>, vector<1x16xf32>,
      %parallel_loop3A_572 = vector.shape_cast %parallel_loop3A_571 : vector<1x16xf32> to vector<16xf32>
      %parallel_loop3A_573 = arith.mulf %parallel_loop3A_560, %parallel_loop3A_568 : vector<16xf32>
      %parallel_loop3A_574 = arith.mulf %parallel_loop3A_564, %parallel_loop3A_572 : vector<16xf32>
      %parallel_loop3A_575 = arith.addf %parallel_loop3A_573, %parallel_loop3A_574 : vector<16xf32>
      %parallel_loop3A_576 = arith.mulf %parallel_loop3A_552, %parallel_loop3A_575 : vector<16xf32>
      %parallel_loop3A_577 = arith.mulf %parallel_loop3A_560, %parallel_loop3A_572 : vector<16xf32>
      %parallel_loop3A_578 = arith.mulf %parallel_loop3A_564, %parallel_loop3A_568 : vector<16xf32>
      %parallel_loop3A_579 = arith.subf %parallel_loop3A_577, %parallel_loop3A_578 : vector<16xf32>
      %parallel_loop3A_580 = arith.mulf %parallel_loop3A_556, %parallel_loop3A_579 : vector<16xf32>
      %parallel_loop3A_581 = arith.addf %parallel_loop3A_576, %parallel_loop3A_580 : vector<16xf32>
      %parallel_loop3A_582 = arith.index_cast %parallel_loop3A_548 : i32 to index
      %parallel_loop3A_583 = arith.constant 16 : index
      %parallel_loop3A_584 = tpu.vector_load %arg11[%parallel_loop3A_582, %parallel_loop3A_583] {strides = array<i32>} : memref<64x128xf32, #tpu.memory_space<vmem>>, vector<1x16xf32>,
      %parallel_loop3A_585 = vector.shape_cast %parallel_loop3A_584 : vector<1x16xf32> to vector<16xf32>
      %parallel_loop3A_586 = arith.index_cast %parallel_loop3A_548 : i32 to index
      %parallel_loop3A_587 = arith.constant 80 : index
      %parallel_loop3A_588 = tpu.vector_load %arg11[%parallel_loop3A_586, %parallel_loop3A_587] {strides = array<i32>} : memref<64x128xf32, #tpu.memory_space<vmem>>, vector<1x16xf32>,
      %parallel_loop3A_589 = vector.shape_cast %parallel_loop3A_588 : vector<1x16xf32> to vector<16xf32>
      %parallel_loop3A_590 = arith.index_cast %parallel_loop3A_548 : i32 to index
      %parallel_loop3A_591 = arith.constant 16 : index
      %parallel_loop3A_592 = tpu.vector_load %arg12[%parallel_loop3A_590, %parallel_loop3A_591] {strides = array<i32>} : memref<64x128xf32, #tpu.memory_space<vmem>>, vector<1x16xf32>,
      %parallel_loop3A_593 = vector.shape_cast %parallel_loop3A_592 : vector<1x16xf32> to vector<16xf32>
      %parallel_loop3A_594 = arith.index_cast %parallel_loop3A_548 : i32 to index
      %parallel_loop3A_595 = arith.constant 80 : index
      %parallel_loop3A_596 = tpu.vector_load %arg12[%parallel_loop3A_594, %parallel_loop3A_595] {strides = array<i32>} : memref<64x128xf32, #tpu.memory_space<vmem>>, vector<1x16xf32>,
      %parallel_loop3A_597 = vector.shape_cast %parallel_loop3A_596 : vector<1x16xf32> to vector<16xf32>
      %parallel_loop3A_598 = arith.index_cast %parallel_loop3A_548 : i32 to index
      %parallel_loop3A_599 = arith.constant 16 : index
      %parallel_loop3A_600 = tpu.vector_load %arg13[%parallel_loop3A_598, %parallel_loop3A_599] {strides = array<i32>} : memref<64x128xf32, #tpu.memory_space<vmem>>, vector<1x16xf32>,
      %parallel_loop3A_601 = vector.shape_cast %parallel_loop3A_600 : vector<1x16xf32> to vector<16xf32>
      %parallel_loop3A_602 = arith.index_cast %parallel_loop3A_548 : i32 to index
      %parallel_loop3A_603 = arith.constant 80 : index
      %parallel_loop3A_604 = tpu.vector_load %arg13[%parallel_loop3A_602, %parallel_loop3A_603] {strides = array<i32>} : memref<64x128xf32, #tpu.memory_space<vmem>>, vector<1x16xf32>,
      %parallel_loop3A_605 = vector.shape_cast %parallel_loop3A_604 : vector<1x16xf32> to vector<16xf32>
      %parallel_loop3A_606 = arith.mulf %parallel_loop3A_593, %parallel_loop3A_601 : vector<16xf32>
      %parallel_loop3A_607 = arith.mulf %parallel_loop3A_597, %parallel_loop3A_605 : vector<16xf32>
      %parallel_loop3A_608 = arith.addf %parallel_loop3A_606, %parallel_loop3A_607 : vector<16xf32>
      %parallel_loop3A_609 = arith.mulf %parallel_loop3A_585, %parallel_loop3A_608 : vector<16xf32>
      %parallel_loop3A_610 = arith.mulf %parallel_loop3A_593, %parallel_loop3A_605 : vector<16xf32>
      %parallel_loop3A_611 = arith.mulf %parallel_loop3A_597, %parallel_loop3A_601 : vector<16xf32>
      %parallel_loop3A_612 = arith.subf %parallel_loop3A_610, %parallel_loop3A_611 : vector<16xf32>
      %parallel_loop3A_613 = arith.mulf %parallel_loop3A_589, %parallel_loop3A_612 : vector<16xf32>
      %parallel_loop3A_614 = arith.addf %parallel_loop3A_609, %parallel_loop3A_613 : vector<16xf32>
      %parallel_loop3A_615 = arith.index_cast %parallel_loop3A_548 : i32 to index
      %parallel_loop3A_616 = arith.constant 32 : index
      %parallel_loop3A_617 = tpu.vector_load %arg11[%parallel_loop3A_615, %parallel_loop3A_616] {strides = array<i32>} : memref<64x128xf32, #tpu.memory_space<vmem>>, vector<1x16xf32>,
      %parallel_loop3A_618 = vector.shape_cast %parallel_loop3A_617 : vector<1x16xf32> to vector<16xf32>
      %parallel_loop3A_619 = arith.index_cast %parallel_loop3A_548 : i32 to index
      %parallel_loop3A_620 = arith.constant 96 : index
      %parallel_loop3A_621 = tpu.vector_load %arg11[%parallel_loop3A_619, %parallel_loop3A_620] {strides = array<i32>} : memref<64x128xf32, #tpu.memory_space<vmem>>, vector<1x16xf32>,
      %parallel_loop3A_622 = vector.shape_cast %parallel_loop3A_621 : vector<1x16xf32> to vector<16xf32>
      %parallel_loop3A_623 = arith.index_cast %parallel_loop3A_548 : i32 to index
      %parallel_loop3A_624 = arith.constant 32 : index
      %parallel_loop3A_625 = tpu.vector_load %arg12[%parallel_loop3A_623, %parallel_loop3A_624] {strides = array<i32>} : memref<64x128xf32, #tpu.memory_space<vmem>>, vector<1x16xf32>,
      %parallel_loop3A_626 = vector.shape_cast %parallel_loop3A_625 : vector<1x16xf32> to vector<16xf32>
      %parallel_loop3A_627 = arith.index_cast %parallel_loop3A_548 : i32 to index
      %parallel_loop3A_628 = arith.constant 96 : index
      %parallel_loop3A_629 = tpu.vector_load %arg12[%parallel_loop3A_627, %parallel_loop3A_628] {strides = array<i32>} : memref<64x128xf32, #tpu.memory_space<vmem>>, vector<1x16xf32>,
      %parallel_loop3A_630 = vector.shape_cast %parallel_loop3A_629 : vector<1x16xf32> to vector<16xf32>
      %parallel_loop3A_631 = arith.index_cast %parallel_loop3A_548 : i32 to index
      %parallel_loop3A_632 = arith.constant 32 : index
      %parallel_loop3A_633 = tpu.vector_load %arg13[%parallel_loop3A_631, %parallel_loop3A_632] {strides = array<i32>} : memref<64x128xf32, #tpu.memory_space<vmem>>, vector<1x16xf32>,
      %parallel_loop3A_634 = vector.shape_cast %parallel_loop3A_633 : vector<1x16xf32> to vector<16xf32>
      %parallel_loop3A_635 = arith.index_cast %parallel_loop3A_548 : i32 to index
      %parallel_loop3A_636 = arith.constant 96 : index
      %parallel_loop3A_637 = tpu.vector_load %arg13[%parallel_loop3A_635, %parallel_loop3A_636] {strides = array<i32>} : memref<64x128xf32, #tpu.memory_space<vmem>>, vector<1x16xf32>,
      %parallel_loop3A_638 = vector.shape_cast %parallel_loop3A_637 : vector<1x16xf32> to vector<16xf32>
      %parallel_loop3A_639 = arith.mulf %parallel_loop3A_626, %parallel_loop3A_634 : vector<16xf32>
      %parallel_loop3A_640 = arith.mulf %parallel_loop3A_630, %parallel_loop3A_638 : vector<16xf32>
      %parallel_loop3A_641 = arith.addf %parallel_loop3A_639, %parallel_loop3A_640 : vector<16xf32>
      %parallel_loop3A_642 = arith.mulf %parallel_loop3A_618, %parallel_loop3A_641 : vector<16xf32>
      %parallel_loop3A_643 = arith.mulf %parallel_loop3A_626, %parallel_loop3A_638 : vector<16xf32>
      %parallel_loop3A_644 = arith.mulf %parallel_loop3A_630, %parallel_loop3A_634 : vector<16xf32>
      %parallel_loop3A_645 = arith.subf %parallel_loop3A_643, %parallel_loop3A_644 : vector<16xf32>
      %parallel_loop3A_646 = arith.mulf %parallel_loop3A_622, %parallel_loop3A_645 : vector<16xf32>
      %parallel_loop3A_647 = arith.addf %parallel_loop3A_642, %parallel_loop3A_646 : vector<16xf32>
      %parallel_loop3A_648 = arith.index_cast %parallel_loop3A_548 : i32 to index
      %parallel_loop3A_649 = arith.constant 48 : index
      %parallel_loop3A_650 = tpu.vector_load %arg11[%parallel_loop3A_648, %parallel_loop3A_649] {strides = array<i32>} : memref<64x128xf32, #tpu.memory_space<vmem>>, vector<1x16xf32>,
      %parallel_loop3A_651 = vector.shape_cast %parallel_loop3A_650 : vector<1x16xf32> to vector<16xf32>
      %parallel_loop3A_652 = arith.index_cast %parallel_loop3A_548 : i32 to index
      %parallel_loop3A_653 = arith.constant 112 : index
      %parallel_loop3A_654 = tpu.vector_load %arg11[%parallel_loop3A_652, %parallel_loop3A_653] {strides = array<i32>} : memref<64x128xf32, #tpu.memory_space<vmem>>, vector<1x16xf32>,
      %parallel_loop3A_655 = vector.shape_cast %parallel_loop3A_654 : vector<1x16xf32> to vector<16xf32>
      %parallel_loop3A_656 = arith.index_cast %parallel_loop3A_548 : i32 to index
      %parallel_loop3A_657 = arith.constant 48 : index
      %parallel_loop3A_658 = tpu.vector_load %arg12[%parallel_loop3A_656, %parallel_loop3A_657] {strides = array<i32>} : memref<64x128xf32, #tpu.memory_space<vmem>>, vector<1x16xf32>,
      %parallel_loop3A_659 = vector.shape_cast %parallel_loop3A_658 : vector<1x16xf32> to vector<16xf32>
      %parallel_loop3A_660 = arith.index_cast %parallel_loop3A_548 : i32 to index
      %parallel_loop3A_661 = arith.constant 112 : index
      %parallel_loop3A_662 = tpu.vector_load %arg12[%parallel_loop3A_660, %parallel_loop3A_661] {strides = array<i32>} : memref<64x128xf32, #tpu.memory_space<vmem>>, vector<1x16xf32>,
      %parallel_loop3A_663 = vector.shape_cast %parallel_loop3A_662 : vector<1x16xf32> to vector<16xf32>
      %parallel_loop3A_664 = arith.index_cast %parallel_loop3A_548 : i32 to index
      %parallel_loop3A_665 = arith.constant 48 : index
      %parallel_loop3A_666 = tpu.vector_load %arg13[%parallel_loop3A_664, %parallel_loop3A_665] {strides = array<i32>} : memref<64x128xf32, #tpu.memory_space<vmem>>, vector<1x16xf32>,
      %parallel_loop3A_667 = vector.shape_cast %parallel_loop3A_666 : vector<1x16xf32> to vector<16xf32>
      %parallel_loop3A_668 = arith.index_cast %parallel_loop3A_548 : i32 to index
      %parallel_loop3A_669 = arith.constant 112 : index
      %parallel_loop3A_670 = tpu.vector_load %arg13[%parallel_loop3A_668, %parallel_loop3A_669] {strides = array<i32>} : memref<64x128xf32, #tpu.memory_space<vmem>>, vector<1x16xf32>,
      %parallel_loop3A_671 = vector.shape_cast %parallel_loop3A_670 : vector<1x16xf32> to vector<16xf32>
      %parallel_loop3A_672 = arith.mulf %parallel_loop3A_659, %parallel_loop3A_667 : vector<16xf32>
      %parallel_loop3A_673 = arith.mulf %parallel_loop3A_663, %parallel_loop3A_671 : vector<16xf32>
      %parallel_loop3A_674 = arith.addf %parallel_loop3A_672, %parallel_loop3A_673 : vector<16xf32>
      %parallel_loop3A_675 = arith.mulf %parallel_loop3A_651, %parallel_loop3A_674 : vector<16xf32>
      %parallel_loop3A_676 = arith.mulf %parallel_loop3A_659, %parallel_loop3A_671 : vector<16xf32>
      %parallel_loop3A_677 = arith.mulf %parallel_loop3A_663, %parallel_loop3A_667 : vector<16xf32>
      %parallel_loop3A_678 = arith.subf %parallel_loop3A_676, %parallel_loop3A_677 : vector<16xf32>
      %parallel_loop3A_679 = arith.mulf %parallel_loop3A_655, %parallel_loop3A_678 : vector<16xf32>
      %parallel_loop3A_680 = arith.addf %parallel_loop3A_675, %parallel_loop3A_679 : vector<16xf32>
      %parallel_loop3A_681 = arith.addf %parallel_loop3A_581, %parallel_loop3A_614 : vector<16xf32>
      %parallel_loop3A_682 = arith.addf %parallel_loop3A_647, %parallel_loop3A_680 : vector<16xf32>
      %parallel_loop3A_683 = arith.addf %parallel_loop3A_681, %parallel_loop3A_682 : vector<16xf32>
      %parallel_loop3A_684 = arith.constant 8 : i32
      %parallel_loop3A_685 = vector.broadcast %parallel_loop3A_684 : i32 to vector<16xi32>
      %parallel_loop3A_686 = arith.xori %iota3A, %parallel_loop3A_685 : vector<16xi32>
      %parallel_loop3A_687 = vector.shape_cast %parallel_loop3A_686 : vector<16xi32> to vector<16x1xi32>
      %parallel_loop3A_688 = vector.shape_cast %parallel_loop3A_687 : vector<16x1xi32> to vector<16xi32>
      %parallel_loop3A_689 = tpu.dynamic_gather %parallel_loop3A_683[%parallel_loop3A_688] in [0] : vector<16xf32>, vector<16xi32> -> vector<16xf32>
      %parallel_loop3A_690 = arith.addf %parallel_loop3A_683, %parallel_loop3A_689 : vector<16xf32>
      %parallel_loop3A_691 = arith.constant 4 : i32
      %parallel_loop3A_692 = vector.broadcast %parallel_loop3A_691 : i32 to vector<16xi32>
      %parallel_loop3A_693 = arith.xori %iota3A, %parallel_loop3A_692 : vector<16xi32>
      %parallel_loop3A_694 = vector.shape_cast %parallel_loop3A_693 : vector<16xi32> to vector<16x1xi32>
      %parallel_loop3A_695 = vector.shape_cast %parallel_loop3A_694 : vector<16x1xi32> to vector<16xi32>
      %parallel_loop3A_696 = tpu.dynamic_gather %parallel_loop3A_690[%parallel_loop3A_695] in [0] : vector<16xf32>, vector<16xi32> -> vector<16xf32>
      %parallel_loop3A_697 = arith.addf %parallel_loop3A_690, %parallel_loop3A_696 : vector<16xf32>
      %parallel_loop3A_698 = arith.constant 2 : i32
      %parallel_loop3A_699 = vector.broadcast %parallel_loop3A_698 : i32 to vector<16xi32>
      %parallel_loop3A_700 = arith.xori %iota3A, %parallel_loop3A_699 : vector<16xi32>
      %parallel_loop3A_701 = vector.shape_cast %parallel_loop3A_700 : vector<16xi32> to vector<16x1xi32>
      %parallel_loop3A_702 = vector.shape_cast %parallel_loop3A_701 : vector<16x1xi32> to vector<16xi32>
      %parallel_loop3A_703 = tpu.dynamic_gather %parallel_loop3A_697[%parallel_loop3A_702] in [0] : vector<16xf32>, vector<16xi32> -> vector<16xf32>
      %parallel_loop3A_704 = arith.addf %parallel_loop3A_697, %parallel_loop3A_703 : vector<16xf32>
      %parallel_loop3A_705 = arith.constant 1 : i32
      %parallel_loop3A_706 = vector.broadcast %parallel_loop3A_705 : i32 to vector<16xi32>
      %parallel_loop3A_707 = arith.xori %iota3A, %parallel_loop3A_706 : vector<16xi32>
      %parallel_loop3A_708 = vector.shape_cast %parallel_loop3A_707 : vector<16xi32> to vector<16x1xi32>
      %parallel_loop3A_709 = vector.shape_cast %parallel_loop3A_708 : vector<16x1xi32> to vector<16xi32>
      %parallel_loop3A_710 = tpu.dynamic_gather %parallel_loop3A_704[%parallel_loop3A_709] in [0] : vector<16xf32>, vector<16xi32> -> vector<16xf32>
      %parallel_loop3A_711 = arith.addf %parallel_loop3A_704, %parallel_loop3A_710 : vector<16xf32>
      %parallel_loop3A_712 = arith.constant 15 : i32
      %parallel_loop3A_713 = arith.andi %parallel_loop3A_548, %parallel_loop3A_712 : i32
      %parallel_loop3A_714 = vector.broadcast %parallel_loop3A_713 : i32 to vector<16xi32>
      %parallel_loop3A_715 = arith.cmpi eq, %iota3A, %parallel_loop3A_714 : vector<16xi32>
      %parallel_loop3A_716 = arith.constant 0.000000e+00 : f32
      %parallel_loop3A_717 = vector.broadcast %parallel_loop3A_716 : f32 to vector<16xf32>
      %parallel_loop3A_718 = arith.select %parallel_loop3A_715, %parallel_loop3A_711, %parallel_loop3A_717 : vector<16xi1>, vector<16xf32>
      %parallel_loop3A_719 = arith.constant -16 : i32
      %parallel_loop3A_720 = arith.andi %parallel_loop3A_548, %parallel_loop3A_719 : i32
      %parallel_loop3A_721 = arith.constant 192 : i32
      %parallel_loop3A_722 = arith.addi %parallel_loop3A_721, %parallel_loop3A_720 : i32
      %parallel_loop3A_723 = tpu.assume_multiple %parallel_loop3A_722, 16 : i32
      %parallel_loop3A_724 = arith.index_cast %parallel_loop3A_723 : i32 to index
      %parallel_loop3A_725 = tpu.vector_load %arg20[%parallel_loop3A_724] {strides = array<i32>} : memref<512xf32, #tpu.memory_space<vmem>>, vector<16xf32>,
      %parallel_loop3A_726 = vector.shape_cast %parallel_loop3A_725 : vector<16xf32> to vector<16xf32>
      %parallel_loop3A_727 = vector.shape_cast %parallel_loop3A_718 : vector<16xf32> to vector<16xf32>
      tpu.vector_store %arg20[%parallel_loop3A_724], %parallel_loop3A_727 {add = true, strides = array<i32>} : memref<512xf32, #tpu.memory_space<vmem>>, vector<16xf32>,
    } {sc.loop_unroll_factor = 2 : i64, sc.parallel_access}
    %dma_start3A_392 = arith.constant 0 : i32
    %dma_start3A_393 = arith.constant 0 : i32
    %dma_start3A_394 = tpu.memref_slice %arg11[%dma_start3A_392, %dma_start3A_393] : memref<64x128xf32, #tpu.memory_space<vmem>> -> memref<64x128xf32, #tpu.memory_space<vmem>>
    %dma_start3A_395 = arith.constant 384 : i32
    %dma_start3A_396 = tpu.memref_slice %arg8[%dma_start3A_395] : memref<512xi32, #tpu.memory_space<vmem>> -> memref<64xi32, #tpu.memory_space<vmem>>
    %dma_start3A_397 = arith.constant 0 : i32
    %dma_start3A_398 = arith.constant 0 : i32
    %dma_start3A_399 = tpu.memref_slice %arg2[%dma_start3A_397, %dma_start3A_398] : memref<1000000x128xf32, #tpu.memory_space<hbm>> -> memref<1000000x128xf32, #tpu.memory_space<hbm>>
    tpu.enqueue_indirect_dma source(%dma_start3A_399 : memref<1000000x128xf32, #tpu.memory_space<hbm>>) target(%dma_start3A_394 : memref<64x128xf32, #tpu.memory_space<vmem>>) offsets(%dma_start3A_396 : memref<64xi32, #tpu.memory_space<vmem>>) semaphore(%arg21 : memref<!tpu.dma_semaphore, #tpu.memory_space<semaphore_mem>>)
    %dma_start3A_400 = arith.constant 0 : i32
    %dma_start3A_401 = arith.constant 0 : i32
    %dma_start3A_402 = tpu.memref_slice %arg12[%dma_start3A_400, %dma_start3A_401] : memref<64x128xf32, #tpu.memory_space<vmem>> -> memref<64x128xf32, #tpu.memory_space<vmem>>
    %dma_start3A_403 = arith.constant 384 : i32
    %dma_start3A_404 = tpu.memref_slice %arg9[%dma_start3A_403] : memref<512xi32, #tpu.memory_space<vmem>> -> memref<64xi32, #tpu.memory_space<vmem>>
    %dma_start3A_405 = arith.constant 0 : i32
    %dma_start3A_406 = arith.constant 0 : i32
    %dma_start3A_407 = tpu.memref_slice %arg3[%dma_start3A_405, %dma_start3A_406] : memref<1000x128xf32, #tpu.memory_space<hbm>> -> memref<1000x128xf32, #tpu.memory_space<hbm>>
    tpu.enqueue_indirect_dma source(%dma_start3A_407 : memref<1000x128xf32, #tpu.memory_space<hbm>>) target(%dma_start3A_402 : memref<64x128xf32, #tpu.memory_space<vmem>>) offsets(%dma_start3A_404 : memref<64xi32, #tpu.memory_space<vmem>>) semaphore(%arg21 : memref<!tpu.dma_semaphore, #tpu.memory_space<semaphore_mem>>)
    %dma_start3A_408 = arith.constant 0 : i32
    %dma_start3A_409 = arith.constant 0 : i32
    %dma_start3A_410 = tpu.memref_slice %arg13[%dma_start3A_408, %dma_start3A_409] : memref<64x128xf32, #tpu.memory_space<vmem>> -> memref<64x128xf32, #tpu.memory_space<vmem>>
    %dma_start3A_411 = arith.constant 384 : i32
    %dma_start3A_412 = tpu.memref_slice %arg10[%dma_start3A_411] : memref<512xi32, #tpu.memory_space<vmem>> -> memref<64xi32, #tpu.memory_space<vmem>>
    %dma_start3A_413 = arith.constant 0 : i32
    %dma_start3A_414 = arith.constant 0 : i32
    %dma_start3A_415 = tpu.memref_slice %arg2[%dma_start3A_413, %dma_start3A_414] : memref<1000000x128xf32, #tpu.memory_space<hbm>> -> memref<1000000x128xf32, #tpu.memory_space<hbm>>
    tpu.enqueue_indirect_dma source(%dma_start3A_415 : memref<1000000x128xf32, #tpu.memory_space<hbm>>) target(%dma_start3A_410 : memref<64x128xf32, #tpu.memory_space<vmem>>) offsets(%dma_start3A_412 : memref<64xi32, #tpu.memory_space<vmem>>) semaphore(%arg21 : memref<!tpu.dma_semaphore, #tpu.memory_space<semaphore_mem>>)
    %dma_wait3A_416 = arith.constant 0 : i32
    %dma_wait3A_417 = arith.constant 0 : i32
    %dma_wait3A_418 = tpu.memref_slice %arg14[%dma_wait3A_416, %dma_wait3A_417] : memref<64x128xf32, #tpu.memory_space<vmem>> -> memref<64x128xf32, #tpu.memory_space<vmem>>
    %dma_wait3A_419 = arith.constant 256 : i32
    %dma_wait3A_420 = tpu.memref_slice %arg8[%dma_wait3A_419] : memref<512xi32, #tpu.memory_space<vmem>> -> memref<64xi32, #tpu.memory_space<vmem>>
    %dma_wait3A_421 = arith.constant 0 : i32
    %dma_wait3A_422 = arith.constant 0 : i32
    %dma_wait3A_423 = tpu.memref_slice %arg2[%dma_wait3A_421, %dma_wait3A_422] : memref<1000000x128xf32, #tpu.memory_space<hbm>> -> memref<1000000x128xf32, #tpu.memory_space<hbm>>
    tpu.wait_indirect_dma semaphore(%arg22 : memref<!tpu.dma_semaphore, #tpu.memory_space<semaphore_mem>>) src(%dma_wait3A_423 : memref<1000000x128xf32, #tpu.memory_space<hbm>>) dst(%dma_wait3A_418 : memref<64x128xf32, #tpu.memory_space<vmem>>)
    %dma_wait3A_424 = arith.constant 0 : i32
    %dma_wait3A_425 = arith.constant 0 : i32
    %dma_wait3A_426 = tpu.memref_slice %arg15[%dma_wait3A_424, %dma_wait3A_425] : memref<64x128xf32, #tpu.memory_space<vmem>> -> memref<64x128xf32, #tpu.memory_space<vmem>>
    %dma_wait3A_427 = arith.constant 256 : i32
    %dma_wait3A_428 = tpu.memref_slice %arg9[%dma_wait3A_427] : memref<512xi32, #tpu.memory_space<vmem>> -> memref<64xi32, #tpu.memory_space<vmem>>
    %dma_wait3A_429 = arith.constant 0 : i32
    %dma_wait3A_430 = arith.constant 0 : i32
    %dma_wait3A_431 = tpu.memref_slice %arg3[%dma_wait3A_429, %dma_wait3A_430] : memref<1000x128xf32, #tpu.memory_space<hbm>> -> memref<1000x128xf32, #tpu.memory_space<hbm>>
    tpu.wait_indirect_dma semaphore(%arg22 : memref<!tpu.dma_semaphore, #tpu.memory_space<semaphore_mem>>) src(%dma_wait3A_431 : memref<1000x128xf32, #tpu.memory_space<hbm>>) dst(%dma_wait3A_426 : memref<64x128xf32, #tpu.memory_space<vmem>>)
    %dma_wait3A_432 = arith.constant 0 : i32
    %dma_wait3A_433 = arith.constant 0 : i32
    %dma_wait3A_434 = tpu.memref_slice %arg16[%dma_wait3A_432, %dma_wait3A_433] : memref<64x128xf32, #tpu.memory_space<vmem>> -> memref<64x128xf32, #tpu.memory_space<vmem>>
    %dma_wait3A_435 = arith.constant 256 : i32
    %dma_wait3A_436 = tpu.memref_slice %arg10[%dma_wait3A_435] : memref<512xi32, #tpu.memory_space<vmem>> -> memref<64xi32, #tpu.memory_space<vmem>>
    %dma_wait3A_437 = arith.constant 0 : i32
    %dma_wait3A_438 = arith.constant 0 : i32
    %dma_wait3A_439 = tpu.memref_slice %arg2[%dma_wait3A_437, %dma_wait3A_438] : memref<1000000x128xf32, #tpu.memory_space<hbm>> -> memref<1000000x128xf32, #tpu.memory_space<hbm>>
    tpu.wait_indirect_dma semaphore(%arg22 : memref<!tpu.dma_semaphore, #tpu.memory_space<semaphore_mem>>) src(%dma_wait3A_439 : memref<1000000x128xf32, #tpu.memory_space<hbm>>) dst(%dma_wait3A_434 : memref<64x128xf32, #tpu.memory_space<vmem>>)
    %parallel_loop3A_440 = arith.constant 0 : i32
    %parallel_loop3A_441 = arith.constant 64 : i32
    %parallel_loop3A_442 = arith.constant 1 : i32
    scf.for %parallel_loop3A_548 = %parallel_loop3A_440 to %parallel_loop3A_441 step %parallel_loop3A_442  : i32 {
      %parallel_loop3A_549 = arith.index_cast %parallel_loop3A_548 : i32 to index
      %parallel_loop3A_550 = arith.constant 0 : index
      %parallel_loop3A_551 = tpu.vector_load %arg14[%parallel_loop3A_549, %parallel_loop3A_550] {strides = array<i32>} : memref<64x128xf32, #tpu.memory_space<vmem>>, vector<1x16xf32>,
      %parallel_loop3A_552 = vector.shape_cast %parallel_loop3A_551 : vector<1x16xf32> to vector<16xf32>
      %parallel_loop3A_553 = arith.index_cast %parallel_loop3A_548 : i32 to index
      %parallel_loop3A_554 = arith.constant 64 : index
      %parallel_loop3A_555 = tpu.vector_load %arg14[%parallel_loop3A_553, %parallel_loop3A_554] {strides = array<i32>} : memref<64x128xf32, #tpu.memory_space<vmem>>, vector<1x16xf32>,
      %parallel_loop3A_556 = vector.shape_cast %parallel_loop3A_555 : vector<1x16xf32> to vector<16xf32>
      %parallel_loop3A_557 = arith.index_cast %parallel_loop3A_548 : i32 to index
      %parallel_loop3A_558 = arith.constant 0 : index
      %parallel_loop3A_559 = tpu.vector_load %arg15[%parallel_loop3A_557, %parallel_loop3A_558] {strides = array<i32>} : memref<64x128xf32, #tpu.memory_space<vmem>>, vector<1x16xf32>,
      %parallel_loop3A_560 = vector.shape_cast %parallel_loop3A_559 : vector<1x16xf32> to vector<16xf32>
      %parallel_loop3A_561 = arith.index_cast %parallel_loop3A_548 : i32 to index
      %parallel_loop3A_562 = arith.constant 64 : index
      %parallel_loop3A_563 = tpu.vector_load %arg15[%parallel_loop3A_561, %parallel_loop3A_562] {strides = array<i32>} : memref<64x128xf32, #tpu.memory_space<vmem>>, vector<1x16xf32>,
      %parallel_loop3A_564 = vector.shape_cast %parallel_loop3A_563 : vector<1x16xf32> to vector<16xf32>
      %parallel_loop3A_565 = arith.index_cast %parallel_loop3A_548 : i32 to index
      %parallel_loop3A_566 = arith.constant 0 : index
      %parallel_loop3A_567 = tpu.vector_load %arg16[%parallel_loop3A_565, %parallel_loop3A_566] {strides = array<i32>} : memref<64x128xf32, #tpu.memory_space<vmem>>, vector<1x16xf32>,
      %parallel_loop3A_568 = vector.shape_cast %parallel_loop3A_567 : vector<1x16xf32> to vector<16xf32>
      %parallel_loop3A_569 = arith.index_cast %parallel_loop3A_548 : i32 to index
      %parallel_loop3A_570 = arith.constant 64 : index
      %parallel_loop3A_571 = tpu.vector_load %arg16[%parallel_loop3A_569, %parallel_loop3A_570] {strides = array<i32>} : memref<64x128xf32, #tpu.memory_space<vmem>>, vector<1x16xf32>,
      %parallel_loop3A_572 = vector.shape_cast %parallel_loop3A_571 : vector<1x16xf32> to vector<16xf32>
      %parallel_loop3A_573 = arith.mulf %parallel_loop3A_560, %parallel_loop3A_568 : vector<16xf32>
      %parallel_loop3A_574 = arith.mulf %parallel_loop3A_564, %parallel_loop3A_572 : vector<16xf32>
      %parallel_loop3A_575 = arith.addf %parallel_loop3A_573, %parallel_loop3A_574 : vector<16xf32>
      %parallel_loop3A_576 = arith.mulf %parallel_loop3A_552, %parallel_loop3A_575 : vector<16xf32>
      %parallel_loop3A_577 = arith.mulf %parallel_loop3A_560, %parallel_loop3A_572 : vector<16xf32>
      %parallel_loop3A_578 = arith.mulf %parallel_loop3A_564, %parallel_loop3A_568 : vector<16xf32>
      %parallel_loop3A_579 = arith.subf %parallel_loop3A_577, %parallel_loop3A_578 : vector<16xf32>
      %parallel_loop3A_580 = arith.mulf %parallel_loop3A_556, %parallel_loop3A_579 : vector<16xf32>
      %parallel_loop3A_581 = arith.addf %parallel_loop3A_576, %parallel_loop3A_580 : vector<16xf32>
      %parallel_loop3A_582 = arith.index_cast %parallel_loop3A_548 : i32 to index
      %parallel_loop3A_583 = arith.constant 16 : index
      %parallel_loop3A_584 = tpu.vector_load %arg14[%parallel_loop3A_582, %parallel_loop3A_583] {strides = array<i32>} : memref<64x128xf32, #tpu.memory_space<vmem>>, vector<1x16xf32>,
      %parallel_loop3A_585 = vector.shape_cast %parallel_loop3A_584 : vector<1x16xf32> to vector<16xf32>
      %parallel_loop3A_586 = arith.index_cast %parallel_loop3A_548 : i32 to index
      %parallel_loop3A_587 = arith.constant 80 : index
      %parallel_loop3A_588 = tpu.vector_load %arg14[%parallel_loop3A_586, %parallel_loop3A_587] {strides = array<i32>} : memref<64x128xf32, #tpu.memory_space<vmem>>, vector<1x16xf32>,
      %parallel_loop3A_589 = vector.shape_cast %parallel_loop3A_588 : vector<1x16xf32> to vector<16xf32>
      %parallel_loop3A_590 = arith.index_cast %parallel_loop3A_548 : i32 to index
      %parallel_loop3A_591 = arith.constant 16 : index
      %parallel_loop3A_592 = tpu.vector_load %arg15[%parallel_loop3A_590, %parallel_loop3A_591] {strides = array<i32>} : memref<64x128xf32, #tpu.memory_space<vmem>>, vector<1x16xf32>,
      %parallel_loop3A_593 = vector.shape_cast %parallel_loop3A_592 : vector<1x16xf32> to vector<16xf32>
      %parallel_loop3A_594 = arith.index_cast %parallel_loop3A_548 : i32 to index
      %parallel_loop3A_595 = arith.constant 80 : index
      %parallel_loop3A_596 = tpu.vector_load %arg15[%parallel_loop3A_594, %parallel_loop3A_595] {strides = array<i32>} : memref<64x128xf32, #tpu.memory_space<vmem>>, vector<1x16xf32>,
      %parallel_loop3A_597 = vector.shape_cast %parallel_loop3A_596 : vector<1x16xf32> to vector<16xf32>
      %parallel_loop3A_598 = arith.index_cast %parallel_loop3A_548 : i32 to index
      %parallel_loop3A_599 = arith.constant 16 : index
      %parallel_loop3A_600 = tpu.vector_load %arg16[%parallel_loop3A_598, %parallel_loop3A_599] {strides = array<i32>} : memref<64x128xf32, #tpu.memory_space<vmem>>, vector<1x16xf32>,
      %parallel_loop3A_601 = vector.shape_cast %parallel_loop3A_600 : vector<1x16xf32> to vector<16xf32>
      %parallel_loop3A_602 = arith.index_cast %parallel_loop3A_548 : i32 to index
      %parallel_loop3A_603 = arith.constant 80 : index
      %parallel_loop3A_604 = tpu.vector_load %arg16[%parallel_loop3A_602, %parallel_loop3A_603] {strides = array<i32>} : memref<64x128xf32, #tpu.memory_space<vmem>>, vector<1x16xf32>,
      %parallel_loop3A_605 = vector.shape_cast %parallel_loop3A_604 : vector<1x16xf32> to vector<16xf32>
      %parallel_loop3A_606 = arith.mulf %parallel_loop3A_593, %parallel_loop3A_601 : vector<16xf32>
      %parallel_loop3A_607 = arith.mulf %parallel_loop3A_597, %parallel_loop3A_605 : vector<16xf32>
      %parallel_loop3A_608 = arith.addf %parallel_loop3A_606, %parallel_loop3A_607 : vector<16xf32>
      %parallel_loop3A_609 = arith.mulf %parallel_loop3A_585, %parallel_loop3A_608 : vector<16xf32>
      %parallel_loop3A_610 = arith.mulf %parallel_loop3A_593, %parallel_loop3A_605 : vector<16xf32>
      %parallel_loop3A_611 = arith.mulf %parallel_loop3A_597, %parallel_loop3A_601 : vector<16xf32>
      %parallel_loop3A_612 = arith.subf %parallel_loop3A_610, %parallel_loop3A_611 : vector<16xf32>
      %parallel_loop3A_613 = arith.mulf %parallel_loop3A_589, %parallel_loop3A_612 : vector<16xf32>
      %parallel_loop3A_614 = arith.addf %parallel_loop3A_609, %parallel_loop3A_613 : vector<16xf32>
      %parallel_loop3A_615 = arith.index_cast %parallel_loop3A_548 : i32 to index
      %parallel_loop3A_616 = arith.constant 32 : index
      %parallel_loop3A_617 = tpu.vector_load %arg14[%parallel_loop3A_615, %parallel_loop3A_616] {strides = array<i32>} : memref<64x128xf32, #tpu.memory_space<vmem>>, vector<1x16xf32>,
      %parallel_loop3A_618 = vector.shape_cast %parallel_loop3A_617 : vector<1x16xf32> to vector<16xf32>
      %parallel_loop3A_619 = arith.index_cast %parallel_loop3A_548 : i32 to index
      %parallel_loop3A_620 = arith.constant 96 : index
      %parallel_loop3A_621 = tpu.vector_load %arg14[%parallel_loop3A_619, %parallel_loop3A_620] {strides = array<i32>} : memref<64x128xf32, #tpu.memory_space<vmem>>, vector<1x16xf32>,
      %parallel_loop3A_622 = vector.shape_cast %parallel_loop3A_621 : vector<1x16xf32> to vector<16xf32>
      %parallel_loop3A_623 = arith.index_cast %parallel_loop3A_548 : i32 to index
      %parallel_loop3A_624 = arith.constant 32 : index
      %parallel_loop3A_625 = tpu.vector_load %arg15[%parallel_loop3A_623, %parallel_loop3A_624] {strides = array<i32>} : memref<64x128xf32, #tpu.memory_space<vmem>>, vector<1x16xf32>,
      %parallel_loop3A_626 = vector.shape_cast %parallel_loop3A_625 : vector<1x16xf32> to vector<16xf32>
      %parallel_loop3A_627 = arith.index_cast %parallel_loop3A_548 : i32 to index
      %parallel_loop3A_628 = arith.constant 96 : index
      %parallel_loop3A_629 = tpu.vector_load %arg15[%parallel_loop3A_627, %parallel_loop3A_628] {strides = array<i32>} : memref<64x128xf32, #tpu.memory_space<vmem>>, vector<1x16xf32>,
      %parallel_loop3A_630 = vector.shape_cast %parallel_loop3A_629 : vector<1x16xf32> to vector<16xf32>
      %parallel_loop3A_631 = arith.index_cast %parallel_loop3A_548 : i32 to index
      %parallel_loop3A_632 = arith.constant 32 : index
      %parallel_loop3A_633 = tpu.vector_load %arg16[%parallel_loop3A_631, %parallel_loop3A_632] {strides = array<i32>} : memref<64x128xf32, #tpu.memory_space<vmem>>, vector<1x16xf32>,
      %parallel_loop3A_634 = vector.shape_cast %parallel_loop3A_633 : vector<1x16xf32> to vector<16xf32>
      %parallel_loop3A_635 = arith.index_cast %parallel_loop3A_548 : i32 to index
      %parallel_loop3A_636 = arith.constant 96 : index
      %parallel_loop3A_637 = tpu.vector_load %arg16[%parallel_loop3A_635, %parallel_loop3A_636] {strides = array<i32>} : memref<64x128xf32, #tpu.memory_space<vmem>>, vector<1x16xf32>,
      %parallel_loop3A_638 = vector.shape_cast %parallel_loop3A_637 : vector<1x16xf32> to vector<16xf32>
      %parallel_loop3A_639 = arith.mulf %parallel_loop3A_626, %parallel_loop3A_634 : vector<16xf32>
      %parallel_loop3A_640 = arith.mulf %parallel_loop3A_630, %parallel_loop3A_638 : vector<16xf32>
      %parallel_loop3A_641 = arith.addf %parallel_loop3A_639, %parallel_loop3A_640 : vector<16xf32>
      %parallel_loop3A_642 = arith.mulf %parallel_loop3A_618, %parallel_loop3A_641 : vector<16xf32>
      %parallel_loop3A_643 = arith.mulf %parallel_loop3A_626, %parallel_loop3A_638 : vector<16xf32>
      %parallel_loop3A_644 = arith.mulf %parallel_loop3A_630, %parallel_loop3A_634 : vector<16xf32>
      %parallel_loop3A_645 = arith.subf %parallel_loop3A_643, %parallel_loop3A_644 : vector<16xf32>
      %parallel_loop3A_646 = arith.mulf %parallel_loop3A_622, %parallel_loop3A_645 : vector<16xf32>
      %parallel_loop3A_647 = arith.addf %parallel_loop3A_642, %parallel_loop3A_646 : vector<16xf32>
      %parallel_loop3A_648 = arith.index_cast %parallel_loop3A_548 : i32 to index
      %parallel_loop3A_649 = arith.constant 48 : index
      %parallel_loop3A_650 = tpu.vector_load %arg14[%parallel_loop3A_648, %parallel_loop3A_649] {strides = array<i32>} : memref<64x128xf32, #tpu.memory_space<vmem>>, vector<1x16xf32>,
      %parallel_loop3A_651 = vector.shape_cast %parallel_loop3A_650 : vector<1x16xf32> to vector<16xf32>
      %parallel_loop3A_652 = arith.index_cast %parallel_loop3A_548 : i32 to index
      %parallel_loop3A_653 = arith.constant 112 : index
      %parallel_loop3A_654 = tpu.vector_load %arg14[%parallel_loop3A_652, %parallel_loop3A_653] {strides = array<i32>} : memref<64x128xf32, #tpu.memory_space<vmem>>, vector<1x16xf32>,
      %parallel_loop3A_655 = vector.shape_cast %parallel_loop3A_654 : vector<1x16xf32> to vector<16xf32>
      %parallel_loop3A_656 = arith.index_cast %parallel_loop3A_548 : i32 to index
      %parallel_loop3A_657 = arith.constant 48 : index
      %parallel_loop3A_658 = tpu.vector_load %arg15[%parallel_loop3A_656, %parallel_loop3A_657] {strides = array<i32>} : memref<64x128xf32, #tpu.memory_space<vmem>>, vector<1x16xf32>,
      %parallel_loop3A_659 = vector.shape_cast %parallel_loop3A_658 : vector<1x16xf32> to vector<16xf32>
      %parallel_loop3A_660 = arith.index_cast %parallel_loop3A_548 : i32 to index
      %parallel_loop3A_661 = arith.constant 112 : index
      %parallel_loop3A_662 = tpu.vector_load %arg15[%parallel_loop3A_660, %parallel_loop3A_661] {strides = array<i32>} : memref<64x128xf32, #tpu.memory_space<vmem>>, vector<1x16xf32>,
      %parallel_loop3A_663 = vector.shape_cast %parallel_loop3A_662 : vector<1x16xf32> to vector<16xf32>
      %parallel_loop3A_664 = arith.index_cast %parallel_loop3A_548 : i32 to index
      %parallel_loop3A_665 = arith.constant 48 : index
      %parallel_loop3A_666 = tpu.vector_load %arg16[%parallel_loop3A_664, %parallel_loop3A_665] {strides = array<i32>} : memref<64x128xf32, #tpu.memory_space<vmem>>, vector<1x16xf32>,
      %parallel_loop3A_667 = vector.shape_cast %parallel_loop3A_666 : vector<1x16xf32> to vector<16xf32>
      %parallel_loop3A_668 = arith.index_cast %parallel_loop3A_548 : i32 to index
      %parallel_loop3A_669 = arith.constant 112 : index
      %parallel_loop3A_670 = tpu.vector_load %arg16[%parallel_loop3A_668, %parallel_loop3A_669] {strides = array<i32>} : memref<64x128xf32, #tpu.memory_space<vmem>>, vector<1x16xf32>,
      %parallel_loop3A_671 = vector.shape_cast %parallel_loop3A_670 : vector<1x16xf32> to vector<16xf32>
      %parallel_loop3A_672 = arith.mulf %parallel_loop3A_659, %parallel_loop3A_667 : vector<16xf32>
      %parallel_loop3A_673 = arith.mulf %parallel_loop3A_663, %parallel_loop3A_671 : vector<16xf32>
      %parallel_loop3A_674 = arith.addf %parallel_loop3A_672, %parallel_loop3A_673 : vector<16xf32>
      %parallel_loop3A_675 = arith.mulf %parallel_loop3A_651, %parallel_loop3A_674 : vector<16xf32>
      %parallel_loop3A_676 = arith.mulf %parallel_loop3A_659, %parallel_loop3A_671 : vector<16xf32>
      %parallel_loop3A_677 = arith.mulf %parallel_loop3A_663, %parallel_loop3A_667 : vector<16xf32>
      %parallel_loop3A_678 = arith.subf %parallel_loop3A_676, %parallel_loop3A_677 : vector<16xf32>
      %parallel_loop3A_679 = arith.mulf %parallel_loop3A_655, %parallel_loop3A_678 : vector<16xf32>
      %parallel_loop3A_680 = arith.addf %parallel_loop3A_675, %parallel_loop3A_679 : vector<16xf32>
      %parallel_loop3A_681 = arith.addf %parallel_loop3A_581, %parallel_loop3A_614 : vector<16xf32>
      %parallel_loop3A_682 = arith.addf %parallel_loop3A_647, %parallel_loop3A_680 : vector<16xf32>
      %parallel_loop3A_683 = arith.addf %parallel_loop3A_681, %parallel_loop3A_682 : vector<16xf32>
      %parallel_loop3A_684 = arith.constant 8 : i32
      %parallel_loop3A_685 = vector.broadcast %parallel_loop3A_684 : i32 to vector<16xi32>
      %parallel_loop3A_686 = arith.xori %iota3A, %parallel_loop3A_685 : vector<16xi32>
      %parallel_loop3A_687 = vector.shape_cast %parallel_loop3A_686 : vector<16xi32> to vector<16x1xi32>
      %parallel_loop3A_688 = vector.shape_cast %parallel_loop3A_687 : vector<16x1xi32> to vector<16xi32>
      %parallel_loop3A_689 = tpu.dynamic_gather %parallel_loop3A_683[%parallel_loop3A_688] in [0] : vector<16xf32>, vector<16xi32> -> vector<16xf32>
      %parallel_loop3A_690 = arith.addf %parallel_loop3A_683, %parallel_loop3A_689 : vector<16xf32>
      %parallel_loop3A_691 = arith.constant 4 : i32
      %parallel_loop3A_692 = vector.broadcast %parallel_loop3A_691 : i32 to vector<16xi32>
      %parallel_loop3A_693 = arith.xori %iota3A, %parallel_loop3A_692 : vector<16xi32>
      %parallel_loop3A_694 = vector.shape_cast %parallel_loop3A_693 : vector<16xi32> to vector<16x1xi32>
      %parallel_loop3A_695 = vector.shape_cast %parallel_loop3A_694 : vector<16x1xi32> to vector<16xi32>
      %parallel_loop3A_696 = tpu.dynamic_gather %parallel_loop3A_690[%parallel_loop3A_695] in [0] : vector<16xf32>, vector<16xi32> -> vector<16xf32>
      %parallel_loop3A_697 = arith.addf %parallel_loop3A_690, %parallel_loop3A_696 : vector<16xf32>
      %parallel_loop3A_698 = arith.constant 2 : i32
      %parallel_loop3A_699 = vector.broadcast %parallel_loop3A_698 : i32 to vector<16xi32>
      %parallel_loop3A_700 = arith.xori %iota3A, %parallel_loop3A_699 : vector<16xi32>
      %parallel_loop3A_701 = vector.shape_cast %parallel_loop3A_700 : vector<16xi32> to vector<16x1xi32>
      %parallel_loop3A_702 = vector.shape_cast %parallel_loop3A_701 : vector<16x1xi32> to vector<16xi32>
      %parallel_loop3A_703 = tpu.dynamic_gather %parallel_loop3A_697[%parallel_loop3A_702] in [0] : vector<16xf32>, vector<16xi32> -> vector<16xf32>
      %parallel_loop3A_704 = arith.addf %parallel_loop3A_697, %parallel_loop3A_703 : vector<16xf32>
      %parallel_loop3A_705 = arith.constant 1 : i32
      %parallel_loop3A_706 = vector.broadcast %parallel_loop3A_705 : i32 to vector<16xi32>
      %parallel_loop3A_707 = arith.xori %iota3A, %parallel_loop3A_706 : vector<16xi32>
      %parallel_loop3A_708 = vector.shape_cast %parallel_loop3A_707 : vector<16xi32> to vector<16x1xi32>
      %parallel_loop3A_709 = vector.shape_cast %parallel_loop3A_708 : vector<16x1xi32> to vector<16xi32>
      %parallel_loop3A_710 = tpu.dynamic_gather %parallel_loop3A_704[%parallel_loop3A_709] in [0] : vector<16xf32>, vector<16xi32> -> vector<16xf32>
      %parallel_loop3A_711 = arith.addf %parallel_loop3A_704, %parallel_loop3A_710 : vector<16xf32>
      %parallel_loop3A_712 = arith.constant 15 : i32
      %parallel_loop3A_713 = arith.andi %parallel_loop3A_548, %parallel_loop3A_712 : i32
      %parallel_loop3A_714 = vector.broadcast %parallel_loop3A_713 : i32 to vector<16xi32>
      %parallel_loop3A_715 = arith.cmpi eq, %iota3A, %parallel_loop3A_714 : vector<16xi32>
      %parallel_loop3A_716 = arith.constant 0.000000e+00 : f32
      %parallel_loop3A_717 = vector.broadcast %parallel_loop3A_716 : f32 to vector<16xf32>
      %parallel_loop3A_718 = arith.select %parallel_loop3A_715, %parallel_loop3A_711, %parallel_loop3A_717 : vector<16xi1>, vector<16xf32>
      %parallel_loop3A_719 = arith.constant -16 : i32
      %parallel_loop3A_720 = arith.andi %parallel_loop3A_548, %parallel_loop3A_719 : i32
      %parallel_loop3A_721 = arith.constant 256 : i32
      %parallel_loop3A_722 = arith.addi %parallel_loop3A_721, %parallel_loop3A_720 : i32
      %parallel_loop3A_723 = tpu.assume_multiple %parallel_loop3A_722, 16 : i32
      %parallel_loop3A_724 = arith.index_cast %parallel_loop3A_723 : i32 to index
      %parallel_loop3A_725 = tpu.vector_load %arg20[%parallel_loop3A_724] {strides = array<i32>} : memref<512xf32, #tpu.memory_space<vmem>>, vector<16xf32>,
      %parallel_loop3A_726 = vector.shape_cast %parallel_loop3A_725 : vector<16xf32> to vector<16xf32>
      %parallel_loop3A_727 = vector.shape_cast %parallel_loop3A_718 : vector<16xf32> to vector<16xf32>
      tpu.vector_store %arg20[%parallel_loop3A_724], %parallel_loop3A_727 {add = true, strides = array<i32>} : memref<512xf32, #tpu.memory_space<vmem>>, vector<16xf32>,
    } {sc.loop_unroll_factor = 2 : i64, sc.parallel_access}
    %dma_start3A_443 = arith.constant 0 : i32
    %dma_start3A_444 = arith.constant 0 : i32
    %dma_start3A_445 = tpu.memref_slice %arg14[%dma_start3A_443, %dma_start3A_444] : memref<64x128xf32, #tpu.memory_space<vmem>> -> memref<64x128xf32, #tpu.memory_space<vmem>>
    %dma_start3A_446 = arith.constant 448 : i32
    %dma_start3A_447 = tpu.memref_slice %arg8[%dma_start3A_446] : memref<512xi32, #tpu.memory_space<vmem>> -> memref<64xi32, #tpu.memory_space<vmem>>
    %dma_start3A_448 = arith.constant 0 : i32
    %dma_start3A_449 = arith.constant 0 : i32
    %dma_start3A_450 = tpu.memref_slice %arg2[%dma_start3A_448, %dma_start3A_449] : memref<1000000x128xf32, #tpu.memory_space<hbm>> -> memref<1000000x128xf32, #tpu.memory_space<hbm>>
    tpu.enqueue_indirect_dma source(%dma_start3A_450 : memref<1000000x128xf32, #tpu.memory_space<hbm>>) target(%dma_start3A_445 : memref<64x128xf32, #tpu.memory_space<vmem>>) offsets(%dma_start3A_447 : memref<64xi32, #tpu.memory_space<vmem>>) semaphore(%arg22 : memref<!tpu.dma_semaphore, #tpu.memory_space<semaphore_mem>>)
    %dma_start3A_451 = arith.constant 0 : i32
    %dma_start3A_452 = arith.constant 0 : i32
    %dma_start3A_453 = tpu.memref_slice %arg15[%dma_start3A_451, %dma_start3A_452] : memref<64x128xf32, #tpu.memory_space<vmem>> -> memref<64x128xf32, #tpu.memory_space<vmem>>
    %dma_start3A_454 = arith.constant 448 : i32
    %dma_start3A_455 = tpu.memref_slice %arg9[%dma_start3A_454] : memref<512xi32, #tpu.memory_space<vmem>> -> memref<64xi32, #tpu.memory_space<vmem>>
    %dma_start3A_456 = arith.constant 0 : i32
    %dma_start3A_457 = arith.constant 0 : i32
    %dma_start3A_458 = tpu.memref_slice %arg3[%dma_start3A_456, %dma_start3A_457] : memref<1000x128xf32, #tpu.memory_space<hbm>> -> memref<1000x128xf32, #tpu.memory_space<hbm>>
    tpu.enqueue_indirect_dma source(%dma_start3A_458 : memref<1000x128xf32, #tpu.memory_space<hbm>>) target(%dma_start3A_453 : memref<64x128xf32, #tpu.memory_space<vmem>>) offsets(%dma_start3A_455 : memref<64xi32, #tpu.memory_space<vmem>>) semaphore(%arg22 : memref<!tpu.dma_semaphore, #tpu.memory_space<semaphore_mem>>)
    %dma_start3A_459 = arith.constant 0 : i32
    %dma_start3A_460 = arith.constant 0 : i32
    %dma_start3A_461 = tpu.memref_slice %arg16[%dma_start3A_459, %dma_start3A_460] : memref<64x128xf32, #tpu.memory_space<vmem>> -> memref<64x128xf32, #tpu.memory_space<vmem>>
    %dma_start3A_462 = arith.constant 448 : i32
    %dma_start3A_463 = tpu.memref_slice %arg10[%dma_start3A_462] : memref<512xi32, #tpu.memory_space<vmem>> -> memref<64xi32, #tpu.memory_space<vmem>>
    %dma_start3A_464 = arith.constant 0 : i32
    %dma_start3A_465 = arith.constant 0 : i32
    %dma_start3A_466 = tpu.memref_slice %arg2[%dma_start3A_464, %dma_start3A_465] : memref<1000000x128xf32, #tpu.memory_space<hbm>> -> memref<1000000x128xf32, #tpu.memory_space<hbm>>
    tpu.enqueue_indirect_dma source(%dma_start3A_466 : memref<1000000x128xf32, #tpu.memory_space<hbm>>) target(%dma_start3A_461 : memref<64x128xf32, #tpu.memory_space<vmem>>) offsets(%dma_start3A_463 : memref<64xi32, #tpu.memory_space<vmem>>) semaphore(%arg22 : memref<!tpu.dma_semaphore, #tpu.memory_space<semaphore_mem>>)
    %dma_wait3A_467 = arith.constant 0 : i32
    %dma_wait3A_468 = arith.constant 0 : i32
    %dma_wait3A_469 = tpu.memref_slice %arg17[%dma_wait3A_467, %dma_wait3A_468] : memref<64x128xf32, #tpu.memory_space<vmem>> -> memref<64x128xf32, #tpu.memory_space<vmem>>
    %dma_wait3A_470 = arith.constant 320 : i32
    %dma_wait3A_471 = tpu.memref_slice %arg8[%dma_wait3A_470] : memref<512xi32, #tpu.memory_space<vmem>> -> memref<64xi32, #tpu.memory_space<vmem>>
    %dma_wait3A_472 = arith.constant 0 : i32
    %dma_wait3A_473 = arith.constant 0 : i32
    %dma_wait3A_474 = tpu.memref_slice %arg2[%dma_wait3A_472, %dma_wait3A_473] : memref<1000000x128xf32, #tpu.memory_space<hbm>> -> memref<1000000x128xf32, #tpu.memory_space<hbm>>
    tpu.wait_indirect_dma semaphore(%arg23 : memref<!tpu.dma_semaphore, #tpu.memory_space<semaphore_mem>>) src(%dma_wait3A_474 : memref<1000000x128xf32, #tpu.memory_space<hbm>>) dst(%dma_wait3A_469 : memref<64x128xf32, #tpu.memory_space<vmem>>)
    %dma_wait3A_475 = arith.constant 0 : i32
    %dma_wait3A_476 = arith.constant 0 : i32
    %dma_wait3A_477 = tpu.memref_slice %arg18[%dma_wait3A_475, %dma_wait3A_476] : memref<64x128xf32, #tpu.memory_space<vmem>> -> memref<64x128xf32, #tpu.memory_space<vmem>>
    %dma_wait3A_478 = arith.constant 320 : i32
    %dma_wait3A_479 = tpu.memref_slice %arg9[%dma_wait3A_478] : memref<512xi32, #tpu.memory_space<vmem>> -> memref<64xi32, #tpu.memory_space<vmem>>
    %dma_wait3A_480 = arith.constant 0 : i32
    %dma_wait3A_481 = arith.constant 0 : i32
    %dma_wait3A_482 = tpu.memref_slice %arg3[%dma_wait3A_480, %dma_wait3A_481] : memref<1000x128xf32, #tpu.memory_space<hbm>> -> memref<1000x128xf32, #tpu.memory_space<hbm>>
    tpu.wait_indirect_dma semaphore(%arg23 : memref<!tpu.dma_semaphore, #tpu.memory_space<semaphore_mem>>) src(%dma_wait3A_482 : memref<1000x128xf32, #tpu.memory_space<hbm>>) dst(%dma_wait3A_477 : memref<64x128xf32, #tpu.memory_space<vmem>>)
    %dma_wait3A_483 = arith.constant 0 : i32
    %dma_wait3A_484 = arith.constant 0 : i32
    %dma_wait3A_485 = tpu.memref_slice %arg19[%dma_wait3A_483, %dma_wait3A_484] : memref<64x128xf32, #tpu.memory_space<vmem>> -> memref<64x128xf32, #tpu.memory_space<vmem>>
    %dma_wait3A_486 = arith.constant 320 : i32
    %dma_wait3A_487 = tpu.memref_slice %arg10[%dma_wait3A_486] : memref<512xi32, #tpu.memory_space<vmem>> -> memref<64xi32, #tpu.memory_space<vmem>>
    %dma_wait3A_488 = arith.constant 0 : i32
    %dma_wait3A_489 = arith.constant 0 : i32
    %dma_wait3A_490 = tpu.memref_slice %arg2[%dma_wait3A_488, %dma_wait3A_489] : memref<1000000x128xf32, #tpu.memory_space<hbm>> -> memref<1000000x128xf32, #tpu.memory_space<hbm>>
    tpu.wait_indirect_dma semaphore(%arg23 : memref<!tpu.dma_semaphore, #tpu.memory_space<semaphore_mem>>) src(%dma_wait3A_490 : memref<1000000x128xf32, #tpu.memory_space<hbm>>) dst(%dma_wait3A_485 : memref<64x128xf32, #tpu.memory_space<vmem>>)
    %parallel_loop3A_491 = arith.constant 0 : i32
    %parallel_loop3A_492 = arith.constant 64 : i32
    %parallel_loop3A_493 = arith.constant 1 : i32
    scf.for %parallel_loop3A_548 = %parallel_loop3A_491 to %parallel_loop3A_492 step %parallel_loop3A_493  : i32 {
      %parallel_loop3A_549 = arith.index_cast %parallel_loop3A_548 : i32 to index
      %parallel_loop3A_550 = arith.constant 0 : index
      %parallel_loop3A_551 = tpu.vector_load %arg17[%parallel_loop3A_549, %parallel_loop3A_550] {strides = array<i32>} : memref<64x128xf32, #tpu.memory_space<vmem>>, vector<1x16xf32>,
      %parallel_loop3A_552 = vector.shape_cast %parallel_loop3A_551 : vector<1x16xf32> to vector<16xf32>
      %parallel_loop3A_553 = arith.index_cast %parallel_loop3A_548 : i32 to index
      %parallel_loop3A_554 = arith.constant 64 : index
      %parallel_loop3A_555 = tpu.vector_load %arg17[%parallel_loop3A_553, %parallel_loop3A_554] {strides = array<i32>} : memref<64x128xf32, #tpu.memory_space<vmem>>, vector<1x16xf32>,
      %parallel_loop3A_556 = vector.shape_cast %parallel_loop3A_555 : vector<1x16xf32> to vector<16xf32>
      %parallel_loop3A_557 = arith.index_cast %parallel_loop3A_548 : i32 to index
      %parallel_loop3A_558 = arith.constant 0 : index
      %parallel_loop3A_559 = tpu.vector_load %arg18[%parallel_loop3A_557, %parallel_loop3A_558] {strides = array<i32>} : memref<64x128xf32, #tpu.memory_space<vmem>>, vector<1x16xf32>,
      %parallel_loop3A_560 = vector.shape_cast %parallel_loop3A_559 : vector<1x16xf32> to vector<16xf32>
      %parallel_loop3A_561 = arith.index_cast %parallel_loop3A_548 : i32 to index
      %parallel_loop3A_562 = arith.constant 64 : index
      %parallel_loop3A_563 = tpu.vector_load %arg18[%parallel_loop3A_561, %parallel_loop3A_562] {strides = array<i32>} : memref<64x128xf32, #tpu.memory_space<vmem>>, vector<1x16xf32>,
      %parallel_loop3A_564 = vector.shape_cast %parallel_loop3A_563 : vector<1x16xf32> to vector<16xf32>
      %parallel_loop3A_565 = arith.index_cast %parallel_loop3A_548 : i32 to index
      %parallel_loop3A_566 = arith.constant 0 : index
      %parallel_loop3A_567 = tpu.vector_load %arg19[%parallel_loop3A_565, %parallel_loop3A_566] {strides = array<i32>} : memref<64x128xf32, #tpu.memory_space<vmem>>, vector<1x16xf32>,
      %parallel_loop3A_568 = vector.shape_cast %parallel_loop3A_567 : vector<1x16xf32> to vector<16xf32>
      %parallel_loop3A_569 = arith.index_cast %parallel_loop3A_548 : i32 to index
      %parallel_loop3A_570 = arith.constant 64 : index
      %parallel_loop3A_571 = tpu.vector_load %arg19[%parallel_loop3A_569, %parallel_loop3A_570] {strides = array<i32>} : memref<64x128xf32, #tpu.memory_space<vmem>>, vector<1x16xf32>,
      %parallel_loop3A_572 = vector.shape_cast %parallel_loop3A_571 : vector<1x16xf32> to vector<16xf32>
      %parallel_loop3A_573 = arith.mulf %parallel_loop3A_560, %parallel_loop3A_568 : vector<16xf32>
      %parallel_loop3A_574 = arith.mulf %parallel_loop3A_564, %parallel_loop3A_572 : vector<16xf32>
      %parallel_loop3A_575 = arith.addf %parallel_loop3A_573, %parallel_loop3A_574 : vector<16xf32>
      %parallel_loop3A_576 = arith.mulf %parallel_loop3A_552, %parallel_loop3A_575 : vector<16xf32>
      %parallel_loop3A_577 = arith.mulf %parallel_loop3A_560, %parallel_loop3A_572 : vector<16xf32>
      %parallel_loop3A_578 = arith.mulf %parallel_loop3A_564, %parallel_loop3A_568 : vector<16xf32>
      %parallel_loop3A_579 = arith.subf %parallel_loop3A_577, %parallel_loop3A_578 : vector<16xf32>
      %parallel_loop3A_580 = arith.mulf %parallel_loop3A_556, %parallel_loop3A_579 : vector<16xf32>
      %parallel_loop3A_581 = arith.addf %parallel_loop3A_576, %parallel_loop3A_580 : vector<16xf32>
      %parallel_loop3A_582 = arith.index_cast %parallel_loop3A_548 : i32 to index
      %parallel_loop3A_583 = arith.constant 16 : index
      %parallel_loop3A_584 = tpu.vector_load %arg17[%parallel_loop3A_582, %parallel_loop3A_583] {strides = array<i32>} : memref<64x128xf32, #tpu.memory_space<vmem>>, vector<1x16xf32>,
      %parallel_loop3A_585 = vector.shape_cast %parallel_loop3A_584 : vector<1x16xf32> to vector<16xf32>
      %parallel_loop3A_586 = arith.index_cast %parallel_loop3A_548 : i32 to index
      %parallel_loop3A_587 = arith.constant 80 : index
      %parallel_loop3A_588 = tpu.vector_load %arg17[%parallel_loop3A_586, %parallel_loop3A_587] {strides = array<i32>} : memref<64x128xf32, #tpu.memory_space<vmem>>, vector<1x16xf32>,
      %parallel_loop3A_589 = vector.shape_cast %parallel_loop3A_588 : vector<1x16xf32> to vector<16xf32>
      %parallel_loop3A_590 = arith.index_cast %parallel_loop3A_548 : i32 to index
      %parallel_loop3A_591 = arith.constant 16 : index
      %parallel_loop3A_592 = tpu.vector_load %arg18[%parallel_loop3A_590, %parallel_loop3A_591] {strides = array<i32>} : memref<64x128xf32, #tpu.memory_space<vmem>>, vector<1x16xf32>,
      %parallel_loop3A_593 = vector.shape_cast %parallel_loop3A_592 : vector<1x16xf32> to vector<16xf32>
      %parallel_loop3A_594 = arith.index_cast %parallel_loop3A_548 : i32 to index
      %parallel_loop3A_595 = arith.constant 80 : index
      %parallel_loop3A_596 = tpu.vector_load %arg18[%parallel_loop3A_594, %parallel_loop3A_595] {strides = array<i32>} : memref<64x128xf32, #tpu.memory_space<vmem>>, vector<1x16xf32>,
      %parallel_loop3A_597 = vector.shape_cast %parallel_loop3A_596 : vector<1x16xf32> to vector<16xf32>
      %parallel_loop3A_598 = arith.index_cast %parallel_loop3A_548 : i32 to index
      %parallel_loop3A_599 = arith.constant 16 : index
      %parallel_loop3A_600 = tpu.vector_load %arg19[%parallel_loop3A_598, %parallel_loop3A_599] {strides = array<i32>} : memref<64x128xf32, #tpu.memory_space<vmem>>, vector<1x16xf32>,
      %parallel_loop3A_601 = vector.shape_cast %parallel_loop3A_600 : vector<1x16xf32> to vector<16xf32>
      %parallel_loop3A_602 = arith.index_cast %parallel_loop3A_548 : i32 to index
      %parallel_loop3A_603 = arith.constant 80 : index
      %parallel_loop3A_604 = tpu.vector_load %arg19[%parallel_loop3A_602, %parallel_loop3A_603] {strides = array<i32>} : memref<64x128xf32, #tpu.memory_space<vmem>>, vector<1x16xf32>,
      %parallel_loop3A_605 = vector.shape_cast %parallel_loop3A_604 : vector<1x16xf32> to vector<16xf32>
      %parallel_loop3A_606 = arith.mulf %parallel_loop3A_593, %parallel_loop3A_601 : vector<16xf32>
      %parallel_loop3A_607 = arith.mulf %parallel_loop3A_597, %parallel_loop3A_605 : vector<16xf32>
      %parallel_loop3A_608 = arith.addf %parallel_loop3A_606, %parallel_loop3A_607 : vector<16xf32>
      %parallel_loop3A_609 = arith.mulf %parallel_loop3A_585, %parallel_loop3A_608 : vector<16xf32>
      %parallel_loop3A_610 = arith.mulf %parallel_loop3A_593, %parallel_loop3A_605 : vector<16xf32>
      %parallel_loop3A_611 = arith.mulf %parallel_loop3A_597, %parallel_loop3A_601 : vector<16xf32>
      %parallel_loop3A_612 = arith.subf %parallel_loop3A_610, %parallel_loop3A_611 : vector<16xf32>
      %parallel_loop3A_613 = arith.mulf %parallel_loop3A_589, %parallel_loop3A_612 : vector<16xf32>
      %parallel_loop3A_614 = arith.addf %parallel_loop3A_609, %parallel_loop3A_613 : vector<16xf32>
      %parallel_loop3A_615 = arith.index_cast %parallel_loop3A_548 : i32 to index
      %parallel_loop3A_616 = arith.constant 32 : index
      %parallel_loop3A_617 = tpu.vector_load %arg17[%parallel_loop3A_615, %parallel_loop3A_616] {strides = array<i32>} : memref<64x128xf32, #tpu.memory_space<vmem>>, vector<1x16xf32>,
      %parallel_loop3A_618 = vector.shape_cast %parallel_loop3A_617 : vector<1x16xf32> to vector<16xf32>
      %parallel_loop3A_619 = arith.index_cast %parallel_loop3A_548 : i32 to index
      %parallel_loop3A_620 = arith.constant 96 : index
      %parallel_loop3A_621 = tpu.vector_load %arg17[%parallel_loop3A_619, %parallel_loop3A_620] {strides = array<i32>} : memref<64x128xf32, #tpu.memory_space<vmem>>, vector<1x16xf32>,
      %parallel_loop3A_622 = vector.shape_cast %parallel_loop3A_621 : vector<1x16xf32> to vector<16xf32>
      %parallel_loop3A_623 = arith.index_cast %parallel_loop3A_548 : i32 to index
      %parallel_loop3A_624 = arith.constant 32 : index
      %parallel_loop3A_625 = tpu.vector_load %arg18[%parallel_loop3A_623, %parallel_loop3A_624] {strides = array<i32>} : memref<64x128xf32, #tpu.memory_space<vmem>>, vector<1x16xf32>,
      %parallel_loop3A_626 = vector.shape_cast %parallel_loop3A_625 : vector<1x16xf32> to vector<16xf32>
      %parallel_loop3A_627 = arith.index_cast %parallel_loop3A_548 : i32 to index
      %parallel_loop3A_628 = arith.constant 96 : index
      %parallel_loop3A_629 = tpu.vector_load %arg18[%parallel_loop3A_627, %parallel_loop3A_628] {strides = array<i32>} : memref<64x128xf32, #tpu.memory_space<vmem>>, vector<1x16xf32>,
      %parallel_loop3A_630 = vector.shape_cast %parallel_loop3A_629 : vector<1x16xf32> to vector<16xf32>
      %parallel_loop3A_631 = arith.index_cast %parallel_loop3A_548 : i32 to index
      %parallel_loop3A_632 = arith.constant 32 : index
      %parallel_loop3A_633 = tpu.vector_load %arg19[%parallel_loop3A_631, %parallel_loop3A_632] {strides = array<i32>} : memref<64x128xf32, #tpu.memory_space<vmem>>, vector<1x16xf32>,
      %parallel_loop3A_634 = vector.shape_cast %parallel_loop3A_633 : vector<1x16xf32> to vector<16xf32>
      %parallel_loop3A_635 = arith.index_cast %parallel_loop3A_548 : i32 to index
      %parallel_loop3A_636 = arith.constant 96 : index
      %parallel_loop3A_637 = tpu.vector_load %arg19[%parallel_loop3A_635, %parallel_loop3A_636] {strides = array<i32>} : memref<64x128xf32, #tpu.memory_space<vmem>>, vector<1x16xf32>,
      %parallel_loop3A_638 = vector.shape_cast %parallel_loop3A_637 : vector<1x16xf32> to vector<16xf32>
      %parallel_loop3A_639 = arith.mulf %parallel_loop3A_626, %parallel_loop3A_634 : vector<16xf32>
      %parallel_loop3A_640 = arith.mulf %parallel_loop3A_630, %parallel_loop3A_638 : vector<16xf32>
      %parallel_loop3A_641 = arith.addf %parallel_loop3A_639, %parallel_loop3A_640 : vector<16xf32>
      %parallel_loop3A_642 = arith.mulf %parallel_loop3A_618, %parallel_loop3A_641 : vector<16xf32>
      %parallel_loop3A_643 = arith.mulf %parallel_loop3A_626, %parallel_loop3A_638 : vector<16xf32>
      %parallel_loop3A_644 = arith.mulf %parallel_loop3A_630, %parallel_loop3A_634 : vector<16xf32>
      %parallel_loop3A_645 = arith.subf %parallel_loop3A_643, %parallel_loop3A_644 : vector<16xf32>
      %parallel_loop3A_646 = arith.mulf %parallel_loop3A_622, %parallel_loop3A_645 : vector<16xf32>
      %parallel_loop3A_647 = arith.addf %parallel_loop3A_642, %parallel_loop3A_646 : vector<16xf32>
      %parallel_loop3A_648 = arith.index_cast %parallel_loop3A_548 : i32 to index
      %parallel_loop3A_649 = arith.constant 48 : index
      %parallel_loop3A_650 = tpu.vector_load %arg17[%parallel_loop3A_648, %parallel_loop3A_649] {strides = array<i32>} : memref<64x128xf32, #tpu.memory_space<vmem>>, vector<1x16xf32>,
      %parallel_loop3A_651 = vector.shape_cast %parallel_loop3A_650 : vector<1x16xf32> to vector<16xf32>
      %parallel_loop3A_652 = arith.index_cast %parallel_loop3A_548 : i32 to index
      %parallel_loop3A_653 = arith.constant 112 : index
      %parallel_loop3A_654 = tpu.vector_load %arg17[%parallel_loop3A_652, %parallel_loop3A_653] {strides = array<i32>} : memref<64x128xf32, #tpu.memory_space<vmem>>, vector<1x16xf32>,
      %parallel_loop3A_655 = vector.shape_cast %parallel_loop3A_654 : vector<1x16xf32> to vector<16xf32>
      %parallel_loop3A_656 = arith.index_cast %parallel_loop3A_548 : i32 to index
      %parallel_loop3A_657 = arith.constant 48 : index
      %parallel_loop3A_658 = tpu.vector_load %arg18[%parallel_loop3A_656, %parallel_loop3A_657] {strides = array<i32>} : memref<64x128xf32, #tpu.memory_space<vmem>>, vector<1x16xf32>,
      %parallel_loop3A_659 = vector.shape_cast %parallel_loop3A_658 : vector<1x16xf32> to vector<16xf32>
      %parallel_loop3A_660 = arith.index_cast %parallel_loop3A_548 : i32 to index
      %parallel_loop3A_661 = arith.constant 112 : index
      %parallel_loop3A_662 = tpu.vector_load %arg18[%parallel_loop3A_660, %parallel_loop3A_661] {strides = array<i32>} : memref<64x128xf32, #tpu.memory_space<vmem>>, vector<1x16xf32>,
      %parallel_loop3A_663 = vector.shape_cast %parallel_loop3A_662 : vector<1x16xf32> to vector<16xf32>
      %parallel_loop3A_664 = arith.index_cast %parallel_loop3A_548 : i32 to index
      %parallel_loop3A_665 = arith.constant 48 : index
      %parallel_loop3A_666 = tpu.vector_load %arg19[%parallel_loop3A_664, %parallel_loop3A_665] {strides = array<i32>} : memref<64x128xf32, #tpu.memory_space<vmem>>, vector<1x16xf32>,
      %parallel_loop3A_667 = vector.shape_cast %parallel_loop3A_666 : vector<1x16xf32> to vector<16xf32>
      %parallel_loop3A_668 = arith.index_cast %parallel_loop3A_548 : i32 to index
      %parallel_loop3A_669 = arith.constant 112 : index
      %parallel_loop3A_670 = tpu.vector_load %arg19[%parallel_loop3A_668, %parallel_loop3A_669] {strides = array<i32>} : memref<64x128xf32, #tpu.memory_space<vmem>>, vector<1x16xf32>,
      %parallel_loop3A_671 = vector.shape_cast %parallel_loop3A_670 : vector<1x16xf32> to vector<16xf32>
      %parallel_loop3A_672 = arith.mulf %parallel_loop3A_659, %parallel_loop3A_667 : vector<16xf32>
      %parallel_loop3A_673 = arith.mulf %parallel_loop3A_663, %parallel_loop3A_671 : vector<16xf32>
      %parallel_loop3A_674 = arith.addf %parallel_loop3A_672, %parallel_loop3A_673 : vector<16xf32>
      %parallel_loop3A_675 = arith.mulf %parallel_loop3A_651, %parallel_loop3A_674 : vector<16xf32>
      %parallel_loop3A_676 = arith.mulf %parallel_loop3A_659, %parallel_loop3A_671 : vector<16xf32>
      %parallel_loop3A_677 = arith.mulf %parallel_loop3A_663, %parallel_loop3A_667 : vector<16xf32>
      %parallel_loop3A_678 = arith.subf %parallel_loop3A_676, %parallel_loop3A_677 : vector<16xf32>
      %parallel_loop3A_679 = arith.mulf %parallel_loop3A_655, %parallel_loop3A_678 : vector<16xf32>
      %parallel_loop3A_680 = arith.addf %parallel_loop3A_675, %parallel_loop3A_679 : vector<16xf32>
      %parallel_loop3A_681 = arith.addf %parallel_loop3A_581, %parallel_loop3A_614 : vector<16xf32>
      %parallel_loop3A_682 = arith.addf %parallel_loop3A_647, %parallel_loop3A_680 : vector<16xf32>
      %parallel_loop3A_683 = arith.addf %parallel_loop3A_681, %parallel_loop3A_682 : vector<16xf32>
      %parallel_loop3A_684 = arith.constant 8 : i32
      %parallel_loop3A_685 = vector.broadcast %parallel_loop3A_684 : i32 to vector<16xi32>
      %parallel_loop3A_686 = arith.xori %iota3A, %parallel_loop3A_685 : vector<16xi32>
      %parallel_loop3A_687 = vector.shape_cast %parallel_loop3A_686 : vector<16xi32> to vector<16x1xi32>
      %parallel_loop3A_688 = vector.shape_cast %parallel_loop3A_687 : vector<16x1xi32> to vector<16xi32>
      %parallel_loop3A_689 = tpu.dynamic_gather %parallel_loop3A_683[%parallel_loop3A_688] in [0] : vector<16xf32>, vector<16xi32> -> vector<16xf32>
      %parallel_loop3A_690 = arith.addf %parallel_loop3A_683, %parallel_loop3A_689 : vector<16xf32>
      %parallel_loop3A_691 = arith.constant 4 : i32
      %parallel_loop3A_692 = vector.broadcast %parallel_loop3A_691 : i32 to vector<16xi32>
      %parallel_loop3A_693 = arith.xori %iota3A, %parallel_loop3A_692 : vector<16xi32>
      %parallel_loop3A_694 = vector.shape_cast %parallel_loop3A_693 : vector<16xi32> to vector<16x1xi32>
      %parallel_loop3A_695 = vector.shape_cast %parallel_loop3A_694 : vector<16x1xi32> to vector<16xi32>
      %parallel_loop3A_696 = tpu.dynamic_gather %parallel_loop3A_690[%parallel_loop3A_695] in [0] : vector<16xf32>, vector<16xi32> -> vector<16xf32>
      %parallel_loop3A_697 = arith.addf %parallel_loop3A_690, %parallel_loop3A_696 : vector<16xf32>
      %parallel_loop3A_698 = arith.constant 2 : i32
      %parallel_loop3A_699 = vector.broadcast %parallel_loop3A_698 : i32 to vector<16xi32>
      %parallel_loop3A_700 = arith.xori %iota3A, %parallel_loop3A_699 : vector<16xi32>
      %parallel_loop3A_701 = vector.shape_cast %parallel_loop3A_700 : vector<16xi32> to vector<16x1xi32>
      %parallel_loop3A_702 = vector.shape_cast %parallel_loop3A_701 : vector<16x1xi32> to vector<16xi32>
      %parallel_loop3A_703 = tpu.dynamic_gather %parallel_loop3A_697[%parallel_loop3A_702] in [0] : vector<16xf32>, vector<16xi32> -> vector<16xf32>
      %parallel_loop3A_704 = arith.addf %parallel_loop3A_697, %parallel_loop3A_703 : vector<16xf32>
      %parallel_loop3A_705 = arith.constant 1 : i32
      %parallel_loop3A_706 = vector.broadcast %parallel_loop3A_705 : i32 to vector<16xi32>
      %parallel_loop3A_707 = arith.xori %iota3A, %parallel_loop3A_706 : vector<16xi32>
      %parallel_loop3A_708 = vector.shape_cast %parallel_loop3A_707 : vector<16xi32> to vector<16x1xi32>
      %parallel_loop3A_709 = vector.shape_cast %parallel_loop3A_708 : vector<16x1xi32> to vector<16xi32>
      %parallel_loop3A_710 = tpu.dynamic_gather %parallel_loop3A_704[%parallel_loop3A_709] in [0] : vector<16xf32>, vector<16xi32> -> vector<16xf32>
      %parallel_loop3A_711 = arith.addf %parallel_loop3A_704, %parallel_loop3A_710 : vector<16xf32>
      %parallel_loop3A_712 = arith.constant 15 : i32
      %parallel_loop3A_713 = arith.andi %parallel_loop3A_548, %parallel_loop3A_712 : i32
      %parallel_loop3A_714 = vector.broadcast %parallel_loop3A_713 : i32 to vector<16xi32>
      %parallel_loop3A_715 = arith.cmpi eq, %iota3A, %parallel_loop3A_714 : vector<16xi32>
      %parallel_loop3A_716 = arith.constant 0.000000e+00 : f32
      %parallel_loop3A_717 = vector.broadcast %parallel_loop3A_716 : f32 to vector<16xf32>
      %parallel_loop3A_718 = arith.select %parallel_loop3A_715, %parallel_loop3A_711, %parallel_loop3A_717 : vector<16xi1>, vector<16xf32>
      %parallel_loop3A_719 = arith.constant -16 : i32
      %parallel_loop3A_720 = arith.andi %parallel_loop3A_548, %parallel_loop3A_719 : i32
      %parallel_loop3A_721 = arith.constant 320 : i32
      %parallel_loop3A_722 = arith.addi %parallel_loop3A_721, %parallel_loop3A_720 : i32
      %parallel_loop3A_723 = tpu.assume_multiple %parallel_loop3A_722, 16 : i32
      %parallel_loop3A_724 = arith.index_cast %parallel_loop3A_723 : i32 to index
      %parallel_loop3A_725 = tpu.vector_load %arg20[%parallel_loop3A_724] {strides = array<i32>} : memref<512xf32, #tpu.memory_space<vmem>>, vector<16xf32>,
      %parallel_loop3A_726 = vector.shape_cast %parallel_loop3A_725 : vector<16xf32> to vector<16xf32>
      %parallel_loop3A_727 = vector.shape_cast %parallel_loop3A_718 : vector<16xf32> to vector<16xf32>
      tpu.vector_store %arg20[%parallel_loop3A_724], %parallel_loop3A_727 {add = true, strides = array<i32>} : memref<512xf32, #tpu.memory_space<vmem>>, vector<16xf32>,
    } {sc.loop_unroll_factor = 2 : i64, sc.parallel_access}
    %dma_wait3A_494 = arith.constant 0 : i32
    %dma_wait3A_495 = arith.constant 0 : i32
    %dma_wait3A_496 = tpu.memref_slice %arg11[%dma_wait3A_494, %dma_wait3A_495] : memref<64x128xf32, #tpu.memory_space<vmem>> -> memref<64x128xf32, #tpu.memory_space<vmem>>
    %dma_wait3A_497 = arith.constant 384 : i32
    %dma_wait3A_498 = tpu.memref_slice %arg8[%dma_wait3A_497] : memref<512xi32, #tpu.memory_space<vmem>> -> memref<64xi32, #tpu.memory_space<vmem>>
    %dma_wait3A_499 = arith.constant 0 : i32
    %dma_wait3A_500 = arith.constant 0 : i32
    %dma_wait3A_501 = tpu.memref_slice %arg2[%dma_wait3A_499, %dma_wait3A_500] : memref<1000000x128xf32, #tpu.memory_space<hbm>> -> memref<1000000x128xf32, #tpu.memory_space<hbm>>
    tpu.wait_indirect_dma semaphore(%arg21 : memref<!tpu.dma_semaphore, #tpu.memory_space<semaphore_mem>>) src(%dma_wait3A_501 : memref<1000000x128xf32, #tpu.memory_space<hbm>>) dst(%dma_wait3A_496 : memref<64x128xf32, #tpu.memory_space<vmem>>)
    %dma_wait3A_502 = arith.constant 0 : i32
    %dma_wait3A_503 = arith.constant 0 : i32
    %dma_wait3A_504 = tpu.memref_slice %arg12[%dma_wait3A_502, %dma_wait3A_503] : memref<64x128xf32, #tpu.memory_space<vmem>> -> memref<64x128xf32, #tpu.memory_space<vmem>>
    %dma_wait3A_505 = arith.constant 384 : i32
    %dma_wait3A_506 = tpu.memref_slice %arg9[%dma_wait3A_505] : memref<512xi32, #tpu.memory_space<vmem>> -> memref<64xi32, #tpu.memory_space<vmem>>
    %dma_wait3A_507 = arith.constant 0 : i32
    %dma_wait3A_508 = arith.constant 0 : i32
    %dma_wait3A_509 = tpu.memref_slice %arg3[%dma_wait3A_507, %dma_wait3A_508] : memref<1000x128xf32, #tpu.memory_space<hbm>> -> memref<1000x128xf32, #tpu.memory_space<hbm>>
    tpu.wait_indirect_dma semaphore(%arg21 : memref<!tpu.dma_semaphore, #tpu.memory_space<semaphore_mem>>) src(%dma_wait3A_509 : memref<1000x128xf32, #tpu.memory_space<hbm>>) dst(%dma_wait3A_504 : memref<64x128xf32, #tpu.memory_space<vmem>>)
    %dma_wait3A_510 = arith.constant 0 : i32
    %dma_wait3A_511 = arith.constant 0 : i32
    %dma_wait3A_512 = tpu.memref_slice %arg13[%dma_wait3A_510, %dma_wait3A_511] : memref<64x128xf32, #tpu.memory_space<vmem>> -> memref<64x128xf32, #tpu.memory_space<vmem>>
    %dma_wait3A_513 = arith.constant 384 : i32
    %dma_wait3A_514 = tpu.memref_slice %arg10[%dma_wait3A_513] : memref<512xi32, #tpu.memory_space<vmem>> -> memref<64xi32, #tpu.memory_space<vmem>>
    %dma_wait3A_515 = arith.constant 0 : i32
    %dma_wait3A_516 = arith.constant 0 : i32
    %dma_wait3A_517 = tpu.memref_slice %arg2[%dma_wait3A_515, %dma_wait3A_516] : memref<1000000x128xf32, #tpu.memory_space<hbm>> -> memref<1000000x128xf32, #tpu.memory_space<hbm>>
    tpu.wait_indirect_dma semaphore(%arg21 : memref<!tpu.dma_semaphore, #tpu.memory_space<semaphore_mem>>) src(%dma_wait3A_517 : memref<1000000x128xf32, #tpu.memory_space<hbm>>) dst(%dma_wait3A_512 : memref<64x128xf32, #tpu.memory_space<vmem>>)
    %parallel_loop3A_518 = arith.constant 0 : i32
    %parallel_loop3A_519 = arith.constant 64 : i32
    %parallel_loop3A_520 = arith.constant 1 : i32
    scf.for %parallel_loop3A_548 = %parallel_loop3A_518 to %parallel_loop3A_519 step %parallel_loop3A_520  : i32 {
      %parallel_loop3A_549 = arith.index_cast %parallel_loop3A_548 : i32 to index
      %parallel_loop3A_550 = arith.constant 0 : index
      %parallel_loop3A_551 = tpu.vector_load %arg11[%parallel_loop3A_549, %parallel_loop3A_550] {strides = array<i32>} : memref<64x128xf32, #tpu.memory_space<vmem>>, vector<1x16xf32>,
      %parallel_loop3A_552 = vector.shape_cast %parallel_loop3A_551 : vector<1x16xf32> to vector<16xf32>
      %parallel_loop3A_553 = arith.index_cast %parallel_loop3A_548 : i32 to index
      %parallel_loop3A_554 = arith.constant 64 : index
      %parallel_loop3A_555 = tpu.vector_load %arg11[%parallel_loop3A_553, %parallel_loop3A_554] {strides = array<i32>} : memref<64x128xf32, #tpu.memory_space<vmem>>, vector<1x16xf32>,
      %parallel_loop3A_556 = vector.shape_cast %parallel_loop3A_555 : vector<1x16xf32> to vector<16xf32>
      %parallel_loop3A_557 = arith.index_cast %parallel_loop3A_548 : i32 to index
      %parallel_loop3A_558 = arith.constant 0 : index
      %parallel_loop3A_559 = tpu.vector_load %arg12[%parallel_loop3A_557, %parallel_loop3A_558] {strides = array<i32>} : memref<64x128xf32, #tpu.memory_space<vmem>>, vector<1x16xf32>,
      %parallel_loop3A_560 = vector.shape_cast %parallel_loop3A_559 : vector<1x16xf32> to vector<16xf32>
      %parallel_loop3A_561 = arith.index_cast %parallel_loop3A_548 : i32 to index
      %parallel_loop3A_562 = arith.constant 64 : index
      %parallel_loop3A_563 = tpu.vector_load %arg12[%parallel_loop3A_561, %parallel_loop3A_562] {strides = array<i32>} : memref<64x128xf32, #tpu.memory_space<vmem>>, vector<1x16xf32>,
      %parallel_loop3A_564 = vector.shape_cast %parallel_loop3A_563 : vector<1x16xf32> to vector<16xf32>
      %parallel_loop3A_565 = arith.index_cast %parallel_loop3A_548 : i32 to index
      %parallel_loop3A_566 = arith.constant 0 : index
      %parallel_loop3A_567 = tpu.vector_load %arg13[%parallel_loop3A_565, %parallel_loop3A_566] {strides = array<i32>} : memref<64x128xf32, #tpu.memory_space<vmem>>, vector<1x16xf32>,
      %parallel_loop3A_568 = vector.shape_cast %parallel_loop3A_567 : vector<1x16xf32> to vector<16xf32>
      %parallel_loop3A_569 = arith.index_cast %parallel_loop3A_548 : i32 to index
      %parallel_loop3A_570 = arith.constant 64 : index
      %parallel_loop3A_571 = tpu.vector_load %arg13[%parallel_loop3A_569, %parallel_loop3A_570] {strides = array<i32>} : memref<64x128xf32, #tpu.memory_space<vmem>>, vector<1x16xf32>,
      %parallel_loop3A_572 = vector.shape_cast %parallel_loop3A_571 : vector<1x16xf32> to vector<16xf32>
      %parallel_loop3A_573 = arith.mulf %parallel_loop3A_560, %parallel_loop3A_568 : vector<16xf32>
      %parallel_loop3A_574 = arith.mulf %parallel_loop3A_564, %parallel_loop3A_572 : vector<16xf32>
      %parallel_loop3A_575 = arith.addf %parallel_loop3A_573, %parallel_loop3A_574 : vector<16xf32>
      %parallel_loop3A_576 = arith.mulf %parallel_loop3A_552, %parallel_loop3A_575 : vector<16xf32>
      %parallel_loop3A_577 = arith.mulf %parallel_loop3A_560, %parallel_loop3A_572 : vector<16xf32>
      %parallel_loop3A_578 = arith.mulf %parallel_loop3A_564, %parallel_loop3A_568 : vector<16xf32>
      %parallel_loop3A_579 = arith.subf %parallel_loop3A_577, %parallel_loop3A_578 : vector<16xf32>
      %parallel_loop3A_580 = arith.mulf %parallel_loop3A_556, %parallel_loop3A_579 : vector<16xf32>
      %parallel_loop3A_581 = arith.addf %parallel_loop3A_576, %parallel_loop3A_580 : vector<16xf32>
      %parallel_loop3A_582 = arith.index_cast %parallel_loop3A_548 : i32 to index
      %parallel_loop3A_583 = arith.constant 16 : index
      %parallel_loop3A_584 = tpu.vector_load %arg11[%parallel_loop3A_582, %parallel_loop3A_583] {strides = array<i32>} : memref<64x128xf32, #tpu.memory_space<vmem>>, vector<1x16xf32>,
      %parallel_loop3A_585 = vector.shape_cast %parallel_loop3A_584 : vector<1x16xf32> to vector<16xf32>
      %parallel_loop3A_586 = arith.index_cast %parallel_loop3A_548 : i32 to index
      %parallel_loop3A_587 = arith.constant 80 : index
      %parallel_loop3A_588 = tpu.vector_load %arg11[%parallel_loop3A_586, %parallel_loop3A_587] {strides = array<i32>} : memref<64x128xf32, #tpu.memory_space<vmem>>, vector<1x16xf32>,
      %parallel_loop3A_589 = vector.shape_cast %parallel_loop3A_588 : vector<1x16xf32> to vector<16xf32>
      %parallel_loop3A_590 = arith.index_cast %parallel_loop3A_548 : i32 to index
      %parallel_loop3A_591 = arith.constant 16 : index
      %parallel_loop3A_592 = tpu.vector_load %arg12[%parallel_loop3A_590, %parallel_loop3A_591] {strides = array<i32>} : memref<64x128xf32, #tpu.memory_space<vmem>>, vector<1x16xf32>,
      %parallel_loop3A_593 = vector.shape_cast %parallel_loop3A_592 : vector<1x16xf32> to vector<16xf32>
      %parallel_loop3A_594 = arith.index_cast %parallel_loop3A_548 : i32 to index
      %parallel_loop3A_595 = arith.constant 80 : index
      %parallel_loop3A_596 = tpu.vector_load %arg12[%parallel_loop3A_594, %parallel_loop3A_595] {strides = array<i32>} : memref<64x128xf32, #tpu.memory_space<vmem>>, vector<1x16xf32>,
      %parallel_loop3A_597 = vector.shape_cast %parallel_loop3A_596 : vector<1x16xf32> to vector<16xf32>
      %parallel_loop3A_598 = arith.index_cast %parallel_loop3A_548 : i32 to index
      %parallel_loop3A_599 = arith.constant 16 : index
      %parallel_loop3A_600 = tpu.vector_load %arg13[%parallel_loop3A_598, %parallel_loop3A_599] {strides = array<i32>} : memref<64x128xf32, #tpu.memory_space<vmem>>, vector<1x16xf32>,
      %parallel_loop3A_601 = vector.shape_cast %parallel_loop3A_600 : vector<1x16xf32> to vector<16xf32>
      %parallel_loop3A_602 = arith.index_cast %parallel_loop3A_548 : i32 to index
      %parallel_loop3A_603 = arith.constant 80 : index
      %parallel_loop3A_604 = tpu.vector_load %arg13[%parallel_loop3A_602, %parallel_loop3A_603] {strides = array<i32>} : memref<64x128xf32, #tpu.memory_space<vmem>>, vector<1x16xf32>,
      %parallel_loop3A_605 = vector.shape_cast %parallel_loop3A_604 : vector<1x16xf32> to vector<16xf32>
      %parallel_loop3A_606 = arith.mulf %parallel_loop3A_593, %parallel_loop3A_601 : vector<16xf32>
      %parallel_loop3A_607 = arith.mulf %parallel_loop3A_597, %parallel_loop3A_605 : vector<16xf32>
      %parallel_loop3A_608 = arith.addf %parallel_loop3A_606, %parallel_loop3A_607 : vector<16xf32>
      %parallel_loop3A_609 = arith.mulf %parallel_loop3A_585, %parallel_loop3A_608 : vector<16xf32>
      %parallel_loop3A_610 = arith.mulf %parallel_loop3A_593, %parallel_loop3A_605 : vector<16xf32>
      %parallel_loop3A_611 = arith.mulf %parallel_loop3A_597, %parallel_loop3A_601 : vector<16xf32>
      %parallel_loop3A_612 = arith.subf %parallel_loop3A_610, %parallel_loop3A_611 : vector<16xf32>
      %parallel_loop3A_613 = arith.mulf %parallel_loop3A_589, %parallel_loop3A_612 : vector<16xf32>
      %parallel_loop3A_614 = arith.addf %parallel_loop3A_609, %parallel_loop3A_613 : vector<16xf32>
      %parallel_loop3A_615 = arith.index_cast %parallel_loop3A_548 : i32 to index
      %parallel_loop3A_616 = arith.constant 32 : index
      %parallel_loop3A_617 = tpu.vector_load %arg11[%parallel_loop3A_615, %parallel_loop3A_616] {strides = array<i32>} : memref<64x128xf32, #tpu.memory_space<vmem>>, vector<1x16xf32>,
      %parallel_loop3A_618 = vector.shape_cast %parallel_loop3A_617 : vector<1x16xf32> to vector<16xf32>
      %parallel_loop3A_619 = arith.index_cast %parallel_loop3A_548 : i32 to index
      %parallel_loop3A_620 = arith.constant 96 : index
      %parallel_loop3A_621 = tpu.vector_load %arg11[%parallel_loop3A_619, %parallel_loop3A_620] {strides = array<i32>} : memref<64x128xf32, #tpu.memory_space<vmem>>, vector<1x16xf32>,
      %parallel_loop3A_622 = vector.shape_cast %parallel_loop3A_621 : vector<1x16xf32> to vector<16xf32>
      %parallel_loop3A_623 = arith.index_cast %parallel_loop3A_548 : i32 to index
      %parallel_loop3A_624 = arith.constant 32 : index
      %parallel_loop3A_625 = tpu.vector_load %arg12[%parallel_loop3A_623, %parallel_loop3A_624] {strides = array<i32>} : memref<64x128xf32, #tpu.memory_space<vmem>>, vector<1x16xf32>,
      %parallel_loop3A_626 = vector.shape_cast %parallel_loop3A_625 : vector<1x16xf32> to vector<16xf32>
      %parallel_loop3A_627 = arith.index_cast %parallel_loop3A_548 : i32 to index
      %parallel_loop3A_628 = arith.constant 96 : index
      %parallel_loop3A_629 = tpu.vector_load %arg12[%parallel_loop3A_627, %parallel_loop3A_628] {strides = array<i32>} : memref<64x128xf32, #tpu.memory_space<vmem>>, vector<1x16xf32>,
      %parallel_loop3A_630 = vector.shape_cast %parallel_loop3A_629 : vector<1x16xf32> to vector<16xf32>
      %parallel_loop3A_631 = arith.index_cast %parallel_loop3A_548 : i32 to index
      %parallel_loop3A_632 = arith.constant 32 : index
      %parallel_loop3A_633 = tpu.vector_load %arg13[%parallel_loop3A_631, %parallel_loop3A_632] {strides = array<i32>} : memref<64x128xf32, #tpu.memory_space<vmem>>, vector<1x16xf32>,
      %parallel_loop3A_634 = vector.shape_cast %parallel_loop3A_633 : vector<1x16xf32> to vector<16xf32>
      %parallel_loop3A_635 = arith.index_cast %parallel_loop3A_548 : i32 to index
      %parallel_loop3A_636 = arith.constant 96 : index
      %parallel_loop3A_637 = tpu.vector_load %arg13[%parallel_loop3A_635, %parallel_loop3A_636] {strides = array<i32>} : memref<64x128xf32, #tpu.memory_space<vmem>>, vector<1x16xf32>,
      %parallel_loop3A_638 = vector.shape_cast %parallel_loop3A_637 : vector<1x16xf32> to vector<16xf32>
      %parallel_loop3A_639 = arith.mulf %parallel_loop3A_626, %parallel_loop3A_634 : vector<16xf32>
      %parallel_loop3A_640 = arith.mulf %parallel_loop3A_630, %parallel_loop3A_638 : vector<16xf32>
      %parallel_loop3A_641 = arith.addf %parallel_loop3A_639, %parallel_loop3A_640 : vector<16xf32>
      %parallel_loop3A_642 = arith.mulf %parallel_loop3A_618, %parallel_loop3A_641 : vector<16xf32>
      %parallel_loop3A_643 = arith.mulf %parallel_loop3A_626, %parallel_loop3A_638 : vector<16xf32>
      %parallel_loop3A_644 = arith.mulf %parallel_loop3A_630, %parallel_loop3A_634 : vector<16xf32>
      %parallel_loop3A_645 = arith.subf %parallel_loop3A_643, %parallel_loop3A_644 : vector<16xf32>
      %parallel_loop3A_646 = arith.mulf %parallel_loop3A_622, %parallel_loop3A_645 : vector<16xf32>
      %parallel_loop3A_647 = arith.addf %parallel_loop3A_642, %parallel_loop3A_646 : vector<16xf32>
      %parallel_loop3A_648 = arith.index_cast %parallel_loop3A_548 : i32 to index
      %parallel_loop3A_649 = arith.constant 48 : index
      %parallel_loop3A_650 = tpu.vector_load %arg11[%parallel_loop3A_648, %parallel_loop3A_649] {strides = array<i32>} : memref<64x128xf32, #tpu.memory_space<vmem>>, vector<1x16xf32>,
      %parallel_loop3A_651 = vector.shape_cast %parallel_loop3A_650 : vector<1x16xf32> to vector<16xf32>
      %parallel_loop3A_652 = arith.index_cast %parallel_loop3A_548 : i32 to index
      %parallel_loop3A_653 = arith.constant 112 : index
      %parallel_loop3A_654 = tpu.vector_load %arg11[%parallel_loop3A_652, %parallel_loop3A_653] {strides = array<i32>} : memref<64x128xf32, #tpu.memory_space<vmem>>, vector<1x16xf32>,
      %parallel_loop3A_655 = vector.shape_cast %parallel_loop3A_654 : vector<1x16xf32> to vector<16xf32>
      %parallel_loop3A_656 = arith.index_cast %parallel_loop3A_548 : i32 to index
      %parallel_loop3A_657 = arith.constant 48 : index
      %parallel_loop3A_658 = tpu.vector_load %arg12[%parallel_loop3A_656, %parallel_loop3A_657] {strides = array<i32>} : memref<64x128xf32, #tpu.memory_space<vmem>>, vector<1x16xf32>,
      %parallel_loop3A_659 = vector.shape_cast %parallel_loop3A_658 : vector<1x16xf32> to vector<16xf32>
      %parallel_loop3A_660 = arith.index_cast %parallel_loop3A_548 : i32 to index
      %parallel_loop3A_661 = arith.constant 112 : index
      %parallel_loop3A_662 = tpu.vector_load %arg12[%parallel_loop3A_660, %parallel_loop3A_661] {strides = array<i32>} : memref<64x128xf32, #tpu.memory_space<vmem>>, vector<1x16xf32>,
      %parallel_loop3A_663 = vector.shape_cast %parallel_loop3A_662 : vector<1x16xf32> to vector<16xf32>
      %parallel_loop3A_664 = arith.index_cast %parallel_loop3A_548 : i32 to index
      %parallel_loop3A_665 = arith.constant 48 : index
      %parallel_loop3A_666 = tpu.vector_load %arg13[%parallel_loop3A_664, %parallel_loop3A_665] {strides = array<i32>} : memref<64x128xf32, #tpu.memory_space<vmem>>, vector<1x16xf32>,
      %parallel_loop3A_667 = vector.shape_cast %parallel_loop3A_666 : vector<1x16xf32> to vector<16xf32>
      %parallel_loop3A_668 = arith.index_cast %parallel_loop3A_548 : i32 to index
      %parallel_loop3A_669 = arith.constant 112 : index
      %parallel_loop3A_670 = tpu.vector_load %arg13[%parallel_loop3A_668, %parallel_loop3A_669] {strides = array<i32>} : memref<64x128xf32, #tpu.memory_space<vmem>>, vector<1x16xf32>,
      %parallel_loop3A_671 = vector.shape_cast %parallel_loop3A_670 : vector<1x16xf32> to vector<16xf32>
      %parallel_loop3A_672 = arith.mulf %parallel_loop3A_659, %parallel_loop3A_667 : vector<16xf32>
      %parallel_loop3A_673 = arith.mulf %parallel_loop3A_663, %parallel_loop3A_671 : vector<16xf32>
      %parallel_loop3A_674 = arith.addf %parallel_loop3A_672, %parallel_loop3A_673 : vector<16xf32>
      %parallel_loop3A_675 = arith.mulf %parallel_loop3A_651, %parallel_loop3A_674 : vector<16xf32>
      %parallel_loop3A_676 = arith.mulf %parallel_loop3A_659, %parallel_loop3A_671 : vector<16xf32>
      %parallel_loop3A_677 = arith.mulf %parallel_loop3A_663, %parallel_loop3A_667 : vector<16xf32>
      %parallel_loop3A_678 = arith.subf %parallel_loop3A_676, %parallel_loop3A_677 : vector<16xf32>
      %parallel_loop3A_679 = arith.mulf %parallel_loop3A_655, %parallel_loop3A_678 : vector<16xf32>
      %parallel_loop3A_680 = arith.addf %parallel_loop3A_675, %parallel_loop3A_679 : vector<16xf32>
      %parallel_loop3A_681 = arith.addf %parallel_loop3A_581, %parallel_loop3A_614 : vector<16xf32>
      %parallel_loop3A_682 = arith.addf %parallel_loop3A_647, %parallel_loop3A_680 : vector<16xf32>
      %parallel_loop3A_683 = arith.addf %parallel_loop3A_681, %parallel_loop3A_682 : vector<16xf32>
      %parallel_loop3A_684 = arith.constant 8 : i32
      %parallel_loop3A_685 = vector.broadcast %parallel_loop3A_684 : i32 to vector<16xi32>
      %parallel_loop3A_686 = arith.xori %iota3A, %parallel_loop3A_685 : vector<16xi32>
      %parallel_loop3A_687 = vector.shape_cast %parallel_loop3A_686 : vector<16xi32> to vector<16x1xi32>
      %parallel_loop3A_688 = vector.shape_cast %parallel_loop3A_687 : vector<16x1xi32> to vector<16xi32>
      %parallel_loop3A_689 = tpu.dynamic_gather %parallel_loop3A_683[%parallel_loop3A_688] in [0] : vector<16xf32>, vector<16xi32> -> vector<16xf32>
      %parallel_loop3A_690 = arith.addf %parallel_loop3A_683, %parallel_loop3A_689 : vector<16xf32>
      %parallel_loop3A_691 = arith.constant 4 : i32
      %parallel_loop3A_692 = vector.broadcast %parallel_loop3A_691 : i32 to vector<16xi32>
      %parallel_loop3A_693 = arith.xori %iota3A, %parallel_loop3A_692 : vector<16xi32>
      %parallel_loop3A_694 = vector.shape_cast %parallel_loop3A_693 : vector<16xi32> to vector<16x1xi32>
      %parallel_loop3A_695 = vector.shape_cast %parallel_loop3A_694 : vector<16x1xi32> to vector<16xi32>
      %parallel_loop3A_696 = tpu.dynamic_gather %parallel_loop3A_690[%parallel_loop3A_695] in [0] : vector<16xf32>, vector<16xi32> -> vector<16xf32>
      %parallel_loop3A_697 = arith.addf %parallel_loop3A_690, %parallel_loop3A_696 : vector<16xf32>
      %parallel_loop3A_698 = arith.constant 2 : i32
      %parallel_loop3A_699 = vector.broadcast %parallel_loop3A_698 : i32 to vector<16xi32>
      %parallel_loop3A_700 = arith.xori %iota3A, %parallel_loop3A_699 : vector<16xi32>
      %parallel_loop3A_701 = vector.shape_cast %parallel_loop3A_700 : vector<16xi32> to vector<16x1xi32>
      %parallel_loop3A_702 = vector.shape_cast %parallel_loop3A_701 : vector<16x1xi32> to vector<16xi32>
      %parallel_loop3A_703 = tpu.dynamic_gather %parallel_loop3A_697[%parallel_loop3A_702] in [0] : vector<16xf32>, vector<16xi32> -> vector<16xf32>
      %parallel_loop3A_704 = arith.addf %parallel_loop3A_697, %parallel_loop3A_703 : vector<16xf32>
      %parallel_loop3A_705 = arith.constant 1 : i32
      %parallel_loop3A_706 = vector.broadcast %parallel_loop3A_705 : i32 to vector<16xi32>
      %parallel_loop3A_707 = arith.xori %iota3A, %parallel_loop3A_706 : vector<16xi32>
      %parallel_loop3A_708 = vector.shape_cast %parallel_loop3A_707 : vector<16xi32> to vector<16x1xi32>
      %parallel_loop3A_709 = vector.shape_cast %parallel_loop3A_708 : vector<16x1xi32> to vector<16xi32>
      %parallel_loop3A_710 = tpu.dynamic_gather %parallel_loop3A_704[%parallel_loop3A_709] in [0] : vector<16xf32>, vector<16xi32> -> vector<16xf32>
      %parallel_loop3A_711 = arith.addf %parallel_loop3A_704, %parallel_loop3A_710 : vector<16xf32>
      %parallel_loop3A_712 = arith.constant 15 : i32
      %parallel_loop3A_713 = arith.andi %parallel_loop3A_548, %parallel_loop3A_712 : i32
      %parallel_loop3A_714 = vector.broadcast %parallel_loop3A_713 : i32 to vector<16xi32>
      %parallel_loop3A_715 = arith.cmpi eq, %iota3A, %parallel_loop3A_714 : vector<16xi32>
      %parallel_loop3A_716 = arith.constant 0.000000e+00 : f32
      %parallel_loop3A_717 = vector.broadcast %parallel_loop3A_716 : f32 to vector<16xf32>
      %parallel_loop3A_718 = arith.select %parallel_loop3A_715, %parallel_loop3A_711, %parallel_loop3A_717 : vector<16xi1>, vector<16xf32>
      %parallel_loop3A_719 = arith.constant -16 : i32
      %parallel_loop3A_720 = arith.andi %parallel_loop3A_548, %parallel_loop3A_719 : i32
      %parallel_loop3A_721 = arith.constant 384 : i32
      %parallel_loop3A_722 = arith.addi %parallel_loop3A_721, %parallel_loop3A_720 : i32
      %parallel_loop3A_723 = tpu.assume_multiple %parallel_loop3A_722, 16 : i32
      %parallel_loop3A_724 = arith.index_cast %parallel_loop3A_723 : i32 to index
      %parallel_loop3A_725 = tpu.vector_load %arg20[%parallel_loop3A_724] {strides = array<i32>} : memref<512xf32, #tpu.memory_space<vmem>>, vector<16xf32>,
      %parallel_loop3A_726 = vector.shape_cast %parallel_loop3A_725 : vector<16xf32> to vector<16xf32>
      %parallel_loop3A_727 = vector.shape_cast %parallel_loop3A_718 : vector<16xf32> to vector<16xf32>
      tpu.vector_store %arg20[%parallel_loop3A_724], %parallel_loop3A_727 {add = true, strides = array<i32>} : memref<512xf32, #tpu.memory_space<vmem>>, vector<16xf32>,
    } {sc.loop_unroll_factor = 2 : i64, sc.parallel_access}
    %dma_wait3A_521 = arith.constant 0 : i32
    %dma_wait3A_522 = arith.constant 0 : i32
    %dma_wait3A_523 = tpu.memref_slice %arg14[%dma_wait3A_521, %dma_wait3A_522] : memref<64x128xf32, #tpu.memory_space<vmem>> -> memref<64x128xf32, #tpu.memory_space<vmem>>
    %dma_wait3A_524 = arith.constant 448 : i32
    %dma_wait3A_525 = tpu.memref_slice %arg8[%dma_wait3A_524] : memref<512xi32, #tpu.memory_space<vmem>> -> memref<64xi32, #tpu.memory_space<vmem>>
    %dma_wait3A_526 = arith.constant 0 : i32
    %dma_wait3A_527 = arith.constant 0 : i32
    %dma_wait3A_528 = tpu.memref_slice %arg2[%dma_wait3A_526, %dma_wait3A_527] : memref<1000000x128xf32, #tpu.memory_space<hbm>> -> memref<1000000x128xf32, #tpu.memory_space<hbm>>
    tpu.wait_indirect_dma semaphore(%arg22 : memref<!tpu.dma_semaphore, #tpu.memory_space<semaphore_mem>>) src(%dma_wait3A_528 : memref<1000000x128xf32, #tpu.memory_space<hbm>>) dst(%dma_wait3A_523 : memref<64x128xf32, #tpu.memory_space<vmem>>)
    %dma_wait3A_529 = arith.constant 0 : i32
    %dma_wait3A_530 = arith.constant 0 : i32
    %dma_wait3A_531 = tpu.memref_slice %arg15[%dma_wait3A_529, %dma_wait3A_530] : memref<64x128xf32, #tpu.memory_space<vmem>> -> memref<64x128xf32, #tpu.memory_space<vmem>>
    %dma_wait3A_532 = arith.constant 448 : i32
    %dma_wait3A_533 = tpu.memref_slice %arg9[%dma_wait3A_532] : memref<512xi32, #tpu.memory_space<vmem>> -> memref<64xi32, #tpu.memory_space<vmem>>
    %dma_wait3A_534 = arith.constant 0 : i32
    %dma_wait3A_535 = arith.constant 0 : i32
    %dma_wait3A_536 = tpu.memref_slice %arg3[%dma_wait3A_534, %dma_wait3A_535] : memref<1000x128xf32, #tpu.memory_space<hbm>> -> memref<1000x128xf32, #tpu.memory_space<hbm>>
    tpu.wait_indirect_dma semaphore(%arg22 : memref<!tpu.dma_semaphore, #tpu.memory_space<semaphore_mem>>) src(%dma_wait3A_536 : memref<1000x128xf32, #tpu.memory_space<hbm>>) dst(%dma_wait3A_531 : memref<64x128xf32, #tpu.memory_space<vmem>>)
    %dma_wait3A_537 = arith.constant 0 : i32
    %dma_wait3A_538 = arith.constant 0 : i32
    %dma_wait3A_539 = tpu.memref_slice %arg16[%dma_wait3A_537, %dma_wait3A_538] : memref<64x128xf32, #tpu.memory_space<vmem>> -> memref<64x128xf32, #tpu.memory_space<vmem>>
    %dma_wait3A_540 = arith.constant 448 : i32
    %dma_wait3A_541 = tpu.memref_slice %arg10[%dma_wait3A_540] : memref<512xi32, #tpu.memory_space<vmem>> -> memref<64xi32, #tpu.memory_space<vmem>>
    %dma_wait3A_542 = arith.constant 0 : i32
    %dma_wait3A_543 = arith.constant 0 : i32
    %dma_wait3A_544 = tpu.memref_slice %arg2[%dma_wait3A_542, %dma_wait3A_543] : memref<1000000x128xf32, #tpu.memory_space<hbm>> -> memref<1000000x128xf32, #tpu.memory_space<hbm>>
    tpu.wait_indirect_dma semaphore(%arg22 : memref<!tpu.dma_semaphore, #tpu.memory_space<semaphore_mem>>) src(%dma_wait3A_544 : memref<1000000x128xf32, #tpu.memory_space<hbm>>) dst(%dma_wait3A_539 : memref<64x128xf32, #tpu.memory_space<vmem>>)
    %parallel_loop3A_545 = arith.constant 0 : i32
    %parallel_loop3A_546 = arith.constant 64 : i32
    %parallel_loop3A_547 = arith.constant 1 : i32
    scf.for %parallel_loop3A_548 = %parallel_loop3A_545 to %parallel_loop3A_546 step %parallel_loop3A_547  : i32 {
      %parallel_loop3A_549 = arith.index_cast %parallel_loop3A_548 : i32 to index
      %parallel_loop3A_550 = arith.constant 0 : index
      %parallel_loop3A_551 = tpu.vector_load %arg14[%parallel_loop3A_549, %parallel_loop3A_550] {strides = array<i32>} : memref<64x128xf32, #tpu.memory_space<vmem>>, vector<1x16xf32>,
      %parallel_loop3A_552 = vector.shape_cast %parallel_loop3A_551 : vector<1x16xf32> to vector<16xf32>
      %parallel_loop3A_553 = arith.index_cast %parallel_loop3A_548 : i32 to index
      %parallel_loop3A_554 = arith.constant 64 : index
      %parallel_loop3A_555 = tpu.vector_load %arg14[%parallel_loop3A_553, %parallel_loop3A_554] {strides = array<i32>} : memref<64x128xf32, #tpu.memory_space<vmem>>, vector<1x16xf32>,
      %parallel_loop3A_556 = vector.shape_cast %parallel_loop3A_555 : vector<1x16xf32> to vector<16xf32>
      %parallel_loop3A_557 = arith.index_cast %parallel_loop3A_548 : i32 to index
      %parallel_loop3A_558 = arith.constant 0 : index
      %parallel_loop3A_559 = tpu.vector_load %arg15[%parallel_loop3A_557, %parallel_loop3A_558] {strides = array<i32>} : memref<64x128xf32, #tpu.memory_space<vmem>>, vector<1x16xf32>,
      %parallel_loop3A_560 = vector.shape_cast %parallel_loop3A_559 : vector<1x16xf32> to vector<16xf32>
      %parallel_loop3A_561 = arith.index_cast %parallel_loop3A_548 : i32 to index
      %parallel_loop3A_562 = arith.constant 64 : index
      %parallel_loop3A_563 = tpu.vector_load %arg15[%parallel_loop3A_561, %parallel_loop3A_562] {strides = array<i32>} : memref<64x128xf32, #tpu.memory_space<vmem>>, vector<1x16xf32>,
      %parallel_loop3A_564 = vector.shape_cast %parallel_loop3A_563 : vector<1x16xf32> to vector<16xf32>
      %parallel_loop3A_565 = arith.index_cast %parallel_loop3A_548 : i32 to index
      %parallel_loop3A_566 = arith.constant 0 : index
      %parallel_loop3A_567 = tpu.vector_load %arg16[%parallel_loop3A_565, %parallel_loop3A_566] {strides = array<i32>} : memref<64x128xf32, #tpu.memory_space<vmem>>, vector<1x16xf32>,
      %parallel_loop3A_568 = vector.shape_cast %parallel_loop3A_567 : vector<1x16xf32> to vector<16xf32>
      %parallel_loop3A_569 = arith.index_cast %parallel_loop3A_548 : i32 to index
      %parallel_loop3A_570 = arith.constant 64 : index
      %parallel_loop3A_571 = tpu.vector_load %arg16[%parallel_loop3A_569, %parallel_loop3A_570] {strides = array<i32>} : memref<64x128xf32, #tpu.memory_space<vmem>>, vector<1x16xf32>,
      %parallel_loop3A_572 = vector.shape_cast %parallel_loop3A_571 : vector<1x16xf32> to vector<16xf32>
      %parallel_loop3A_573 = arith.mulf %parallel_loop3A_560, %parallel_loop3A_568 : vector<16xf32>
      %parallel_loop3A_574 = arith.mulf %parallel_loop3A_564, %parallel_loop3A_572 : vector<16xf32>
      %parallel_loop3A_575 = arith.addf %parallel_loop3A_573, %parallel_loop3A_574 : vector<16xf32>
      %parallel_loop3A_576 = arith.mulf %parallel_loop3A_552, %parallel_loop3A_575 : vector<16xf32>
      %parallel_loop3A_577 = arith.mulf %parallel_loop3A_560, %parallel_loop3A_572 : vector<16xf32>
      %parallel_loop3A_578 = arith.mulf %parallel_loop3A_564, %parallel_loop3A_568 : vector<16xf32>
      %parallel_loop3A_579 = arith.subf %parallel_loop3A_577, %parallel_loop3A_578 : vector<16xf32>
      %parallel_loop3A_580 = arith.mulf %parallel_loop3A_556, %parallel_loop3A_579 : vector<16xf32>
      %parallel_loop3A_581 = arith.addf %parallel_loop3A_576, %parallel_loop3A_580 : vector<16xf32>
      %parallel_loop3A_582 = arith.index_cast %parallel_loop3A_548 : i32 to index
      %parallel_loop3A_583 = arith.constant 16 : index
      %parallel_loop3A_584 = tpu.vector_load %arg14[%parallel_loop3A_582, %parallel_loop3A_583] {strides = array<i32>} : memref<64x128xf32, #tpu.memory_space<vmem>>, vector<1x16xf32>,
      %parallel_loop3A_585 = vector.shape_cast %parallel_loop3A_584 : vector<1x16xf32> to vector<16xf32>
      %parallel_loop3A_586 = arith.index_cast %parallel_loop3A_548 : i32 to index
      %parallel_loop3A_587 = arith.constant 80 : index
      %parallel_loop3A_588 = tpu.vector_load %arg14[%parallel_loop3A_586, %parallel_loop3A_587] {strides = array<i32>} : memref<64x128xf32, #tpu.memory_space<vmem>>, vector<1x16xf32>,
      %parallel_loop3A_589 = vector.shape_cast %parallel_loop3A_588 : vector<1x16xf32> to vector<16xf32>
      %parallel_loop3A_590 = arith.index_cast %parallel_loop3A_548 : i32 to index
      %parallel_loop3A_591 = arith.constant 16 : index
      %parallel_loop3A_592 = tpu.vector_load %arg15[%parallel_loop3A_590, %parallel_loop3A_591] {strides = array<i32>} : memref<64x128xf32, #tpu.memory_space<vmem>>, vector<1x16xf32>,
      %parallel_loop3A_593 = vector.shape_cast %parallel_loop3A_592 : vector<1x16xf32> to vector<16xf32>
      %parallel_loop3A_594 = arith.index_cast %parallel_loop3A_548 : i32 to index
      %parallel_loop3A_595 = arith.constant 80 : index
      %parallel_loop3A_596 = tpu.vector_load %arg15[%parallel_loop3A_594, %parallel_loop3A_595] {strides = array<i32>} : memref<64x128xf32, #tpu.memory_space<vmem>>, vector<1x16xf32>,
      %parallel_loop3A_597 = vector.shape_cast %parallel_loop3A_596 : vector<1x16xf32> to vector<16xf32>
      %parallel_loop3A_598 = arith.index_cast %parallel_loop3A_548 : i32 to index
      %parallel_loop3A_599 = arith.constant 16 : index
      %parallel_loop3A_600 = tpu.vector_load %arg16[%parallel_loop3A_598, %parallel_loop3A_599] {strides = array<i32>} : memref<64x128xf32, #tpu.memory_space<vmem>>, vector<1x16xf32>,
      %parallel_loop3A_601 = vector.shape_cast %parallel_loop3A_600 : vector<1x16xf32> to vector<16xf32>
      %parallel_loop3A_602 = arith.index_cast %parallel_loop3A_548 : i32 to index
      %parallel_loop3A_603 = arith.constant 80 : index
      %parallel_loop3A_604 = tpu.vector_load %arg16[%parallel_loop3A_602, %parallel_loop3A_603] {strides = array<i32>} : memref<64x128xf32, #tpu.memory_space<vmem>>, vector<1x16xf32>,
      %parallel_loop3A_605 = vector.shape_cast %parallel_loop3A_604 : vector<1x16xf32> to vector<16xf32>
      %parallel_loop3A_606 = arith.mulf %parallel_loop3A_593, %parallel_loop3A_601 : vector<16xf32>
      %parallel_loop3A_607 = arith.mulf %parallel_loop3A_597, %parallel_loop3A_605 : vector<16xf32>
      %parallel_loop3A_608 = arith.addf %parallel_loop3A_606, %parallel_loop3A_607 : vector<16xf32>
      %parallel_loop3A_609 = arith.mulf %parallel_loop3A_585, %parallel_loop3A_608 : vector<16xf32>
      %parallel_loop3A_610 = arith.mulf %parallel_loop3A_593, %parallel_loop3A_605 : vector<16xf32>
      %parallel_loop3A_611 = arith.mulf %parallel_loop3A_597, %parallel_loop3A_601 : vector<16xf32>
      %parallel_loop3A_612 = arith.subf %parallel_loop3A_610, %parallel_loop3A_611 : vector<16xf32>
      %parallel_loop3A_613 = arith.mulf %parallel_loop3A_589, %parallel_loop3A_612 : vector<16xf32>
      %parallel_loop3A_614 = arith.addf %parallel_loop3A_609, %parallel_loop3A_613 : vector<16xf32>
      %parallel_loop3A_615 = arith.index_cast %parallel_loop3A_548 : i32 to index
      %parallel_loop3A_616 = arith.constant 32 : index
      %parallel_loop3A_617 = tpu.vector_load %arg14[%parallel_loop3A_615, %parallel_loop3A_616] {strides = array<i32>} : memref<64x128xf32, #tpu.memory_space<vmem>>, vector<1x16xf32>,
      %parallel_loop3A_618 = vector.shape_cast %parallel_loop3A_617 : vector<1x16xf32> to vector<16xf32>
      %parallel_loop3A_619 = arith.index_cast %parallel_loop3A_548 : i32 to index
      %parallel_loop3A_620 = arith.constant 96 : index
      %parallel_loop3A_621 = tpu.vector_load %arg14[%parallel_loop3A_619, %parallel_loop3A_620] {strides = array<i32>} : memref<64x128xf32, #tpu.memory_space<vmem>>, vector<1x16xf32>,
      %parallel_loop3A_622 = vector.shape_cast %parallel_loop3A_621 : vector<1x16xf32> to vector<16xf32>
      %parallel_loop3A_623 = arith.index_cast %parallel_loop3A_548 : i32 to index
      %parallel_loop3A_624 = arith.constant 32 : index
      %parallel_loop3A_625 = tpu.vector_load %arg15[%parallel_loop3A_623, %parallel_loop3A_624] {strides = array<i32>} : memref<64x128xf32, #tpu.memory_space<vmem>>, vector<1x16xf32>,
      %parallel_loop3A_626 = vector.shape_cast %parallel_loop3A_625 : vector<1x16xf32> to vector<16xf32>
      %parallel_loop3A_627 = arith.index_cast %parallel_loop3A_548 : i32 to index
      %parallel_loop3A_628 = arith.constant 96 : index
      %parallel_loop3A_629 = tpu.vector_load %arg15[%parallel_loop3A_627, %parallel_loop3A_628] {strides = array<i32>} : memref<64x128xf32, #tpu.memory_space<vmem>>, vector<1x16xf32>,
      %parallel_loop3A_630 = vector.shape_cast %parallel_loop3A_629 : vector<1x16xf32> to vector<16xf32>
      %parallel_loop3A_631 = arith.index_cast %parallel_loop3A_548 : i32 to index
      %parallel_loop3A_632 = arith.constant 32 : index
      %parallel_loop3A_633 = tpu.vector_load %arg16[%parallel_loop3A_631, %parallel_loop3A_632] {strides = array<i32>} : memref<64x128xf32, #tpu.memory_space<vmem>>, vector<1x16xf32>,
      %parallel_loop3A_634 = vector.shape_cast %parallel_loop3A_633 : vector<1x16xf32> to vector<16xf32>
      %parallel_loop3A_635 = arith.index_cast %parallel_loop3A_548 : i32 to index
      %parallel_loop3A_636 = arith.constant 96 : index
      %parallel_loop3A_637 = tpu.vector_load %arg16[%parallel_loop3A_635, %parallel_loop3A_636] {strides = array<i32>} : memref<64x128xf32, #tpu.memory_space<vmem>>, vector<1x16xf32>,
      %parallel_loop3A_638 = vector.shape_cast %parallel_loop3A_637 : vector<1x16xf32> to vector<16xf32>
      %parallel_loop3A_639 = arith.mulf %parallel_loop3A_626, %parallel_loop3A_634 : vector<16xf32>
      %parallel_loop3A_640 = arith.mulf %parallel_loop3A_630, %parallel_loop3A_638 : vector<16xf32>
      %parallel_loop3A_641 = arith.addf %parallel_loop3A_639, %parallel_loop3A_640 : vector<16xf32>
      %parallel_loop3A_642 = arith.mulf %parallel_loop3A_618, %parallel_loop3A_641 : vector<16xf32>
      %parallel_loop3A_643 = arith.mulf %parallel_loop3A_626, %parallel_loop3A_638 : vector<16xf32>
      %parallel_loop3A_644 = arith.mulf %parallel_loop3A_630, %parallel_loop3A_634 : vector<16xf32>
      %parallel_loop3A_645 = arith.subf %parallel_loop3A_643, %parallel_loop3A_644 : vector<16xf32>
      %parallel_loop3A_646 = arith.mulf %parallel_loop3A_622, %parallel_loop3A_645 : vector<16xf32>
      %parallel_loop3A_647 = arith.addf %parallel_loop3A_642, %parallel_loop3A_646 : vector<16xf32>
      %parallel_loop3A_648 = arith.index_cast %parallel_loop3A_548 : i32 to index
      %parallel_loop3A_649 = arith.constant 48 : index
      %parallel_loop3A_650 = tpu.vector_load %arg14[%parallel_loop3A_648, %parallel_loop3A_649] {strides = array<i32>} : memref<64x128xf32, #tpu.memory_space<vmem>>, vector<1x16xf32>,
      %parallel_loop3A_651 = vector.shape_cast %parallel_loop3A_650 : vector<1x16xf32> to vector<16xf32>
      %parallel_loop3A_652 = arith.index_cast %parallel_loop3A_548 : i32 to index
      %parallel_loop3A_653 = arith.constant 112 : index
      %parallel_loop3A_654 = tpu.vector_load %arg14[%parallel_loop3A_652, %parallel_loop3A_653] {strides = array<i32>} : memref<64x128xf32, #tpu.memory_space<vmem>>, vector<1x16xf32>,
      %parallel_loop3A_655 = vector.shape_cast %parallel_loop3A_654 : vector<1x16xf32> to vector<16xf32>
      %parallel_loop3A_656 = arith.index_cast %parallel_loop3A_548 : i32 to index
      %parallel_loop3A_657 = arith.constant 48 : index
      %parallel_loop3A_658 = tpu.vector_load %arg15[%parallel_loop3A_656, %parallel_loop3A_657] {strides = array<i32>} : memref<64x128xf32, #tpu.memory_space<vmem>>, vector<1x16xf32>,
      %parallel_loop3A_659 = vector.shape_cast %parallel_loop3A_658 : vector<1x16xf32> to vector<16xf32>
      %parallel_loop3A_660 = arith.index_cast %parallel_loop3A_548 : i32 to index
      %parallel_loop3A_661 = arith.constant 112 : index
      %parallel_loop3A_662 = tpu.vector_load %arg15[%parallel_loop3A_660, %parallel_loop3A_661] {strides = array<i32>} : memref<64x128xf32, #tpu.memory_space<vmem>>, vector<1x16xf32>,
      %parallel_loop3A_663 = vector.shape_cast %parallel_loop3A_662 : vector<1x16xf32> to vector<16xf32>
      %parallel_loop3A_664 = arith.index_cast %parallel_loop3A_548 : i32 to index
      %parallel_loop3A_665 = arith.constant 48 : index
      %parallel_loop3A_666 = tpu.vector_load %arg16[%parallel_loop3A_664, %parallel_loop3A_665] {strides = array<i32>} : memref<64x128xf32, #tpu.memory_space<vmem>>, vector<1x16xf32>,
      %parallel_loop3A_667 = vector.shape_cast %parallel_loop3A_666 : vector<1x16xf32> to vector<16xf32>
      %parallel_loop3A_668 = arith.index_cast %parallel_loop3A_548 : i32 to index
      %parallel_loop3A_669 = arith.constant 112 : index
      %parallel_loop3A_670 = tpu.vector_load %arg16[%parallel_loop3A_668, %parallel_loop3A_669] {strides = array<i32>} : memref<64x128xf32, #tpu.memory_space<vmem>>, vector<1x16xf32>,
      %parallel_loop3A_671 = vector.shape_cast %parallel_loop3A_670 : vector<1x16xf32> to vector<16xf32>
      %parallel_loop3A_672 = arith.mulf %parallel_loop3A_659, %parallel_loop3A_667 : vector<16xf32>
      %parallel_loop3A_673 = arith.mulf %parallel_loop3A_663, %parallel_loop3A_671 : vector<16xf32>
      %parallel_loop3A_674 = arith.addf %parallel_loop3A_672, %parallel_loop3A_673 : vector<16xf32>
      %parallel_loop3A_675 = arith.mulf %parallel_loop3A_651, %parallel_loop3A_674 : vector<16xf32>
      %parallel_loop3A_676 = arith.mulf %parallel_loop3A_659, %parallel_loop3A_671 : vector<16xf32>
      %parallel_loop3A_677 = arith.mulf %parallel_loop3A_663, %parallel_loop3A_667 : vector<16xf32>
      %parallel_loop3A_678 = arith.subf %parallel_loop3A_676, %parallel_loop3A_677 : vector<16xf32>
      %parallel_loop3A_679 = arith.mulf %parallel_loop3A_655, %parallel_loop3A_678 : vector<16xf32>
      %parallel_loop3A_680 = arith.addf %parallel_loop3A_675, %parallel_loop3A_679 : vector<16xf32>
      %parallel_loop3A_681 = arith.addf %parallel_loop3A_581, %parallel_loop3A_614 : vector<16xf32>
      %parallel_loop3A_682 = arith.addf %parallel_loop3A_647, %parallel_loop3A_680 : vector<16xf32>
      %parallel_loop3A_683 = arith.addf %parallel_loop3A_681, %parallel_loop3A_682 : vector<16xf32>
      %parallel_loop3A_684 = arith.constant 8 : i32
      %parallel_loop3A_685 = vector.broadcast %parallel_loop3A_684 : i32 to vector<16xi32>
      %parallel_loop3A_686 = arith.xori %iota3A, %parallel_loop3A_685 : vector<16xi32>
      %parallel_loop3A_687 = vector.shape_cast %parallel_loop3A_686 : vector<16xi32> to vector<16x1xi32>
      %parallel_loop3A_688 = vector.shape_cast %parallel_loop3A_687 : vector<16x1xi32> to vector<16xi32>
      %parallel_loop3A_689 = tpu.dynamic_gather %parallel_loop3A_683[%parallel_loop3A_688] in [0] : vector<16xf32>, vector<16xi32> -> vector<16xf32>
      %parallel_loop3A_690 = arith.addf %parallel_loop3A_683, %parallel_loop3A_689 : vector<16xf32>
      %parallel_loop3A_691 = arith.constant 4 : i32
      %parallel_loop3A_692 = vector.broadcast %parallel_loop3A_691 : i32 to vector<16xi32>
      %parallel_loop3A_693 = arith.xori %iota3A, %parallel_loop3A_692 : vector<16xi32>
      %parallel_loop3A_694 = vector.shape_cast %parallel_loop3A_693 : vector<16xi32> to vector<16x1xi32>
      %parallel_loop3A_695 = vector.shape_cast %parallel_loop3A_694 : vector<16x1xi32> to vector<16xi32>
      %parallel_loop3A_696 = tpu.dynamic_gather %parallel_loop3A_690[%parallel_loop3A_695] in [0] : vector<16xf32>, vector<16xi32> -> vector<16xf32>
      %parallel_loop3A_697 = arith.addf %parallel_loop3A_690, %parallel_loop3A_696 : vector<16xf32>
      %parallel_loop3A_698 = arith.constant 2 : i32
      %parallel_loop3A_699 = vector.broadcast %parallel_loop3A_698 : i32 to vector<16xi32>
      %parallel_loop3A_700 = arith.xori %iota3A, %parallel_loop3A_699 : vector<16xi32>
      %parallel_loop3A_701 = vector.shape_cast %parallel_loop3A_700 : vector<16xi32> to vector<16x1xi32>
      %parallel_loop3A_702 = vector.shape_cast %parallel_loop3A_701 : vector<16x1xi32> to vector<16xi32>
      %parallel_loop3A_703 = tpu.dynamic_gather %parallel_loop3A_697[%parallel_loop3A_702] in [0] : vector<16xf32>, vector<16xi32> -> vector<16xf32>
      %parallel_loop3A_704 = arith.addf %parallel_loop3A_697, %parallel_loop3A_703 : vector<16xf32>
      %parallel_loop3A_705 = arith.constant 1 : i32
      %parallel_loop3A_706 = vector.broadcast %parallel_loop3A_705 : i32 to vector<16xi32>
      %parallel_loop3A_707 = arith.xori %iota3A, %parallel_loop3A_706 : vector<16xi32>
      %parallel_loop3A_708 = vector.shape_cast %parallel_loop3A_707 : vector<16xi32> to vector<16x1xi32>
      %parallel_loop3A_709 = vector.shape_cast %parallel_loop3A_708 : vector<16x1xi32> to vector<16xi32>
      %parallel_loop3A_710 = tpu.dynamic_gather %parallel_loop3A_704[%parallel_loop3A_709] in [0] : vector<16xf32>, vector<16xi32> -> vector<16xf32>
      %parallel_loop3A_711 = arith.addf %parallel_loop3A_704, %parallel_loop3A_710 : vector<16xf32>
      %parallel_loop3A_712 = arith.constant 15 : i32
      %parallel_loop3A_713 = arith.andi %parallel_loop3A_548, %parallel_loop3A_712 : i32
      %parallel_loop3A_714 = vector.broadcast %parallel_loop3A_713 : i32 to vector<16xi32>
      %parallel_loop3A_715 = arith.cmpi eq, %iota3A, %parallel_loop3A_714 : vector<16xi32>
      %parallel_loop3A_716 = arith.constant 0.000000e+00 : f32
      %parallel_loop3A_717 = vector.broadcast %parallel_loop3A_716 : f32 to vector<16xf32>
      %parallel_loop3A_718 = arith.select %parallel_loop3A_715, %parallel_loop3A_711, %parallel_loop3A_717 : vector<16xi1>, vector<16xf32>
      %parallel_loop3A_719 = arith.constant -16 : i32
      %parallel_loop3A_720 = arith.andi %parallel_loop3A_548, %parallel_loop3A_719 : i32
      %parallel_loop3A_721 = arith.constant 448 : i32
      %parallel_loop3A_722 = arith.addi %parallel_loop3A_721, %parallel_loop3A_720 : i32
      %parallel_loop3A_723 = tpu.assume_multiple %parallel_loop3A_722, 16 : i32
      %parallel_loop3A_724 = arith.index_cast %parallel_loop3A_723 : i32 to index
      %parallel_loop3A_725 = tpu.vector_load %arg20[%parallel_loop3A_724] {strides = array<i32>} : memref<512xf32, #tpu.memory_space<vmem>>, vector<16xf32>,
      %parallel_loop3A_726 = vector.shape_cast %parallel_loop3A_725 : vector<16xf32> to vector<16xf32>
      %parallel_loop3A_727 = vector.shape_cast %parallel_loop3A_718 : vector<16xf32> to vector<16xf32>
      tpu.vector_store %arg20[%parallel_loop3A_724], %parallel_loop3A_727 {add = true, strides = array<i32>} : memref<512xf32, #tpu.memory_space<vmem>>, vector<16xf32>,
    } {sc.loop_unroll_factor = 2 : i64, sc.parallel_access}
    "tpu.region"() ({
      %run_scoped3A = tpu.sem_alloc : memref<!tpu.dma_semaphore, #tpu.memory_space<semaphore_mem>>
      %dma_start3A_548 = tpu.memref_slice %arg7[%mul3A_2] : memref<16384xf32, #tpu.memory_space<hbm>> -> memref<512xf32, #tpu.memory_space<hbm>>
      %dma_start3A_549 = tpu.memref_slice %arg7[%mul3A_2] : memref<16384xf32, #tpu.memory_space<hbm>> -> memref<512xf32, #tpu.memory_space<hbm>>
      tpu.enqueue_dma source(%arg20 : memref<512xf32, #tpu.memory_space<vmem>>) target(%dma_start3A_549 : memref<512xf32, #tpu.memory_space<hbm>>) target_semaphore(%run_scoped3A : memref<!tpu.dma_semaphore, #tpu.memory_space<semaphore_mem>>)
      %dma_wait3A_550 = tpu.memref_slice %arg7[%mul3A_2] : memref<16384xf32, #tpu.memory_space<hbm>> -> memref<512xf32, #tpu.memory_space<hbm>>
      %dma_wait3A_551 = tpu.memref_slice %arg7[%mul3A_2] : memref<16384xf32, #tpu.memory_space<hbm>> -> memref<512xf32, #tpu.memory_space<hbm>>
      tpu.wait_dma2 semaphore(%run_scoped3A : memref<!tpu.dma_semaphore, #tpu.memory_space<semaphore_mem>>) src(%arg20 : memref<512xf32, #tpu.memory_space<vmem>>) dst(%dma_wait3A_551 : memref<512xf32, #tpu.memory_space<hbm>>)
      tpu.yield
    }) : () -> ()
    return
  }
}

</mosaic_0001>

<sc_bundles>
// kernel: _complex_score.3.cloned.1.call-start
scs
__scs_entry_jumppad:
0x0: {  	(pc) =	sbr.rel $0x88, $3  }
0x1: {  	(tag) =	ssettag $0x0;
	lr =	simm.s32 $0x1  }
0x2: {  	[smem:$0x3F9C] =	sst lr;
	_ =	strace $0xD0000000  }
0x3: {  	_ = 	snop  }
0x4: {  	_ = 	snop  }
0x5: {  	_ = 	snop  }
0x6: {  	_ = 	snop  }
0x7: {  	_ = 	snop  }
__scs_overlays_trampoline_lowered:
0x8: {  	[smem:$0x3FAB] =	sst s0  }
0x9: {  	[smem:$0x3FAC] =	sst s1  }
0xa: {  	[smem:$0x3FAD] =	sst s2  }
0xb: {  	[smem:$0x3FAE] =	sst s3  }
0xc: {  	[smem:$0x3FAF] =	sst s4  }
0xd: {  	[smem:$0x3FB0] =	sst s5  }
0xe: {  	[smem:$0x3FB1] =	sst s6  }
0xf: {  	[smem:$0x3FB2] =	sst s7  }
0x10: {  	[smem:$0x3FB3] =	sst s8  }
0x11: {  	[smem:$0x3FB4] =	sst s9;
	s0 =	simm.s32 @!p0 $0x0  }
0x12: {  	s1 =	sld [smem:$0x3F9A];
	s0 =	simm.s32 @p0 $0x1  }
0x13: {  	[smem:$0x3FB5] =	sst s0;
	s0 =	simm.s32 @!p1 $0x0  }
0x14: {  	s2 =	sld [smem:$0x3F99];
	s0 =	simm.s32 @p1 $0x1  }
0x15: {  	[smem:$0x3FB6] =	sst s0;
	s0 =	simm.s32 @!p2 $0x0  }
0x16: {  	s3 =	sld [smem:$0x3FDB];
	s0 =	simm.s32 @p2 $0x1  }
0x17: {  	s4 =	simm.s32 $0x1BF5;
	[smem:$0x3FB8] =	sst s0  }
0x18: {  	s0 =	sld [smem:$0x3F9B];
	_ =	swait.ge [sflag:s4], $0x0  }
0x19: {  	s7 =	sld [smem:$0x3F9C]  }
0x1a: {  	s8 =	sadd.s32 $0xFFFFE003, lr  }
0x1b: {  	s9 =	sadd.s32 $0xFFFFFEF7, lr;
	s5 =	simm.s32 $0xFFFFFFFF;
	p2 =	slt.u32 s8, $0xFFFFF086  }
0x1c: {  	p1 =	slt.u32 s9, $0xF7A;
	s5 =	simm.s32 @!p2 $0x0  }
0x1d: {  	s5 =	simm.s32 @p1 $0x1;
	p0 =	seq.s32 s7, s2  }
0x1e: {  	s7 =	smul.u32 @!p0 $0xF7A, s2;
	p2 =	seq.s32 @!p0 s5, $0x0  }
0x1f: {  	s9 =	smul.u32 $0xF7A, s1;
	s8 =	simm.s32 @!p0 $0x1BF5;
	p2 =	por !p2, p0  }
0x20: {  	[sflag:s8] =	ssyncset.s32 @!p0 $0xFFFFF086;
	s6 =	sadd.s32 @!p0 s3, s7;
	s7 =	simm.s32 @!p0 $0x108  }
0x21: {  	s3 =	sadd.s32 s3, s9;
	s6 =	sadd.s32 @!p0 $0x88, s6;
	s7 =	simm.s32 @p2 $0x1082  }
0x22: {  	[simem:s7], [sflag:s8] =	dma.local @!p0 [hbm:s6], $0xF7A  }
0x23: {  	s9 =	sor.u32 $0xD0000000, s2;
	s6 =	simm.s32 $0x108;
	_ =	swait.ge @!p0 [sflag:s8], $0x0  }
0x24: {  	s3 =	sadd.s32 $0x88, s3;
	s6 =	simm.s32 @!p1 $0x1082;
	[sflag:s4] =	ssyncset.s32 $0xFFFFF086  }
0x25: {  	[simem:s6], [sflag:s4] =	dma.local [hbm:s3], $0xF7A  }
0x26: {  	[smem:$0x3F9C] =	sst s1;
	(tag) =	ssettag s2;
	_ =	strace s9  }
0x27: {  	s1 =	sld [smem:$0x3FAC]  }
0x28: {  	s2 =	sld [smem:$0x3FAD]  }
0x29: {  	s4 =	sld [smem:$0x3FAF]  }
0x2a: {  	p0 =	seq.s32 s5, $0x0;
	s5 =	sld [smem:$0x3FB0]  }
0x2b: {  	s6 =	sld [smem:$0x3FB1]  }
0x2c: {  	s7 =	sld [smem:$0x3FB2]  }
0x2d: {  	s3 =	simm.s32 $0x108;
	s8 =	sld [smem:$0x3FB3]  }
0x2e: {  	s3 =	simm.s32 @!p0 $0x1082;
	s9 =	sld [smem:$0x3FB4]  }
0x2f: {  	lr =	sadd.s32 s0, s3;
	s0 =	sld [smem:$0x3FAB]  }
0x30: {  	s3 =	sld [smem:$0x3FAE]  }
0x31: {  	[smem:$0x3FB7] =	sst s10  }
0x32: {  	s10 =	sld [smem:$0x3FB5];
	_ =	sdelay $0x3  }
0x33: {  	p0 =	seq.s32 s10, $0x1;
	s10 =	sld [smem:$0x3FB7];
	_ =	sdelay $0x3  }
0x34: {  	[smem:$0x3FB7] =	sst s10  }
0x35: {  	s10 =	sld [smem:$0x3FB6];
	_ =	sdelay $0x3  }
0x36: {  	p1 =	seq.s32 s10, $0x1;
	s10 =	sld [smem:$0x3FB7];
	_ =	sdelay $0x3  }
0x37: {  	[smem:$0x3FB7] =	sst s10  }
0x38: {  	s10 =	sld [smem:$0x3FB8]  }
0x39: {  	_ = 	snop;
	(pc) =	sbr.ind lr, $3  }
0x3a: {  	_ = 	snop  }
0x3b: {  	_ = 	snop  }
0x3c: {  	p2 =	seq.s32 s10, $0x1;
	s10 =	sld [smem:$0x3FB7]  }
0x3d: {  	_ =	shalt  }
0x3e: {  	_ =	shalt  }
0x3f: {  	_ =	shalt  }
0x40: {  	_ =	shalt  }
0x41: {  	_ =	shalt  }
0x42: {  	_ =	shalt  }
0x43: {  	_ =	shalt  }
0x44: {  	_ =	shalt  }
0x45: {  	_ =	shalt  }
0x46: {  	_ =	shalt  }
0x47: {  	_ =	shalt  }
0x48: {  	_ =	shalt  }
0x49: {  	_ =	shalt  }
0x4a: {  	_ =	shalt  }
0x4b: {  	_ =	shalt  }
0x4c: {  	_ =	shalt  }
0x4d: {  	_ =	shalt  }
0x4e: {  	_ =	shalt  }
0x4f: {  	_ =	shalt  }
0x50: {  	_ =	shalt  }
0x51: {  	_ =	shalt  }
0x52: {  	_ =	shalt  }
0x53: {  	_ =	shalt  }
0x54: {  	_ =	shalt  }
0x55: {  	_ =	shalt  }
0x56: {  	_ =	shalt  }
0x57: {  	_ =	shalt  }
0x58: {  	_ =	shalt  }
0x59: {  	_ =	shalt  }
0x5a: {  	_ =	shalt  }
0x5b: {  	_ =	shalt  }
0x5c: {  	_ =	shalt  }
0x5d: {  	_ =	shalt  }
0x5e: {  	_ =	shalt  }
0x5f: {  	_ =	shalt  }
0x60: {  	_ =	shalt  }
0x61: {  	_ =	shalt  }
0x62: {  	_ =	shalt  }
0x63: {  	_ =	shalt  }
0x64: {  	_ =	shalt  }
0x65: {  	_ =	shalt  }
0x66: {  	_ =	shalt  }
0x67: {  	_ =	shalt  }
0x68: {  	_ =	shalt  }
0x69: {  	_ =	shalt  }
0x6a: {  	_ =	shalt  }
0x6b: {  	_ =	shalt  }
0x6c: {  	_ =	shalt  }
0x6d: {  	_ =	shalt  }
0x6e: {  	_ =	shalt  }
0x6f: {  	_ =	shalt  }
0x70: {  	_ =	shalt  }
0x71: {  	_ =	shalt  }
0x72: {  	_ =	shalt  }
0x73: {  	_ =	shalt  }
0x74: {  	_ =	shalt  }
0x75: {  	_ =	shalt  }
0x76: {  	_ =	shalt  }
0x77: {  	_ =	shalt  }
0x78: {  	_ =	shalt  }
0x79: {  	_ =	shalt  }
0x7a: {  	_ =	shalt  }
0x7b: {  	_ =	shalt  }
0x7c: {  	_ =	shalt  }
0x7d: {  	_ =	shalt  }
0x7e: {  	_ =	shalt  }
0x7f: {  	_ =	shalt  }
0x80: {  	_ =	shalt  }
0x81: {  	_ =	shalt  }
0x82: {  	_ =	shalt  }
0x83: {  	_ =	shalt  }
0x84: {  	_ =	shalt  }
0x85: {  	_ =	shalt  }
0x86: {  	_ =	shalt  }
0x87: {  	_ =	shalt  }
.Lfunc_end0:
.L_simem_size_0:
called_computation_lowered:
.L_overlay_start_0:
0x88: {  	s2 =	sld [smem:$0x3FD9]  }
0x89: {  	s3 =	sld [smem:$0x3FFE];
	_ =	sdelay $0x1  }
0x8a: {  	s1 =	srdreg.scid  }
0x8b: {  	s0 =	sand.u32 $0x1, s1  }
0x8c: {  	s18 =	sshll.u32 s0, $0xA;
	s2 =	sadd.s32 s3, s2  }
0x8d: {  	s2 =	sadd.s32 s2, s18  }
0x8e: {  	[smem:$0x3FC3] =	sst s2  }
0x8f: {  	_ = 	snop  }
0x90: {  	s2 =	sld [smem:$0x3FC9]  }
0x91: {  	s19 =	sld [smem:$0x3FC8]  }
0x92: {  	s4 =	sld [smem:$0x3FC7]  }
0x93: {  	s5 =	sld [smem:$0x3FC6]  }
0x94: {  	s6 =	sld [smem:$0x3FC5]  }
0x95: {  	s7 =	sld [smem:$0x3FD0];
	(tm) =	ssettm $0x1  }
0x96: {  	s8 =	sld [smem:$0x3FFB];
	_ =	sdelay $0x3  }
0x97: {  	_ =	strace s8  }
0x98: {  	s8 =	sld [smem:$0x3FFC];
	_ =	sdelay $0x3  }
0x99: {  	_ =	strace s8  }
0x9a: {  	s8 =	sld [smem:$0x3FFD];
	_ =	sdelay $0x3  }
0x9b: {  	_ =	strace s8  }
0x9c: {  	_ =	strace $0x8FFFFFFF  }
0x9d: {  	s20 =	sld [smem:$0x3FDB];
	_ =	sdelay $0x1  }
0x9e: {  	s9 =	simm.s32 $_scs_section_size  }
0x9f: {  	s10 =	simm.s32 $_size__tile_overlayer_lowered;
	s11 =	simm.s32 $_tile_overlayer_lowered  }
0xa0: {  	s23 =	simm.s32 $0x1BFF;
	s22 =	sshll.u32 s11, $0x1;
	s8 =	sadd.s32 s9, s20  }
0xa1: {  	s12 =	simm.s32 $0x0;
	s21 =	sshll.u32 s10, $0x1;
	s10 =	sadd.s32 s22, s8  }
0xa2: {  	[timem:s12], [sflag:s23] =	dma.local [hbm:s10], s21  }
0xa3: {  	_ =	swait.ge [sflag:s23], s21  }
0xa4: {  	s9 =	ssub.s32 $0x0, s21;
	[sflag:s23] =	ssyncset.done $0x0  }
0xa5: {  	[sflag:s23] =	ssyncadd.s32 s9;
	_ =	sdelay $0x1  }
0xa6: {  	s24 =	simm.s32 $0x1B8B  }
0xa7: {  	_ =	swait.ge [sflag:s24], $0x1  }
0xa8: {  	[sflag:s24] =	ssyncset.done $0x0  }
0xa9: {  	s25 =	simm.s32 $0x1B8E;
	[sflag:s24] =	ssyncadd.s32 $0xFFFFFFFF  }
0xaa: {  	s26 =	simm.s32 $execute0_lowered;
	[smem:$0x3FD2] =	sst s25  }
0xab: {  	s9 =	sshll.u32 s26, $0x1;
	_ =	strace $0x80000046;
	[dreg:$0x1] =	wrdreg $0xFFFFFFFF  }
0xac: {  	s28 =	simm.s32 $_size_execute0_lowered;
	s8 =	sadd.s32 s8, s9;
	[dreg:$0x0] =	wrdreg $0x0  }
0xad: {  	s9 =	sshll.u32 s28, $0x1;
	[dreg:$0x2] =	wrdreg s8  }
0xae: {  	[dreg:$0x3] =	wrdreg s9  }
0xaf: {  	[dreg:$0x4] =	wrdreg $0xC0  }
0xb0: {  	_ =	task [dreg:s12], $0x5FFFF  }
0xb1: {  	[dreg:$0x1] =	wrdreg $0xFFFFFFFF  }
0xb2: {  	[dreg:$0x0] =	wrdreg $0x60  }
0xb3: {  	[dreg:$0x2] =	wrdreg s2  }
0xb4: {  	[dreg:$0x3] =	wrdreg s19  }
0xb5: {  	[dreg:$0x4] =	wrdreg s4  }
0xb6: {  	[dreg:$0x5] =	wrdreg s5  }
0xb7: {  	[dreg:$0x6] =	wrdreg s6  }
0xb8: {  	[dreg:$0x7] =	wrdreg s7  }
0xb9: {  	[dreg:$0x8] =	wrdreg $0x9  }
0xba: {  	_ =	task.clear_ibuf [dreg:s12], $0x9FFFF;
	_ =	strace $0x90000046  }
0xbb: {  	s29 =	simm.s32 $0x9;
	_ =	strace $0x80000048  }
0xbc: {  	_ =	swait.ge [sflag:s29], $0x1  }
0xbd: {  	[sflag:s29] =	ssyncadd.s32 $0xFFFFFFFF  }
0xbe: {  	_ =	strace $0x90000048  }
0xbf: {  	_ =	sfence  }
0xc0: {  	s30 =	sld [smem:$0x0];
	_ =	sdelay $0x2  }
0xc1: {  	s31 =	sshll.u32 s1, $0xD;
	s1 =	sshrl.u32 s1, $0x2  }
0xc2: {  	s3 =	sand.u32 $0x4000, s31;
	s1 =	sadd.s32 s1, s30  }
0xc3: {  	s0 =	sor.u32 s3, s0;
	s1 =	sshll.u32 s1, $0x11  }
0xc4: {  	s0 =	sor.u32 s1, s0  }
0xc5: {  	s0 =	sadd.s32 $0x8F2B, s0  }
0xc6: {  	[sflag:s0] =	ssyncadd.remote.s32 $0x1  }
0xc7: {  	_ =	sfence.sel $0xFFFF  }
0xc8: {  	[dreg:$0x0] =	wrdreg $0xFFFFFFFF;
	(pc) =	sbr.abs _section_cstart, $3  }
0xc9: {  	[dreg:$0x1] =	wrdreg $0xFFFFFFFF  }
0xca: {  	_ =	task.clear_ibuf [dreg:s12], $0x2FFFF;
	_ =	strace $0x9FFFFFFF  }
0xcb: {  	(tm) =	ssettm $0x7FFFFFFF  }
tec
execute0_lowered:
.L_overlay_start_1:
0x0: {  	(tag) =	ssettag $0x1  }
0x1: {  	s1 =	rddreg [dreg:$0x0]  }
0x2: {  	s2 =	rddreg [dreg:$0x1]  }
0x3: {  	s0 =	rddreg [dreg:$0x2]  }
0x4: {  	s3 =	rddreg [dreg:$0x3]  }
0x5: {  	s7 =	rddreg [dreg:$0x4];
	v0 =	vimm.s32 $0xFEDCBA98;
	v1 =	vimm.s32 $0x76543210  }
0x6: {  	s8 =	rddreg [dreg:$0x5];
	s5 =	srdreg.scid;
	v2 =	vimm.s32 $0xBA98FEDC;
	v3 =	vimm.s32 $0x32107654;
	v4 =	vimm.s32 $0xDCFE98BA  }
0x7: {  	s4 =	simm.s32 $0x0;
	s9 =	stileid.u32;
	s12 =	simm.s32 $0x1;
	v5 =	vimm.s32 $0x54761032;
	v6 =	vimm.s32 $0xEFCDAB89;
	v7 =	vimm.s32 $0x67452301  }
0x8: {  	s13 =	simm.s32 $0x600;
	s14 =	simm.s32 $0x2600;
	s15 =	simm.s32 $0x4600;
	v0 =	vunpack.c.l.s4.s8 v0;
	v1 =	vunpack.c.l.s4.s8 v1;
	v2 =	vunpack.c.l.s4.s8 v2  }
0x9: {  	s16 =	simm.s32 $0x6600;
	s18 =	simm.s32 $0x8600;
	s20 =	simm.s32 $0xA600;
	v3 =	vunpack.c.l.s4.s8 v3;
	v4 =	vunpack.c.l.s4.s8 v4;
	v5 =	vunpack.c.l.s4.s8 v5  }
0xa: {  	s21 =	simm.s32 $0x40;
	s25 =	simm.s32 $0xE600;
	s28 =	simm.s32 $0x10600;
	v6 =	vunpack.c.l.s4.s8 v6;
	v7 =	vunpack.c.l.s4.s8 v7;
	v0 =	vunpack.c.0.s8.s32 v0  }
0xb: {  	s23 =	simm.s32 $0x3;
	s29 =	simm.s32 $0x4;
	s5 =	sand.u32 $0x1, s5;
	v2 =	vunpack.c.0.s8.s32 v2;
	v3 =	vunpack.c.0.s8.s32 v3;
	v4 =	vunpack.c.0.s8.s32 v4  }
0xc: {  	s30 =	simm.s32 $0x0;
	s9 =	sshll.u32 s9, $0x7;
	s6 =	ssub.s32 $0x2, s5;
	v5 =	vunpack.c.0.s8.s32 v5;
	v6 =	vunpack.c.0.s8.s32 v6;
	v7 =	vunpack.c.0.s8.s32 v7  }
0xd: {  	[smem:$0x7FF] =	sst s4;
	s5 =	sshll.u32 s5, $0x6;
	s10 =	sshrl.u32 s6, $0x1;
	v1 =	vunpack.c.0.s8.s32 v1;
	v2 =	vcombine.low v3, v2  }
0xe: {  	_ =	strace $0x80000047;
	s9 =	sor.u32 s5, s9;
	s10 =	ssub.s32 s6, s10;
	v3 =	vcombine.low v5, v4;
	v4 =	vand.u32 $0xF, v0;
	v5 =	vcombine.low v7, v6  }
0xf: {  	s5 =	sadd.s32 s0, s9;
	s6 =	sadd.s32 s3, s9;
	s7 =	sadd.s32 s7, s9;
	v0 =	vimm.f32 $0.0e+00;
	v1 =	vcombine.low v4, v1;
	v2 =	vand.u32 $0xF, v2  }
0x10: {  	s8 =	sadd.s32 s8, s9;
	s0 =	simm.s32 $0x2;
	s9 =	smax.u32 s10, $0x1;
	v3 =	vand.u32 $0xF, v3;
	v4 =	vand.u32 $0xF, v5;
	v5 =	vlaneseq.u32  }
.LBB2_1:
0x11: {  	[tilespmem:s4], [sflag:$0x1] =	stream.linear.gather [hbm4b:s5+s4], $0x200, $0x38;
	[tilespmem:$0x12800] =	vst v63  }
0x12: {  	s3 =	simm.s32 $0x200  }
0x13: {  	[tilespmem:s3], [sflag:$0x1] =	stream.linear.gather [hbm4b:s6+s4], $0x200, $0x38;
	[tilespmem:$0x12800] =	vst v63  }
0x14: {  	s10 =	simm.s32 $0x400  }
0x15: {  	[tilespmem:s10], [sflag:$0x1] =	stream.linear.gather [hbm4b:s7+s4], $0x200, $0x38;
	[tilespmem:$0x12800] =	vst v63  }
0x16: {  	[tilespmem:$0x12600] =	vst v0  }
0x17: {  	[tilespmem:$0x12610] =	vst v0  }
0x18: {  	[tilespmem:$0x12620] =	vst v0  }
0x19: {  	[tilespmem:$0x12630] =	vst v0  }
0x1a: {  	[tilespmem:$0x12640] =	vst v0  }
0x1b: {  	[tilespmem:$0x12650] =	vst v0  }
0x1c: {  	[tilespmem:$0x12660] =	vst v0  }
0x1d: {  	[tilespmem:$0x12670] =	vst v0  }
0x1e: {  	[tilespmem:$0x12680] =	vst v0  }
0x1f: {  	[tilespmem:$0x12690] =	vst v0  }
0x20: {  	[tilespmem:$0x126A0] =	vst v0  }
0x21: {  	[tilespmem:$0x126B0] =	vst v0  }
0x22: {  	[tilespmem:$0x126C0] =	vst v0  }
0x23: {  	[tilespmem:$0x126D0] =	vst v0  }
0x24: {  	[tilespmem:$0x126E0] =	vst v0  }
0x25: {  	[tilespmem:$0x126F0] =	vst v0  }
0x26: {  	[tilespmem:$0x12700] =	vst v0  }
0x27: {  	[tilespmem:$0x12710] =	vst v0  }
0x28: {  	[tilespmem:$0x12720] =	vst v0  }
0x29: {  	[tilespmem:$0x12730] =	vst v0  }
0x2a: {  	[tilespmem:$0x12740] =	vst v0  }
0x2b: {  	[tilespmem:$0x12750] =	vst v0  }
0x2c: {  	[tilespmem:$0x12760] =	vst v0  }
0x2d: {  	[tilespmem:$0x12770] =	vst v0  }
0x2e: {  	[tilespmem:$0x12780] =	vst v0  }
0x2f: {  	[tilespmem:$0x12790] =	vst v0  }
0x30: {  	[tilespmem:$0x127A0] =	vst v0  }
0x31: {  	[tilespmem:$0x127B0] =	vst v0  }
0x32: {  	[tilespmem:$0x127C0] =	vst v0  }
0x33: {  	[tilespmem:$0x127D0] =	vst v0  }
0x34: {  	[tilespmem:$0x127E0] =	vst v0  }
0x35: {  	[tilespmem:$0x127F0] =	vst v0  }
0x36: {  	_ =	swait.ge [sflag:s12], $0x200  }
0x37: {  	[sflag:s12] =	ssyncset.done $0x0  }
0x38: {  	[sflag:s12] =	ssyncadd.s32 $0xFFFFFE00  }
0x39: {  	_ =	swait.ge [sflag:s12], $0x200  }
0x3a: {  	[sflag:s12] =	ssyncset.done $0x0  }
0x3b: {  	[sflag:s12] =	ssyncadd.s32 $0xFFFFFE00  }
0x3c: {  	_ =	swait.ge [sflag:s12], $0x200  }
0x3d: {  	[sflag:s12] =	ssyncset.done $0x0  }
0x3e: {  	[sflag:s12] =	ssyncadd.s32 $0xFFFFFE00  }
0x3f: {  	[tilespmem:s13], [sflag:$0x1] =	stream.indirect.gather [hbm4b:s1+s21], $0x80, s4, s21, $0xb8;
	[tilespmem:$0x12800] =	vst v63  }
0x40: {  	_ = 	snop  }
0x41: {  	[tilespmem:s14], [sflag:$0x1] =	stream.indirect.gather [hbm4b:s2+s21], $0x80, s3, s21, $0xb8;
	[tilespmem:$0x12800] =	vst v63  }
0x42: {  	_ = 	snop  }
0x43: {  	[tilespmem:s15], [sflag:$0x1] =	stream.indirect.gather [hbm4b:s1+s21], $0x80, s10, s21, $0xb8;
	[tilespmem:$0x12800] =	vst v63  }
0x44: {  	_ = 	snop  }
0x45: {  	[tilespmem:s16], [sflag:$0x2] =	stream.indirect.gather [hbm4b:s1+s21], $0x80, s21, s21, $0xb8;
	[tilespmem:$0x12800] =	vst v63  }
0x46: {  	s10 =	simm.s32 $0x240  }
0x47: {  	[tilespmem:s18], [sflag:$0x2] =	stream.indirect.gather [hbm4b:s2+s21], $0x80, s10, s21, $0xb8;
	[tilespmem:$0x12800] =	vst v63  }
0x48: {  	s11 =	simm.s32 $0x440  }
0x49: {  	[tilespmem:s20], [sflag:$0x2] =	stream.indirect.gather [hbm4b:s1+s21], $0x80, s11, s21, $0xb8;
	[tilespmem:$0x12800] =	vst v63  }
0x4a: {  	s17 =	simm.s32 $0xC600;
	s19 =	simm.s32 $0x80  }
0x4b: {  	[tilespmem:s17], [sflag:$0x3] =	stream.indirect.gather [hbm4b:s1+s21], $0x80, s19, s21, $0xb8;
	[tilespmem:$0x12800] =	vst v63  }
0x4c: {  	s22 =	simm.s32 $0x280  }
0x4d: {  	[tilespmem:s25], [sflag:$0x3] =	stream.indirect.gather [hbm4b:s2+s21], $0x80, s22, s21, $0xb8;
	[tilespmem:$0x12800] =	vst v63  }
0x4e: {  	s24 =	simm.s32 $0x480  }
0x4f: {  	[tilespmem:s28], [sflag:$0x3] =	stream.indirect.gather [hbm4b:s1+s21], $0x80, s24, s21, $0xb8;
	[tilespmem:$0x12800] =	vst v63  }
0x50: {  	_ =	swait.ge [sflag:s12], $0x2000  }
0x51: {  	[sflag:s12] =	ssyncset.done $0x0  }
0x52: {  	[sflag:s12] =	ssyncadd.s32 $0xFFFFE000  }
0x53: {  	_ =	swait.ge [sflag:s12], $0x2000  }
0x54: {  	[sflag:s12] =	ssyncset.done $0x0  }
0x55: {  	[sflag:s12] =	ssyncadd.s32 $0xFFFFE000  }
0x56: {  	_ =	swait.ge [sflag:s12], $0x2000  }
0x57: {  	[sflag:s12] =	ssyncset.done $0x0  }
0x58: {  	s26 =	simm.s32 $0x2680;
	[sflag:s12] =	ssyncadd.s32 $0xFFFFE000  }
0x59: {  	s31 =	simm.s32 $0x680;
	v8 =	vld [tilespmem:s26+$0x0]  }
0x5a: {  	v7 =	vld [tilespmem:s31+$0xFFFFFFF0]  }
0x5b: {  	v10 =	vld [tilespmem:s31+$0x70]  }
0x5c: {  	v6 =	vld [tilespmem:s31+$0xFFFFFFE0]  }
0x5d: {  	v12 =	vld [tilespmem:s31+$0x60]  }
0x5e: {  	v13 =	vld [tilespmem:s31+$0xFFFFFFD0]  }
0x5f: {  	v14 =	vld [tilespmem:s31+$0x20]  }
0x60: {  	v19 =	vld [tilespmem:s31+$0x40]  }
0x61: {  	v9 =	vld [tilespmem:s26+$0x30]  }
0x62: {  	s11 =	simm.s32 $0x4680;
	v15 =	vld [tilespmem:s31+$0xFFFFFF90]  }
0x63: {  	v11 =	vld [tilespmem:s11+$0x70]  }
0x64: {  	v16 =	vld [tilespmem:s11+$0x30]  }
0x65: {  	v17 =	vld [tilespmem:s26+$0x70]  }
0x66: {  	v18 =	vld [tilespmem:s11+$0x20]  }
0x67: {  	v20 =	vld [tilespmem:s11+$0x60]  }
0x68: {  	v21 =	vld [tilespmem:s26+$0x60]  }
0x69: {  	v22 =	vld [tilespmem:s26+$0x20]  }
0x6a: {  	v23 =	vld [tilespmem:s11+$0xFFFFFFE0]  }
0x6b: {  	v24 =	vld [tilespmem:s26+$0xFFFFFFA0]  }
0x6c: {  	v25 =	vld [tilespmem:s26+$0xFFFFFF80]  }
0x6d: {  	v26 =	vld [tilespmem:s11+$0xFFFFFF80]  }
0x6e: {  	v27 =	vld [tilespmem:s26+$0xFFFFFF90]  }
0x6f: {  	v28 =	vld [tilespmem:s11+$0xFFFFFFC0]  }
0x70: {  	v30 =	vld [tilespmem:s26+$0xFFFFFFD0]  }
0x71: {  	v31 =	vld [tilespmem:s11+$0xFFFFFF90]  }
0x72: {  	v34 =	vld [tilespmem:s11+$0xFFFFFFD0]  }
0x73: {  	v29 =	vld [tilespmem:s11+$0x10];
	v32 =	vmul.f32 v11, v9;
	v33 =	vmul.f32 v16, v17  }
0x74: {  	v36 =	vld [tilespmem:s11+$0x50];
	v9 =	vmul.f32 v16, v9;
	v51 =	vmul.f32 v20, v21  }
0x75: {  	v53 =	vld [tilespmem:s26+$0x40];
	v35 =	vmul.f32 v18, v22;
	v11 =	vmul.f32 v11, v17  }
0x76: {  	v38 =	vld [tilespmem:s26+$0x10];
	v17 =	vmul.f32 v18, v21;
	v52 =	vmul.f32 v26, v25  }
0x77: {  	v16 =	vld [tilespmem:s11+$0x40];
	v54 =	vmul.f32 v31, v27;
	v37 =	vmul.f32 v34, v30  }
0x78: {  	v18 =	vld [tilespmem:s11+$0x0];
	v27 =	vmul.f32 v34, v27;
	v32 =	vsub.f32 v32, v33;
	v21 =	vadd.f32 v51, v35  }
0x79: {  	v58 =	vld [tilespmem:s26+$0xFFFFFFE0];
	v25 =	vmul.f32 v28, v25;
	v20 =	vmul.f32 v20, v22  }
0x7a: {  	v60 =	vld [tilespmem:s11+$0xFFFFFFB0];
	v55 =	vadd.f32 v37, v54;
	v10 =	vmul.f32 v32, v10;
	v14 =	vmul.f32 v21, v14  }
0x7b: {  	v21 =	vmul.f32 v31, v30;
	v30 =	vld [tilespmem:s26+$0x50];
	v31 =	vmul.f32 v23, v24  }
0x7c: {  	v22 =	vld [tilespmem:s31+$0x0];
	v17 =	vsub.f32 v20, v17;
	v15 =	vmul.f32 v55, v15;
	v57 =	vmul.f32 v16, v8  }
0x7d: {  	v61 =	vld [tilespmem:s26+$0xFFFFFFF0];
	v16 =	vmul.f32 v16, v53;
	v20 =	vmul.f32 v18, v8;
	v21 =	vsub.f32 v27, v21  }
0x7e: {  	v12 =	vmul.f32 v17, v12;
	v17 =	vmul.f32 v29, v38;
	v27 =	vld [tilespmem:s11+$0xFFFFFFA0]  }
0x7f: {  	v18 =	vmul.f32 v18, v53;
	v16 =	vadd.f32 v16, v20;
	v13 =	vmul.f32 v21, v13;
	v21 =	vld [tilespmem:s26+$0xFFFFFFC0]  }
0x80: {  	v56 =	vld [tilespmem:s31+$0x50];
	v14 =	vadd.f32 v12, v14;
	v20 =	vmul.f32 v36, v38;
	v29 =	vmul.f32 v29, v30  }
0x81: {  	s3 =	simm.s32 $0x0;
	v59 =	vld [tilespmem:s11+$0xFFFFFFF0];
	v12 =	vmul.f32 v23, v58;
	v62 =	vmul.f32 v16, v22;
	v15 =	vadd.f32 v13, v15  }
0x82: {  	s17 =	sand.u32 $0xE, s3;
	v13 =	vmul.f32 v36, v30;
	v30 =	vsub.f32 v57, v18;
	v18 =	vsub.f32 v20, v29;
	v20 =	vld [tilespmem:s26+$0xFFFFFFB0]  }
0x83: {  	v63 =	vld [tilespmem:s31+$0xFFFFFFC0];
	v8 =	vmov s17;
	v16 =	vmul.f32 v27, v24;
	v22 =	vmul.f32 v27, v58  }
0x84: {  	v23 =	vld [tilespmem:s31+$0xFFFFFFA0];
	v27 =	vmul.f32 v60, v61;
	v17 =	vadd.f32 v13, v17;
	v13 =	vmul.f32 v26, v21  }
0x85: {  	v19 =	vmul.f32 v30, v19;
	v18 =	vmul.f32 v18, v56;
	v24 =	vadd.f32 v12, v16;
	v16 =	vld [tilespmem:s31+$0xFFFFFF80]  }
0x86: {  	v28 =	vmul.f32 v28, v21;
	v12 =	vld [tilespmem:s31+$0xFFFFFFB0];
	v26 =	vmul.f32 v59, v61;
	v13 =	vsub.f32 v25, v13  }
0x87: {  	s19 =	simm.s32 $0xFFFFFFFE;
	v22 =	vsub.f32 v31, v22;
	v21 =	vld [tilespmem:s31+$0x30];
	v29 =	vmul.f32 v60, v20;
	v30 =	vmul.f32 v59, v20  }
0x88: {  	s24 =	simm.s32 $0x4780;
	s17 =	sand.u32 $0x30, s3;
	s26 =	simm.s32 $0x2780;
	v19 =	vadd.f32 v19, v62;
	v28 =	vadd.f32 v28, v52;
	v20 =	vld [tilespmem:s31+$0x10];
	v25 =	vmul.f32 v13, v63  }
.LBB2_2:
0x89: {  	v13 =	vld [tilespmem:s26+$0x0];
	v23 =	vmul.f32 v24, v23;
	v24 =	vadd.f32 v26, v29;
	v26 =	vsub.f32 v30, v27;
	s31 =	sadd.s32 $0x100, s31;
	s11 =	smov.u32 s3;
	s3 =	sadd.s32 $0x2, s3  }
0x8a: {  	v22 =	vmul.f32 v22, v6;
	v9 =	vadd.f32 v11, v9;
	v27 =	vld [tilespmem:s31+$0xFFFFFFF0];
	s22 =	sand.u32 $0xE, s3;
	s10 =	sand.u32 $0x30, s3;
	p0 =	slt.u32 s3, $0x3E;
	v16 =	vmul.f32 v28, v16  }
0x8b: {  	v28 =	vmov s22;
	v29 =	vld [tilespmem:s31+$0x70];
	v11 =	vmul.f32 v24, v12;
	v7 =	vmul.f32 v26, v7  }
0x8c: {  	v6 =	vld [tilespmem:s31+$0xFFFFFFE0];
	v12 =	vadd.f32 v25, v16;
	v9 =	vmul.f32 v9, v21  }
0x8d: {  	v21 =	vadd.f32 v22, v23;
	v16 =	vld [tilespmem:s31+$0x60];
	v24 =	vadd.f32 v7, v11  }
0x8e: {  	v22 =	vld [tilespmem:s31+$0xFFFFFFD0];
	v9 =	vadd.f32 v10, v9  }
0x8f: {  	v10 =	vadd.f32 v15, v12;
	v15 =	vmul.f32 v17, v20;
	v23 =	vld [tilespmem:s31+$0x20];
	v11 =	vadd.f32 v24, v21;
	v7 =	vmovc v27  }
0x90: {  	v12 =	vld [tilespmem:s31+$0x40]  }
0x91: {  	v17 =	vld [tilespmem:s26+$0x30];
	v10 =	vadd.f32 v11, v10;
	v11 =	vadd.f32 v18, v15  }
0x92: {  	v15 =	vld [tilespmem:s31+$0xFFFFFF90]  }
0x93: {  	v9 =	vadd.f32 v9, v14;
	v18 =	vld [tilespmem:s24+$0x70];
	v20 =	vperm.xlane v10, v1;
	v11 =	vadd.f32 v11, v19  }
0x94: {  	v14 =	vld [tilespmem:s24+$0x30]  }
0x95: {  	v19 =	vld [tilespmem:s26+$0x70];
	v10 =	vadd.f32 v10, v20;
	v11 =	vadd.f32 v9, v11  }
0x96: {  	v20 =	vld [tilespmem:s24+$0x20]  }
0x97: {  	v21 =	vld [tilespmem:s24+$0x60];
	v24 =	vperm.xlane v10, v2;
	v25 =	vperm.xlane v11, v1  }
0x98: {  	v26 =	vld [tilespmem:s26+$0x60];
	v27 =	vmul.f32 v18, v17  }
0x99: {  	v30 =	vld [tilespmem:s26+$0x20];
	v9 =	vmul.f32 v14, v17;
	v10 =	vadd.f32 v10, v24;
	v17 =	vadd.f32 v11, v25  }
0x9a: {  	v24 =	vld [tilespmem:s24+$0xFFFFFFE0];
	v11 =	vmul.f32 v18, v19;
	v14 =	vmul.f32 v14, v19  }
0x9b: {  	v18 =	vld [tilespmem:s26+$0xFFFFFFA0];
	v19 =	vperm.xlane v10, v3;
	v25 =	vperm.xlane v17, v2  }
0x9c: {  	v31 =	vld [tilespmem:s26+$0xFFFFFF80];
	v14 =	vsub.f32 v27, v14  }
0x9d: {  	v27 =	vld [tilespmem:s24+$0xFFFFFF80];
	v32 =	vmul.f32 v21, v26;
	v26 =	vmul.f32 v20, v26;
	v19 =	vadd.f32 v10, v19  }
0x9e: {  	v33 =	vld [tilespmem:s26+$0xFFFFFF90];
	v20 =	vmul.f32 v20, v30;
	v10 =	vmul.f32 v14, v29;
	v14 =	vadd.f32 v17, v25  }
0x9f: {  	v25 =	vld [tilespmem:s24+$0xFFFFFFC0];
	v17 =	vperm.xlane v19, v4  }
0xa0: {  	v29 =	vld [tilespmem:s24+$0x10];
	v20 =	vadd.f32 v32, v20;
	v32 =	vperm.xlane v14, v3  }
0xa1: {  	v34 =	vld [tilespmem:s26+$0xFFFFFFD0];
	v17 =	vadd.f32 v19, v17  }
0xa2: {  	v35 =	vmul.f32 v27, v31;
	v19 =	vld [tilespmem:s24+$0xFFFFFF90];
	v20 =	vmul.f32 v20, v23;
	v14 =	vadd.f32 v14, v32  }
0xa3: {  	v23 =	vld [tilespmem:s24+$0xFFFFFFD0]  }
0xa4: {  	s22 =	sadd.s32 $0x3, s19;
	s19 =	smov.u32 s11;
	v32 =	vmul.f32 v24, v18;
	v36 =	vld [tilespmem:s24+$0x40];
	v37 =	vperm.xlane v14, v4  }
0xa5: {  	s11 =	sand.u32 $0xF, s22;
	v31 =	vmul.f32 v25, v31;
	v38 =	vld [tilespmem:s24+$0x50]  }
0xa6: {  	vm0 =	veq.s32 v8, v5;
	v8 =	vmovc v28;
	v39 =	vld [tilespmem:s24+$0x0];
	v14 =	vadd.f32 v14, v37;
	v37 =	vmov s11  }
0xa7: {  	v17 =	vnsel vm0, $0x0, v17;
	s11 =	sor.u32 $0x12600, s17;
	s17 =	smov.u32 s10;
	v28 =	vmul.f32 v19, v33;
	v19 =	vmul.f32 v19, v34;
	v40 =	vld [tilespmem:s26+$0x40]  }
0xa8: {  	vm0 =	veq.s32 v37, v5;
	v34 =	vmul.f32 v23, v34;
	v23 =	vmul.f32 v23, v33;
	[tilespmem:s11+$0x0] =	vst.add.f32.msk $0xffff, v17  }
0xa9: {  	v14 =	vnsel vm0, $0x0, v14;
	v17 =	vmul.f32 v36, v13;
	v33 =	vld [tilespmem:s26+$0x10]  }
0xaa: {  	v21 =	vmul.f32 v21, v30;
	v28 =	vadd.f32 v34, v28;
	v19 =	vsub.f32 v23, v19;
	[tilespmem:s11+$0x0] =	vst.add.f32.msk $0xffff, v14  }
0xab: {  	v14 =	vld [tilespmem:s26+$0x50]  }
0xac: {  	v21 =	vsub.f32 v21, v26;
	v15 =	vmul.f32 v28, v15;
	v23 =	vmul.f32 v36, v40;
	v28 =	vld [tilespmem:s31+$0x50]  }
0xad: {  	v13 =	vmul.f32 v39, v13;
	v30 =	vmul.f32 v39, v40;
	v26 =	vld [tilespmem:s31+$0x0]  }
0xae: {  	v16 =	vmul.f32 v21, v16;
	v19 =	vmul.f32 v19, v22;
	v22 =	vld [tilespmem:s24+$0xFFFFFFA0]  }
0xaf: {  	v13 =	vadd.f32 v23, v13;
	v23 =	vmul.f32 v29, v33;
	v21 =	vld [tilespmem:s26+$0xFFFFFFE0]  }
0xb0: {  	v15 =	vadd.f32 v19, v15;
	v33 =	vmul.f32 v38, v33;
	v34 =	vld [tilespmem:s26+$0xFFFFFFC0];
	v19 =	vmul.f32 v38, v14  }
0xb1: {  	v30 =	vsub.f32 v17, v30;
	v29 =	vmul.f32 v29, v14;
	v14 =	vadd.f32 v16, v20;
	v36 =	vld [tilespmem:s24+$0xFFFFFFF0]  }
0xb2: {  	v20 =	vld [tilespmem:s24+$0xFFFFFFB0];
	v13 =	vmul.f32 v13, v26;
	v17 =	vadd.f32 v19, v23  }
0xb3: {  	v16 =	vmul.f32 v22, v18;
	v19 =	vld [tilespmem:s26+$0xFFFFFFF0];
	v18 =	vsub.f32 v33, v29  }
0xb4: {  	v24 =	vmul.f32 v24, v21;
	v21 =	vmul.f32 v22, v21;
	v33 =	vld [tilespmem:s26+$0xFFFFFFB0]  }
0xb5: {  	v37 =	vld [tilespmem:s31+$0xFFFFFFC0];
	v22 =	vmul.f32 v27, v34;
	v18 =	vmul.f32 v18, v28  }
.Ltmp0:
0xb6: {  	v25 =	vmul.f32 v25, v34;
	v23 =	vld [tilespmem:s31+$0xFFFFFFA0];
	v24 =	vadd.f32 v24, v16;
	(pc) =	sbr.rel @p0 .LBB2_2-.Ltmp0, $4  }
0xb7: {  	v16 =	vld [tilespmem:s31+$0xFFFFFF80];
	v31 =	vsub.f32 v31, v22;
	v22 =	vsub.f32 v32, v21;
	v21 =	vmul.f32 v30, v12  }
0xb8: {  	v12 =	vld [tilespmem:s31+$0xFFFFFFB0];
	v26 =	vmul.f32 v36, v19;
	v27 =	vmul.f32 v20, v19  }
0xb9: {  	v29 =	vmul.f32 v20, v33;
	v30 =	vmul.f32 v36, v33;
	v19 =	vadd.f32 v21, v13;
	v21 =	vld [tilespmem:s31+$0x30]  }
0xba: {  	s24 =	sadd.s32 $0x100, s24;
	s26 =	sadd.s32 $0x100, s26;
	v28 =	vadd.f32 v25, v35;
	v25 =	vmul.f32 v31, v37;
	v20 =	vld [tilespmem:s31+$0x10]  }
0xbb: {  	_ = 	snop  }
0xbc: {  	v13 =	vmul.f32 v24, v23;
	v23 =	vadd.f32 v26, v29;
	v24 =	vsub.f32 v30, v27  }
0xbd: {  	v6 =	vmul.f32 v22, v6;
	v9 =	vadd.f32 v11, v9;
	v16 =	vmul.f32 v28, v16  }
0xbe: {  	v11 =	vmul.f32 v23, v12;
	v7 =	vmul.f32 v24, v7  }
0xbf: {  	v12 =	vadd.f32 v25, v16;
	v9 =	vmul.f32 v9, v21;
	v16 =	vmul.f32 v17, v20  }
0xc0: {  	v6 =	vadd.f32 v6, v13;
	v7 =	vadd.f32 v7, v11  }
0xc1: {  	v9 =	vadd.f32 v10, v9;
	v10 =	vadd.f32 v18, v16  }
0xc2: {  	v11 =	vadd.f32 v15, v12;
	v6 =	vadd.f32 v7, v6  }
0xc3: {  	v9 =	vadd.f32 v9, v14;
	v7 =	vadd.f32 v10, v19  }
0xc4: {  	v6 =	vadd.f32 v6, v11  }
0xc5: {  	v7 =	vadd.f32 v9, v7  }
0xc6: {  	v9 =	vperm.xlane v6, v1  }
0xc7: {  	v10 =	vperm.xlane v7, v1  }
0xc8: {  	v6 =	vadd.f32 v6, v9  }
0xc9: {  	v7 =	vadd.f32 v7, v10  }
0xca: {  	v9 =	vperm.xlane v6, v2  }
0xcb: {  	v10 =	vperm.xlane v7, v2  }
0xcc: {  	v6 =	vadd.f32 v6, v9  }
0xcd: {  	v7 =	vadd.f32 v7, v10  }
0xce: {  	v9 =	vperm.xlane v6, v3  }
0xcf: {  	v10 =	vperm.xlane v7, v3  }
0xd0: {  	v6 =	vadd.f32 v6, v9  }
0xd1: {  	v7 =	vadd.f32 v7, v10  }
0xd2: {  	v9 =	vperm.xlane v6, v4  }
0xd3: {  	s3 =	sadd.s32 $0x3, s19;
	v10 =	vperm.xlane v7, v4  }
0xd4: {  	s3 =	sand.u32 $0xF, s3;
	v6 =	vadd.f32 v6, v9  }
0xd5: {  	vm0 =	veq.s32 v8, v5;
	v8 =	vmov s3;
	v7 =	vadd.f32 v7, v10  }
0xd6: {  	s17 =	sor.u32 $0x12600, s17;
	vm15 =	veq.s32 v8, v5;
	v6 =	vnsel vm0, $0x0, v6  }
0xd7: {  	[tilespmem:s17+$0x0] =	vst.add.f32.msk $0xffff, v6;
	v6 =	vnsel vm15, $0x0, v7  }
0xd8: {  	s19 =	simm.s32 $0xC0;
	[tilespmem:s17+$0x0] =	vst.add.f32.msk $0xffff, v6  }
0xd9: {  	[tilespmem:s13], [sflag:$0x1] =	stream.indirect.gather [hbm4b:s1+s21], $0x80, s19, s21, $0xb8;
	[tilespmem:$0x12800] =	vst v63  }
0xda: {  	s22 =	simm.s32 $0x2C0  }
0xdb: {  	[tilespmem:s14], [sflag:$0x1] =	stream.indirect.gather [hbm4b:s2+s21], $0x80, s22, s21, $0xb8;
	[tilespmem:$0x12800] =	vst v63  }
0xdc: {  	s24 =	simm.s32 $0x4C0  }
0xdd: {  	[tilespmem:s15], [sflag:$0x1] =	stream.indirect.gather [hbm4b:s1+s21], $0x80, s24, s21, $0xb8;
	[tilespmem:$0x12800] =	vst v63  }
0xde: {  	_ =	swait.ge [sflag:s0], $0x2000  }
0xdf: {  	[sflag:s0] =	ssyncset.done $0x0  }
0xe0: {  	[sflag:s0] =	ssyncadd.s32 $0xFFFFE000  }
0xe1: {  	_ =	swait.ge [sflag:s0], $0x2000  }
0xe2: {  	[sflag:s0] =	ssyncset.done $0x0  }
0xe3: {  	[sflag:s0] =	ssyncadd.s32 $0xFFFFE000  }
0xe4: {  	_ =	swait.ge [sflag:s0], $0x2000  }
0xe5: {  	[sflag:s0] =	ssyncset.done $0x0  }
0xe6: {  	s10 =	simm.s32 $0x8680;
	[sflag:s0] =	ssyncadd.s32 $0xFFFFE000  }
0xe7: {  	s31 =	simm.s32 $0x6680;
	v8 =	vld [tilespmem:s10+$0x0]  }
0xe8: {  	v7 =	vld [tilespmem:s31+$0xFFFFFFF0]  }
0xe9: {  	v10 =	vld [tilespmem:s31+$0x70]  }
0xea: {  	v6 =	vld [tilespmem:s31+$0xFFFFFFE0]  }
0xeb: {  	v12 =	vld [tilespmem:s31+$0x60]  }
0xec: {  	v13 =	vld [tilespmem:s31+$0xFFFFFFD0]  }
0xed: {  	v14 =	vld [tilespmem:s31+$0x20]  }
0xee: {  	v19 =	vld [tilespmem:s31+$0x40]  }
0xef: {  	v9 =	vld [tilespmem:s10+$0x30]  }
0xf0: {  	s11 =	simm.s32 $0xA680;
	v15 =	vld [tilespmem:s31+$0xFFFFFF90]  }
0xf1: {  	v11 =	vld [tilespmem:s11+$0x70]  }
0xf2: {  	v16 =	vld [tilespmem:s11+$0x30]  }
0xf3: {  	v17 =	vld [tilespmem:s10+$0x70]  }
0xf4: {  	v18 =	vld [tilespmem:s11+$0x20]  }
0xf5: {  	v20 =	vld [tilespmem:s11+$0x60]  }
0xf6: {  	v21 =	vld [tilespmem:s10+$0x60]  }
0xf7: {  	v22 =	vld [tilespmem:s10+$0x20]  }
0xf8: {  	v23 =	vld [tilespmem:s11+$0xFFFFFFE0]  }
0xf9: {  	v24 =	vld [tilespmem:s10+$0xFFFFFFA0]  }
0xfa: {  	v25 =	vld [tilespmem:s10+$0xFFFFFF80]  }
0xfb: {  	v26 =	vld [tilespmem:s11+$0xFFFFFF80]  }
0xfc: {  	v27 =	vld [tilespmem:s10+$0xFFFFFF90]  }
0xfd: {  	v28 =	vld [tilespmem:s11+$0xFFFFFFC0]  }
0xfe: {  	v30 =	vld [tilespmem:s10+$0xFFFFFFD0]  }
0xff: {  	v31 =	vld [tilespmem:s11+$0xFFFFFF90]  }
0x100: {  	v34 =	vld [tilespmem:s11+$0xFFFFFFD0]  }
0x101: {  	v29 =	vld [tilespmem:s11+$0x10];
	v32 =	vmul.f32 v11, v9;
	v33 =	vmul.f32 v16, v17  }
0x102: {  	v36 =	vld [tilespmem:s11+$0x50];
	v9 =	vmul.f32 v16, v9;
	v51 =	vmul.f32 v20, v21  }
0x103: {  	v53 =	vld [tilespmem:s10+$0x40];
	v35 =	vmul.f32 v18, v22;
	v11 =	vmul.f32 v11, v17  }
0x104: {  	v38 =	vld [tilespmem:s10+$0x10];
	v17 =	vmul.f32 v18, v21;
	v52 =	vmul.f32 v26, v25  }
0x105: {  	v16 =	vld [tilespmem:s11+$0x40];
	v54 =	vmul.f32 v31, v27;
	v37 =	vmul.f32 v34, v30  }
0x106: {  	v18 =	vld [tilespmem:s11+$0x0];
	v27 =	vmul.f32 v34, v27;
	v32 =	vsub.f32 v32, v33;
	v21 =	vadd.f32 v51, v35  }
0x107: {  	v58 =	vld [tilespmem:s10+$0xFFFFFFE0];
	v25 =	vmul.f32 v28, v25;
	v20 =	vmul.f32 v20, v22  }
0x108: {  	v60 =	vld [tilespmem:s11+$0xFFFFFFB0];
	v55 =	vadd.f32 v37, v54;
	v10 =	vmul.f32 v32, v10;
	v14 =	vmul.f32 v21, v14  }
0x109: {  	v21 =	vmul.f32 v31, v30;
	v30 =	vld [tilespmem:s10+$0x50];
	v31 =	vmul.f32 v23, v24  }
0x10a: {  	v22 =	vld [tilespmem:s31+$0x0];
	v17 =	vsub.f32 v20, v17;
	v15 =	vmul.f32 v55, v15;
	v57 =	vmul.f32 v16, v8  }
0x10b: {  	v61 =	vld [tilespmem:s10+$0xFFFFFFF0];
	v16 =	vmul.f32 v16, v53;
	v20 =	vmul.f32 v18, v8;
	v21 =	vsub.f32 v27, v21  }
0x10c: {  	v12 =	vmul.f32 v17, v12;
	v17 =	vmul.f32 v29, v38;
	v27 =	vld [tilespmem:s11+$0xFFFFFFA0]  }
0x10d: {  	v18 =	vmul.f32 v18, v53;
	v16 =	vadd.f32 v16, v20;
	v13 =	vmul.f32 v21, v13;
	v21 =	vld [tilespmem:s10+$0xFFFFFFC0]  }
0x10e: {  	v56 =	vld [tilespmem:s31+$0x50];
	v14 =	vadd.f32 v12, v14;
	v20 =	vmul.f32 v36, v38;
	v29 =	vmul.f32 v29, v30  }
0x10f: {  	s3 =	simm.s32 $0x0;
	v59 =	vld [tilespmem:s11+$0xFFFFFFF0];
	v12 =	vmul.f32 v23, v58;
	v62 =	vmul.f32 v16, v22;
	v15 =	vadd.f32 v13, v15  }
0x110: {  	s26 =	sand.u32 $0xE, s3;
	v13 =	vmul.f32 v36, v30;
	v30 =	vsub.f32 v57, v18;
	v18 =	vsub.f32 v20, v29;
	v20 =	vld [tilespmem:s10+$0xFFFFFFB0]  }
0x111: {  	v63 =	vld [tilespmem:s31+$0xFFFFFFC0];
	v8 =	vmov s26;
	v16 =	vmul.f32 v27, v24;
	v22 =	vmul.f32 v27, v58  }
0x112: {  	v23 =	vld [tilespmem:s31+$0xFFFFFFA0];
	v27 =	vmul.f32 v60, v61;
	v17 =	vadd.f32 v13, v17;
	v13 =	vmul.f32 v26, v21  }
0x113: {  	v19 =	vmul.f32 v30, v19;
	v18 =	vmul.f32 v18, v56;
	v24 =	vadd.f32 v12, v16;
	v16 =	vld [tilespmem:s31+$0xFFFFFF80]  }
0x114: {  	v28 =	vmul.f32 v28, v21;
	v12 =	vld [tilespmem:s31+$0xFFFFFFB0];
	v26 =	vmul.f32 v59, v61;
	v13 =	vsub.f32 v25, v13  }
0x115: {  	s17 =	sand.u32 $0x30, s3;
	v22 =	vsub.f32 v31, v22;
	v21 =	vld [tilespmem:s31+$0x30];
	v29 =	vmul.f32 v60, v20;
	v30 =	vmul.f32 v59, v20  }
0x116: {  	s19 =	simm.s32 $0xFFFFFFFE;
	s24 =	simm.s32 $0xA780;
	s26 =	simm.s32 $0x8780;
	v19 =	vadd.f32 v19, v62;
	v28 =	vadd.f32 v28, v52;
	v20 =	vld [tilespmem:s31+$0x10];
	v25 =	vmul.f32 v13, v63  }
.LBB2_4:
0x117: {  	v13 =	vld [tilespmem:s26+$0x0];
	v23 =	vmul.f32 v24, v23;
	v24 =	vadd.f32 v26, v29;
	v26 =	vsub.f32 v30, v27;
	s31 =	sadd.s32 $0x100, s31;
	s11 =	smov.u32 s3;
	s3 =	sadd.s32 $0x2, s3  }
0x118: {  	v22 =	vmul.f32 v22, v6;
	v9 =	vadd.f32 v11, v9;
	v27 =	vld [tilespmem:s31+$0xFFFFFFF0];
	s22 =	sand.u32 $0xE, s3;
	s10 =	sand.u32 $0x30, s3;
	p0 =	slt.u32 s3, $0x3E;
	v16 =	vmul.f32 v28, v16  }
0x119: {  	v28 =	vmov s22;
	v29 =	vld [tilespmem:s31+$0x70];
	v11 =	vmul.f32 v24, v12;
	v7 =	vmul.f32 v26, v7  }
0x11a: {  	v6 =	vld [tilespmem:s31+$0xFFFFFFE0];
	v12 =	vadd.f32 v25, v16;
	v9 =	vmul.f32 v9, v21  }
0x11b: {  	v21 =	vadd.f32 v22, v23;
	v16 =	vld [tilespmem:s31+$0x60];
	v24 =	vadd.f32 v7, v11  }
0x11c: {  	v22 =	vld [tilespmem:s31+$0xFFFFFFD0];
	v9 =	vadd.f32 v10, v9  }
0x11d: {  	v10 =	vadd.f32 v15, v12;
	v15 =	vmul.f32 v17, v20;
	v23 =	vld [tilespmem:s31+$0x20];
	v11 =	vadd.f32 v24, v21;
	v7 =	vmovc v27  }
0x11e: {  	v12 =	vld [tilespmem:s31+$0x40]  }
0x11f: {  	v17 =	vld [tilespmem:s26+$0x30];
	v10 =	vadd.f32 v11, v10;
	v11 =	vadd.f32 v18, v15  }
0x120: {  	v15 =	vld [tilespmem:s31+$0xFFFFFF90]  }
0x121: {  	v9 =	vadd.f32 v9, v14;
	v18 =	vld [tilespmem:s24+$0x70];
	v20 =	vperm.xlane v10, v1;
	v11 =	vadd.f32 v11, v19  }
0x122: {  	v14 =	vld [tilespmem:s24+$0x30]  }
0x123: {  	v19 =	vld [tilespmem:s26+$0x70];
	v10 =	vadd.f32 v10, v20;
	v11 =	vadd.f32 v9, v11  }
0x124: {  	v20 =	vld [tilespmem:s24+$0x20]  }
0x125: {  	v21 =	vld [tilespmem:s24+$0x60];
	v24 =	vperm.xlane v10, v2;
	v25 =	vperm.xlane v11, v1  }
0x126: {  	v26 =	vld [tilespmem:s26+$0x60];
	v27 =	vmul.f32 v18, v17  }
0x127: {  	v30 =	vld [tilespmem:s26+$0x20];
	v9 =	vmul.f32 v14, v17;
	v10 =	vadd.f32 v10, v24;
	v17 =	vadd.f32 v11, v25  }
0x128: {  	v24 =	vld [tilespmem:s24+$0xFFFFFFE0];
	v11 =	vmul.f32 v18, v19;
	v14 =	vmul.f32 v14, v19  }
0x129: {  	v18 =	vld [tilespmem:s26+$0xFFFFFFA0];
	v19 =	vperm.xlane v10, v3;
	v25 =	vperm.xlane v17, v2  }
0x12a: {  	v31 =	vld [tilespmem:s26+$0xFFFFFF80];
	v14 =	vsub.f32 v27, v14  }
0x12b: {  	v27 =	vld [tilespmem:s24+$0xFFFFFF80];
	v32 =	vmul.f32 v21, v26;
	v26 =	vmul.f32 v20, v26;
	v19 =	vadd.f32 v10, v19  }
0x12c: {  	v33 =	vld [tilespmem:s26+$0xFFFFFF90];
	v20 =	vmul.f32 v20, v30;
	v10 =	vmul.f32 v14, v29;
	v14 =	vadd.f32 v17, v25  }
0x12d: {  	v25 =	vld [tilespmem:s24+$0xFFFFFFC0];
	v17 =	vperm.xlane v19, v4  }
0x12e: {  	v29 =	vld [tilespmem:s24+$0x10];
	v20 =	vadd.f32 v32, v20;
	v32 =	vperm.xlane v14, v3  }
0x12f: {  	v34 =	vld [tilespmem:s26+$0xFFFFFFD0];
	v17 =	vadd.f32 v19, v17  }
0x130: {  	v35 =	vmul.f32 v27, v31;
	v19 =	vld [tilespmem:s24+$0xFFFFFF90];
	v20 =	vmul.f32 v20, v23;
	v14 =	vadd.f32 v14, v32  }
0x131: {  	v23 =	vld [tilespmem:s24+$0xFFFFFFD0]  }
0x132: {  	s22 =	sadd.s32 $0x3, s19;
	s19 =	smov.u32 s11;
	v32 =	vmul.f32 v24, v18;
	v36 =	vld [tilespmem:s24+$0x40];
	v37 =	vperm.xlane v14, v4  }
0x133: {  	s11 =	sand.u32 $0xF, s22;
	v31 =	vmul.f32 v25, v31;
	v38 =	vld [tilespmem:s24+$0x50]  }
0x134: {  	vm0 =	veq.s32 v8, v5;
	v8 =	vmovc v28;
	v39 =	vld [tilespmem:s24+$0x0];
	v14 =	vadd.f32 v14, v37;
	v37 =	vmov s11  }
0x135: {  	v17 =	vnsel vm0, $0x0, v17;
	s11 =	sor.u32 $0x12640, s17;
	s17 =	smov.u32 s10;
	v28 =	vmul.f32 v19, v33;
	v19 =	vmul.f32 v19, v34;
	v40 =	vld [tilespmem:s26+$0x40]  }
0x136: {  	vm0 =	veq.s32 v37, v5;
	v34 =	vmul.f32 v23, v34;
	v23 =	vmul.f32 v23, v33;
	[tilespmem:s11+$0x0] =	vst.add.f32.msk $0xffff, v17  }
0x137: {  	v14 =	vnsel vm0, $0x0, v14;
	v17 =	vmul.f32 v36, v13;
	v33 =	vld [tilespmem:s26+$0x10]  }
0x138: {  	v21 =	vmul.f32 v21, v30;
	v28 =	vadd.f32 v34, v28;
	v19 =	vsub.f32 v23, v19;
	[tilespmem:s11+$0x0] =	vst.add.f32.msk $0xffff, v14  }
0x139: {  	v14 =	vld [tilespmem:s26+$0x50]  }
0x13a: {  	v21 =	vsub.f32 v21, v26;
	v15 =	vmul.f32 v28, v15;
	v23 =	vmul.f32 v36, v40;
	v28 =	vld [tilespmem:s31+$0x50]  }
0x13b: {  	v13 =	vmul.f32 v39, v13;
	v30 =	vmul.f32 v39, v40;
	v26 =	vld [tilespmem:s31+$0x0]  }
0x13c: {  	v16 =	vmul.f32 v21, v16;
	v19 =	vmul.f32 v19, v22;
	v22 =	vld [tilespmem:s24+$0xFFFFFFA0]  }
0x13d: {  	v13 =	vadd.f32 v23, v13;
	v23 =	vmul.f32 v29, v33;
	v21 =	vld [tilespmem:s26+$0xFFFFFFE0]  }
0x13e: {  	v15 =	vadd.f32 v19, v15;
	v33 =	vmul.f32 v38, v33;
	v34 =	vld [tilespmem:s26+$0xFFFFFFC0];
	v19 =	vmul.f32 v38, v14  }
0x13f: {  	v30 =	vsub.f32 v17, v30;
	v29 =	vmul.f32 v29, v14;
	v14 =	vadd.f32 v16, v20;
	v36 =	vld [tilespmem:s24+$0xFFFFFFF0]  }
0x140: {  	v20 =	vld [tilespmem:s24+$0xFFFFFFB0];
	v13 =	vmul.f32 v13, v26;
	v17 =	vadd.f32 v19, v23  }
0x141: {  	v16 =	vmul.f32 v22, v18;
	v19 =	vld [tilespmem:s26+$0xFFFFFFF0];
	v18 =	vsub.f32 v33, v29  }
0x142: {  	v24 =	vmul.f32 v24, v21;
	v21 =	vmul.f32 v22, v21;
	v33 =	vld [tilespmem:s26+$0xFFFFFFB0]  }
0x143: {  	v37 =	vld [tilespmem:s31+$0xFFFFFFC0];
	v22 =	vmul.f32 v27, v34;
	v18 =	vmul.f32 v18, v28  }
.Ltmp1:
0x144: {  	v25 =	vmul.f32 v25, v34;
	v23 =	vld [tilespmem:s31+$0xFFFFFFA0];
	v24 =	vadd.f32 v24, v16;
	(pc) =	sbr.rel @p0 .LBB2_4-.Ltmp1, $4  }
0x145: {  	v16 =	vld [tilespmem:s31+$0xFFFFFF80];
	v31 =	vsub.f32 v31, v22;
	v22 =	vsub.f32 v32, v21;
	v21 =	vmul.f32 v30, v12  }
0x146: {  	v12 =	vld [tilespmem:s31+$0xFFFFFFB0];
	v26 =	vmul.f32 v36, v19;
	v27 =	vmul.f32 v20, v19  }
0x147: {  	v29 =	vmul.f32 v20, v33;
	v30 =	vmul.f32 v36, v33;
	v19 =	vadd.f32 v21, v13;
	v21 =	vld [tilespmem:s31+$0x30]  }
0x148: {  	s24 =	sadd.s32 $0x100, s24;
	s26 =	sadd.s32 $0x100, s26;
	v28 =	vadd.f32 v25, v35;
	v25 =	vmul.f32 v31, v37;
	v20 =	vld [tilespmem:s31+$0x10]  }
0x149: {  	_ = 	snop  }
0x14a: {  	v13 =	vmul.f32 v24, v23;
	v23 =	vadd.f32 v26, v29;
	v24 =	vsub.f32 v30, v27  }
0x14b: {  	v6 =	vmul.f32 v22, v6;
	v9 =	vadd.f32 v11, v9;
	v16 =	vmul.f32 v28, v16  }
0x14c: {  	v11 =	vmul.f32 v23, v12;
	v7 =	vmul.f32 v24, v7  }
0x14d: {  	v12 =	vadd.f32 v25, v16;
	v9 =	vmul.f32 v9, v21;
	v16 =	vmul.f32 v17, v20  }
0x14e: {  	v6 =	vadd.f32 v6, v13;
	v7 =	vadd.f32 v7, v11  }
0x14f: {  	v9 =	vadd.f32 v10, v9;
	v10 =	vadd.f32 v18, v16  }
0x150: {  	v11 =	vadd.f32 v15, v12;
	v6 =	vadd.f32 v7, v6  }
0x151: {  	v9 =	vadd.f32 v9, v14;
	v7 =	vadd.f32 v10, v19  }
0x152: {  	v6 =	vadd.f32 v6, v11  }
0x153: {  	v7 =	vadd.f32 v9, v7  }
0x154: {  	v9 =	vperm.xlane v6, v1  }
0x155: {  	v10 =	vperm.xlane v7, v1  }
0x156: {  	v6 =	vadd.f32 v6, v9  }
0x157: {  	v7 =	vadd.f32 v7, v10  }
0x158: {  	v9 =	vperm.xlane v6, v2  }
0x159: {  	v10 =	vperm.xlane v7, v2  }
0x15a: {  	v6 =	vadd.f32 v6, v9  }
0x15b: {  	v7 =	vadd.f32 v7, v10  }
0x15c: {  	v9 =	vperm.xlane v6, v3  }
0x15d: {  	v10 =	vperm.xlane v7, v3  }
0x15e: {  	v6 =	vadd.f32 v6, v9  }
0x15f: {  	v7 =	vadd.f32 v7, v10  }
0x160: {  	v9 =	vperm.xlane v6, v4  }
0x161: {  	s3 =	sadd.s32 $0x3, s19;
	v10 =	vperm.xlane v7, v4  }
0x162: {  	s3 =	sand.u32 $0xF, s3;
	v6 =	vadd.f32 v6, v9  }
0x163: {  	vm0 =	veq.s32 v8, v5;
	v8 =	vmov s3;
	v7 =	vadd.f32 v7, v10  }
0x164: {  	s17 =	sor.u32 $0x12640, s17;
	vm15 =	veq.s32 v8, v5;
	v6 =	vnsel vm0, $0x0, v6  }
0x165: {  	[tilespmem:s17+$0x0] =	vst.add.f32.msk $0xffff, v6;
	v6 =	vnsel vm15, $0x0, v7  }
0x166: {  	s19 =	simm.s32 $0x100;
	[tilespmem:s17+$0x0] =	vst.add.f32.msk $0xffff, v6  }
0x167: {  	[tilespmem:s16], [sflag:$0x2] =	stream.indirect.gather [hbm4b:s1+s21], $0x80, s19, s21, $0xb8;
	[tilespmem:$0x12800] =	vst v63  }
0x168: {  	s22 =	simm.s32 $0x300  }
0x169: {  	[tilespmem:s18], [sflag:$0x2] =	stream.indirect.gather [hbm4b:s2+s21], $0x80, s22, s21, $0xb8;
	[tilespmem:$0x12800] =	vst v63  }
0x16a: {  	s24 =	simm.s32 $0x500  }
0x16b: {  	[tilespmem:s20], [sflag:$0x2] =	stream.indirect.gather [hbm4b:s1+s21], $0x80, s24, s21, $0xb8;
	[tilespmem:$0x12800] =	vst v63  }
0x16c: {  	_ =	swait.ge [sflag:s23], $0x2000  }
0x16d: {  	[sflag:s23] =	ssyncset.done $0x0  }
0x16e: {  	[sflag:s23] =	ssyncadd.s32 $0xFFFFE000  }
0x16f: {  	_ =	swait.ge [sflag:s23], $0x2000  }
0x170: {  	[sflag:s23] =	ssyncset.done $0x0  }
0x171: {  	[sflag:s23] =	ssyncadd.s32 $0xFFFFE000  }
0x172: {  	_ =	swait.ge [sflag:s23], $0x2000  }
0x173: {  	[sflag:s23] =	ssyncset.done $0x0  }
0x174: {  	s10 =	simm.s32 $0xE680;
	[sflag:s23] =	ssyncadd.s32 $0xFFFFE000  }
0x175: {  	s31 =	simm.s32 $0xC680;
	v8 =	vld [tilespmem:s10+$0x0]  }
0x176: {  	v7 =	vld [tilespmem:s31+$0xFFFFFFF0]  }
0x177: {  	v10 =	vld [tilespmem:s31+$0x70]  }
0x178: {  	v6 =	vld [tilespmem:s31+$0xFFFFFFE0]  }
0x179: {  	v12 =	vld [tilespmem:s31+$0x60]  }
0x17a: {  	v13 =	vld [tilespmem:s31+$0xFFFFFFD0]  }
0x17b: {  	v14 =	vld [tilespmem:s31+$0x20]  }
0x17c: {  	v19 =	vld [tilespmem:s31+$0x40]  }
0x17d: {  	v9 =	vld [tilespmem:s10+$0x30]  }
0x17e: {  	s11 =	simm.s32 $0x10680;
	v15 =	vld [tilespmem:s31+$0xFFFFFF90]  }
0x17f: {  	v11 =	vld [tilespmem:s11+$0x70]  }
0x180: {  	v16 =	vld [tilespmem:s11+$0x30]  }
0x181: {  	v17 =	vld [tilespmem:s10+$0x70]  }
0x182: {  	v18 =	vld [tilespmem:s11+$0x20]  }
0x183: {  	v20 =	vld [tilespmem:s11+$0x60]  }
0x184: {  	v21 =	vld [tilespmem:s10+$0x60]  }
0x185: {  	v22 =	vld [tilespmem:s10+$0x20]  }
0x186: {  	v23 =	vld [tilespmem:s11+$0xFFFFFFE0]  }
0x187: {  	v24 =	vld [tilespmem:s10+$0xFFFFFFA0]  }
0x188: {  	v25 =	vld [tilespmem:s10+$0xFFFFFF80]  }
0x189: {  	v26 =	vld [tilespmem:s11+$0xFFFFFF80]  }
0x18a: {  	v27 =	vld [tilespmem:s10+$0xFFFFFF90]  }
0x18b: {  	v28 =	vld [tilespmem:s11+$0xFFFFFFC0]  }
0x18c: {  	v30 =	vld [tilespmem:s10+$0xFFFFFFD0]  }
0x18d: {  	v31 =	vld [tilespmem:s11+$0xFFFFFF90]  }
0x18e: {  	v34 =	vld [tilespmem:s11+$0xFFFFFFD0]  }
0x18f: {  	v29 =	vld [tilespmem:s11+$0x10];
	v32 =	vmul.f32 v11, v9;
	v33 =	vmul.f32 v16, v17  }
0x190: {  	v36 =	vld [tilespmem:s11+$0x50];
	v9 =	vmul.f32 v16, v9;
	v51 =	vmul.f32 v20, v21  }
0x191: {  	v53 =	vld [tilespmem:s10+$0x40];
	v35 =	vmul.f32 v18, v22;
	v11 =	vmul.f32 v11, v17  }
0x192: {  	v38 =	vld [tilespmem:s10+$0x10];
	v17 =	vmul.f32 v18, v21;
	v52 =	vmul.f32 v26, v25  }
0x193: {  	v16 =	vld [tilespmem:s11+$0x40];
	v54 =	vmul.f32 v31, v27;
	v37 =	vmul.f32 v34, v30  }
0x194: {  	v18 =	vld [tilespmem:s11+$0x0];
	v27 =	vmul.f32 v34, v27;
	v32 =	vsub.f32 v32, v33;
	v21 =	vadd.f32 v51, v35  }
0x195: {  	v58 =	vld [tilespmem:s10+$0xFFFFFFE0];
	v25 =	vmul.f32 v28, v25;
	v20 =	vmul.f32 v20, v22  }
0x196: {  	v60 =	vld [tilespmem:s11+$0xFFFFFFB0];
	v55 =	vadd.f32 v37, v54;
	v10 =	vmul.f32 v32, v10;
	v14 =	vmul.f32 v21, v14  }
0x197: {  	v21 =	vmul.f32 v31, v30;
	v30 =	vld [tilespmem:s10+$0x50];
	v31 =	vmul.f32 v23, v24  }
0x198: {  	v22 =	vld [tilespmem:s31+$0x0];
	v17 =	vsub.f32 v20, v17;
	v15 =	vmul.f32 v55, v15;
	v57 =	vmul.f32 v16, v8  }
0x199: {  	v61 =	vld [tilespmem:s10+$0xFFFFFFF0];
	v16 =	vmul.f32 v16, v53;
	v20 =	vmul.f32 v18, v8;
	v21 =	vsub.f32 v27, v21  }
0x19a: {  	v12 =	vmul.f32 v17, v12;
	v17 =	vmul.f32 v29, v38;
	v27 =	vld [tilespmem:s11+$0xFFFFFFA0]  }
0x19b: {  	v18 =	vmul.f32 v18, v53;
	v16 =	vadd.f32 v16, v20;
	v13 =	vmul.f32 v21, v13;
	v21 =	vld [tilespmem:s10+$0xFFFFFFC0]  }
0x19c: {  	v56 =	vld [tilespmem:s31+$0x50];
	v14 =	vadd.f32 v12, v14;
	v20 =	vmul.f32 v36, v38;
	v29 =	vmul.f32 v29, v30  }
0x19d: {  	s3 =	simm.s32 $0x0;
	v59 =	vld [tilespmem:s11+$0xFFFFFFF0];
	v12 =	vmul.f32 v23, v58;
	v62 =	vmul.f32 v16, v22;
	v15 =	vadd.f32 v13, v15  }
0x19e: {  	s26 =	sand.u32 $0xE, s3;
	v13 =	vmul.f32 v36, v30;
	v30 =	vsub.f32 v57, v18;
	v18 =	vsub.f32 v20, v29;
	v20 =	vld [tilespmem:s10+$0xFFFFFFB0]  }
0x19f: {  	v63 =	vld [tilespmem:s31+$0xFFFFFFC0];
	v8 =	vmov s26;
	v16 =	vmul.f32 v27, v24;
	v22 =	vmul.f32 v27, v58  }
0x1a0: {  	v23 =	vld [tilespmem:s31+$0xFFFFFFA0];
	v27 =	vmul.f32 v60, v61;
	v17 =	vadd.f32 v13, v17;
	v13 =	vmul.f32 v26, v21  }
0x1a1: {  	v19 =	vmul.f32 v30, v19;
	v18 =	vmul.f32 v18, v56;
	v24 =	vadd.f32 v12, v16;
	v16 =	vld [tilespmem:s31+$0xFFFFFF80]  }
0x1a2: {  	v28 =	vmul.f32 v28, v21;
	v12 =	vld [tilespmem:s31+$0xFFFFFFB0];
	v26 =	vmul.f32 v59, v61;
	v13 =	vsub.f32 v25, v13  }
0x1a3: {  	s17 =	sand.u32 $0x30, s3;
	v22 =	vsub.f32 v31, v22;
	v21 =	vld [tilespmem:s31+$0x30];
	v29 =	vmul.f32 v60, v20;
	v30 =	vmul.f32 v59, v20  }
0x1a4: {  	s19 =	simm.s32 $0xFFFFFFFE;
	s24 =	simm.s32 $0x10780;
	s26 =	simm.s32 $0xE780;
	v19 =	vadd.f32 v19, v62;
	v28 =	vadd.f32 v28, v52;
	v20 =	vld [tilespmem:s31+$0x10];
	v25 =	vmul.f32 v13, v63  }
.LBB2_6:
0x1a5: {  	v13 =	vld [tilespmem:s26+$0x0];
	v23 =	vmul.f32 v24, v23;
	v24 =	vadd.f32 v26, v29;
	v26 =	vsub.f32 v30, v27;
	s31 =	sadd.s32 $0x100, s31;
	s11 =	smov.u32 s3;
	s3 =	sadd.s32 $0x2, s3  }
0x1a6: {  	v22 =	vmul.f32 v22, v6;
	v9 =	vadd.f32 v11, v9;
	v27 =	vld [tilespmem:s31+$0xFFFFFFF0];
	s22 =	sand.u32 $0xE, s3;
	s10 =	sand.u32 $0x30, s3;
	p0 =	slt.u32 s3, $0x3E;
	v16 =	vmul.f32 v28, v16  }
0x1a7: {  	v28 =	vmov s22;
	v29 =	vld [tilespmem:s31+$0x70];
	v11 =	vmul.f32 v24, v12;
	v7 =	vmul.f32 v26, v7  }
0x1a8: {  	v6 =	vld [tilespmem:s31+$0xFFFFFFE0];
	v12 =	vadd.f32 v25, v16;
	v9 =	vmul.f32 v9, v21  }
0x1a9: {  	v21 =	vadd.f32 v22, v23;
	v16 =	vld [tilespmem:s31+$0x60];
	v24 =	vadd.f32 v7, v11  }
0x1aa: {  	v22 =	vld [tilespmem:s31+$0xFFFFFFD0];
	v9 =	vadd.f32 v10, v9  }
0x1ab: {  	v10 =	vadd.f32 v15, v12;
	v15 =	vmul.f32 v17, v20;
	v23 =	vld [tilespmem:s31+$0x20];
	v11 =	vadd.f32 v24, v21;
	v7 =	vmovc v27  }
0x1ac: {  	v12 =	vld [tilespmem:s31+$0x40]  }
0x1ad: {  	v17 =	vld [tilespmem:s26+$0x30];
	v10 =	vadd.f32 v11, v10;
	v11 =	vadd.f32 v18, v15  }
0x1ae: {  	v15 =	vld [tilespmem:s31+$0xFFFFFF90]  }
0x1af: {  	v9 =	vadd.f32 v9, v14;
	v18 =	vld [tilespmem:s24+$0x70];
	v20 =	vperm.xlane v10, v1;
	v11 =	vadd.f32 v11, v19  }
0x1b0: {  	v14 =	vld [tilespmem:s24+$0x30]  }
0x1b1: {  	v19 =	vld [tilespmem:s26+$0x70];
	v10 =	vadd.f32 v10, v20;
	v11 =	vadd.f32 v9, v11  }
0x1b2: {  	v20 =	vld [tilespmem:s24+$0x20]  }
0x1b3: {  	v21 =	vld [tilespmem:s24+$0x60];
	v24 =	vperm.xlane v10, v2;
	v25 =	vperm.xlane v11, v1  }
0x1b4: {  	v26 =	vld [tilespmem:s26+$0x60];
	v27 =	vmul.f32 v18, v17  }
0x1b5: {  	v30 =	vld [tilespmem:s26+$0x20];
	v9 =	vmul.f32 v14, v17;
	v10 =	vadd.f32 v10, v24;
	v17 =	vadd.f32 v11, v25  }
0x1b6: {  	v24 =	vld [tilespmem:s24+$0xFFFFFFE0];
	v11 =	vmul.f32 v18, v19;
	v14 =	vmul.f32 v14, v19  }
0x1b7: {  	v18 =	vld [tilespmem:s26+$0xFFFFFFA0];
	v19 =	vperm.xlane v10, v3;
	v25 =	vperm.xlane v17, v2  }
0x1b8: {  	v31 =	vld [tilespmem:s26+$0xFFFFFF80];
	v14 =	vsub.f32 v27, v14  }
0x1b9: {  	v27 =	vld [tilespmem:s24+$0xFFFFFF80];
	v32 =	vmul.f32 v21, v26;
	v26 =	vmul.f32 v20, v26;
	v19 =	vadd.f32 v10, v19  }
0x1ba: {  	v33 =	vld [tilespmem:s26+$0xFFFFFF90];
	v20 =	vmul.f32 v20, v30;
	v10 =	vmul.f32 v14, v29;
	v14 =	vadd.f32 v17, v25  }
0x1bb: {  	v25 =	vld [tilespmem:s24+$0xFFFFFFC0];
	v17 =	vperm.xlane v19, v4  }
0x1bc: {  	v29 =	vld [tilespmem:s24+$0x10];
	v20 =	vadd.f32 v32, v20;
	v32 =	vperm.xlane v14, v3  }
0x1bd: {  	v34 =	vld [tilespmem:s26+$0xFFFFFFD0];
	v17 =	vadd.f32 v19, v17  }
0x1be: {  	v35 =	vmul.f32 v27, v31;
	v19 =	vld [tilespmem:s24+$0xFFFFFF90];
	v20 =	vmul.f32 v20, v23;
	v14 =	vadd.f32 v14, v32  }
0x1bf: {  	v23 =	vld [tilespmem:s24+$0xFFFFFFD0]  }
0x1c0: {  	s22 =	sadd.s32 $0x3, s19;
	s19 =	smov.u32 s11;
	v32 =	vmul.f32 v24, v18;
	v36 =	vld [tilespmem:s24+$0x40];
	v37 =	vperm.xlane v14, v4  }
0x1c1: {  	s11 =	sand.u32 $0xF, s22;
	v31 =	vmul.f32 v25, v31;
	v38 =	vld [tilespmem:s24+$0x50]  }
0x1c2: {  	vm0 =	veq.s32 v8, v5;
	v8 =	vmovc v28;
	v39 =	vld [tilespmem:s24+$0x0];
	v14 =	vadd.f32 v14, v37;
	v37 =	vmov s11  }
0x1c3: {  	v17 =	vnsel vm0, $0x0, v17;
	s11 =	sor.u32 $0x12680, s17;
	s17 =	smov.u32 s10;
	v28 =	vmul.f32 v19, v33;
	v19 =	vmul.f32 v19, v34;
	v40 =	vld [tilespmem:s26+$0x40]  }
0x1c4: {  	vm0 =	veq.s32 v37, v5;
	v34 =	vmul.f32 v23, v34;
	v23 =	vmul.f32 v23, v33;
	[tilespmem:s11+$0x0] =	vst.add.f32.msk $0xffff, v17  }
0x1c5: {  	v14 =	vnsel vm0, $0x0, v14;
	v17 =	vmul.f32 v36, v13;
	v33 =	vld [tilespmem:s26+$0x10]  }
0x1c6: {  	v21 =	vmul.f32 v21, v30;
	v28 =	vadd.f32 v34, v28;
	v19 =	vsub.f32 v23, v19;
	[tilespmem:s11+$0x0] =	vst.add.f32.msk $0xffff, v14  }
0x1c7: {  	v14 =	vld [tilespmem:s26+$0x50]  }
0x1c8: {  	v21 =	vsub.f32 v21, v26;
	v15 =	vmul.f32 v28, v15;
	v23 =	vmul.f32 v36, v40;
	v28 =	vld [tilespmem:s31+$0x50]  }
0x1c9: {  	v13 =	vmul.f32 v39, v13;
	v30 =	vmul.f32 v39, v40;
	v26 =	vld [tilespmem:s31+$0x0]  }
0x1ca: {  	v16 =	vmul.f32 v21, v16;
	v19 =	vmul.f32 v19, v22;
	v22 =	vld [tilespmem:s24+$0xFFFFFFA0]  }
0x1cb: {  	v13 =	vadd.f32 v23, v13;
	v23 =	vmul.f32 v29, v33;
	v21 =	vld [tilespmem:s26+$0xFFFFFFE0]  }
0x1cc: {  	v15 =	vadd.f32 v19, v15;
	v33 =	vmul.f32 v38, v33;
	v34 =	vld [tilespmem:s26+$0xFFFFFFC0];
	v19 =	vmul.f32 v38, v14  }
0x1cd: {  	v30 =	vsub.f32 v17, v30;
	v29 =	vmul.f32 v29, v14;
	v14 =	vadd.f32 v16, v20;
	v36 =	vld [tilespmem:s24+$0xFFFFFFF0]  }
0x1ce: {  	v20 =	vld [tilespmem:s24+$0xFFFFFFB0];
	v13 =	vmul.f32 v13, v26;
	v17 =	vadd.f32 v19, v23  }
0x1cf: {  	v16 =	vmul.f32 v22, v18;
	v19 =	vld [tilespmem:s26+$0xFFFFFFF0];
	v18 =	vsub.f32 v33, v29  }
0x1d0: {  	v24 =	vmul.f32 v24, v21;
	v21 =	vmul.f32 v22, v21;
	v33 =	vld [tilespmem:s26+$0xFFFFFFB0]  }
0x1d1: {  	v37 =	vld [tilespmem:s31+$0xFFFFFFC0];
	v22 =	vmul.f32 v27, v34;
	v18 =	vmul.f32 v18, v28  }
.Ltmp2:
0x1d2: {  	v25 =	vmul.f32 v25, v34;
	v23 =	vld [tilespmem:s31+$0xFFFFFFA0];
	v24 =	vadd.f32 v24, v16;
	(pc) =	sbr.rel @p0 .LBB2_6-.Ltmp2, $4  }
0x1d3: {  	v16 =	vld [tilespmem:s31+$0xFFFFFF80];
	v31 =	vsub.f32 v31, v22;
	v22 =	vsub.f32 v32, v21;
	v21 =	vmul.f32 v30, v12  }
0x1d4: {  	v12 =	vld [tilespmem:s31+$0xFFFFFFB0];
	v26 =	vmul.f32 v36, v19;
	v27 =	vmul.f32 v20, v19  }
0x1d5: {  	v29 =	vmul.f32 v20, v33;
	v30 =	vmul.f32 v36, v33;
	v19 =	vadd.f32 v21, v13;
	v21 =	vld [tilespmem:s31+$0x30]  }
0x1d6: {  	s24 =	sadd.s32 $0x100, s24;
	s26 =	sadd.s32 $0x100, s26;
	v28 =	vadd.f32 v25, v35;
	v25 =	vmul.f32 v31, v37;
	v20 =	vld [tilespmem:s31+$0x10]  }
0x1d7: {  	_ = 	snop  }
0x1d8: {  	v13 =	vmul.f32 v24, v23;
	v23 =	vadd.f32 v26, v29;
	v24 =	vsub.f32 v30, v27  }
0x1d9: {  	v6 =	vmul.f32 v22, v6;
	v9 =	vadd.f32 v11, v9;
	v16 =	vmul.f32 v28, v16  }
0x1da: {  	v11 =	vmul.f32 v23, v12;
	v7 =	vmul.f32 v24, v7  }
0x1db: {  	v12 =	vadd.f32 v25, v16;
	v9 =	vmul.f32 v9, v21;
	v16 =	vmul.f32 v17, v20  }
0x1dc: {  	v6 =	vadd.f32 v6, v13;
	v7 =	vadd.f32 v7, v11  }
0x1dd: {  	v9 =	vadd.f32 v10, v9;
	v10 =	vadd.f32 v18, v16  }
0x1de: {  	v11 =	vadd.f32 v15, v12;
	v6 =	vadd.f32 v7, v6  }
0x1df: {  	v9 =	vadd.f32 v9, v14;
	v7 =	vadd.f32 v10, v19  }
0x1e0: {  	v6 =	vadd.f32 v6, v11  }
0x1e1: {  	v7 =	vadd.f32 v9, v7  }
0x1e2: {  	v9 =	vperm.xlane v6, v1  }
0x1e3: {  	v10 =	vperm.xlane v7, v1  }
0x1e4: {  	v6 =	vadd.f32 v6, v9  }
0x1e5: {  	v7 =	vadd.f32 v7, v10  }
0x1e6: {  	v9 =	vperm.xlane v6, v2  }
0x1e7: {  	v10 =	vperm.xlane v7, v2  }
0x1e8: {  	v6 =	vadd.f32 v6, v9  }
0x1e9: {  	v7 =	vadd.f32 v7, v10  }
0x1ea: {  	v9 =	vperm.xlane v6, v3  }
0x1eb: {  	v10 =	vperm.xlane v7, v3  }
0x1ec: {  	v6 =	vadd.f32 v6, v9  }
0x1ed: {  	v7 =	vadd.f32 v7, v10  }
0x1ee: {  	v9 =	vperm.xlane v6, v4  }
0x1ef: {  	s3 =	sadd.s32 $0x3, s19;
	v10 =	vperm.xlane v7, v4  }
0x1f0: {  	s3 =	sand.u32 $0xF, s3;
	v6 =	vadd.f32 v6, v9  }
0x1f1: {  	vm0 =	veq.s32 v8, v5;
	v8 =	vmov s3;
	v7 =	vadd.f32 v7, v10  }
0x1f2: {  	s11 =	sor.u32 $0x12680, s17;
	vm15 =	veq.s32 v8, v5;
	v6 =	vnsel vm0, $0x0, v6  }
0x1f3: {  	[tilespmem:s11+$0x0] =	vst.add.f32.msk $0xffff, v6;
	v6 =	vnsel vm15, $0x0, v7  }
0x1f4: {  	s17 =	simm.s32 $0xC600;
	s10 =	simm.s32 $0x140;
	[tilespmem:s11+$0x0] =	vst.add.f32.msk $0xffff, v6  }
0x1f5: {  	[tilespmem:s17], [sflag:$0x3] =	stream.indirect.gather [hbm4b:s1+s21], $0x80, s10, s21, $0xb8;
	[tilespmem:$0x12800] =	vst v63  }
0x1f6: {  	s19 =	simm.s32 $0x340  }
0x1f7: {  	[tilespmem:s25], [sflag:$0x3] =	stream.indirect.gather [hbm4b:s2+s21], $0x80, s19, s21, $0xb8;
	[tilespmem:$0x12800] =	vst v63  }
0x1f8: {  	s22 =	simm.s32 $0x540  }
0x1f9: {  	[tilespmem:s28], [sflag:$0x3] =	stream.indirect.gather [hbm4b:s1+s21], $0x80, s22, s21, $0xb8;
	[tilespmem:$0x12800] =	vst v63  }
0x1fa: {  	_ =	swait.ge [sflag:s12], $0x2000  }
0x1fb: {  	[sflag:s12] =	ssyncset.done $0x0  }
0x1fc: {  	[sflag:s12] =	ssyncadd.s32 $0xFFFFE000  }
0x1fd: {  	_ =	swait.ge [sflag:s12], $0x2000  }
0x1fe: {  	[sflag:s12] =	ssyncset.done $0x0  }
0x1ff: {  	[sflag:s12] =	ssyncadd.s32 $0xFFFFE000  }
0x200: {  	_ =	swait.ge [sflag:s12], $0x2000  }
0x201: {  	[sflag:s12] =	ssyncset.done $0x0  }
0x202: {  	s24 =	simm.s32 $0x2680;
	[sflag:s12] =	ssyncadd.s32 $0xFFFFE000  }
0x203: {  	s31 =	simm.s32 $0x680;
	v8 =	vld [tilespmem:s24+$0x0]  }
0x204: {  	v7 =	vld [tilespmem:s31+$0xFFFFFFF0]  }
0x205: {  	v10 =	vld [tilespmem:s31+$0x70]  }
0x206: {  	v6 =	vld [tilespmem:s31+$0xFFFFFFE0]  }
0x207: {  	v12 =	vld [tilespmem:s31+$0x60]  }
0x208: {  	v13 =	vld [tilespmem:s31+$0xFFFFFFD0]  }
0x209: {  	v14 =	vld [tilespmem:s31+$0x20]  }
0x20a: {  	v19 =	vld [tilespmem:s31+$0x40]  }
0x20b: {  	v9 =	vld [tilespmem:s24+$0x30]  }
0x20c: {  	s11 =	simm.s32 $0x4680;
	v15 =	vld [tilespmem:s31+$0xFFFFFF90]  }
0x20d: {  	v11 =	vld [tilespmem:s11+$0x70]  }
0x20e: {  	v16 =	vld [tilespmem:s11+$0x30]  }
0x20f: {  	v17 =	vld [tilespmem:s24+$0x70]  }
0x210: {  	v18 =	vld [tilespmem:s11+$0x20]  }
0x211: {  	v20 =	vld [tilespmem:s11+$0x60]  }
0x212: {  	v21 =	vld [tilespmem:s24+$0x60]  }
0x213: {  	v22 =	vld [tilespmem:s24+$0x20]  }
0x214: {  	v23 =	vld [tilespmem:s11+$0xFFFFFFE0]  }
0x215: {  	v24 =	vld [tilespmem:s24+$0xFFFFFFA0]  }
0x216: {  	v25 =	vld [tilespmem:s24+$0xFFFFFF80]  }
0x217: {  	v26 =	vld [tilespmem:s11+$0xFFFFFF80]  }
0x218: {  	v27 =	vld [tilespmem:s24+$0xFFFFFF90]  }
0x219: {  	v28 =	vld [tilespmem:s11+$0xFFFFFFC0]  }
0x21a: {  	v30 =	vld [tilespmem:s24+$0xFFFFFFD0]  }
0x21b: {  	v31 =	vld [tilespmem:s11+$0xFFFFFF90]  }
0x21c: {  	v34 =	vld [tilespmem:s11+$0xFFFFFFD0]  }
0x21d: {  	v29 =	vld [tilespmem:s11+$0x10];
	v32 =	vmul.f32 v11, v9;
	v33 =	vmul.f32 v16, v17  }
0x21e: {  	v36 =	vld [tilespmem:s11+$0x50];
	v9 =	vmul.f32 v16, v9;
	v51 =	vmul.f32 v20, v21  }
0x21f: {  	v53 =	vld [tilespmem:s24+$0x40];
	v35 =	vmul.f32 v18, v22;
	v11 =	vmul.f32 v11, v17  }
0x220: {  	v38 =	vld [tilespmem:s24+$0x10];
	v17 =	vmul.f32 v18, v21;
	v52 =	vmul.f32 v26, v25  }
0x221: {  	v16 =	vld [tilespmem:s11+$0x40];
	v54 =	vmul.f32 v31, v27;
	v37 =	vmul.f32 v34, v30  }
0x222: {  	v18 =	vld [tilespmem:s11+$0x0];
	v27 =	vmul.f32 v34, v27;
	v32 =	vsub.f32 v32, v33;
	v21 =	vadd.f32 v51, v35  }
0x223: {  	v58 =	vld [tilespmem:s24+$0xFFFFFFE0];
	v25 =	vmul.f32 v28, v25;
	v20 =	vmul.f32 v20, v22  }
0x224: {  	v60 =	vld [tilespmem:s11+$0xFFFFFFB0];
	v55 =	vadd.f32 v37, v54;
	v10 =	vmul.f32 v32, v10;
	v14 =	vmul.f32 v21, v14  }
0x225: {  	v21 =	vmul.f32 v31, v30;
	v30 =	vld [tilespmem:s24+$0x50];
	v31 =	vmul.f32 v23, v24  }
0x226: {  	v22 =	vld [tilespmem:s31+$0x0];
	v17 =	vsub.f32 v20, v17;
	v15 =	vmul.f32 v55, v15;
	v57 =	vmul.f32 v16, v8  }
0x227: {  	v61 =	vld [tilespmem:s24+$0xFFFFFFF0];
	v16 =	vmul.f32 v16, v53;
	v20 =	vmul.f32 v18, v8;
	v21 =	vsub.f32 v27, v21  }
0x228: {  	v12 =	vmul.f32 v17, v12;
	v17 =	vmul.f32 v29, v38;
	v27 =	vld [tilespmem:s11+$0xFFFFFFA0]  }
0x229: {  	v18 =	vmul.f32 v18, v53;
	v16 =	vadd.f32 v16, v20;
	v13 =	vmul.f32 v21, v13;
	v21 =	vld [tilespmem:s24+$0xFFFFFFC0]  }
0x22a: {  	v56 =	vld [tilespmem:s31+$0x50];
	v14 =	vadd.f32 v12, v14;
	v20 =	vmul.f32 v36, v38;
	v29 =	vmul.f32 v29, v30  }
0x22b: {  	s3 =	simm.s32 $0x0;
	v59 =	vld [tilespmem:s11+$0xFFFFFFF0];
	v12 =	vmul.f32 v23, v58;
	v62 =	vmul.f32 v16, v22;
	v15 =	vadd.f32 v13, v15  }
0x22c: {  	s26 =	sand.u32 $0xE, s3;
	v13 =	vmul.f32 v36, v30;
	v30 =	vsub.f32 v57, v18;
	v18 =	vsub.f32 v20, v29;
	v20 =	vld [tilespmem:s24+$0xFFFFFFB0]  }
0x22d: {  	v63 =	vld [tilespmem:s31+$0xFFFFFFC0];
	v8 =	vmov s26;
	v16 =	vmul.f32 v27, v24;
	v22 =	vmul.f32 v27, v58  }
0x22e: {  	v23 =	vld [tilespmem:s31+$0xFFFFFFA0];
	v27 =	vmul.f32 v60, v61;
	v17 =	vadd.f32 v13, v17;
	v13 =	vmul.f32 v26, v21  }
0x22f: {  	v19 =	vmul.f32 v30, v19;
	v18 =	vmul.f32 v18, v56;
	v24 =	vadd.f32 v12, v16;
	v16 =	vld [tilespmem:s31+$0xFFFFFF80]  }
0x230: {  	v28 =	vmul.f32 v28, v21;
	v12 =	vld [tilespmem:s31+$0xFFFFFFB0];
	v26 =	vmul.f32 v59, v61;
	v13 =	vsub.f32 v25, v13  }
0x231: {  	s17 =	sand.u32 $0x30, s3;
	v22 =	vsub.f32 v31, v22;
	v21 =	vld [tilespmem:s31+$0x30];
	v29 =	vmul.f32 v60, v20;
	v30 =	vmul.f32 v59, v20  }
0x232: {  	s19 =	simm.s32 $0xFFFFFFFE;
	s26 =	simm.s32 $0x2780;
	s24 =	simm.s32 $0x4780;
	v19 =	vadd.f32 v19, v62;
	v28 =	vadd.f32 v28, v52;
	v20 =	vld [tilespmem:s31+$0x10];
	v25 =	vmul.f32 v13, v63  }
.LBB2_8:
0x233: {  	v13 =	vld [tilespmem:s26+$0x0];
	v23 =	vmul.f32 v24, v23;
	v24 =	vadd.f32 v26, v29;
	v26 =	vsub.f32 v30, v27;
	s31 =	sadd.s32 $0x100, s31;
	s11 =	smov.u32 s3;
	s3 =	sadd.s32 $0x2, s3  }
0x234: {  	v22 =	vmul.f32 v22, v6;
	v9 =	vadd.f32 v11, v9;
	v27 =	vld [tilespmem:s31+$0xFFFFFFF0];
	s22 =	sand.u32 $0xE, s3;
	s10 =	sand.u32 $0x30, s3;
	p0 =	slt.u32 s3, $0x3E;
	v16 =	vmul.f32 v28, v16  }
0x235: {  	v28 =	vmov s22;
	v29 =	vld [tilespmem:s31+$0x70];
	v11 =	vmul.f32 v24, v12;
	v7 =	vmul.f32 v26, v7  }
0x236: {  	v6 =	vld [tilespmem:s31+$0xFFFFFFE0];
	v12 =	vadd.f32 v25, v16;
	v9 =	vmul.f32 v9, v21  }
0x237: {  	v21 =	vadd.f32 v22, v23;
	v16 =	vld [tilespmem:s31+$0x60];
	v24 =	vadd.f32 v7, v11  }
0x238: {  	v22 =	vld [tilespmem:s31+$0xFFFFFFD0];
	v9 =	vadd.f32 v10, v9  }
0x239: {  	v10 =	vadd.f32 v15, v12;
	v15 =	vmul.f32 v17, v20;
	v23 =	vld [tilespmem:s31+$0x20];
	v11 =	vadd.f32 v24, v21;
	v7 =	vmovc v27  }
0x23a: {  	v12 =	vld [tilespmem:s31+$0x40]  }
0x23b: {  	v17 =	vld [tilespmem:s26+$0x30];
	v10 =	vadd.f32 v11, v10;
	v11 =	vadd.f32 v18, v15  }
0x23c: {  	v15 =	vld [tilespmem:s31+$0xFFFFFF90]  }
0x23d: {  	v9 =	vadd.f32 v9, v14;
	v18 =	vld [tilespmem:s24+$0x70];
	v20 =	vperm.xlane v10, v1;
	v11 =	vadd.f32 v11, v19  }
0x23e: {  	v14 =	vld [tilespmem:s24+$0x30]  }
0x23f: {  	v19 =	vld [tilespmem:s26+$0x70];
	v10 =	vadd.f32 v10, v20;
	v11 =	vadd.f32 v9, v11  }
0x240: {  	v20 =	vld [tilespmem:s24+$0x20]  }
0x241: {  	v21 =	vld [tilespmem:s24+$0x60];
	v24 =	vperm.xlane v10, v2;
	v25 =	vperm.xlane v11, v1  }
0x242: {  	v26 =	vld [tilespmem:s26+$0x60];
	v27 =	vmul.f32 v18, v17  }
0x243: {  	v30 =	vld [tilespmem:s26+$0x20];
	v9 =	vmul.f32 v14, v17;
	v10 =	vadd.f32 v10, v24;
	v17 =	vadd.f32 v11, v25  }
0x244: {  	v24 =	vld [tilespmem:s24+$0xFFFFFFE0];
	v11 =	vmul.f32 v18, v19;
	v14 =	vmul.f32 v14, v19  }
0x245: {  	v18 =	vld [tilespmem:s26+$0xFFFFFFA0];
	v19 =	vperm.xlane v10, v3;
	v25 =	vperm.xlane v17, v2  }
0x246: {  	v31 =	vld [tilespmem:s26+$0xFFFFFF80];
	v14 =	vsub.f32 v27, v14  }
0x247: {  	v27 =	vld [tilespmem:s24+$0xFFFFFF80];
	v32 =	vmul.f32 v21, v26;
	v26 =	vmul.f32 v20, v26;
	v19 =	vadd.f32 v10, v19  }
0x248: {  	v33 =	vld [tilespmem:s26+$0xFFFFFF90];
	v20 =	vmul.f32 v20, v30;
	v10 =	vmul.f32 v14, v29;
	v14 =	vadd.f32 v17, v25  }
0x249: {  	v25 =	vld [tilespmem:s24+$0xFFFFFFC0];
	v17 =	vperm.xlane v19, v4  }
0x24a: {  	v29 =	vld [tilespmem:s24+$0x10];
	v20 =	vadd.f32 v32, v20;
	v32 =	vperm.xlane v14, v3  }
0x24b: {  	v34 =	vld [tilespmem:s26+$0xFFFFFFD0];
	v17 =	vadd.f32 v19, v17  }
0x24c: {  	v35 =	vmul.f32 v27, v31;
	v19 =	vld [tilespmem:s24+$0xFFFFFF90];
	v20 =	vmul.f32 v20, v23;
	v14 =	vadd.f32 v14, v32  }
0x24d: {  	v23 =	vld [tilespmem:s24+$0xFFFFFFD0]  }
0x24e: {  	s22 =	sadd.s32 $0x3, s19;
	s19 =	smov.u32 s11;
	v32 =	vmul.f32 v24, v18;
	v36 =	vld [tilespmem:s24+$0x40];
	v37 =	vperm.xlane v14, v4  }
0x24f: {  	s11 =	sand.u32 $0xF, s22;
	v31 =	vmul.f32 v25, v31;
	v38 =	vld [tilespmem:s24+$0x50]  }
0x250: {  	vm0 =	veq.s32 v8, v5;
	v8 =	vmovc v28;
	v39 =	vld [tilespmem:s24+$0x0];
	v14 =	vadd.f32 v14, v37;
	v37 =	vmov s11  }
0x251: {  	v17 =	vnsel vm0, $0x0, v17;
	s11 =	sor.u32 $0x126C0, s17;
	s17 =	smov.u32 s10;
	v28 =	vmul.f32 v19, v33;
	v19 =	vmul.f32 v19, v34;
	v40 =	vld [tilespmem:s26+$0x40]  }
0x252: {  	vm0 =	veq.s32 v37, v5;
	v34 =	vmul.f32 v23, v34;
	v23 =	vmul.f32 v23, v33;
	[tilespmem:s11+$0x0] =	vst.add.f32.msk $0xffff, v17  }
0x253: {  	v14 =	vnsel vm0, $0x0, v14;
	v17 =	vmul.f32 v36, v13;
	v33 =	vld [tilespmem:s26+$0x10]  }
0x254: {  	v21 =	vmul.f32 v21, v30;
	v28 =	vadd.f32 v34, v28;
	v19 =	vsub.f32 v23, v19;
	[tilespmem:s11+$0x0] =	vst.add.f32.msk $0xffff, v14  }
0x255: {  	v14 =	vld [tilespmem:s26+$0x50]  }
0x256: {  	v21 =	vsub.f32 v21, v26;
	v15 =	vmul.f32 v28, v15;
	v23 =	vmul.f32 v36, v40;
	v28 =	vld [tilespmem:s31+$0x50]  }
0x257: {  	v13 =	vmul.f32 v39, v13;
	v30 =	vmul.f32 v39, v40;
	v26 =	vld [tilespmem:s31+$0x0]  }
0x258: {  	v16 =	vmul.f32 v21, v16;
	v19 =	vmul.f32 v19, v22;
	v22 =	vld [tilespmem:s24+$0xFFFFFFA0]  }
0x259: {  	v13 =	vadd.f32 v23, v13;
	v23 =	vmul.f32 v29, v33;
	v21 =	vld [tilespmem:s26+$0xFFFFFFE0]  }
0x25a: {  	v15 =	vadd.f32 v19, v15;
	v33 =	vmul.f32 v38, v33;
	v34 =	vld [tilespmem:s26+$0xFFFFFFC0];
	v19 =	vmul.f32 v38, v14  }
0x25b: {  	v30 =	vsub.f32 v17, v30;
	v29 =	vmul.f32 v29, v14;
	v14 =	vadd.f32 v16, v20;
	v36 =	vld [tilespmem:s24+$0xFFFFFFF0]  }
0x25c: {  	v20 =	vld [tilespmem:s24+$0xFFFFFFB0];
	v13 =	vmul.f32 v13, v26;
	v17 =	vadd.f32 v19, v23  }
0x25d: {  	v16 =	vmul.f32 v22, v18;
	v19 =	vld [tilespmem:s26+$0xFFFFFFF0];
	v18 =	vsub.f32 v33, v29  }
0x25e: {  	v24 =	vmul.f32 v24, v21;
	v21 =	vmul.f32 v22, v21;
	v33 =	vld [tilespmem:s26+$0xFFFFFFB0]  }
0x25f: {  	v37 =	vld [tilespmem:s31+$0xFFFFFFC0];
	v22 =	vmul.f32 v27, v34;
	v18 =	vmul.f32 v18, v28  }
.Ltmp3:
0x260: {  	v25 =	vmul.f32 v25, v34;
	v23 =	vld [tilespmem:s31+$0xFFFFFFA0];
	v24 =	vadd.f32 v24, v16;
	(pc) =	sbr.rel @p0 .LBB2_8-.Ltmp3, $4  }
0x261: {  	v16 =	vld [tilespmem:s31+$0xFFFFFF80];
	v31 =	vsub.f32 v31, v22;
	v22 =	vsub.f32 v32, v21;
	v21 =	vmul.f32 v30, v12  }
0x262: {  	v12 =	vld [tilespmem:s31+$0xFFFFFFB0];
	v26 =	vmul.f32 v36, v19;
	v27 =	vmul.f32 v20, v19  }
0x263: {  	v29 =	vmul.f32 v20, v33;
	v30 =	vmul.f32 v36, v33;
	v19 =	vadd.f32 v21, v13;
	v21 =	vld [tilespmem:s31+$0x30]  }
0x264: {  	s24 =	sadd.s32 $0x100, s24;
	s26 =	sadd.s32 $0x100, s26;
	v28 =	vadd.f32 v25, v35;
	v25 =	vmul.f32 v31, v37;
	v20 =	vld [tilespmem:s31+$0x10]  }
0x265: {  	_ = 	snop  }
0x266: {  	v13 =	vmul.f32 v24, v23;
	v23 =	vadd.f32 v26, v29;
	v24 =	vsub.f32 v30, v27  }
0x267: {  	v6 =	vmul.f32 v22, v6;
	v9 =	vadd.f32 v11, v9;
	v16 =	vmul.f32 v28, v16  }
0x268: {  	v11 =	vmul.f32 v23, v12;
	v7 =	vmul.f32 v24, v7  }
0x269: {  	v12 =	vadd.f32 v25, v16;
	v9 =	vmul.f32 v9, v21;
	v16 =	vmul.f32 v17, v20  }
0x26a: {  	v6 =	vadd.f32 v6, v13;
	v7 =	vadd.f32 v7, v11  }
0x26b: {  	v9 =	vadd.f32 v10, v9;
	v10 =	vadd.f32 v18, v16  }
0x26c: {  	v11 =	vadd.f32 v15, v12;
	v6 =	vadd.f32 v7, v6  }
0x26d: {  	v9 =	vadd.f32 v9, v14;
	v7 =	vadd.f32 v10, v19  }
0x26e: {  	v6 =	vadd.f32 v6, v11  }
0x26f: {  	v7 =	vadd.f32 v9, v7  }
0x270: {  	v9 =	vperm.xlane v6, v1  }
0x271: {  	v10 =	vperm.xlane v7, v1  }
0x272: {  	v6 =	vadd.f32 v6, v9  }
0x273: {  	v7 =	vadd.f32 v7, v10  }
0x274: {  	v9 =	vperm.xlane v6, v2  }
0x275: {  	v10 =	vperm.xlane v7, v2  }
0x276: {  	v6 =	vadd.f32 v6, v9  }
0x277: {  	v7 =	vadd.f32 v7, v10  }
0x278: {  	v9 =	vperm.xlane v6, v3  }
0x279: {  	v10 =	vperm.xlane v7, v3  }
0x27a: {  	v6 =	vadd.f32 v6, v9  }
0x27b: {  	v7 =	vadd.f32 v7, v10  }
0x27c: {  	v9 =	vperm.xlane v6, v4  }
0x27d: {  	s3 =	sadd.s32 $0x3, s19;
	v10 =	vperm.xlane v7, v4  }
0x27e: {  	s3 =	sand.u32 $0xF, s3;
	v6 =	vadd.f32 v6, v9  }
0x27f: {  	vm0 =	veq.s32 v8, v5;
	v8 =	vmov s3;
	v7 =	vadd.f32 v7, v10  }
0x280: {  	s17 =	sor.u32 $0x126C0, s17;
	vm15 =	veq.s32 v8, v5;
	v6 =	vnsel vm0, $0x0, v6  }
0x281: {  	[tilespmem:s17+$0x0] =	vst.add.f32.msk $0xffff, v6;
	v6 =	vnsel vm15, $0x0, v7  }
0x282: {  	s19 =	simm.s32 $0x180;
	[tilespmem:s17+$0x0] =	vst.add.f32.msk $0xffff, v6  }
0x283: {  	[tilespmem:s13], [sflag:$0x1] =	stream.indirect.gather [hbm4b:s1+s21], $0x80, s19, s21, $0xb8;
	[tilespmem:$0x12800] =	vst v63  }
0x284: {  	s22 =	simm.s32 $0x380  }
0x285: {  	[tilespmem:s14], [sflag:$0x1] =	stream.indirect.gather [hbm4b:s2+s21], $0x80, s22, s21, $0xb8;
	[tilespmem:$0x12800] =	vst v63  }
0x286: {  	s24 =	simm.s32 $0x580  }
0x287: {  	[tilespmem:s15], [sflag:$0x1] =	stream.indirect.gather [hbm4b:s1+s21], $0x80, s24, s21, $0xb8;
	[tilespmem:$0x12800] =	vst v63  }
0x288: {  	_ =	swait.ge [sflag:s0], $0x2000  }
0x289: {  	[sflag:s0] =	ssyncset.done $0x0  }
0x28a: {  	[sflag:s0] =	ssyncadd.s32 $0xFFFFE000  }
0x28b: {  	_ =	swait.ge [sflag:s0], $0x2000  }
0x28c: {  	[sflag:s0] =	ssyncset.done $0x0  }
0x28d: {  	[sflag:s0] =	ssyncadd.s32 $0xFFFFE000  }
0x28e: {  	_ =	swait.ge [sflag:s0], $0x2000  }
0x28f: {  	[sflag:s0] =	ssyncset.done $0x0  }
0x290: {  	s10 =	simm.s32 $0x8680;
	[sflag:s0] =	ssyncadd.s32 $0xFFFFE000  }
0x291: {  	s31 =	simm.s32 $0x6680;
	v8 =	vld [tilespmem:s10+$0x0]  }
0x292: {  	v7 =	vld [tilespmem:s31+$0xFFFFFFF0]  }
0x293: {  	v10 =	vld [tilespmem:s31+$0x70]  }
0x294: {  	v6 =	vld [tilespmem:s31+$0xFFFFFFE0]  }
0x295: {  	v12 =	vld [tilespmem:s31+$0x60]  }
0x296: {  	v13 =	vld [tilespmem:s31+$0xFFFFFFD0]  }
0x297: {  	v14 =	vld [tilespmem:s31+$0x20]  }
0x298: {  	v19 =	vld [tilespmem:s31+$0x40]  }
0x299: {  	v9 =	vld [tilespmem:s10+$0x30]  }
0x29a: {  	s11 =	simm.s32 $0xA680;
	v15 =	vld [tilespmem:s31+$0xFFFFFF90]  }
0x29b: {  	v11 =	vld [tilespmem:s11+$0x70]  }
0x29c: {  	v16 =	vld [tilespmem:s11+$0x30]  }
0x29d: {  	v17 =	vld [tilespmem:s10+$0x70]  }
0x29e: {  	v18 =	vld [tilespmem:s11+$0x20]  }
0x29f: {  	v20 =	vld [tilespmem:s11+$0x60]  }
0x2a0: {  	v21 =	vld [tilespmem:s10+$0x60]  }
0x2a1: {  	v22 =	vld [tilespmem:s10+$0x20]  }
0x2a2: {  	v23 =	vld [tilespmem:s11+$0xFFFFFFE0]  }
0x2a3: {  	v24 =	vld [tilespmem:s10+$0xFFFFFFA0]  }
0x2a4: {  	v25 =	vld [tilespmem:s10+$0xFFFFFF80]  }
0x2a5: {  	v26 =	vld [tilespmem:s11+$0xFFFFFF80]  }
0x2a6: {  	v27 =	vld [tilespmem:s10+$0xFFFFFF90]  }
0x2a7: {  	v28 =	vld [tilespmem:s11+$0xFFFFFFC0]  }
0x2a8: {  	v30 =	vld [tilespmem:s10+$0xFFFFFFD0]  }
0x2a9: {  	v31 =	vld [tilespmem:s11+$0xFFFFFF90]  }
0x2aa: {  	v34 =	vld [tilespmem:s11+$0xFFFFFFD0]  }
0x2ab: {  	v29 =	vld [tilespmem:s11+$0x10];
	v32 =	vmul.f32 v11, v9;
	v33 =	vmul.f32 v16, v17  }
0x2ac: {  	v36 =	vld [tilespmem:s11+$0x50];
	v9 =	vmul.f32 v16, v9;
	v51 =	vmul.f32 v20, v21  }
0x2ad: {  	v53 =	vld [tilespmem:s10+$0x40];
	v35 =	vmul.f32 v18, v22;
	v11 =	vmul.f32 v11, v17  }
0x2ae: {  	v38 =	vld [tilespmem:s10+$0x10];
	v17 =	vmul.f32 v18, v21;
	v52 =	vmul.f32 v26, v25  }
0x2af: {  	v16 =	vld [tilespmem:s11+$0x40];
	v54 =	vmul.f32 v31, v27;
	v37 =	vmul.f32 v34, v30  }
0x2b0: {  	v18 =	vld [tilespmem:s11+$0x0];
	v27 =	vmul.f32 v34, v27;
	v32 =	vsub.f32 v32, v33;
	v21 =	vadd.f32 v51, v35  }
0x2b1: {  	v58 =	vld [tilespmem:s10+$0xFFFFFFE0];
	v25 =	vmul.f32 v28, v25;
	v20 =	vmul.f32 v20, v22  }
0x2b2: {  	v60 =	vld [tilespmem:s11+$0xFFFFFFB0];
	v55 =	vadd.f32 v37, v54;
	v10 =	vmul.f32 v32, v10;
	v14 =	vmul.f32 v21, v14  }
0x2b3: {  	v21 =	vmul.f32 v31, v30;
	v30 =	vld [tilespmem:s10+$0x50];
	v31 =	vmul.f32 v23, v24  }
0x2b4: {  	v22 =	vld [tilespmem:s31+$0x0];
	v17 =	vsub.f32 v20, v17;
	v15 =	vmul.f32 v55, v15;
	v57 =	vmul.f32 v16, v8  }
0x2b5: {  	v61 =	vld [tilespmem:s10+$0xFFFFFFF0];
	v16 =	vmul.f32 v16, v53;
	v20 =	vmul.f32 v18, v8;
	v21 =	vsub.f32 v27, v21  }
0x2b6: {  	v12 =	vmul.f32 v17, v12;
	v17 =	vmul.f32 v29, v38;
	v27 =	vld [tilespmem:s11+$0xFFFFFFA0]  }
0x2b7: {  	v18 =	vmul.f32 v18, v53;
	v16 =	vadd.f32 v16, v20;
	v13 =	vmul.f32 v21, v13;
	v21 =	vld [tilespmem:s10+$0xFFFFFFC0]  }
0x2b8: {  	v56 =	vld [tilespmem:s31+$0x50];
	v14 =	vadd.f32 v12, v14;
	v20 =	vmul.f32 v36, v38;
	v29 =	vmul.f32 v29, v30  }
0x2b9: {  	s3 =	simm.s32 $0x0;
	v59 =	vld [tilespmem:s11+$0xFFFFFFF0];
	v12 =	vmul.f32 v23, v58;
	v62 =	vmul.f32 v16, v22;
	v15 =	vadd.f32 v13, v15  }
0x2ba: {  	s26 =	sand.u32 $0xE, s3;
	v13 =	vmul.f32 v36, v30;
	v30 =	vsub.f32 v57, v18;
	v18 =	vsub.f32 v20, v29;
	v20 =	vld [tilespmem:s10+$0xFFFFFFB0]  }
0x2bb: {  	v63 =	vld [tilespmem:s31+$0xFFFFFFC0];
	v8 =	vmov s26;
	v16 =	vmul.f32 v27, v24;
	v22 =	vmul.f32 v27, v58  }
0x2bc: {  	v23 =	vld [tilespmem:s31+$0xFFFFFFA0];
	v27 =	vmul.f32 v60, v61;
	v17 =	vadd.f32 v13, v17;
	v13 =	vmul.f32 v26, v21  }
0x2bd: {  	v19 =	vmul.f32 v30, v19;
	v18 =	vmul.f32 v18, v56;
	v24 =	vadd.f32 v12, v16;
	v16 =	vld [tilespmem:s31+$0xFFFFFF80]  }
0x2be: {  	v28 =	vmul.f32 v28, v21;
	v12 =	vld [tilespmem:s31+$0xFFFFFFB0];
	v26 =	vmul.f32 v59, v61;
	v13 =	vsub.f32 v25, v13  }
0x2bf: {  	s17 =	sand.u32 $0x30, s3;
	v22 =	vsub.f32 v31, v22;
	v21 =	vld [tilespmem:s31+$0x30];
	v29 =	vmul.f32 v60, v20;
	v30 =	vmul.f32 v59, v20  }
0x2c0: {  	s19 =	simm.s32 $0xFFFFFFFE;
	s24 =	simm.s32 $0xA780;
	s26 =	simm.s32 $0x8780;
	v19 =	vadd.f32 v19, v62;
	v28 =	vadd.f32 v28, v52;
	v20 =	vld [tilespmem:s31+$0x10];
	v25 =	vmul.f32 v13, v63  }
.LBB2_10:
0x2c1: {  	v13 =	vld [tilespmem:s26+$0x0];
	v23 =	vmul.f32 v24, v23;
	v24 =	vadd.f32 v26, v29;
	v26 =	vsub.f32 v30, v27;
	s31 =	sadd.s32 $0x100, s31;
	s11 =	smov.u32 s3;
	s3 =	sadd.s32 $0x2, s3  }
0x2c2: {  	v22 =	vmul.f32 v22, v6;
	v9 =	vadd.f32 v11, v9;
	v27 =	vld [tilespmem:s31+$0xFFFFFFF0];
	s22 =	sand.u32 $0xE, s3;
	s10 =	sand.u32 $0x30, s3;
	p0 =	slt.u32 s3, $0x3E;
	v16 =	vmul.f32 v28, v16  }
0x2c3: {  	v28 =	vmov s22;
	v29 =	vld [tilespmem:s31+$0x70];
	v11 =	vmul.f32 v24, v12;
	v7 =	vmul.f32 v26, v7  }
0x2c4: {  	v6 =	vld [tilespmem:s31+$0xFFFFFFE0];
	v12 =	vadd.f32 v25, v16;
	v9 =	vmul.f32 v9, v21  }
0x2c5: {  	v21 =	vadd.f32 v22, v23;
	v16 =	vld [tilespmem:s31+$0x60];
	v24 =	vadd.f32 v7, v11  }
0x2c6: {  	v22 =	vld [tilespmem:s31+$0xFFFFFFD0];
	v9 =	vadd.f32 v10, v9  }
0x2c7: {  	v10 =	vadd.f32 v15, v12;
	v15 =	vmul.f32 v17, v20;
	v23 =	vld [tilespmem:s31+$0x20];
	v11 =	vadd.f32 v24, v21;
	v7 =	vmovc v27  }
0x2c8: {  	v12 =	vld [tilespmem:s31+$0x40]  }
0x2c9: {  	v17 =	vld [tilespmem:s26+$0x30];
	v10 =	vadd.f32 v11, v10;
	v11 =	vadd.f32 v18, v15  }
0x2ca: {  	v15 =	vld [tilespmem:s31+$0xFFFFFF90]  }
0x2cb: {  	v9 =	vadd.f32 v9, v14;
	v18 =	vld [tilespmem:s24+$0x70];
	v20 =	vperm.xlane v10, v1;
	v11 =	vadd.f32 v11, v19  }
0x2cc: {  	v14 =	vld [tilespmem:s24+$0x30]  }
0x2cd: {  	v19 =	vld [tilespmem:s26+$0x70];
	v10 =	vadd.f32 v10, v20;
	v11 =	vadd.f32 v9, v11  }
0x2ce: {  	v20 =	vld [tilespmem:s24+$0x20]  }
0x2cf: {  	v21 =	vld [tilespmem:s24+$0x60];
	v24 =	vperm.xlane v10, v2;
	v25 =	vperm.xlane v11, v1  }
0x2d0: {  	v26 =	vld [tilespmem:s26+$0x60];
	v27 =	vmul.f32 v18, v17  }
0x2d1: {  	v30 =	vld [tilespmem:s26+$0x20];
	v9 =	vmul.f32 v14, v17;
	v10 =	vadd.f32 v10, v24;
	v17 =	vadd.f32 v11, v25  }
0x2d2: {  	v24 =	vld [tilespmem:s24+$0xFFFFFFE0];
	v11 =	vmul.f32 v18, v19;
	v14 =	vmul.f32 v14, v19  }
0x2d3: {  	v18 =	vld [tilespmem:s26+$0xFFFFFFA0];
	v19 =	vperm.xlane v10, v3;
	v25 =	vperm.xlane v17, v2  }
0x2d4: {  	v31 =	vld [tilespmem:s26+$0xFFFFFF80];
	v14 =	vsub.f32 v27, v14  }
0x2d5: {  	v27 =	vld [tilespmem:s24+$0xFFFFFF80];
	v32 =	vmul.f32 v21, v26;
	v26 =	vmul.f32 v20, v26;
	v19 =	vadd.f32 v10, v19  }
0x2d6: {  	v33 =	vld [tilespmem:s26+$0xFFFFFF90];
	v20 =	vmul.f32 v20, v30;
	v10 =	vmul.f32 v14, v29;
	v14 =	vadd.f32 v17, v25  }
0x2d7: {  	v25 =	vld [tilespmem:s24+$0xFFFFFFC0];
	v17 =	vperm.xlane v19, v4  }
0x2d8: {  	v29 =	vld [tilespmem:s24+$0x10];
	v20 =	vadd.f32 v32, v20;
	v32 =	vperm.xlane v14, v3  }
0x2d9: {  	v34 =	vld [tilespmem:s26+$0xFFFFFFD0];
	v17 =	vadd.f32 v19, v17  }
0x2da: {  	v35 =	vmul.f32 v27, v31;
	v19 =	vld [tilespmem:s24+$0xFFFFFF90];
	v20 =	vmul.f32 v20, v23;
	v14 =	vadd.f32 v14, v32  }
0x2db: {  	v23 =	vld [tilespmem:s24+$0xFFFFFFD0]  }
0x2dc: {  	s22 =	sadd.s32 $0x3, s19;
	s19 =	smov.u32 s11;
	v32 =	vmul.f32 v24, v18;
	v36 =	vld [tilespmem:s24+$0x40];
	v37 =	vperm.xlane v14, v4  }
0x2dd: {  	s11 =	sand.u32 $0xF, s22;
	v31 =	vmul.f32 v25, v31;
	v38 =	vld [tilespmem:s24+$0x50]  }
0x2de: {  	vm0 =	veq.s32 v8, v5;
	v8 =	vmovc v28;
	v39 =	vld [tilespmem:s24+$0x0];
	v14 =	vadd.f32 v14, v37;
	v37 =	vmov s11  }
0x2df: {  	v17 =	vnsel vm0, $0x0, v17;
	s11 =	sor.u32 $0x12700, s17;
	s17 =	smov.u32 s10;
	v28 =	vmul.f32 v19, v33;
	v19 =	vmul.f32 v19, v34;
	v40 =	vld [tilespmem:s26+$0x40]  }
0x2e0: {  	vm0 =	veq.s32 v37, v5;
	v34 =	vmul.f32 v23, v34;
	v23 =	vmul.f32 v23, v33;
	[tilespmem:s11+$0x0] =	vst.add.f32.msk $0xffff, v17  }
0x2e1: {  	v14 =	vnsel vm0, $0x0, v14;
	v17 =	vmul.f32 v36, v13;
	v33 =	vld [tilespmem:s26+$0x10]  }
0x2e2: {  	v21 =	vmul.f32 v21, v30;
	v28 =	vadd.f32 v34, v28;
	v19 =	vsub.f32 v23, v19;
	[tilespmem:s11+$0x0] =	vst.add.f32.msk $0xffff, v14  }
0x2e3: {  	v14 =	vld [tilespmem:s26+$0x50]  }
0x2e4: {  	v21 =	vsub.f32 v21, v26;
	v15 =	vmul.f32 v28, v15;
	v23 =	vmul.f32 v36, v40;
	v28 =	vld [tilespmem:s31+$0x50]  }
0x2e5: {  	v13 =	vmul.f32 v39, v13;
	v30 =	vmul.f32 v39, v40;
	v26 =	vld [tilespmem:s31+$0x0]  }
0x2e6: {  	v16 =	vmul.f32 v21, v16;
	v19 =	vmul.f32 v19, v22;
	v22 =	vld [tilespmem:s24+$0xFFFFFFA0]  }
0x2e7: {  	v13 =	vadd.f32 v23, v13;
	v23 =	vmul.f32 v29, v33;
	v21 =	vld [tilespmem:s26+$0xFFFFFFE0]  }
0x2e8: {  	v15 =	vadd.f32 v19, v15;
	v33 =	vmul.f32 v38, v33;
	v34 =	vld [tilespmem:s26+$0xFFFFFFC0];
	v19 =	vmul.f32 v38, v14  }
0x2e9: {  	v30 =	vsub.f32 v17, v30;
	v29 =	vmul.f32 v29, v14;
	v14 =	vadd.f32 v16, v20;
	v36 =	vld [tilespmem:s24+$0xFFFFFFF0]  }
0x2ea: {  	v20 =	vld [tilespmem:s24+$0xFFFFFFB0];
	v13 =	vmul.f32 v13, v26;
	v17 =	vadd.f32 v19, v23  }
0x2eb: {  	v16 =	vmul.f32 v22, v18;
	v19 =	vld [tilespmem:s26+$0xFFFFFFF0];
	v18 =	vsub.f32 v33, v29  }
0x2ec: {  	v24 =	vmul.f32 v24, v21;
	v21 =	vmul.f32 v22, v21;
	v33 =	vld [tilespmem:s26+$0xFFFFFFB0]  }
0x2ed: {  	v37 =	vld [tilespmem:s31+$0xFFFFFFC0];
	v22 =	vmul.f32 v27, v34;
	v18 =	vmul.f32 v18, v28  }
.Ltmp4:
0x2ee: {  	v25 =	vmul.f32 v25, v34;
	v23 =	vld [tilespmem:s31+$0xFFFFFFA0];
	v24 =	vadd.f32 v24, v16;
	(pc) =	sbr.rel @p0 .LBB2_10-.Ltmp4, $4  }
0x2ef: {  	v16 =	vld [tilespmem:s31+$0xFFFFFF80];
	v31 =	vsub.f32 v31, v22;
	v22 =	vsub.f32 v32, v21;
	v21 =	vmul.f32 v30, v12  }
0x2f0: {  	v12 =	vld [tilespmem:s31+$0xFFFFFFB0];
	v26 =	vmul.f32 v36, v19;
	v27 =	vmul.f32 v20, v19  }
0x2f1: {  	v29 =	vmul.f32 v20, v33;
	v30 =	vmul.f32 v36, v33;
	v19 =	vadd.f32 v21, v13;
	v21 =	vld [tilespmem:s31+$0x30]  }
0x2f2: {  	s24 =	sadd.s32 $0x100, s24;
	s26 =	sadd.s32 $0x100, s26;
	v28 =	vadd.f32 v25, v35;
	v25 =	vmul.f32 v31, v37;
	v20 =	vld [tilespmem:s31+$0x10]  }
0x2f3: {  	_ = 	snop  }
0x2f4: {  	v13 =	vmul.f32 v24, v23;
	v23 =	vadd.f32 v26, v29;
	v24 =	vsub.f32 v30, v27  }
0x2f5: {  	v6 =	vmul.f32 v22, v6;
	v9 =	vadd.f32 v11, v9;
	v16 =	vmul.f32 v28, v16  }
0x2f6: {  	v11 =	vmul.f32 v23, v12;
	v7 =	vmul.f32 v24, v7  }
0x2f7: {  	v12 =	vadd.f32 v25, v16;
	v9 =	vmul.f32 v9, v21;
	v16 =	vmul.f32 v17, v20  }
0x2f8: {  	v6 =	vadd.f32 v6, v13;
	v7 =	vadd.f32 v7, v11  }
0x2f9: {  	v9 =	vadd.f32 v10, v9;
	v10 =	vadd.f32 v18, v16  }
0x2fa: {  	v11 =	vadd.f32 v15, v12;
	v6 =	vadd.f32 v7, v6  }
0x2fb: {  	v9 =	vadd.f32 v9, v14;
	v7 =	vadd.f32 v10, v19  }
0x2fc: {  	v6 =	vadd.f32 v6, v11  }
0x2fd: {  	v7 =	vadd.f32 v9, v7  }
0x2fe: {  	v9 =	vperm.xlane v6, v1  }
0x2ff: {  	v10 =	vperm.xlane v7, v1  }
0x300: {  	v6 =	vadd.f32 v6, v9  }
0x301: {  	v7 =	vadd.f32 v7, v10  }
0x302: {  	v9 =	vperm.xlane v6, v2  }
0x303: {  	v10 =	vperm.xlane v7, v2  }
0x304: {  	v6 =	vadd.f32 v6, v9  }
0x305: {  	v7 =	vadd.f32 v7, v10  }
0x306: {  	v9 =	vperm.xlane v6, v3  }
0x307: {  	v10 =	vperm.xlane v7, v3  }
0x308: {  	v6 =	vadd.f32 v6, v9  }
0x309: {  	v7 =	vadd.f32 v7, v10  }
0x30a: {  	v9 =	vperm.xlane v6, v4  }
0x30b: {  	s3 =	sadd.s32 $0x3, s19;
	v10 =	vperm.xlane v7, v4  }
0x30c: {  	s3 =	sand.u32 $0xF, s3;
	v6 =	vadd.f32 v6, v9  }
0x30d: {  	vm0 =	veq.s32 v8, v5;
	v8 =	vmov s3;
	v7 =	vadd.f32 v7, v10  }
0x30e: {  	s17 =	sor.u32 $0x12700, s17;
	vm15 =	veq.s32 v8, v5;
	v6 =	vnsel vm0, $0x0, v6  }
0x30f: {  	[tilespmem:s17+$0x0] =	vst.add.f32.msk $0xffff, v6;
	v6 =	vnsel vm15, $0x0, v7  }
0x310: {  	s19 =	simm.s32 $0x1C0;
	[tilespmem:s17+$0x0] =	vst.add.f32.msk $0xffff, v6  }
0x311: {  	[tilespmem:s16], [sflag:$0x2] =	stream.indirect.gather [hbm4b:s1+s21], $0x80, s19, s21, $0xb8;
	[tilespmem:$0x12800] =	vst v63  }
0x312: {  	s22 =	simm.s32 $0x3C0  }
0x313: {  	[tilespmem:s18], [sflag:$0x2] =	stream.indirect.gather [hbm4b:s2+s21], $0x80, s22, s21, $0xb8;
	[tilespmem:$0x12800] =	vst v63  }
0x314: {  	s24 =	simm.s32 $0x5C0  }
0x315: {  	[tilespmem:s20], [sflag:$0x2] =	stream.indirect.gather [hbm4b:s1+s21], $0x80, s24, s21, $0xb8;
	[tilespmem:$0x12800] =	vst v63  }
0x316: {  	_ =	swait.ge [sflag:s23], $0x2000  }
0x317: {  	[sflag:s23] =	ssyncset.done $0x0  }
0x318: {  	[sflag:s23] =	ssyncadd.s32 $0xFFFFE000  }
0x319: {  	_ =	swait.ge [sflag:s23], $0x2000  }
0x31a: {  	[sflag:s23] =	ssyncset.done $0x0  }
0x31b: {  	[sflag:s23] =	ssyncadd.s32 $0xFFFFE000  }
0x31c: {  	_ =	swait.ge [sflag:s23], $0x2000  }
0x31d: {  	[sflag:s23] =	ssyncset.done $0x0  }
0x31e: {  	s10 =	simm.s32 $0xE680;
	[sflag:s23] =	ssyncadd.s32 $0xFFFFE000  }
0x31f: {  	s31 =	simm.s32 $0xC680;
	v8 =	vld [tilespmem:s10+$0x0]  }
0x320: {  	v7 =	vld [tilespmem:s31+$0xFFFFFFF0]  }
0x321: {  	v10 =	vld [tilespmem:s31+$0x70]  }
0x322: {  	v6 =	vld [tilespmem:s31+$0xFFFFFFE0]  }
0x323: {  	v12 =	vld [tilespmem:s31+$0x60]  }
0x324: {  	v13 =	vld [tilespmem:s31+$0xFFFFFFD0]  }
0x325: {  	v14 =	vld [tilespmem:s31+$0x20]  }
0x326: {  	v19 =	vld [tilespmem:s31+$0x40]  }
0x327: {  	v9 =	vld [tilespmem:s10+$0x30]  }
0x328: {  	s11 =	simm.s32 $0x10680;
	v15 =	vld [tilespmem:s31+$0xFFFFFF90]  }
0x329: {  	v11 =	vld [tilespmem:s11+$0x70]  }
0x32a: {  	v16 =	vld [tilespmem:s11+$0x30]  }
0x32b: {  	v17 =	vld [tilespmem:s10+$0x70]  }
0x32c: {  	v18 =	vld [tilespmem:s11+$0x20]  }
0x32d: {  	v20 =	vld [tilespmem:s11+$0x60]  }
0x32e: {  	v21 =	vld [tilespmem:s10+$0x60]  }
0x32f: {  	v22 =	vld [tilespmem:s10+$0x20]  }
0x330: {  	v23 =	vld [tilespmem:s11+$0xFFFFFFE0]  }
0x331: {  	v24 =	vld [tilespmem:s10+$0xFFFFFFA0]  }
0x332: {  	v25 =	vld [tilespmem:s10+$0xFFFFFF80]  }
0x333: {  	v26 =	vld [tilespmem:s11+$0xFFFFFF80]  }
0x334: {  	v27 =	vld [tilespmem:s10+$0xFFFFFF90]  }
0x335: {  	v28 =	vld [tilespmem:s11+$0xFFFFFFC0]  }
0x336: {  	v30 =	vld [tilespmem:s10+$0xFFFFFFD0]  }
0x337: {  	v31 =	vld [tilespmem:s11+$0xFFFFFF90]  }
0x338: {  	v34 =	vld [tilespmem:s11+$0xFFFFFFD0]  }
0x339: {  	v29 =	vld [tilespmem:s11+$0x10];
	v32 =	vmul.f32 v11, v9;
	v33 =	vmul.f32 v16, v17  }
0x33a: {  	v36 =	vld [tilespmem:s11+$0x50];
	v9 =	vmul.f32 v16, v9;
	v51 =	vmul.f32 v20, v21  }
0x33b: {  	v53 =	vld [tilespmem:s10+$0x40];
	v35 =	vmul.f32 v18, v22;
	v11 =	vmul.f32 v11, v17  }
0x33c: {  	v38 =	vld [tilespmem:s10+$0x10];
	v17 =	vmul.f32 v18, v21;
	v52 =	vmul.f32 v26, v25  }
0x33d: {  	v16 =	vld [tilespmem:s11+$0x40];
	v54 =	vmul.f32 v31, v27;
	v37 =	vmul.f32 v34, v30  }
0x33e: {  	v18 =	vld [tilespmem:s11+$0x0];
	v27 =	vmul.f32 v34, v27;
	v32 =	vsub.f32 v32, v33;
	v21 =	vadd.f32 v51, v35  }
0x33f: {  	v58 =	vld [tilespmem:s10+$0xFFFFFFE0];
	v25 =	vmul.f32 v28, v25;
	v20 =	vmul.f32 v20, v22  }
0x340: {  	v60 =	vld [tilespmem:s11+$0xFFFFFFB0];
	v55 =	vadd.f32 v37, v54;
	v10 =	vmul.f32 v32, v10;
	v14 =	vmul.f32 v21, v14  }
0x341: {  	v21 =	vmul.f32 v31, v30;
	v30 =	vld [tilespmem:s10+$0x50];
	v31 =	vmul.f32 v23, v24  }
0x342: {  	v22 =	vld [tilespmem:s31+$0x0];
	v17 =	vsub.f32 v20, v17;
	v15 =	vmul.f32 v55, v15;
	v57 =	vmul.f32 v16, v8  }
0x343: {  	v61 =	vld [tilespmem:s10+$0xFFFFFFF0];
	v16 =	vmul.f32 v16, v53;
	v20 =	vmul.f32 v18, v8;
	v21 =	vsub.f32 v27, v21  }
0x344: {  	v12 =	vmul.f32 v17, v12;
	v17 =	vmul.f32 v29, v38;
	v27 =	vld [tilespmem:s11+$0xFFFFFFA0]  }
0x345: {  	v18 =	vmul.f32 v18, v53;
	v16 =	vadd.f32 v16, v20;
	v13 =	vmul.f32 v21, v13;
	v21 =	vld [tilespmem:s10+$0xFFFFFFC0]  }
0x346: {  	v56 =	vld [tilespmem:s31+$0x50];
	v14 =	vadd.f32 v12, v14;
	v20 =	vmul.f32 v36, v38;
	v29 =	vmul.f32 v29, v30  }
0x347: {  	s3 =	simm.s32 $0x0;
	v59 =	vld [tilespmem:s11+$0xFFFFFFF0];
	v12 =	vmul.f32 v23, v58;
	v62 =	vmul.f32 v16, v22;
	v15 =	vadd.f32 v13, v15  }
0x348: {  	s26 =	sand.u32 $0xE, s3;
	v13 =	vmul.f32 v36, v30;
	v30 =	vsub.f32 v57, v18;
	v18 =	vsub.f32 v20, v29;
	v20 =	vld [tilespmem:s10+$0xFFFFFFB0]  }
0x349: {  	v63 =	vld [tilespmem:s31+$0xFFFFFFC0];
	v8 =	vmov s26;
	v16 =	vmul.f32 v27, v24;
	v22 =	vmul.f32 v27, v58  }
0x34a: {  	v23 =	vld [tilespmem:s31+$0xFFFFFFA0];
	v27 =	vmul.f32 v60, v61;
	v17 =	vadd.f32 v13, v17;
	v13 =	vmul.f32 v26, v21  }
0x34b: {  	v19 =	vmul.f32 v30, v19;
	v18 =	vmul.f32 v18, v56;
	v24 =	vadd.f32 v12, v16;
	v16 =	vld [tilespmem:s31+$0xFFFFFF80]  }
0x34c: {  	v28 =	vmul.f32 v28, v21;
	v12 =	vld [tilespmem:s31+$0xFFFFFFB0];
	v26 =	vmul.f32 v59, v61;
	v13 =	vsub.f32 v25, v13  }
0x34d: {  	s17 =	sand.u32 $0x30, s3;
	v22 =	vsub.f32 v31, v22;
	v21 =	vld [tilespmem:s31+$0x30];
	v29 =	vmul.f32 v60, v20;
	v30 =	vmul.f32 v59, v20  }
0x34e: {  	s19 =	simm.s32 $0xFFFFFFFE;
	s24 =	simm.s32 $0x10780;
	s26 =	simm.s32 $0xE780;
	v19 =	vadd.f32 v19, v62;
	v28 =	vadd.f32 v28, v52;
	v20 =	vld [tilespmem:s31+$0x10];
	v25 =	vmul.f32 v13, v63  }
.LBB2_12:
0x34f: {  	v13 =	vld [tilespmem:s26+$0x0];
	v23 =	vmul.f32 v24, v23;
	v24 =	vadd.f32 v26, v29;
	v26 =	vsub.f32 v30, v27;
	s31 =	sadd.s32 $0x100, s31;
	s11 =	smov.u32 s3;
	s3 =	sadd.s32 $0x2, s3  }
0x350: {  	v22 =	vmul.f32 v22, v6;
	v9 =	vadd.f32 v11, v9;
	v27 =	vld [tilespmem:s31+$0xFFFFFFF0];
	s22 =	sand.u32 $0xE, s3;
	s10 =	sand.u32 $0x30, s3;
	p0 =	slt.u32 s3, $0x3E;
	v16 =	vmul.f32 v28, v16  }
0x351: {  	v28 =	vmov s22;
	v29 =	vld [tilespmem:s31+$0x70];
	v11 =	vmul.f32 v24, v12;
	v7 =	vmul.f32 v26, v7  }
0x352: {  	v6 =	vld [tilespmem:s31+$0xFFFFFFE0];
	v12 =	vadd.f32 v25, v16;
	v9 =	vmul.f32 v9, v21  }
0x353: {  	v21 =	vadd.f32 v22, v23;
	v16 =	vld [tilespmem:s31+$0x60];
	v24 =	vadd.f32 v7, v11  }
0x354: {  	v22 =	vld [tilespmem:s31+$0xFFFFFFD0];
	v9 =	vadd.f32 v10, v9  }
0x355: {  	v10 =	vadd.f32 v15, v12;
	v15 =	vmul.f32 v17, v20;
	v23 =	vld [tilespmem:s31+$0x20];
	v11 =	vadd.f32 v24, v21;
	v7 =	vmovc v27  }
0x356: {  	v12 =	vld [tilespmem:s31+$0x40]  }
0x357: {  	v17 =	vld [tilespmem:s26+$0x30];
	v10 =	vadd.f32 v11, v10;
	v11 =	vadd.f32 v18, v15  }
0x358: {  	v15 =	vld [tilespmem:s31+$0xFFFFFF90]  }
0x359: {  	v9 =	vadd.f32 v9, v14;
	v18 =	vld [tilespmem:s24+$0x70];
	v20 =	vperm.xlane v10, v1;
	v11 =	vadd.f32 v11, v19  }
0x35a: {  	v14 =	vld [tilespmem:s24+$0x30]  }
0x35b: {  	v19 =	vld [tilespmem:s26+$0x70];
	v10 =	vadd.f32 v10, v20;
	v11 =	vadd.f32 v9, v11  }
0x35c: {  	v20 =	vld [tilespmem:s24+$0x20]  }
0x35d: {  	v21 =	vld [tilespmem:s24+$0x60];
	v24 =	vperm.xlane v10, v2;
	v25 =	vperm.xlane v11, v1  }
0x35e: {  	v26 =	vld [tilespmem:s26+$0x60];
	v27 =	vmul.f32 v18, v17  }
0x35f: {  	v30 =	vld [tilespmem:s26+$0x20];
	v9 =	vmul.f32 v14, v17;
	v10 =	vadd.f32 v10, v24;
	v17 =	vadd.f32 v11, v25  }
0x360: {  	v24 =	vld [tilespmem:s24+$0xFFFFFFE0];
	v11 =	vmul.f32 v18, v19;
	v14 =	vmul.f32 v14, v19  }
0x361: {  	v18 =	vld [tilespmem:s26+$0xFFFFFFA0];
	v19 =	vperm.xlane v10, v3;
	v25 =	vperm.xlane v17, v2  }
0x362: {  	v31 =	vld [tilespmem:s26+$0xFFFFFF80];
	v14 =	vsub.f32 v27, v14  }
0x363: {  	v27 =	vld [tilespmem:s24+$0xFFFFFF80];
	v32 =	vmul.f32 v21, v26;
	v26 =	vmul.f32 v20, v26;
	v19 =	vadd.f32 v10, v19  }
0x364: {  	v33 =	vld [tilespmem:s26+$0xFFFFFF90];
	v20 =	vmul.f32 v20, v30;
	v10 =	vmul.f32 v14, v29;
	v14 =	vadd.f32 v17, v25  }
0x365: {  	v25 =	vld [tilespmem:s24+$0xFFFFFFC0];
	v17 =	vperm.xlane v19, v4  }
0x366: {  	v29 =	vld [tilespmem:s24+$0x10];
	v20 =	vadd.f32 v32, v20;
	v32 =	vperm.xlane v14, v3  }
0x367: {  	v34 =	vld [tilespmem:s26+$0xFFFFFFD0];
	v17 =	vadd.f32 v19, v17  }
0x368: {  	v35 =	vmul.f32 v27, v31;
	v19 =	vld [tilespmem:s24+$0xFFFFFF90];
	v20 =	vmul.f32 v20, v23;
	v14 =	vadd.f32 v14, v32  }
0x369: {  	v23 =	vld [tilespmem:s24+$0xFFFFFFD0]  }
0x36a: {  	s22 =	sadd.s32 $0x3, s19;
	s19 =	smov.u32 s11;
	v32 =	vmul.f32 v24, v18;
	v36 =	vld [tilespmem:s24+$0x40];
	v37 =	vperm.xlane v14, v4  }
0x36b: {  	s11 =	sand.u32 $0xF, s22;
	v31 =	vmul.f32 v25, v31;
	v38 =	vld [tilespmem:s24+$0x50]  }
0x36c: {  	vm0 =	veq.s32 v8, v5;
	v8 =	vmovc v28;
	v39 =	vld [tilespmem:s24+$0x0];
	v14 =	vadd.f32 v14, v37;
	v37 =	vmov s11  }
0x36d: {  	v17 =	vnsel vm0, $0x0, v17;
	s11 =	sor.u32 $0x12740, s17;
	s17 =	smov.u32 s10;
	v28 =	vmul.f32 v19, v33;
	v19 =	vmul.f32 v19, v34;
	v40 =	vld [tilespmem:s26+$0x40]  }
0x36e: {  	vm0 =	veq.s32 v37, v5;
	v34 =	vmul.f32 v23, v34;
	v23 =	vmul.f32 v23, v33;
	[tilespmem:s11+$0x0] =	vst.add.f32.msk $0xffff, v17  }
0x36f: {  	v14 =	vnsel vm0, $0x0, v14;
	v17 =	vmul.f32 v36, v13;
	v33 =	vld [tilespmem:s26+$0x10]  }
0x370: {  	v21 =	vmul.f32 v21, v30;
	v28 =	vadd.f32 v34, v28;
	v19 =	vsub.f32 v23, v19;
	[tilespmem:s11+$0x0] =	vst.add.f32.msk $0xffff, v14  }
0x371: {  	v14 =	vld [tilespmem:s26+$0x50]  }
0x372: {  	v21 =	vsub.f32 v21, v26;
	v15 =	vmul.f32 v28, v15;
	v23 =	vmul.f32 v36, v40;
	v28 =	vld [tilespmem:s31+$0x50]  }
0x373: {  	v13 =	vmul.f32 v39, v13;
	v30 =	vmul.f32 v39, v40;
	v26 =	vld [tilespmem:s31+$0x0]  }
0x374: {  	v16 =	vmul.f32 v21, v16;
	v19 =	vmul.f32 v19, v22;
	v22 =	vld [tilespmem:s24+$0xFFFFFFA0]  }
0x375: {  	v13 =	vadd.f32 v23, v13;
	v23 =	vmul.f32 v29, v33;
	v21 =	vld [tilespmem:s26+$0xFFFFFFE0]  }
0x376: {  	v15 =	vadd.f32 v19, v15;
	v33 =	vmul.f32 v38, v33;
	v34 =	vld [tilespmem:s26+$0xFFFFFFC0];
	v19 =	vmul.f32 v38, v14  }
0x377: {  	v30 =	vsub.f32 v17, v30;
	v29 =	vmul.f32 v29, v14;
	v14 =	vadd.f32 v16, v20;
	v36 =	vld [tilespmem:s24+$0xFFFFFFF0]  }
0x378: {  	v20 =	vld [tilespmem:s24+$0xFFFFFFB0];
	v13 =	vmul.f32 v13, v26;
	v17 =	vadd.f32 v19, v23  }
0x379: {  	v16 =	vmul.f32 v22, v18;
	v19 =	vld [tilespmem:s26+$0xFFFFFFF0];
	v18 =	vsub.f32 v33, v29  }
0x37a: {  	v24 =	vmul.f32 v24, v21;
	v21 =	vmul.f32 v22, v21;
	v33 =	vld [tilespmem:s26+$0xFFFFFFB0]  }
0x37b: {  	v37 =	vld [tilespmem:s31+$0xFFFFFFC0];
	v22 =	vmul.f32 v27, v34;
	v18 =	vmul.f32 v18, v28  }
.Ltmp5:
0x37c: {  	v25 =	vmul.f32 v25, v34;
	v23 =	vld [tilespmem:s31+$0xFFFFFFA0];
	v24 =	vadd.f32 v24, v16;
	(pc) =	sbr.rel @p0 .LBB2_12-.Ltmp5, $4  }
0x37d: {  	v16 =	vld [tilespmem:s31+$0xFFFFFF80];
	v31 =	vsub.f32 v31, v22;
	v22 =	vsub.f32 v32, v21;
	v21 =	vmul.f32 v30, v12  }
0x37e: {  	v12 =	vld [tilespmem:s31+$0xFFFFFFB0];
	v26 =	vmul.f32 v36, v19;
	v27 =	vmul.f32 v20, v19  }
0x37f: {  	v29 =	vmul.f32 v20, v33;
	v30 =	vmul.f32 v36, v33;
	v19 =	vadd.f32 v21, v13;
	v21 =	vld [tilespmem:s31+$0x30]  }
0x380: {  	s24 =	sadd.s32 $0x100, s24;
	s26 =	sadd.s32 $0x100, s26;
	v28 =	vadd.f32 v25, v35;
	v25 =	vmul.f32 v31, v37;
	v20 =	vld [tilespmem:s31+$0x10]  }
0x381: {  	_ = 	snop  }
0x382: {  	v13 =	vmul.f32 v24, v23;
	v23 =	vadd.f32 v26, v29;
	v24 =	vsub.f32 v30, v27  }
0x383: {  	v6 =	vmul.f32 v22, v6;
	v9 =	vadd.f32 v11, v9;
	v16 =	vmul.f32 v28, v16  }
0x384: {  	v11 =	vmul.f32 v23, v12;
	v7 =	vmul.f32 v24, v7  }
0x385: {  	v12 =	vadd.f32 v25, v16;
	v9 =	vmul.f32 v9, v21;
	v16 =	vmul.f32 v17, v20  }
0x386: {  	v6 =	vadd.f32 v6, v13;
	v7 =	vadd.f32 v7, v11  }
0x387: {  	v9 =	vadd.f32 v10, v9;
	v10 =	vadd.f32 v18, v16  }
0x388: {  	v11 =	vadd.f32 v15, v12;
	v6 =	vadd.f32 v7, v6  }
0x389: {  	v9 =	vadd.f32 v9, v14;
	v7 =	vadd.f32 v10, v19  }
0x38a: {  	v6 =	vadd.f32 v6, v11  }
0x38b: {  	v7 =	vadd.f32 v9, v7  }
0x38c: {  	v9 =	vperm.xlane v6, v1  }
0x38d: {  	v10 =	vperm.xlane v7, v1  }
0x38e: {  	v6 =	vadd.f32 v6, v9  }
0x38f: {  	v7 =	vadd.f32 v7, v10  }
0x390: {  	v9 =	vperm.xlane v6, v2  }
0x391: {  	v10 =	vperm.xlane v7, v2  }
0x392: {  	v6 =	vadd.f32 v6, v9  }
0x393: {  	v7 =	vadd.f32 v7, v10  }
0x394: {  	v9 =	vperm.xlane v6, v3  }
0x395: {  	v10 =	vperm.xlane v7, v3  }
0x396: {  	v6 =	vadd.f32 v6, v9  }
0x397: {  	v7 =	vadd.f32 v7, v10  }
0x398: {  	v9 =	vperm.xlane v6, v4  }
0x399: {  	s3 =	sadd.s32 $0x3, s19;
	v10 =	vperm.xlane v7, v4  }
0x39a: {  	s3 =	sand.u32 $0xF, s3;
	v6 =	vadd.f32 v6, v9  }
0x39b: {  	vm0 =	veq.s32 v8, v5;
	v8 =	vmov s3;
	v7 =	vadd.f32 v7, v10  }
0x39c: {  	s24 =	sor.u32 $0x12740, s17;
	vm15 =	veq.s32 v8, v5;
	v6 =	vnsel vm0, $0x0, v6  }
0x39d: {  	[tilespmem:s24+$0x0] =	vst.add.f32.msk $0xffff, v6;
	v6 =	vnsel vm15, $0x0, v7  }
0x39e: {  	[tilespmem:s24+$0x0] =	vst.add.f32.msk $0xffff, v6  }
0x39f: {  	_ =	swait.ge [sflag:s12], $0x2000  }
0x3a0: {  	[sflag:s12] =	ssyncset.done $0x0  }
0x3a1: {  	[sflag:s12] =	ssyncadd.s32 $0xFFFFE000  }
0x3a2: {  	_ =	swait.ge [sflag:s12], $0x2000  }
0x3a3: {  	[sflag:s12] =	ssyncset.done $0x0  }
0x3a4: {  	[sflag:s12] =	ssyncadd.s32 $0xFFFFE000  }
0x3a5: {  	_ =	swait.ge [sflag:s12], $0x2000  }
0x3a6: {  	[sflag:s12] =	ssyncset.done $0x0  }
0x3a7: {  	s10 =	simm.s32 $0x2680;
	[sflag:s12] =	ssyncadd.s32 $0xFFFFE000  }
0x3a8: {  	s31 =	simm.s32 $0x680;
	v8 =	vld [tilespmem:s10+$0x0]  }
0x3a9: {  	v7 =	vld [tilespmem:s31+$0xFFFFFFF0]  }
0x3aa: {  	v10 =	vld [tilespmem:s31+$0x70]  }
0x3ab: {  	v6 =	vld [tilespmem:s31+$0xFFFFFFE0]  }
0x3ac: {  	v12 =	vld [tilespmem:s31+$0x60]  }
0x3ad: {  	v13 =	vld [tilespmem:s31+$0xFFFFFFD0]  }
0x3ae: {  	v14 =	vld [tilespmem:s31+$0x20]  }
0x3af: {  	v19 =	vld [tilespmem:s31+$0x40]  }
0x3b0: {  	v9 =	vld [tilespmem:s10+$0x30]  }
0x3b1: {  	s11 =	simm.s32 $0x4680;
	v15 =	vld [tilespmem:s31+$0xFFFFFF90]  }
0x3b2: {  	v11 =	vld [tilespmem:s11+$0x70]  }
0x3b3: {  	v16 =	vld [tilespmem:s11+$0x30]  }
0x3b4: {  	v17 =	vld [tilespmem:s10+$0x70]  }
0x3b5: {  	v18 =	vld [tilespmem:s11+$0x20]  }
0x3b6: {  	v20 =	vld [tilespmem:s11+$0x60]  }
0x3b7: {  	v21 =	vld [tilespmem:s10+$0x60]  }
0x3b8: {  	v22 =	vld [tilespmem:s10+$0x20]  }
0x3b9: {  	v23 =	vld [tilespmem:s11+$0xFFFFFFE0]  }
0x3ba: {  	v24 =	vld [tilespmem:s10+$0xFFFFFFA0]  }
0x3bb: {  	v25 =	vld [tilespmem:s10+$0xFFFFFF80]  }
0x3bc: {  	v26 =	vld [tilespmem:s11+$0xFFFFFF80]  }
0x3bd: {  	v27 =	vld [tilespmem:s10+$0xFFFFFF90]  }
0x3be: {  	v28 =	vld [tilespmem:s11+$0xFFFFFFC0]  }
0x3bf: {  	v30 =	vld [tilespmem:s10+$0xFFFFFFD0]  }
0x3c0: {  	v31 =	vld [tilespmem:s11+$0xFFFFFF90]  }
0x3c1: {  	v34 =	vld [tilespmem:s11+$0xFFFFFFD0]  }
0x3c2: {  	v29 =	vld [tilespmem:s11+$0x10];
	v32 =	vmul.f32 v11, v9;
	v33 =	vmul.f32 v16, v17  }
0x3c3: {  	v36 =	vld [tilespmem:s11+$0x50];
	v9 =	vmul.f32 v16, v9;
	v51 =	vmul.f32 v20, v21  }
0x3c4: {  	v53 =	vld [tilespmem:s10+$0x40];
	v35 =	vmul.f32 v18, v22;
	v11 =	vmul.f32 v11, v17  }
0x3c5: {  	v38 =	vld [tilespmem:s10+$0x10];
	v17 =	vmul.f32 v18, v21;
	v52 =	vmul.f32 v26, v25  }
0x3c6: {  	v16 =	vld [tilespmem:s11+$0x40];
	v54 =	vmul.f32 v31, v27;
	v37 =	vmul.f32 v34, v30  }
0x3c7: {  	v18 =	vld [tilespmem:s11+$0x0];
	v27 =	vmul.f32 v34, v27;
	v32 =	vsub.f32 v32, v33;
	v21 =	vadd.f32 v51, v35  }
0x3c8: {  	v58 =	vld [tilespmem:s10+$0xFFFFFFE0];
	v25 =	vmul.f32 v28, v25;
	v20 =	vmul.f32 v20, v22  }
0x3c9: {  	v60 =	vld [tilespmem:s11+$0xFFFFFFB0];
	v55 =	vadd.f32 v37, v54;
	v10 =	vmul.f32 v32, v10;
	v14 =	vmul.f32 v21, v14  }
0x3ca: {  	v21 =	vmul.f32 v31, v30;
	v30 =	vld [tilespmem:s10+$0x50];
	v31 =	vmul.f32 v23, v24  }
0x3cb: {  	v22 =	vld [tilespmem:s31+$0x0];
	v17 =	vsub.f32 v20, v17;
	v15 =	vmul.f32 v55, v15;
	v57 =	vmul.f32 v16, v8  }
0x3cc: {  	v61 =	vld [tilespmem:s10+$0xFFFFFFF0];
	v16 =	vmul.f32 v16, v53;
	v20 =	vmul.f32 v18, v8;
	v21 =	vsub.f32 v27, v21  }
0x3cd: {  	v12 =	vmul.f32 v17, v12;
	v17 =	vmul.f32 v29, v38;
	v27 =	vld [tilespmem:s11+$0xFFFFFFA0]  }
0x3ce: {  	v18 =	vmul.f32 v18, v53;
	v16 =	vadd.f32 v16, v20;
	v13 =	vmul.f32 v21, v13;
	v21 =	vld [tilespmem:s10+$0xFFFFFFC0]  }
0x3cf: {  	v56 =	vld [tilespmem:s31+$0x50];
	v14 =	vadd.f32 v12, v14;
	v20 =	vmul.f32 v36, v38;
	v29 =	vmul.f32 v29, v30  }
0x3d0: {  	s3 =	simm.s32 $0x0;
	v59 =	vld [tilespmem:s11+$0xFFFFFFF0];
	v12 =	vmul.f32 v23, v58;
	v62 =	vmul.f32 v16, v22;
	v15 =	vadd.f32 v13, v15  }
0x3d1: {  	s26 =	sand.u32 $0xE, s3;
	v13 =	vmul.f32 v36, v30;
	v30 =	vsub.f32 v57, v18;
	v18 =	vsub.f32 v20, v29;
	v20 =	vld [tilespmem:s10+$0xFFFFFFB0]  }
0x3d2: {  	v63 =	vld [tilespmem:s31+$0xFFFFFFC0];
	v8 =	vmov s26;
	v16 =	vmul.f32 v27, v24;
	v22 =	vmul.f32 v27, v58  }
0x3d3: {  	v23 =	vld [tilespmem:s31+$0xFFFFFFA0];
	v27 =	vmul.f32 v60, v61;
	v17 =	vadd.f32 v13, v17;
	v13 =	vmul.f32 v26, v21  }
0x3d4: {  	v19 =	vmul.f32 v30, v19;
	v18 =	vmul.f32 v18, v56;
	v24 =	vadd.f32 v12, v16;
	v16 =	vld [tilespmem:s31+$0xFFFFFF80]  }
0x3d5: {  	v28 =	vmul.f32 v28, v21;
	v12 =	vld [tilespmem:s31+$0xFFFFFFB0];
	v26 =	vmul.f32 v59, v61;
	v13 =	vsub.f32 v25, v13  }
0x3d6: {  	s19 =	simm.s32 $0xFFFFFFFE;
	v22 =	vsub.f32 v31, v22;
	v21 =	vld [tilespmem:s31+$0x30];
	v29 =	vmul.f32 v60, v20;
	v30 =	vmul.f32 v59, v20  }
0x3d7: {  	s17 =	sand.u32 $0x30, s3;
	s24 =	simm.s32 $0x4780;
	s26 =	simm.s32 $0x2780;
	v19 =	vadd.f32 v19, v62;
	v28 =	vadd.f32 v28, v52;
	v20 =	vld [tilespmem:s31+$0x10];
	v25 =	vmul.f32 v13, v63  }
.LBB2_14:
0x3d8: {  	v13 =	vld [tilespmem:s26+$0x0];
	v23 =	vmul.f32 v24, v23;
	v24 =	vadd.f32 v26, v29;
	v26 =	vsub.f32 v30, v27;
	s31 =	sadd.s32 $0x100, s31;
	s11 =	smov.u32 s3;
	s3 =	sadd.s32 $0x2, s3  }
0x3d9: {  	v22 =	vmul.f32 v22, v6;
	v9 =	vadd.f32 v11, v9;
	v27 =	vld [tilespmem:s31+$0xFFFFFFF0];
	s22 =	sand.u32 $0xE, s3;
	s10 =	sand.u32 $0x30, s3;
	p0 =	slt.u32 s3, $0x3E;
	v16 =	vmul.f32 v28, v16  }
0x3da: {  	v28 =	vmov s22;
	v29 =	vld [tilespmem:s31+$0x70];
	v11 =	vmul.f32 v24, v12;
	v7 =	vmul.f32 v26, v7  }
0x3db: {  	v6 =	vld [tilespmem:s31+$0xFFFFFFE0];
	v12 =	vadd.f32 v25, v16;
	v9 =	vmul.f32 v9, v21  }
0x3dc: {  	v21 =	vadd.f32 v22, v23;
	v16 =	vld [tilespmem:s31+$0x60];
	v24 =	vadd.f32 v7, v11  }
0x3dd: {  	v22 =	vld [tilespmem:s31+$0xFFFFFFD0];
	v9 =	vadd.f32 v10, v9  }
0x3de: {  	v10 =	vadd.f32 v15, v12;
	v15 =	vmul.f32 v17, v20;
	v23 =	vld [tilespmem:s31+$0x20];
	v11 =	vadd.f32 v24, v21;
	v7 =	vmovc v27  }
0x3df: {  	v12 =	vld [tilespmem:s31+$0x40]  }
0x3e0: {  	v17 =	vld [tilespmem:s26+$0x30];
	v10 =	vadd.f32 v11, v10;
	v11 =	vadd.f32 v18, v15  }
0x3e1: {  	v15 =	vld [tilespmem:s31+$0xFFFFFF90]  }
0x3e2: {  	v9 =	vadd.f32 v9, v14;
	v18 =	vld [tilespmem:s24+$0x70];
	v20 =	vperm.xlane v10, v1;
	v11 =	vadd.f32 v11, v19  }
0x3e3: {  	v14 =	vld [tilespmem:s24+$0x30]  }
0x3e4: {  	v19 =	vld [tilespmem:s26+$0x70];
	v10 =	vadd.f32 v10, v20;
	v11 =	vadd.f32 v9, v11  }
0x3e5: {  	v20 =	vld [tilespmem:s24+$0x20]  }
0x3e6: {  	v21 =	vld [tilespmem:s24+$0x60];
	v24 =	vperm.xlane v10, v2;
	v25 =	vperm.xlane v11, v1  }
0x3e7: {  	v26 =	vld [tilespmem:s26+$0x60];
	v27 =	vmul.f32 v18, v17  }
0x3e8: {  	v30 =	vld [tilespmem:s26+$0x20];
	v9 =	vmul.f32 v14, v17;
	v10 =	vadd.f32 v10, v24;
	v17 =	vadd.f32 v11, v25  }
0x3e9: {  	v24 =	vld [tilespmem:s24+$0xFFFFFFE0];
	v11 =	vmul.f32 v18, v19;
	v14 =	vmul.f32 v14, v19  }
0x3ea: {  	v18 =	vld [tilespmem:s26+$0xFFFFFFA0];
	v19 =	vperm.xlane v10, v3;
	v25 =	vperm.xlane v17, v2  }
0x3eb: {  	v31 =	vld [tilespmem:s26+$0xFFFFFF80];
	v14 =	vsub.f32 v27, v14  }
0x3ec: {  	v27 =	vld [tilespmem:s24+$0xFFFFFF80];
	v32 =	vmul.f32 v21, v26;
	v26 =	vmul.f32 v20, v26;
	v19 =	vadd.f32 v10, v19  }
0x3ed: {  	v33 =	vld [tilespmem:s26+$0xFFFFFF90];
	v20 =	vmul.f32 v20, v30;
	v10 =	vmul.f32 v14, v29;
	v14 =	vadd.f32 v17, v25  }
0x3ee: {  	v25 =	vld [tilespmem:s24+$0xFFFFFFC0];
	v17 =	vperm.xlane v19, v4  }
0x3ef: {  	v29 =	vld [tilespmem:s24+$0x10];
	v20 =	vadd.f32 v32, v20;
	v32 =	vperm.xlane v14, v3  }
0x3f0: {  	v34 =	vld [tilespmem:s26+$0xFFFFFFD0];
	v17 =	vadd.f32 v19, v17  }
0x3f1: {  	v35 =	vmul.f32 v27, v31;
	v19 =	vld [tilespmem:s24+$0xFFFFFF90];
	v20 =	vmul.f32 v20, v23;
	v14 =	vadd.f32 v14, v32  }
0x3f2: {  	v23 =	vld [tilespmem:s24+$0xFFFFFFD0]  }
0x3f3: {  	s22 =	sadd.s32 $0x3, s19;
	s19 =	smov.u32 s11;
	v32 =	vmul.f32 v24, v18;
	v36 =	vld [tilespmem:s24+$0x40];
	v37 =	vperm.xlane v14, v4  }
0x3f4: {  	s11 =	sand.u32 $0xF, s22;
	v31 =	vmul.f32 v25, v31;
	v38 =	vld [tilespmem:s24+$0x50]  }
0x3f5: {  	vm0 =	veq.s32 v8, v5;
	v8 =	vmovc v28;
	v39 =	vld [tilespmem:s24+$0x0];
	v14 =	vadd.f32 v14, v37;
	v37 =	vmov s11  }
0x3f6: {  	v17 =	vnsel vm0, $0x0, v17;
	s11 =	sor.u32 $0x12780, s17;
	s17 =	smov.u32 s10;
	v28 =	vmul.f32 v19, v33;
	v19 =	vmul.f32 v19, v34;
	v40 =	vld [tilespmem:s26+$0x40]  }
0x3f7: {  	vm0 =	veq.s32 v37, v5;
	v34 =	vmul.f32 v23, v34;
	v23 =	vmul.f32 v23, v33;
	[tilespmem:s11+$0x0] =	vst.add.f32.msk $0xffff, v17  }
0x3f8: {  	v14 =	vnsel vm0, $0x0, v14;
	v17 =	vmul.f32 v36, v13;
	v33 =	vld [tilespmem:s26+$0x10]  }
0x3f9: {  	v21 =	vmul.f32 v21, v30;
	v28 =	vadd.f32 v34, v28;
	v19 =	vsub.f32 v23, v19;
	[tilespmem:s11+$0x0] =	vst.add.f32.msk $0xffff, v14  }
0x3fa: {  	v14 =	vld [tilespmem:s26+$0x50]  }
0x3fb: {  	v21 =	vsub.f32 v21, v26;
	v15 =	vmul.f32 v28, v15;
	v23 =	vmul.f32 v36, v40;
	v28 =	vld [tilespmem:s31+$0x50]  }
0x3fc: {  	v13 =	vmul.f32 v39, v13;
	v30 =	vmul.f32 v39, v40;
	v26 =	vld [tilespmem:s31+$0x0]  }
0x3fd: {  	v16 =	vmul.f32 v21, v16;
	v19 =	vmul.f32 v19, v22;
	v22 =	vld [tilespmem:s24+$0xFFFFFFA0]  }
0x3fe: {  	v13 =	vadd.f32 v23, v13;
	v23 =	vmul.f32 v29, v33;
	v21 =	vld [tilespmem:s26+$0xFFFFFFE0]  }
0x3ff: {  	v15 =	vadd.f32 v19, v15;
	v33 =	vmul.f32 v38, v33;
	v34 =	vld [tilespmem:s26+$0xFFFFFFC0];
	v19 =	vmul.f32 v38, v14  }
0x400: {  	v30 =	vsub.f32 v17, v30;
	v29 =	vmul.f32 v29, v14;
	v14 =	vadd.f32 v16, v20;
	v36 =	vld [tilespmem:s24+$0xFFFFFFF0]  }
0x401: {  	v20 =	vld [tilespmem:s24+$0xFFFFFFB0];
	v13 =	vmul.f32 v13, v26;
	v17 =	vadd.f32 v19, v23  }
0x402: {  	v16 =	vmul.f32 v22, v18;
	v19 =	vld [tilespmem:s26+$0xFFFFFFF0];
	v18 =	vsub.f32 v33, v29  }
0x403: {  	v24 =	vmul.f32 v24, v21;
	v21 =	vmul.f32 v22, v21;
	v33 =	vld [tilespmem:s26+$0xFFFFFFB0]  }
0x404: {  	v37 =	vld [tilespmem:s31+$0xFFFFFFC0];
	v22 =	vmul.f32 v27, v34;
	v18 =	vmul.f32 v18, v28  }
.Ltmp6:
0x405: {  	v25 =	vmul.f32 v25, v34;
	v23 =	vld [tilespmem:s31+$0xFFFFFFA0];
	v24 =	vadd.f32 v24, v16;
	(pc) =	sbr.rel @p0 .LBB2_14-.Ltmp6, $4  }
0x406: {  	v16 =	vld [tilespmem:s31+$0xFFFFFF80];
	v31 =	vsub.f32 v31, v22;
	v22 =	vsub.f32 v32, v21;
	v21 =	vmul.f32 v30, v12  }
0x407: {  	v12 =	vld [tilespmem:s31+$0xFFFFFFB0];
	v26 =	vmul.f32 v36, v19;
	v27 =	vmul.f32 v20, v19  }
0x408: {  	v29 =	vmul.f32 v20, v33;
	v30 =	vmul.f32 v36, v33;
	v19 =	vadd.f32 v21, v13;
	v21 =	vld [tilespmem:s31+$0x30]  }
0x409: {  	s24 =	sadd.s32 $0x100, s24;
	s26 =	sadd.s32 $0x100, s26;
	v28 =	vadd.f32 v25, v35;
	v25 =	vmul.f32 v31, v37;
	v20 =	vld [tilespmem:s31+$0x10]  }
0x40a: {  	_ = 	snop  }
0x40b: {  	v13 =	vmul.f32 v24, v23;
	v23 =	vadd.f32 v26, v29;
	v24 =	vsub.f32 v30, v27  }
0x40c: {  	v6 =	vmul.f32 v22, v6;
	v9 =	vadd.f32 v11, v9;
	v16 =	vmul.f32 v28, v16  }
0x40d: {  	v11 =	vmul.f32 v23, v12;
	v7 =	vmul.f32 v24, v7  }
0x40e: {  	v12 =	vadd.f32 v25, v16;
	v9 =	vmul.f32 v9, v21;
	v16 =	vmul.f32 v17, v20  }
0x40f: {  	v6 =	vadd.f32 v6, v13;
	v7 =	vadd.f32 v7, v11  }
0x410: {  	v9 =	vadd.f32 v10, v9;
	v10 =	vadd.f32 v18, v16  }
0x411: {  	v11 =	vadd.f32 v15, v12;
	v6 =	vadd.f32 v7, v6  }
0x412: {  	v9 =	vadd.f32 v9, v14;
	v7 =	vadd.f32 v10, v19  }
0x413: {  	v6 =	vadd.f32 v6, v11  }
0x414: {  	v7 =	vadd.f32 v9, v7  }
0x415: {  	v9 =	vperm.xlane v6, v1  }
0x416: {  	v10 =	vperm.xlane v7, v1  }
0x417: {  	v6 =	vadd.f32 v6, v9  }
0x418: {  	v7 =	vadd.f32 v7, v10  }
0x419: {  	v9 =	vperm.xlane v6, v2  }
0x41a: {  	v10 =	vperm.xlane v7, v2  }
0x41b: {  	v6 =	vadd.f32 v6, v9  }
0x41c: {  	v7 =	vadd.f32 v7, v10  }
0x41d: {  	v9 =	vperm.xlane v6, v3  }
0x41e: {  	v10 =	vperm.xlane v7, v3  }
0x41f: {  	v6 =	vadd.f32 v6, v9  }
0x420: {  	v7 =	vadd.f32 v7, v10  }
0x421: {  	v9 =	vperm.xlane v6, v4  }
0x422: {  	s3 =	sadd.s32 $0x3, s19;
	v10 =	vperm.xlane v7, v4  }
0x423: {  	s3 =	sand.u32 $0xF, s3;
	v6 =	vadd.f32 v6, v9  }
0x424: {  	vm0 =	veq.s32 v8, v5;
	v8 =	vmov s3;
	v7 =	vadd.f32 v7, v10  }
0x425: {  	s24 =	sor.u32 $0x12780, s17;
	vm15 =	veq.s32 v8, v5;
	v6 =	vnsel vm0, $0x0, v6  }
0x426: {  	[tilespmem:s24+$0x0] =	vst.add.f32.msk $0xffff, v6;
	v6 =	vnsel vm15, $0x0, v7  }
0x427: {  	[tilespmem:s24+$0x0] =	vst.add.f32.msk $0xffff, v6  }
0x428: {  	_ =	swait.ge [sflag:s0], $0x2000  }
0x429: {  	[sflag:s0] =	ssyncset.done $0x0  }
0x42a: {  	[sflag:s0] =	ssyncadd.s32 $0xFFFFE000  }
0x42b: {  	_ =	swait.ge [sflag:s0], $0x2000  }
0x42c: {  	[sflag:s0] =	ssyncset.done $0x0  }
0x42d: {  	[sflag:s0] =	ssyncadd.s32 $0xFFFFE000  }
0x42e: {  	_ =	swait.ge [sflag:s0], $0x2000  }
0x42f: {  	[sflag:s0] =	ssyncset.done $0x0  }
0x430: {  	s10 =	simm.s32 $0x8680;
	[sflag:s0] =	ssyncadd.s32 $0xFFFFE000  }
0x431: {  	s31 =	simm.s32 $0x6680;
	v8 =	vld [tilespmem:s10+$0x0]  }
0x432: {  	v7 =	vld [tilespmem:s31+$0xFFFFFFF0]  }
0x433: {  	v10 =	vld [tilespmem:s31+$0x70]  }
0x434: {  	v6 =	vld [tilespmem:s31+$0xFFFFFFE0]  }
0x435: {  	v12 =	vld [tilespmem:s31+$0x60]  }
0x436: {  	v13 =	vld [tilespmem:s31+$0xFFFFFFD0]  }
0x437: {  	v14 =	vld [tilespmem:s31+$0x20]  }
0x438: {  	v19 =	vld [tilespmem:s31+$0x40]  }
0x439: {  	v9 =	vld [tilespmem:s10+$0x30]  }
0x43a: {  	s11 =	simm.s32 $0xA680;
	v15 =	vld [tilespmem:s31+$0xFFFFFF90]  }
0x43b: {  	v11 =	vld [tilespmem:s11+$0x70]  }
0x43c: {  	v16 =	vld [tilespmem:s11+$0x30]  }
0x43d: {  	v17 =	vld [tilespmem:s10+$0x70]  }
0x43e: {  	v18 =	vld [tilespmem:s11+$0x20]  }
0x43f: {  	v20 =	vld [tilespmem:s11+$0x60]  }
0x440: {  	v21 =	vld [tilespmem:s10+$0x60]  }
0x441: {  	v22 =	vld [tilespmem:s10+$0x20]  }
0x442: {  	v23 =	vld [tilespmem:s11+$0xFFFFFFE0]  }
0x443: {  	v24 =	vld [tilespmem:s10+$0xFFFFFFA0]  }
0x444: {  	v25 =	vld [tilespmem:s10+$0xFFFFFF80]  }
0x445: {  	v26 =	vld [tilespmem:s11+$0xFFFFFF80]  }
0x446: {  	v27 =	vld [tilespmem:s10+$0xFFFFFF90]  }
0x447: {  	v28 =	vld [tilespmem:s11+$0xFFFFFFC0]  }
0x448: {  	v30 =	vld [tilespmem:s10+$0xFFFFFFD0]  }
0x449: {  	v31 =	vld [tilespmem:s11+$0xFFFFFF90]  }
0x44a: {  	v34 =	vld [tilespmem:s11+$0xFFFFFFD0]  }
0x44b: {  	v29 =	vld [tilespmem:s11+$0x10];
	v32 =	vmul.f32 v11, v9;
	v33 =	vmul.f32 v16, v17  }
0x44c: {  	v36 =	vld [tilespmem:s11+$0x50];
	v9 =	vmul.f32 v16, v9;
	v51 =	vmul.f32 v20, v21  }
0x44d: {  	v53 =	vld [tilespmem:s10+$0x40];
	v35 =	vmul.f32 v18, v22;
	v11 =	vmul.f32 v11, v17  }
0x44e: {  	v38 =	vld [tilespmem:s10+$0x10];
	v17 =	vmul.f32 v18, v21;
	v52 =	vmul.f32 v26, v25  }
0x44f: {  	v16 =	vld [tilespmem:s11+$0x40];
	v54 =	vmul.f32 v31, v27;
	v37 =	vmul.f32 v34, v30  }
0x450: {  	v18 =	vld [tilespmem:s11+$0x0];
	v27 =	vmul.f32 v34, v27;
	v32 =	vsub.f32 v32, v33;
	v21 =	vadd.f32 v51, v35  }
0x451: {  	v58 =	vld [tilespmem:s10+$0xFFFFFFE0];
	v25 =	vmul.f32 v28, v25;
	v20 =	vmul.f32 v20, v22  }
0x452: {  	v60 =	vld [tilespmem:s11+$0xFFFFFFB0];
	v55 =	vadd.f32 v37, v54;
	v10 =	vmul.f32 v32, v10;
	v14 =	vmul.f32 v21, v14  }
0x453: {  	v21 =	vmul.f32 v31, v30;
	v30 =	vld [tilespmem:s10+$0x50];
	v31 =	vmul.f32 v23, v24  }
0x454: {  	v22 =	vld [tilespmem:s31+$0x0];
	v17 =	vsub.f32 v20, v17;
	v15 =	vmul.f32 v55, v15;
	v57 =	vmul.f32 v16, v8  }
0x455: {  	v61 =	vld [tilespmem:s10+$0xFFFFFFF0];
	v16 =	vmul.f32 v16, v53;
	v20 =	vmul.f32 v18, v8;
	v21 =	vsub.f32 v27, v21  }
0x456: {  	v12 =	vmul.f32 v17, v12;
	v17 =	vmul.f32 v29, v38;
	v27 =	vld [tilespmem:s11+$0xFFFFFFA0]  }
0x457: {  	v18 =	vmul.f32 v18, v53;
	v16 =	vadd.f32 v16, v20;
	v13 =	vmul.f32 v21, v13;
	v21 =	vld [tilespmem:s10+$0xFFFFFFC0]  }
0x458: {  	v56 =	vld [tilespmem:s31+$0x50];
	v14 =	vadd.f32 v12, v14;
	v20 =	vmul.f32 v36, v38;
	v29 =	vmul.f32 v29, v30  }
0x459: {  	s3 =	simm.s32 $0x0;
	v59 =	vld [tilespmem:s11+$0xFFFFFFF0];
	v12 =	vmul.f32 v23, v58;
	v62 =	vmul.f32 v16, v22;
	v15 =	vadd.f32 v13, v15  }
0x45a: {  	s26 =	sand.u32 $0xE, s3;
	v13 =	vmul.f32 v36, v30;
	v30 =	vsub.f32 v57, v18;
	v18 =	vsub.f32 v20, v29;
	v20 =	vld [tilespmem:s10+$0xFFFFFFB0]  }
0x45b: {  	v63 =	vld [tilespmem:s31+$0xFFFFFFC0];
	v8 =	vmov s26;
	v16 =	vmul.f32 v27, v24;
	v22 =	vmul.f32 v27, v58  }
0x45c: {  	v23 =	vld [tilespmem:s31+$0xFFFFFFA0];
	v27 =	vmul.f32 v60, v61;
	v17 =	vadd.f32 v13, v17;
	v13 =	vmul.f32 v26, v21  }
0x45d: {  	v19 =	vmul.f32 v30, v19;
	v18 =	vmul.f32 v18, v56;
	v24 =	vadd.f32 v12, v16;
	v16 =	vld [tilespmem:s31+$0xFFFFFF80]  }
0x45e: {  	v28 =	vmul.f32 v28, v21;
	v12 =	vld [tilespmem:s31+$0xFFFFFFB0];
	v26 =	vmul.f32 v59, v61;
	v13 =	vsub.f32 v25, v13  }
0x45f: {  	s19 =	simm.s32 $0xFFFFFFFE;
	v22 =	vsub.f32 v31, v22;
	v21 =	vld [tilespmem:s31+$0x30];
	v29 =	vmul.f32 v60, v20;
	v30 =	vmul.f32 v59, v20  }
0x460: {  	s17 =	sand.u32 $0x30, s3;
	s24 =	simm.s32 $0xA780;
	s26 =	simm.s32 $0x8780;
	v19 =	vadd.f32 v19, v62;
	v28 =	vadd.f32 v28, v52;
	v20 =	vld [tilespmem:s31+$0x10];
	v25 =	vmul.f32 v13, v63  }
.LBB2_16:
0x461: {  	v13 =	vld [tilespmem:s26+$0x0];
	v23 =	vmul.f32 v24, v23;
	v24 =	vadd.f32 v26, v29;
	v26 =	vsub.f32 v30, v27;
	s31 =	sadd.s32 $0x100, s31;
	s11 =	smov.u32 s3;
	s3 =	sadd.s32 $0x2, s3  }
0x462: {  	v22 =	vmul.f32 v22, v6;
	v9 =	vadd.f32 v11, v9;
	v27 =	vld [tilespmem:s31+$0xFFFFFFF0];
	s22 =	sand.u32 $0xE, s3;
	s10 =	sand.u32 $0x30, s3;
	p0 =	slt.u32 s3, $0x3E;
	v16 =	vmul.f32 v28, v16  }
0x463: {  	v28 =	vmov s22;
	v29 =	vld [tilespmem:s31+$0x70];
	v11 =	vmul.f32 v24, v12;
	v7 =	vmul.f32 v26, v7  }
0x464: {  	v6 =	vld [tilespmem:s31+$0xFFFFFFE0];
	v12 =	vadd.f32 v25, v16;
	v9 =	vmul.f32 v9, v21  }
0x465: {  	v21 =	vadd.f32 v22, v23;
	v16 =	vld [tilespmem:s31+$0x60];
	v24 =	vadd.f32 v7, v11  }
0x466: {  	v22 =	vld [tilespmem:s31+$0xFFFFFFD0];
	v9 =	vadd.f32 v10, v9  }
0x467: {  	v10 =	vadd.f32 v15, v12;
	v15 =	vmul.f32 v17, v20;
	v23 =	vld [tilespmem:s31+$0x20];
	v11 =	vadd.f32 v24, v21;
	v7 =	vmovc v27  }
0x468: {  	v12 =	vld [tilespmem:s31+$0x40]  }
0x469: {  	v17 =	vld [tilespmem:s26+$0x30];
	v10 =	vadd.f32 v11, v10;
	v11 =	vadd.f32 v18, v15  }
0x46a: {  	v15 =	vld [tilespmem:s31+$0xFFFFFF90]  }
0x46b: {  	v9 =	vadd.f32 v9, v14;
	v18 =	vld [tilespmem:s24+$0x70];
	v20 =	vperm.xlane v10, v1;
	v11 =	vadd.f32 v11, v19  }
0x46c: {  	v14 =	vld [tilespmem:s24+$0x30]  }
0x46d: {  	v19 =	vld [tilespmem:s26+$0x70];
	v10 =	vadd.f32 v10, v20;
	v11 =	vadd.f32 v9, v11  }
0x46e: {  	v20 =	vld [tilespmem:s24+$0x20]  }
0x46f: {  	v21 =	vld [tilespmem:s24+$0x60];
	v24 =	vperm.xlane v10, v2;
	v25 =	vperm.xlane v11, v1  }
0x470: {  	v26 =	vld [tilespmem:s26+$0x60];
	v27 =	vmul.f32 v18, v17  }
0x471: {  	v30 =	vld [tilespmem:s26+$0x20];
	v9 =	vmul.f32 v14, v17;
	v10 =	vadd.f32 v10, v24;
	v17 =	vadd.f32 v11, v25  }
0x472: {  	v24 =	vld [tilespmem:s24+$0xFFFFFFE0];
	v11 =	vmul.f32 v18, v19;
	v14 =	vmul.f32 v14, v19  }
0x473: {  	v18 =	vld [tilespmem:s26+$0xFFFFFFA0];
	v19 =	vperm.xlane v10, v3;
	v25 =	vperm.xlane v17, v2  }
0x474: {  	v31 =	vld [tilespmem:s26+$0xFFFFFF80];
	v14 =	vsub.f32 v27, v14  }
0x475: {  	v27 =	vld [tilespmem:s24+$0xFFFFFF80];
	v32 =	vmul.f32 v21, v26;
	v26 =	vmul.f32 v20, v26;
	v19 =	vadd.f32 v10, v19  }
0x476: {  	v33 =	vld [tilespmem:s26+$0xFFFFFF90];
	v20 =	vmul.f32 v20, v30;
	v10 =	vmul.f32 v14, v29;
	v14 =	vadd.f32 v17, v25  }
0x477: {  	v25 =	vld [tilespmem:s24+$0xFFFFFFC0];
	v17 =	vperm.xlane v19, v4  }
0x478: {  	v29 =	vld [tilespmem:s24+$0x10];
	v20 =	vadd.f32 v32, v20;
	v32 =	vperm.xlane v14, v3  }
0x479: {  	v34 =	vld [tilespmem:s26+$0xFFFFFFD0];
	v17 =	vadd.f32 v19, v17  }
0x47a: {  	v35 =	vmul.f32 v27, v31;
	v19 =	vld [tilespmem:s24+$0xFFFFFF90];
	v20 =	vmul.f32 v20, v23;
	v14 =	vadd.f32 v14, v32  }
0x47b: {  	v23 =	vld [tilespmem:s24+$0xFFFFFFD0]  }
0x47c: {  	s22 =	sadd.s32 $0x3, s19;
	s19 =	smov.u32 s11;
	v32 =	vmul.f32 v24, v18;
	v36 =	vld [tilespmem:s24+$0x40];
	v37 =	vperm.xlane v14, v4  }
0x47d: {  	s11 =	sand.u32 $0xF, s22;
	v31 =	vmul.f32 v25, v31;
	v38 =	vld [tilespmem:s24+$0x50]  }
0x47e: {  	vm0 =	veq.s32 v8, v5;
	v8 =	vmovc v28;
	v39 =	vld [tilespmem:s24+$0x0];
	v14 =	vadd.f32 v14, v37;
	v37 =	vmov s11  }
0x47f: {  	v17 =	vnsel vm0, $0x0, v17;
	s11 =	sor.u32 $0x127C0, s17;
	s17 =	smov.u32 s10;
	v28 =	vmul.f32 v19, v33;
	v19 =	vmul.f32 v19, v34;
	v40 =	vld [tilespmem:s26+$0x40]  }
0x480: {  	vm0 =	veq.s32 v37, v5;
	v34 =	vmul.f32 v23, v34;
	v23 =	vmul.f32 v23, v33;
	[tilespmem:s11+$0x0] =	vst.add.f32.msk $0xffff, v17  }
0x481: {  	v14 =	vnsel vm0, $0x0, v14;
	v17 =	vmul.f32 v36, v13;
	v33 =	vld [tilespmem:s26+$0x10]  }
0x482: {  	v21 =	vmul.f32 v21, v30;
	v28 =	vadd.f32 v34, v28;
	v19 =	vsub.f32 v23, v19;
	[tilespmem:s11+$0x0] =	vst.add.f32.msk $0xffff, v14  }
0x483: {  	v14 =	vld [tilespmem:s26+$0x50]  }
0x484: {  	v21 =	vsub.f32 v21, v26;
	v15 =	vmul.f32 v28, v15;
	v23 =	vmul.f32 v36, v40;
	v28 =	vld [tilespmem:s31+$0x50]  }
0x485: {  	v13 =	vmul.f32 v39, v13;
	v30 =	vmul.f32 v39, v40;
	v26 =	vld [tilespmem:s31+$0x0]  }
0x486: {  	v16 =	vmul.f32 v21, v16;
	v19 =	vmul.f32 v19, v22;
	v22 =	vld [tilespmem:s24+$0xFFFFFFA0]  }
0x487: {  	v13 =	vadd.f32 v23, v13;
	v23 =	vmul.f32 v29, v33;
	v21 =	vld [tilespmem:s26+$0xFFFFFFE0]  }
0x488: {  	v15 =	vadd.f32 v19, v15;
	v33 =	vmul.f32 v38, v33;
	v34 =	vld [tilespmem:s26+$0xFFFFFFC0];
	v19 =	vmul.f32 v38, v14  }
0x489: {  	v30 =	vsub.f32 v17, v30;
	v29 =	vmul.f32 v29, v14;
	v14 =	vadd.f32 v16, v20;
	v36 =	vld [tilespmem:s24+$0xFFFFFFF0]  }
0x48a: {  	v20 =	vld [tilespmem:s24+$0xFFFFFFB0];
	v13 =	vmul.f32 v13, v26;
	v17 =	vadd.f32 v19, v23  }
0x48b: {  	v16 =	vmul.f32 v22, v18;
	v19 =	vld [tilespmem:s26+$0xFFFFFFF0];
	v18 =	vsub.f32 v33, v29  }
0x48c: {  	v24 =	vmul.f32 v24, v21;
	v21 =	vmul.f32 v22, v21;
	v33 =	vld [tilespmem:s26+$0xFFFFFFB0]  }
0x48d: {  	v37 =	vld [tilespmem:s31+$0xFFFFFFC0];
	v22 =	vmul.f32 v27, v34;
	v18 =	vmul.f32 v18, v28  }
.Ltmp7:
0x48e: {  	v25 =	vmul.f32 v25, v34;
	v23 =	vld [tilespmem:s31+$0xFFFFFFA0];
	v24 =	vadd.f32 v24, v16;
	(pc) =	sbr.rel @p0 .LBB2_16-.Ltmp7, $4  }
0x48f: {  	v16 =	vld [tilespmem:s31+$0xFFFFFF80];
	v31 =	vsub.f32 v31, v22;
	v22 =	vsub.f32 v32, v21;
	v21 =	vmul.f32 v30, v12  }
0x490: {  	v12 =	vld [tilespmem:s31+$0xFFFFFFB0];
	v26 =	vmul.f32 v36, v19;
	v27 =	vmul.f32 v20, v19  }
0x491: {  	v29 =	vmul.f32 v20, v33;
	v30 =	vmul.f32 v36, v33;
	v19 =	vadd.f32 v21, v13;
	v21 =	vld [tilespmem:s31+$0x30]  }
0x492: {  	s24 =	sadd.s32 $0x100, s24;
	s26 =	sadd.s32 $0x100, s26;
	v28 =	vadd.f32 v25, v35;
	v25 =	vmul.f32 v31, v37;
	v20 =	vld [tilespmem:s31+$0x10]  }
0x493: {  	_ = 	snop  }
0x494: {  	v13 =	vmul.f32 v24, v23;
	v54 =	vadd.f32 v26, v29;
	v55 =	vsub.f32 v30, v27  }
0x495: {  	v6 =	vmul.f32 v22, v6;
	v9 =	vadd.f32 v11, v9;
	v16 =	vmul.f32 v28, v16  }
0x496: {  	v56 =	vmul.f32 v54, v12;
	v7 =	vmul.f32 v55, v7  }
0x497: {  	v6 =	vadd.f32 v6, v13;
	v9 =	vmul.f32 v9, v21;
	v58 =	vmul.f32 v17, v20  }
0x498: {  	v57 =	vadd.f32 v25, v16;
	v7 =	vadd.f32 v7, v56  }
0x499: {  	v9 =	vadd.f32 v10, v9;
	v59 =	vadd.f32 v18, v58  }
0x49a: {  	v60 =	vadd.f32 v15, v57;
	v6 =	vadd.f32 v7, v6  }
0x49b: {  	v9 =	vadd.f32 v9, v14;
	v7 =	vadd.f32 v59, v19  }
0x49c: {  	v6 =	vadd.f32 v6, v60  }
0x49d: {  	v7 =	vadd.f32 v9, v7  }
0x49e: {  	v61 =	vperm.xlane v6, v1  }
0x49f: {  	v62 =	vperm.xlane v7, v1  }
0x4a0: {  	v6 =	vadd.f32 v6, v61  }
0x4a1: {  	v7 =	vadd.f32 v7, v62  }
0x4a2: {  	v9 =	vperm.xlane v6, v2  }
0x4a3: {  	v10 =	vperm.xlane v7, v2  }
0x4a4: {  	v6 =	vadd.f32 v6, v9  }
0x4a5: {  	v7 =	vadd.f32 v7, v10  }
0x4a6: {  	v9 =	vperm.xlane v6, v3  }
0x4a7: {  	v10 =	vperm.xlane v7, v3  }
0x4a8: {  	v6 =	vadd.f32 v6, v9  }
0x4a9: {  	v7 =	vadd.f32 v7, v10  }
0x4aa: {  	v9 =	vperm.xlane v6, v4  }
0x4ab: {  	s3 =	sadd.s32 $0x3, s19;
	v10 =	vperm.xlane v7, v4  }
0x4ac: {  	s3 =	sand.u32 $0xF, s3;
	v6 =	vadd.f32 v6, v9  }
0x4ad: {  	vm0 =	veq.s32 v8, v5;
	v63 =	vmov s3;
	v7 =	vadd.f32 v7, v10  }
0x4ae: {  	s26 =	sor.u32 $0x127C0, s17;
	s30 =	sadd.s32 $0x1, s30;
	vm15 =	veq.s32 v63, v5;
	v6 =	vnsel vm0, $0x0, v6  }
0x4af: {  	p0 =	sne.s32 s30, s9;
	[tilespmem:s26+$0x0] =	vst.add.f32.msk $0xffff, v6;
	v6 =	vnsel vm15, $0x0, v7  }
.Ltmp8:
0x4b0: {  	s31 =	simm.s32 $0x12600;
	[tilespmem:s26+$0x0] =	vst.add.f32.msk $0xffff, v6;
	(pc) =	sbr.rel @p0 .LBB2_1-.Ltmp8, $4  }
0x4b1: {  	[hbm4b:s8+s4] =	stream.linear.scatter [tilespmem:s31], [sflag:$0x4], $0x200, $0x38;
	[tilespmem:$0x12800] =	vst v63  }
0x4b2: {  	_ =	swait.ge [sflag:s29], $0x200  }
0x4b3: {  	[sflag:s29] =	ssyncset.done $0x0  }
0x4b4: {  	[sflag:s29] =	ssyncadd.s32 $0xFFFFFE00  }
0x4b5: {  	_ =	sfence.sel $0x180000  }
0x4b6: {  	[bflag:$0x0] =	sbarrier.arrive $0xFFFF  }
0x4b7: {  	_ =	strace $0x90000047  }
0x4b8: {  	s0 =	stileid.u32;
	[bflag:$0x2] =	sbarrier.arrive $0xFFFF  }
0x4b9: {  	p0 =	sne.s32 s0, $0x0;
	s0 =	rddreg [dreg:$0x6]  }
0x4ba: {  	s0 =	sadd.s32 @!p0 $0x100000, s0  }
0x4bb: {  	[sflag:s0] =	ssyncadd.tile.s32 @!p0 $0x1;
	_ =	shalt  }
.Lfunc_end2:
_tile_overlayer_lowered:
.L_overlay_start_2:
0x4bc: {  	(tag) =	ssettag $0x2  }
0x4bd: {  	s0 =	rddreg [dreg:$0x0];
	s2 =	stileid.u32  }
0x4be: {  	s1 =	rddreg [dreg:$0x1];
	p0 =	sne.s32 s2, $0x0  }
0x4bf: {  	s3 =	rddreg [dreg:$0x2];
	[bflag:$0x3] =	sbarrier.arrive $0xFFFF;
	s2 =	simm.s32 @!p0 $0x1C04  }
0x4c0: {  	[timem:s3], [sflag:s2] =	dma.local @!p0 [hbm:s0], s1  }
0x4c1: {  	s0 =	simm.s32 @!p0 $0x4  }
0x4c2: {  	_ =	swait.ge @!p0 [sflag:s0], s1  }
0x4c3: {  	s1 =	ssub.s32 @!p0 $0x0, s1;
	[sflag:s0] =	ssyncset.done @!p0 $0x0  }
0x4c4: {  	[sflag:s0] =	ssyncadd.s32 @!p0 s1  }
0x4c5: {  	[bflag:$0x3] =	sbarrier.arrive $0xFFFF  }
0x4c6: {  	_ =	shalt  }

</sc_bundles>
